<compile_context>
chip_gen: v7x
topology: tpu7x:2x2x1
jax: 0.10.2.dev20260603
libtpu: 0.0.44.dev20260713+nightly
codegen_flags: <defaults>
</compile_context>

<pallas_src>
import functools

import jax
import jax.numpy as jnp
from jax import lax
from jax.experimental import pallas as pl
from jax.experimental.pallas import tpu as pltpu
from jax.experimental.pallas import tpu_sc as plsc

NC = 2
NS = 16
NW = NC * NS
L = 16
K = 128


def _linear_body(x_ref, w_ref, b_ref, o_ref):
    o_ref[...] = (
        lax.dot_general(x_ref[...], w_ref[...], (((1,), (1,)), ((), ())),
                        preferred_element_type=jnp.float32)
        + b_ref[...]
    )


def _linear(x, W, b):
    n, d_in = x.shape
    d_out = W.shape[0]
    blk = 2000
    return pl.pallas_call(
        _linear_body,
        grid=(n // blk,),
        in_specs=[
            pl.BlockSpec((blk, d_in), lambda i: (i, 0)),
            pl.BlockSpec((d_out, d_in), lambda i: (0, 0)),
            pl.BlockSpec((1, d_out), lambda i: (0, 0)),
        ],
        out_specs=pl.BlockSpec((blk, d_out), lambda i: (i, 0)),
        out_shape=jax.ShapeDtypeStruct((n, d_out), jnp.float32),
    )(x, W, b.reshape(1, d_out))


def _sum_body(p_ref, o_ref):
    o_ref[...] = p_ref[0] + p_ref[1]


def _sum_partials(partials):
    _, n, d = partials.shape
    blk = 2000
    return pl.pallas_call(
        _sum_body,
        grid=(n // blk,),
        in_specs=[pl.BlockSpec((2, blk, d), lambda i: (0, i, 0))],
        out_specs=pl.BlockSpec((blk, d), lambda i: (i, 0)),
        out_shape=jax.ShapeDtypeStruct((n, d), jnp.float32),
    )(partials)


SEC = 16
ESEC = SEC * K


def _scatter_kernel(n_pad, d, n_sec, ewp):
    mesh = plsc.VectorSubcoreMesh(core_axis_name="c", subcore_axis_name="s")
    rps = n_pad // NS
    rpz = K
    nz = rps // rpz
    c_chunks = ewp // K

    @functools.partial(
        pl.kernel,
        out_type=jax.ShapeDtypeStruct((NC, n_pad, d), jnp.float32),
        mesh=mesh,
        scratch_types=[
            pltpu.VMEM((ewp,), jnp.int32),
            pltpu.VMEM((SEC, K), jnp.int32),
            pltpu.VMEM((ESEC,), jnp.float32),
            pltpu.VMEM((2, K, d), jnp.float32),
            pltpu.VMEM_SHARED((n_pad, d), jnp.float32),
            pltpu.SemaphoreType.DMA,
        ],
    )
    def k(h_hbm, src_hbm, dst_hbm, w_hbm, out_hbm,
          src_v, dst_v, w_v, rows_v, acc_sh, sem_g):
        cid = lax.axis_index("c")
        sid = lax.axis_index("s")
        wid = cid * NS + sid

        e_base = pl.multiple_of(wid * ewp, ewp)
        pltpu.sync_copy(src_hbm.at[pl.ds(e_base, ewp)], src_v)

        zero16 = jnp.zeros((L,), jnp.float32)

        def zrow(i, _):
            for j in range(d // L):
                rows_v[0, i, pl.ds(j * L, L)] = zero16
            return 0

        lax.fori_loop(0, rpz, zrow, 0)
        base_row = sid * rps
        for t in range(nz):
            pltpu.sync_copy(rows_v.at[0],
                            acc_sh.at[pl.ds(base_row + t * rpz, rpz)])
        plsc.subcore_barrier()

        def multiply(buf, cl):
            def egroup(g, _):
                w16 = w_v[pl.ds(cl * K + g * L, L)]
                for i in range(L):
                    e = g * L + i
                    wsp = jnp.full((L,), w16[i], jnp.float32)
                    for j in range(d // L):
                        sl = pl.ds(j * L, L)
                        rows_v[buf, e, sl] = rows_v[buf, e, sl] * wsp
                return 0

            lax.fori_loop(0, K // L, egroup, 0)

        def gather_desc(cg, buf):
            return pltpu.make_async_copy(
                h_hbm.at[src_v.at[pl.ds(cg * K, K)]], rows_v.at[buf], sem_g)

        gather_desc(0, 0).start()
        gather_desc(0, 0).wait()

        def section(s, _):
            r0 = pl.multiple_of(wid * c_chunks + s * SEC, SEC)
            pltpu.sync_copy(dst_hbm.at[pl.ds(r0, SEC)], dst_v)
            pltpu.sync_copy(
                w_hbm.at[pl.ds(pl.multiple_of(e_base + s * ESEC, ESEC),
                               ESEC)], w_v)

            def pair(p, _):
                for par in range(2):
                    cl = p * 2 + par
                    cg = s * SEC + cl
                    buf = par

                    @pl.when(cg + 1 < c_chunks)
                    def _():
                        gather_desc(cg + 1, 1 - buf).start()

                    multiply(buf, cl)

                    @pl.when(cg + 1 < c_chunks)
                    def _():
                        gather_desc(cg + 1, 1 - buf).wait()

                    pltpu.sync_copy(rows_v.at[buf],
                                    acc_sh.at[dst_v.at[cl]], add=True)
                return 0

            lax.fori_loop(0, SEC // 2, pair, 0)
            return 0

        lax.fori_loop(0, n_sec, section, 0)
        plsc.subcore_barrier()

        for t in range(nz):
            r0 = base_row + t * rpz
            pltpu.sync_copy(acc_sh.at[pl.ds(r0, rpz)], rows_v.at[0])
            pltpu.sync_copy(rows_v.at[0], out_hbm.at[cid, pl.ds(r0, rpz)])

    return k


def kernel(x, edge_index, edge_weight, W, b):
    n_nodes, _ = x.shape
    d = W.shape[0]
    e = edge_weight.shape[0]

    h = _linear(x, W, b)

    ew = -(-e // NW)
    ewp = -(-ew // ESEC) * ESEC
    n_sec = ewp // ESEC
    ep = NW * ewp
    pad = ep - e

    src = jnp.concatenate([edge_index[0], jnp.zeros((pad,), jnp.int32)])
    dst = jnp.concatenate([edge_index[1], jnp.zeros((pad,), jnp.int32)])
    wgt = jnp.concatenate([edge_weight, jnp.zeros((pad,), jnp.float32)])

    n_pad = -(-n_nodes // (NS * K)) * (NS * K)
    partials = _scatter_kernel(n_pad, d, n_sec, ewp)(
        h, src, dst.reshape(ep // K, K), wgt)
    return _sum_partials(partials[:, :n_nodes])

# --- scband reference (transcript-rebuilt; emitter-appended) ---
"""Pipeline reference for scband-gcnconv-dgl-3513283248909 (READ-ONLY COPY).

The authoritative reference and input builder live on the scoring server;
editing this copy changes nothing except your own understanding.
"""

import jax, jax.numpy as jnp
import numpy as np

N_NODES = 10000
N_EDGES = 320000
D_IN = 128
D_OUT = 128


def setup_inputs(seed: int = 0) -> dict:
    key = jax.random.key(seed)
    k1, k2, k3, k4, k5 = jax.random.split(key, 5)
    x = jax.random.normal(k1, (N_NODES, D_IN), dtype=jnp.float32)
    edge_index = jax.random.randint(k2, (2, N_EDGES), 0, N_NODES, dtype=jnp.int32)
    edge_weight = jax.random.uniform(k3, (N_EDGES,), dtype=jnp.float32)
    # nn.Linear params: weight [out, in], bias [out]
    W = jax.random.normal(k4, (D_OUT, D_IN), dtype=jnp.float32) * 0.05
    b = jax.random.normal(k5, (D_OUT,), dtype=jnp.float32) * 0.05
    return {"x": x, "edge_index": edge_index, "edge_weight": edge_weight, "W": W, "b": b}


def reference(x, edge_index, edge_weight, W, b):
    # h = linear(x)
    h = x @ W.T + b
    src = edge_index[0]
    dst = edge_index[1]
    # message: m_e = h[src_e] * w_e  (u_mul_e with scalar edge weight)
    m = h[src] * edge_weight[:, None]
    # reduce: sum messages at destination nodes
    out = jax.ops.segment_sum(m, dst, num_segments=N_NODES)
    return out

if __name__ == "__main__":
    import jax
    _d = setup_inputs()
    print(jax.jit(kernel)(*tuple(_d.values())))

</pallas_src>

<mosaic_0001>
#map = affine_map<(d0, d1) -> (0, 0)>
#map1 = affine_map<(d0, d1) -> (0)>
#map2 = affine_map<(d0, d1) -> (0, 0, 0)>
module attributes {stable_mosaic.version = 14 : i64} {
  func.func @k(%arg0: i32, %arg1: i32, %arg2: memref<10000x128xf32, #tpu.memory_space<hbm>>, %arg3: memref<327680xi32, #tpu.memory_space<hbm>>, %arg4: memref<2560x128xi32, #tpu.memory_space<hbm>>, %arg5: memref<327680xf32, #tpu.memory_space<hbm>>, %arg6: memref<2x10240x128xf32, #tpu.memory_space<hbm>>, %arg7: memref<10240xi32, #tpu.memory_space<vmem>>, %arg8: memref<16x128xi32, #tpu.memory_space<vmem>>, %arg9: memref<2048xf32, #tpu.memory_space<vmem>>, %arg10: memref<2x128x128xf32, #tpu.memory_space<vmem>>, %arg11: memref<10240x128xf32, #tpu.memory_space<vmem_shared>>, %arg12: memref<!tpu.dma_semaphore, #tpu.memory_space<semaphore_mem>>) attributes {dimension_semantics = [#tpu.dimension_semantics<core_parallel>, #tpu.dimension_semantics<subcore_parallel>], iteration_bounds = array<i64: 2, 16>, scalar_prefetch = 0 : i64, scratch_operands = 6 : i64, tpu.core_type = #tpu.core_type<sc_vector_subcore>, window_params = [{transform_indices = #map}, {transform_indices = #map1}, {transform_indices = #map}, {transform_indices = #map1}, {transform_indices = #map2}]} {
    %mul3A = arith.constant 16 : i32
    %mul3A_0 = arith.muli %arg0, %mul3A : i32
    %add3A = arith.addi %mul3A_0, %arg1 : i32
    %mul3A_1 = arith.constant 10240 : i32
    %mul3A_2 = arith.muli %add3A, %mul3A_1 : i32
    %multiple_of3A = tpu.assume_multiple %mul3A_2, 10240 : i32
    "tpu.region"() ({
      %run_scoped3A_72 = tpu.sem_alloc : memref<!tpu.dma_semaphore, #tpu.memory_space<semaphore_mem>>
      %dma_start3A_73 = tpu.memref_slice %arg3[%multiple_of3A] : memref<327680xi32, #tpu.memory_space<hbm>> -> memref<10240xi32, #tpu.memory_space<hbm>>
      %dma_start3A_74 = tpu.memref_slice %arg3[%multiple_of3A] : memref<327680xi32, #tpu.memory_space<hbm>> -> memref<10240xi32, #tpu.memory_space<hbm>>
      tpu.enqueue_dma source(%dma_start3A_74 : memref<10240xi32, #tpu.memory_space<hbm>>) target(%arg7 : memref<10240xi32, #tpu.memory_space<vmem>>) target_semaphore(%run_scoped3A_72 : memref<!tpu.dma_semaphore, #tpu.memory_space<semaphore_mem>>)
      %dma_wait3A_75 = tpu.memref_slice %arg3[%multiple_of3A] : memref<327680xi32, #tpu.memory_space<hbm>> -> memref<10240xi32, #tpu.memory_space<hbm>>
      %dma_wait3A_76 = tpu.memref_slice %arg3[%multiple_of3A] : memref<327680xi32, #tpu.memory_space<hbm>> -> memref<10240xi32, #tpu.memory_space<hbm>>
      tpu.wait_dma2 semaphore(%run_scoped3A_72 : memref<!tpu.dma_semaphore, #tpu.memory_space<semaphore_mem>>) src(%dma_wait3A_76 : memref<10240xi32, #tpu.memory_space<hbm>>) dst(%arg7 : memref<10240xi32, #tpu.memory_space<vmem>>)
      tpu.yield
    }) : () -> ()
    %broadcast_in_dim3A = arith.constant 0.000000e+00 : f32
    %broadcast_in_dim3A_3 = vector.broadcast %broadcast_in_dim3A : f32 to vector<16xf32>
    %scan3A = arith.constant 0 : i32
    %scan3A_4 = arith.constant 0 : i32
    %scan3A_5 = arith.constant 128 : i32
    %scan3A_6 = arith.addi %scan3A_4, %scan3A_5 : i32
    %scan3A_7 = arith.constant 1 : i32
    %scan3A_8 = scf.for %scan3A_72 = %scan3A_4 to %scan3A_6 step %scan3A_7 iter_args(%scan3A_73 = %scan3A) -> (i32)  : i32 {
      %swap3A = arith.constant 0 : i32
      %swap3A_74 = arith.index_cast %swap3A : i32 to index
      %swap3A_75 = arith.index_cast %scan3A_72 : i32 to index
      %swap3A_76 = arith.constant 0 : index
      %swap3A_77 = tpu.vector_load %arg10[%swap3A_74, %swap3A_75, %swap3A_76] {strides = array<i32>} : memref<2x128x128xf32, #tpu.memory_space<vmem>>, vector<1x1x16xf32>,
      %swap3A_78 = vector.shape_cast %swap3A_77 : vector<1x1x16xf32> to vector<16xf32>
      %swap3A_79 = vector.shape_cast %broadcast_in_dim3A_3 : vector<16xf32> to vector<1x1x16xf32>
      tpu.vector_store %arg10[%swap3A_74, %swap3A_75, %swap3A_76], %swap3A_79 {strides = array<i32>} : memref<2x128x128xf32, #tpu.memory_space<vmem>>, vector<1x1x16xf32>,
      %swap3A_80 = arith.constant 0 : i32
      %swap3A_81 = arith.index_cast %swap3A_80 : i32 to index
      %swap3A_82 = arith.index_cast %scan3A_72 : i32 to index
      %swap3A_83 = arith.constant 16 : index
      %swap3A_84 = tpu.vector_load %arg10[%swap3A_81, %swap3A_82, %swap3A_83] {strides = array<i32>} : memref<2x128x128xf32, #tpu.memory_space<vmem>>, vector<1x1x16xf32>,
      %swap3A_85 = vector.shape_cast %swap3A_84 : vector<1x1x16xf32> to vector<16xf32>
      %swap3A_86 = vector.shape_cast %broadcast_in_dim3A_3 : vector<16xf32> to vector<1x1x16xf32>
      tpu.vector_store %arg10[%swap3A_81, %swap3A_82, %swap3A_83], %swap3A_86 {strides = array<i32>} : memref<2x128x128xf32, #tpu.memory_space<vmem>>, vector<1x1x16xf32>,
      %swap3A_87 = arith.constant 0 : i32
      %swap3A_88 = arith.index_cast %swap3A_87 : i32 to index
      %swap3A_89 = arith.index_cast %scan3A_72 : i32 to index
      %swap3A_90 = arith.constant 32 : index
      %swap3A_91 = tpu.vector_load %arg10[%swap3A_88, %swap3A_89, %swap3A_90] {strides = array<i32>} : memref<2x128x128xf32, #tpu.memory_space<vmem>>, vector<1x1x16xf32>,
      %swap3A_92 = vector.shape_cast %swap3A_91 : vector<1x1x16xf32> to vector<16xf32>
      %swap3A_93 = vector.shape_cast %broadcast_in_dim3A_3 : vector<16xf32> to vector<1x1x16xf32>
      tpu.vector_store %arg10[%swap3A_88, %swap3A_89, %swap3A_90], %swap3A_93 {strides = array<i32>} : memref<2x128x128xf32, #tpu.memory_space<vmem>>, vector<1x1x16xf32>,
      %swap3A_94 = arith.constant 0 : i32
      %swap3A_95 = arith.index_cast %swap3A_94 : i32 to index
      %swap3A_96 = arith.index_cast %scan3A_72 : i32 to index
      %swap3A_97 = arith.constant 48 : index
      %swap3A_98 = tpu.vector_load %arg10[%swap3A_95, %swap3A_96, %swap3A_97] {strides = array<i32>} : memref<2x128x128xf32, #tpu.memory_space<vmem>>, vector<1x1x16xf32>,
      %swap3A_99 = vector.shape_cast %swap3A_98 : vector<1x1x16xf32> to vector<16xf32>
      %swap3A_100 = vector.shape_cast %broadcast_in_dim3A_3 : vector<16xf32> to vector<1x1x16xf32>
      tpu.vector_store %arg10[%swap3A_95, %swap3A_96, %swap3A_97], %swap3A_100 {strides = array<i32>} : memref<2x128x128xf32, #tpu.memory_space<vmem>>, vector<1x1x16xf32>,
      %swap3A_101 = arith.constant 0 : i32
      %swap3A_102 = arith.index_cast %swap3A_101 : i32 to index
      %swap3A_103 = arith.index_cast %scan3A_72 : i32 to index
      %swap3A_104 = arith.constant 64 : index
      %swap3A_105 = tpu.vector_load %arg10[%swap3A_102, %swap3A_103, %swap3A_104] {strides = array<i32>} : memref<2x128x128xf32, #tpu.memory_space<vmem>>, vector<1x1x16xf32>,
      %swap3A_106 = vector.shape_cast %swap3A_105 : vector<1x1x16xf32> to vector<16xf32>
      %swap3A_107 = vector.shape_cast %broadcast_in_dim3A_3 : vector<16xf32> to vector<1x1x16xf32>
      tpu.vector_store %arg10[%swap3A_102, %swap3A_103, %swap3A_104], %swap3A_107 {strides = array<i32>} : memref<2x128x128xf32, #tpu.memory_space<vmem>>, vector<1x1x16xf32>,
      %swap3A_108 = arith.constant 0 : i32
      %swap3A_109 = arith.index_cast %swap3A_108 : i32 to index
      %swap3A_110 = arith.index_cast %scan3A_72 : i32 to index
      %swap3A_111 = arith.constant 80 : index
      %swap3A_112 = tpu.vector_load %arg10[%swap3A_109, %swap3A_110, %swap3A_111] {strides = array<i32>} : memref<2x128x128xf32, #tpu.memory_space<vmem>>, vector<1x1x16xf32>,
      %swap3A_113 = vector.shape_cast %swap3A_112 : vector<1x1x16xf32> to vector<16xf32>
      %swap3A_114 = vector.shape_cast %broadcast_in_dim3A_3 : vector<16xf32> to vector<1x1x16xf32>
      tpu.vector_store %arg10[%swap3A_109, %swap3A_110, %swap3A_111], %swap3A_114 {strides = array<i32>} : memref<2x128x128xf32, #tpu.memory_space<vmem>>, vector<1x1x16xf32>,
      %swap3A_115 = arith.constant 0 : i32
      %swap3A_116 = arith.index_cast %swap3A_115 : i32 to index
      %swap3A_117 = arith.index_cast %scan3A_72 : i32 to index
      %swap3A_118 = arith.constant 96 : index
      %swap3A_119 = tpu.vector_load %arg10[%swap3A_116, %swap3A_117, %swap3A_118] {strides = array<i32>} : memref<2x128x128xf32, #tpu.memory_space<vmem>>, vector<1x1x16xf32>,
      %swap3A_120 = vector.shape_cast %swap3A_119 : vector<1x1x16xf32> to vector<16xf32>
      %swap3A_121 = vector.shape_cast %broadcast_in_dim3A_3 : vector<16xf32> to vector<1x1x16xf32>
      tpu.vector_store %arg10[%swap3A_116, %swap3A_117, %swap3A_118], %swap3A_121 {strides = array<i32>} : memref<2x128x128xf32, #tpu.memory_space<vmem>>, vector<1x1x16xf32>,
      %swap3A_122 = arith.constant 0 : i32
      %swap3A_123 = arith.index_cast %swap3A_122 : i32 to index
      %swap3A_124 = arith.index_cast %scan3A_72 : i32 to index
      %swap3A_125 = arith.constant 112 : index
      %swap3A_126 = tpu.vector_load %arg10[%swap3A_123, %swap3A_124, %swap3A_125] {strides = array<i32>} : memref<2x128x128xf32, #tpu.memory_space<vmem>>, vector<1x1x16xf32>,
      %swap3A_127 = vector.shape_cast %swap3A_126 : vector<1x1x16xf32> to vector<16xf32>
      %swap3A_128 = vector.shape_cast %broadcast_in_dim3A_3 : vector<16xf32> to vector<1x1x16xf32>
      tpu.vector_store %arg10[%swap3A_123, %swap3A_124, %swap3A_125], %swap3A_128 {strides = array<i32>} : memref<2x128x128xf32, #tpu.memory_space<vmem>>, vector<1x1x16xf32>,
      %scan3A_129 = arith.constant 0 : i32
      scf.yield %scan3A_129 : i32
    }
    %scan3A_9 = arith.constant 128 : i32
    %mul3A_10 = arith.constant 640 : i32
    %mul3A_11 = arith.muli %arg1, %mul3A_10 : i32
    %add3A_12 = arith.constant 0 : i32
    %add3A_13 = arith.addi %mul3A_11, %add3A_12 : i32
    %run_scoped3A = arith.constant 0 : i32
    "tpu.region"() ({
      %run_scoped3A_72 = tpu.sem_alloc : memref<!tpu.dma_semaphore, #tpu.memory_space<semaphore_mem>>
      %dma_start3A_73 = arith.constant 0 : i32
      %dma_start3A_74 = arith.constant 0 : i32
      %dma_start3A_75 = tpu.memref_slice %arg10[%run_scoped3A, %dma_start3A_73, %dma_start3A_74] : memref<2x128x128xf32, #tpu.memory_space<vmem>> -> memref<1x128x128xf32, #tpu.memory_space<vmem>>
      %dma_start3A_76 = tpu.memref_squeeze %dma_start3A_75 : memref<1x128x128xf32, #tpu.memory_space<vmem>> -> memref<128x128xf32, #tpu.memory_space<vmem>>
      %dma_start3A_77 = arith.constant 0 : i32
      %dma_start3A_78 = tpu.memref_slice %arg11[%add3A_13, %dma_start3A_77] : memref<10240x128xf32, #tpu.memory_space<vmem_shared>> -> memref<128x128xf32, #tpu.memory_space<vmem_shared>>
      %dma_start3A_79 = arith.constant 0 : i32
      %dma_start3A_80 = tpu.memref_slice %arg11[%add3A_13, %dma_start3A_79] : memref<10240x128xf32, #tpu.memory_space<vmem_shared>> -> memref<128x128xf32, #tpu.memory_space<vmem_shared>>
      %dma_start3A_81 = arith.constant 0 : i32
      %dma_start3A_82 = arith.constant 0 : i32
      %dma_start3A_83 = tpu.memref_slice %arg10[%run_scoped3A, %dma_start3A_81, %dma_start3A_82] : memref<2x128x128xf32, #tpu.memory_space<vmem>> -> memref<1x128x128xf32, #tpu.memory_space<vmem>>
      %dma_start3A_84 = tpu.memref_squeeze %dma_start3A_83 : memref<1x128x128xf32, #tpu.memory_space<vmem>> -> memref<128x128xf32, #tpu.memory_space<vmem>>
      tpu.enqueue_dma source(%dma_start3A_84 : memref<128x128xf32, #tpu.memory_space<vmem>>) target(%dma_start3A_80 : memref<128x128xf32, #tpu.memory_space<vmem_shared>>) target_semaphore(%run_scoped3A_72 : memref<!tpu.dma_semaphore, #tpu.memory_space<semaphore_mem>>)
      %dma_wait3A_85 = arith.constant 0 : i32
      %dma_wait3A_86 = arith.constant 0 : i32
      %dma_wait3A_87 = tpu.memref_slice %arg10[%run_scoped3A, %dma_wait3A_85, %dma_wait3A_86] : memref<2x128x128xf32, #tpu.memory_space<vmem>> -> memref<1x128x128xf32, #tpu.memory_space<vmem>>
      %dma_wait3A_88 = tpu.memref_squeeze %dma_wait3A_87 : memref<1x128x128xf32, #tpu.memory_space<vmem>> -> memref<128x128xf32, #tpu.memory_space<vmem>>
      %dma_wait3A_89 = arith.constant 0 : i32
      %dma_wait3A_90 = tpu.memref_slice %arg11[%add3A_13, %dma_wait3A_89] : memref<10240x128xf32, #tpu.memory_space<vmem_shared>> -> memref<128x128xf32, #tpu.memory_space<vmem_shared>>
      %dma_wait3A_91 = arith.constant 0 : i32
      %dma_wait3A_92 = tpu.memref_slice %arg11[%add3A_13, %dma_wait3A_91] : memref<10240x128xf32, #tpu.memory_space<vmem_shared>> -> memref<128x128xf32, #tpu.memory_space<vmem_shared>>
      %dma_wait3A_93 = arith.constant 0 : i32
      %dma_wait3A_94 = arith.constant 0 : i32
      %dma_wait3A_95 = tpu.memref_slice %arg10[%run_scoped3A, %dma_wait3A_93, %dma_wait3A_94] : memref<2x128x128xf32, #tpu.memory_space<vmem>> -> memref<1x128x128xf32, #tpu.memory_space<vmem>>
      %dma_wait3A_96 = tpu.memref_squeeze %dma_wait3A_95 : memref<1x128x128xf32, #tpu.memory_space<vmem>> -> memref<128x128xf32, #tpu.memory_space<vmem>>
      tpu.wait_dma2 semaphore(%run_scoped3A_72 : memref<!tpu.dma_semaphore, #tpu.memory_space<semaphore_mem>>) src(%dma_wait3A_96 : memref<128x128xf32, #tpu.memory_space<vmem>>) dst(%dma_wait3A_92 : memref<128x128xf32, #tpu.memory_space<vmem_shared>>)
      tpu.yield
    }) : () -> ()
    %add3A_14 = arith.constant 128 : i32
    %add3A_15 = arith.addi %mul3A_11, %add3A_14 : i32
    %run_scoped3A_16 = arith.constant 0 : i32
    "tpu.region"() ({
      %run_scoped3A_72 = tpu.sem_alloc : memref<!tpu.dma_semaphore, #tpu.memory_space<semaphore_mem>>
      %dma_start3A_73 = arith.constant 0 : i32
      %dma_start3A_74 = arith.constant 0 : i32
      %dma_start3A_75 = tpu.memref_slice %arg10[%run_scoped3A_16, %dma_start3A_73, %dma_start3A_74] : memref<2x128x128xf32, #tpu.memory_space<vmem>> -> memref<1x128x128xf32, #tpu.memory_space<vmem>>
      %dma_start3A_76 = tpu.memref_squeeze %dma_start3A_75 : memref<1x128x128xf32, #tpu.memory_space<vmem>> -> memref<128x128xf32, #tpu.memory_space<vmem>>
      %dma_start3A_77 = arith.constant 0 : i32
      %dma_start3A_78 = tpu.memref_slice %arg11[%add3A_15, %dma_start3A_77] : memref<10240x128xf32, #tpu.memory_space<vmem_shared>> -> memref<128x128xf32, #tpu.memory_space<vmem_shared>>
      %dma_start3A_79 = arith.constant 0 : i32
      %dma_start3A_80 = tpu.memref_slice %arg11[%add3A_15, %dma_start3A_79] : memref<10240x128xf32, #tpu.memory_space<vmem_shared>> -> memref<128x128xf32, #tpu.memory_space<vmem_shared>>
      %dma_start3A_81 = arith.constant 0 : i32
      %dma_start3A_82 = arith.constant 0 : i32
      %dma_start3A_83 = tpu.memref_slice %arg10[%run_scoped3A_16, %dma_start3A_81, %dma_start3A_82] : memref<2x128x128xf32, #tpu.memory_space<vmem>> -> memref<1x128x128xf32, #tpu.memory_space<vmem>>
      %dma_start3A_84 = tpu.memref_squeeze %dma_start3A_83 : memref<1x128x128xf32, #tpu.memory_space<vmem>> -> memref<128x128xf32, #tpu.memory_space<vmem>>
      tpu.enqueue_dma source(%dma_start3A_84 : memref<128x128xf32, #tpu.memory_space<vmem>>) target(%dma_start3A_80 : memref<128x128xf32, #tpu.memory_space<vmem_shared>>) target_semaphore(%run_scoped3A_72 : memref<!tpu.dma_semaphore, #tpu.memory_space<semaphore_mem>>)
      %dma_wait3A_85 = arith.constant 0 : i32
      %dma_wait3A_86 = arith.constant 0 : i32
      %dma_wait3A_87 = tpu.memref_slice %arg10[%run_scoped3A_16, %dma_wait3A_85, %dma_wait3A_86] : memref<2x128x128xf32, #tpu.memory_space<vmem>> -> memref<1x128x128xf32, #tpu.memory_space<vmem>>
      %dma_wait3A_88 = tpu.memref_squeeze %dma_wait3A_87 : memref<1x128x128xf32, #tpu.memory_space<vmem>> -> memref<128x128xf32, #tpu.memory_space<vmem>>
      %dma_wait3A_89 = arith.constant 0 : i32
      %dma_wait3A_90 = tpu.memref_slice %arg11[%add3A_15, %dma_wait3A_89] : memref<10240x128xf32, #tpu.memory_space<vmem_shared>> -> memref<128x128xf32, #tpu.memory_space<vmem_shared>>
      %dma_wait3A_91 = arith.constant 0 : i32
      %dma_wait3A_92 = tpu.memref_slice %arg11[%add3A_15, %dma_wait3A_91] : memref<10240x128xf32, #tpu.memory_space<vmem_shared>> -> memref<128x128xf32, #tpu.memory_space<vmem_shared>>
      %dma_wait3A_93 = arith.constant 0 : i32
      %dma_wait3A_94 = arith.constant 0 : i32
      %dma_wait3A_95 = tpu.memref_slice %arg10[%run_scoped3A_16, %dma_wait3A_93, %dma_wait3A_94] : memref<2x128x128xf32, #tpu.memory_space<vmem>> -> memref<1x128x128xf32, #tpu.memory_space<vmem>>
      %dma_wait3A_96 = tpu.memref_squeeze %dma_wait3A_95 : memref<1x128x128xf32, #tpu.memory_space<vmem>> -> memref<128x128xf32, #tpu.memory_space<vmem>>
      tpu.wait_dma2 semaphore(%run_scoped3A_72 : memref<!tpu.dma_semaphore, #tpu.memory_space<semaphore_mem>>) src(%dma_wait3A_96 : memref<128x128xf32, #tpu.memory_space<vmem>>) dst(%dma_wait3A_92 : memref<128x128xf32, #tpu.memory_space<vmem_shared>>)
      tpu.yield
    }) : () -> ()
    %add3A_17 = arith.constant 256 : i32
    %add3A_18 = arith.addi %mul3A_11, %add3A_17 : i32
    %run_scoped3A_19 = arith.constant 0 : i32
    "tpu.region"() ({
      %run_scoped3A_72 = tpu.sem_alloc : memref<!tpu.dma_semaphore, #tpu.memory_space<semaphore_mem>>
      %dma_start3A_73 = arith.constant 0 : i32
      %dma_start3A_74 = arith.constant 0 : i32
      %dma_start3A_75 = tpu.memref_slice %arg10[%run_scoped3A_19, %dma_start3A_73, %dma_start3A_74] : memref<2x128x128xf32, #tpu.memory_space<vmem>> -> memref<1x128x128xf32, #tpu.memory_space<vmem>>
      %dma_start3A_76 = tpu.memref_squeeze %dma_start3A_75 : memref<1x128x128xf32, #tpu.memory_space<vmem>> -> memref<128x128xf32, #tpu.memory_space<vmem>>
      %dma_start3A_77 = arith.constant 0 : i32
      %dma_start3A_78 = tpu.memref_slice %arg11[%add3A_18, %dma_start3A_77] : memref<10240x128xf32, #tpu.memory_space<vmem_shared>> -> memref<128x128xf32, #tpu.memory_space<vmem_shared>>
      %dma_start3A_79 = arith.constant 0 : i32
      %dma_start3A_80 = tpu.memref_slice %arg11[%add3A_18, %dma_start3A_79] : memref<10240x128xf32, #tpu.memory_space<vmem_shared>> -> memref<128x128xf32, #tpu.memory_space<vmem_shared>>
      %dma_start3A_81 = arith.constant 0 : i32
      %dma_start3A_82 = arith.constant 0 : i32
      %dma_start3A_83 = tpu.memref_slice %arg10[%run_scoped3A_19, %dma_start3A_81, %dma_start3A_82] : memref<2x128x128xf32, #tpu.memory_space<vmem>> -> memref<1x128x128xf32, #tpu.memory_space<vmem>>
      %dma_start3A_84 = tpu.memref_squeeze %dma_start3A_83 : memref<1x128x128xf32, #tpu.memory_space<vmem>> -> memref<128x128xf32, #tpu.memory_space<vmem>>
      tpu.enqueue_dma source(%dma_start3A_84 : memref<128x128xf32, #tpu.memory_space<vmem>>) target(%dma_start3A_80 : memref<128x128xf32, #tpu.memory_space<vmem_shared>>) target_semaphore(%run_scoped3A_72 : memref<!tpu.dma_semaphore, #tpu.memory_space<semaphore_mem>>)
      %dma_wait3A_85 = arith.constant 0 : i32
      %dma_wait3A_86 = arith.constant 0 : i32
      %dma_wait3A_87 = tpu.memref_slice %arg10[%run_scoped3A_19, %dma_wait3A_85, %dma_wait3A_86] : memref<2x128x128xf32, #tpu.memory_space<vmem>> -> memref<1x128x128xf32, #tpu.memory_space<vmem>>
      %dma_wait3A_88 = tpu.memref_squeeze %dma_wait3A_87 : memref<1x128x128xf32, #tpu.memory_space<vmem>> -> memref<128x128xf32, #tpu.memory_space<vmem>>
      %dma_wait3A_89 = arith.constant 0 : i32
      %dma_wait3A_90 = tpu.memref_slice %arg11[%add3A_18, %dma_wait3A_89] : memref<10240x128xf32, #tpu.memory_space<vmem_shared>> -> memref<128x128xf32, #tpu.memory_space<vmem_shared>>
      %dma_wait3A_91 = arith.constant 0 : i32
      %dma_wait3A_92 = tpu.memref_slice %arg11[%add3A_18, %dma_wait3A_91] : memref<10240x128xf32, #tpu.memory_space<vmem_shared>> -> memref<128x128xf32, #tpu.memory_space<vmem_shared>>
      %dma_wait3A_93 = arith.constant 0 : i32
      %dma_wait3A_94 = arith.constant 0 : i32
      %dma_wait3A_95 = tpu.memref_slice %arg10[%run_scoped3A_19, %dma_wait3A_93, %dma_wait3A_94] : memref<2x128x128xf32, #tpu.memory_space<vmem>> -> memref<1x128x128xf32, #tpu.memory_space<vmem>>
      %dma_wait3A_96 = tpu.memref_squeeze %dma_wait3A_95 : memref<1x128x128xf32, #tpu.memory_space<vmem>> -> memref<128x128xf32, #tpu.memory_space<vmem>>
      tpu.wait_dma2 semaphore(%run_scoped3A_72 : memref<!tpu.dma_semaphore, #tpu.memory_space<semaphore_mem>>) src(%dma_wait3A_96 : memref<128x128xf32, #tpu.memory_space<vmem>>) dst(%dma_wait3A_92 : memref<128x128xf32, #tpu.memory_space<vmem_shared>>)
      tpu.yield
    }) : () -> ()
    %add3A_20 = arith.constant 384 : i32
    %add3A_21 = arith.addi %mul3A_11, %add3A_20 : i32
    %run_scoped3A_22 = arith.constant 0 : i32
    "tpu.region"() ({
      %run_scoped3A_72 = tpu.sem_alloc : memref<!tpu.dma_semaphore, #tpu.memory_space<semaphore_mem>>
      %dma_start3A_73 = arith.constant 0 : i32
      %dma_start3A_74 = arith.constant 0 : i32
      %dma_start3A_75 = tpu.memref_slice %arg10[%run_scoped3A_22, %dma_start3A_73, %dma_start3A_74] : memref<2x128x128xf32, #tpu.memory_space<vmem>> -> memref<1x128x128xf32, #tpu.memory_space<vmem>>
      %dma_start3A_76 = tpu.memref_squeeze %dma_start3A_75 : memref<1x128x128xf32, #tpu.memory_space<vmem>> -> memref<128x128xf32, #tpu.memory_space<vmem>>
      %dma_start3A_77 = arith.constant 0 : i32
      %dma_start3A_78 = tpu.memref_slice %arg11[%add3A_21, %dma_start3A_77] : memref<10240x128xf32, #tpu.memory_space<vmem_shared>> -> memref<128x128xf32, #tpu.memory_space<vmem_shared>>
      %dma_start3A_79 = arith.constant 0 : i32
      %dma_start3A_80 = tpu.memref_slice %arg11[%add3A_21, %dma_start3A_79] : memref<10240x128xf32, #tpu.memory_space<vmem_shared>> -> memref<128x128xf32, #tpu.memory_space<vmem_shared>>
      %dma_start3A_81 = arith.constant 0 : i32
      %dma_start3A_82 = arith.constant 0 : i32
      %dma_start3A_83 = tpu.memref_slice %arg10[%run_scoped3A_22, %dma_start3A_81, %dma_start3A_82] : memref<2x128x128xf32, #tpu.memory_space<vmem>> -> memref<1x128x128xf32, #tpu.memory_space<vmem>>
      %dma_start3A_84 = tpu.memref_squeeze %dma_start3A_83 : memref<1x128x128xf32, #tpu.memory_space<vmem>> -> memref<128x128xf32, #tpu.memory_space<vmem>>
      tpu.enqueue_dma source(%dma_start3A_84 : memref<128x128xf32, #tpu.memory_space<vmem>>) target(%dma_start3A_80 : memref<128x128xf32, #tpu.memory_space<vmem_shared>>) target_semaphore(%run_scoped3A_72 : memref<!tpu.dma_semaphore, #tpu.memory_space<semaphore_mem>>)
      %dma_wait3A_85 = arith.constant 0 : i32
      %dma_wait3A_86 = arith.constant 0 : i32
      %dma_wait3A_87 = tpu.memref_slice %arg10[%run_scoped3A_22, %dma_wait3A_85, %dma_wait3A_86] : memref<2x128x128xf32, #tpu.memory_space<vmem>> -> memref<1x128x128xf32, #tpu.memory_space<vmem>>
      %dma_wait3A_88 = tpu.memref_squeeze %dma_wait3A_87 : memref<1x128x128xf32, #tpu.memory_space<vmem>> -> memref<128x128xf32, #tpu.memory_space<vmem>>
      %dma_wait3A_89 = arith.constant 0 : i32
      %dma_wait3A_90 = tpu.memref_slice %arg11[%add3A_21, %dma_wait3A_89] : memref<10240x128xf32, #tpu.memory_space<vmem_shared>> -> memref<128x128xf32, #tpu.memory_space<vmem_shared>>
      %dma_wait3A_91 = arith.constant 0 : i32
      %dma_wait3A_92 = tpu.memref_slice %arg11[%add3A_21, %dma_wait3A_91] : memref<10240x128xf32, #tpu.memory_space<vmem_shared>> -> memref<128x128xf32, #tpu.memory_space<vmem_shared>>
      %dma_wait3A_93 = arith.constant 0 : i32
      %dma_wait3A_94 = arith.constant 0 : i32
      %dma_wait3A_95 = tpu.memref_slice %arg10[%run_scoped3A_22, %dma_wait3A_93, %dma_wait3A_94] : memref<2x128x128xf32, #tpu.memory_space<vmem>> -> memref<1x128x128xf32, #tpu.memory_space<vmem>>
      %dma_wait3A_96 = tpu.memref_squeeze %dma_wait3A_95 : memref<1x128x128xf32, #tpu.memory_space<vmem>> -> memref<128x128xf32, #tpu.memory_space<vmem>>
      tpu.wait_dma2 semaphore(%run_scoped3A_72 : memref<!tpu.dma_semaphore, #tpu.memory_space<semaphore_mem>>) src(%dma_wait3A_96 : memref<128x128xf32, #tpu.memory_space<vmem>>) dst(%dma_wait3A_92 : memref<128x128xf32, #tpu.memory_space<vmem_shared>>)
      tpu.yield
    }) : () -> ()
    %add3A_23 = arith.constant 512 : i32
    %add3A_24 = arith.addi %mul3A_11, %add3A_23 : i32
    %run_scoped3A_25 = arith.constant 0 : i32
    "tpu.region"() ({
      %run_scoped3A_72 = tpu.sem_alloc : memref<!tpu.dma_semaphore, #tpu.memory_space<semaphore_mem>>
      %dma_start3A_73 = arith.constant 0 : i32
      %dma_start3A_74 = arith.constant 0 : i32
      %dma_start3A_75 = tpu.memref_slice %arg10[%run_scoped3A_25, %dma_start3A_73, %dma_start3A_74] : memref<2x128x128xf32, #tpu.memory_space<vmem>> -> memref<1x128x128xf32, #tpu.memory_space<vmem>>
      %dma_start3A_76 = tpu.memref_squeeze %dma_start3A_75 : memref<1x128x128xf32, #tpu.memory_space<vmem>> -> memref<128x128xf32, #tpu.memory_space<vmem>>
      %dma_start3A_77 = arith.constant 0 : i32
      %dma_start3A_78 = tpu.memref_slice %arg11[%add3A_24, %dma_start3A_77] : memref<10240x128xf32, #tpu.memory_space<vmem_shared>> -> memref<128x128xf32, #tpu.memory_space<vmem_shared>>
      %dma_start3A_79 = arith.constant 0 : i32
      %dma_start3A_80 = tpu.memref_slice %arg11[%add3A_24, %dma_start3A_79] : memref<10240x128xf32, #tpu.memory_space<vmem_shared>> -> memref<128x128xf32, #tpu.memory_space<vmem_shared>>
      %dma_start3A_81 = arith.constant 0 : i32
      %dma_start3A_82 = arith.constant 0 : i32
      %dma_start3A_83 = tpu.memref_slice %arg10[%run_scoped3A_25, %dma_start3A_81, %dma_start3A_82] : memref<2x128x128xf32, #tpu.memory_space<vmem>> -> memref<1x128x128xf32, #tpu.memory_space<vmem>>
      %dma_start3A_84 = tpu.memref_squeeze %dma_start3A_83 : memref<1x128x128xf32, #tpu.memory_space<vmem>> -> memref<128x128xf32, #tpu.memory_space<vmem>>
      tpu.enqueue_dma source(%dma_start3A_84 : memref<128x128xf32, #tpu.memory_space<vmem>>) target(%dma_start3A_80 : memref<128x128xf32, #tpu.memory_space<vmem_shared>>) target_semaphore(%run_scoped3A_72 : memref<!tpu.dma_semaphore, #tpu.memory_space<semaphore_mem>>)
      %dma_wait3A_85 = arith.constant 0 : i32
      %dma_wait3A_86 = arith.constant 0 : i32
      %dma_wait3A_87 = tpu.memref_slice %arg10[%run_scoped3A_25, %dma_wait3A_85, %dma_wait3A_86] : memref<2x128x128xf32, #tpu.memory_space<vmem>> -> memref<1x128x128xf32, #tpu.memory_space<vmem>>
      %dma_wait3A_88 = tpu.memref_squeeze %dma_wait3A_87 : memref<1x128x128xf32, #tpu.memory_space<vmem>> -> memref<128x128xf32, #tpu.memory_space<vmem>>
      %dma_wait3A_89 = arith.constant 0 : i32
      %dma_wait3A_90 = tpu.memref_slice %arg11[%add3A_24, %dma_wait3A_89] : memref<10240x128xf32, #tpu.memory_space<vmem_shared>> -> memref<128x128xf32, #tpu.memory_space<vmem_shared>>
      %dma_wait3A_91 = arith.constant 0 : i32
      %dma_wait3A_92 = tpu.memref_slice %arg11[%add3A_24, %dma_wait3A_91] : memref<10240x128xf32, #tpu.memory_space<vmem_shared>> -> memref<128x128xf32, #tpu.memory_space<vmem_shared>>
      %dma_wait3A_93 = arith.constant 0 : i32
      %dma_wait3A_94 = arith.constant 0 : i32
      %dma_wait3A_95 = tpu.memref_slice %arg10[%run_scoped3A_25, %dma_wait3A_93, %dma_wait3A_94] : memref<2x128x128xf32, #tpu.memory_space<vmem>> -> memref<1x128x128xf32, #tpu.memory_space<vmem>>
      %dma_wait3A_96 = tpu.memref_squeeze %dma_wait3A_95 : memref<1x128x128xf32, #tpu.memory_space<vmem>> -> memref<128x128xf32, #tpu.memory_space<vmem>>
      tpu.wait_dma2 semaphore(%run_scoped3A_72 : memref<!tpu.dma_semaphore, #tpu.memory_space<semaphore_mem>>) src(%dma_wait3A_96 : memref<128x128xf32, #tpu.memory_space<vmem>>) dst(%dma_wait3A_92 : memref<128x128xf32, #tpu.memory_space<vmem_shared>>)
      tpu.yield
    }) : () -> ()
    %barrier3A = arith.constant 0 : index
    tpu.barrier barrier_id(%barrier3A)
    %dma_start3A = arith.constant 0 : i32
    %dma_start3A_26 = arith.constant 0 : i32
    %dma_start3A_27 = arith.constant 0 : i32
    %dma_start3A_28 = tpu.memref_slice %arg10[%dma_start3A, %dma_start3A_26, %dma_start3A_27] : memref<2x128x128xf32, #tpu.memory_space<vmem>> -> memref<1x128x128xf32, #tpu.memory_space<vmem>>
    %dma_start3A_29 = tpu.memref_squeeze %dma_start3A_28 : memref<1x128x128xf32, #tpu.memory_space<vmem>> -> memref<128x128xf32, #tpu.memory_space<vmem>>
    %dma_start3A_30 = arith.constant 0 : i32
    %dma_start3A_31 = tpu.memref_slice %arg7[%dma_start3A_30] : memref<10240xi32, #tpu.memory_space<vmem>> -> memref<128xi32, #tpu.memory_space<vmem>>
    %dma_start3A_32 = arith.constant 0 : i32
    %dma_start3A_33 = arith.constant 0 : i32
    %dma_start3A_34 = tpu.memref_slice %arg2[%dma_start3A_32, %dma_start3A_33] : memref<10000x128xf32, #tpu.memory_space<hbm>> -> memref<10000x128xf32, #tpu.memory_space<hbm>>
    tpu.enqueue_indirect_dma source(%dma_start3A_34 : memref<10000x128xf32, #tpu.memory_space<hbm>>) target(%dma_start3A_29 : memref<128x128xf32, #tpu.memory_space<vmem>>) offsets(%dma_start3A_31 : memref<128xi32, #tpu.memory_space<vmem>>) semaphore(%arg12 : memref<!tpu.dma_semaphore, #tpu.memory_space<semaphore_mem>>)
    %dma_wait3A = arith.constant 0 : i32
    %dma_wait3A_35 = arith.constant 0 : i32
    %dma_wait3A_36 = arith.constant 0 : i32
    %dma_wait3A_37 = tpu.memref_slice %arg10[%dma_wait3A, %dma_wait3A_35, %dma_wait3A_36] : memref<2x128x128xf32, #tpu.memory_space<vmem>> -> memref<1x128x128xf32, #tpu.memory_space<vmem>>
    %dma_wait3A_38 = tpu.memref_squeeze %dma_wait3A_37 : memref<1x128x128xf32, #tpu.memory_space<vmem>> -> memref<128x128xf32, #tpu.memory_space<vmem>>
    %dma_wait3A_39 = arith.constant 0 : i32
    %dma_wait3A_40 = tpu.memref_slice %arg7[%dma_wait3A_39] : memref<10240xi32, #tpu.memory_space<vmem>> -> memref<128xi32, #tpu.memory_space<vmem>>
    %dma_wait3A_41 = arith.constant 0 : i32
    %dma_wait3A_42 = arith.constant 0 : i32
    %dma_wait3A_43 = tpu.memref_slice %arg2[%dma_wait3A_41, %dma_wait3A_42] : memref<10000x128xf32, #tpu.memory_space<hbm>> -> memref<10000x128xf32, #tpu.memory_space<hbm>>
    tpu.wait_indirect_dma semaphore(%arg12 : memref<!tpu.dma_semaphore, #tpu.memory_space<semaphore_mem>>) src(%dma_wait3A_43 : memref<10000x128xf32, #tpu.memory_space<hbm>>) dst(%dma_wait3A_38 : memref<128x128xf32, #tpu.memory_space<vmem>>)
    %scan3A_44 = arith.constant 0 : i32
    %scan3A_45 = arith.constant 0 : i32
    %scan3A_46 = arith.constant 5 : i32
    %scan3A_47 = arith.addi %scan3A_45, %scan3A_46 : i32
    %scan3A_48 = arith.constant 1 : i32
    %scan3A_49 = scf.for %scan3A_72 = %scan3A_45 to %scan3A_47 step %scan3A_48 iter_args(%scan3A_73 = %scan3A_44) -> (i32)  : i32 {
      %mul3A_74 = arith.constant 80 : i32
      %mul3A_75 = arith.muli %add3A, %mul3A_74 : i32
      %mul3A_76 = arith.constant 16 : i32
      %mul3A_77 = arith.muli %scan3A_72, %mul3A_76 : i32
      %add3A_78 = arith.addi %mul3A_75, %mul3A_77 : i32
      %multiple_of3A_79 = tpu.assume_multiple %add3A_78, 16 : i32
      "tpu.region"() ({
        %run_scoped3A_92 = tpu.sem_alloc : memref<!tpu.dma_semaphore, #tpu.memory_space<semaphore_mem>>
        %dma_start3A_93 = arith.constant 0 : i32
        %dma_start3A_94 = tpu.memref_slice %arg4[%multiple_of3A_79, %dma_start3A_93] : memref<2560x128xi32, #tpu.memory_space<hbm>> -> memref<16x128xi32, #tpu.memory_space<hbm>>
        %dma_start3A_95 = arith.constant 0 : i32
        %dma_start3A_96 = tpu.memref_slice %arg4[%multiple_of3A_79, %dma_start3A_95] : memref<2560x128xi32, #tpu.memory_space<hbm>> -> memref<16x128xi32, #tpu.memory_space<hbm>>
        tpu.enqueue_dma source(%dma_start3A_96 : memref<16x128xi32, #tpu.memory_space<hbm>>) target(%arg8 : memref<16x128xi32, #tpu.memory_space<vmem>>) target_semaphore(%run_scoped3A_92 : memref<!tpu.dma_semaphore, #tpu.memory_space<semaphore_mem>>)
        %dma_wait3A_97 = arith.constant 0 : i32
        %dma_wait3A_98 = tpu.memref_slice %arg4[%multiple_of3A_79, %dma_wait3A_97] : memref<2560x128xi32, #tpu.memory_space<hbm>> -> memref<16x128xi32, #tpu.memory_space<hbm>>
        %dma_wait3A_99 = arith.constant 0 : i32
        %dma_wait3A_100 = tpu.memref_slice %arg4[%multiple_of3A_79, %dma_wait3A_99] : memref<2560x128xi32, #tpu.memory_space<hbm>> -> memref<16x128xi32, #tpu.memory_space<hbm>>
        tpu.wait_dma2 semaphore(%run_scoped3A_92 : memref<!tpu.dma_semaphore, #tpu.memory_space<semaphore_mem>>) src(%dma_wait3A_100 : memref<16x128xi32, #tpu.memory_space<hbm>>) dst(%arg8 : memref<16x128xi32, #tpu.memory_space<vmem>>)
        tpu.yield
      }) : () -> ()
      %mul3A_80 = arith.constant 2048 : i32
      %mul3A_81 = arith.muli %scan3A_72, %mul3A_80 : i32
      %add3A_82 = arith.addi %multiple_of3A, %mul3A_81 : i32
      %multiple_of3A_83 = tpu.assume_multiple %add3A_82, 2048 : i32
      "tpu.region"() ({
        %run_scoped3A_92 = tpu.sem_alloc : memref<!tpu.dma_semaphore, #tpu.memory_space<semaphore_mem>>
        %dma_start3A_93 = tpu.memref_slice %arg5[%multiple_of3A_83] : memref<327680xf32, #tpu.memory_space<hbm>> -> memref<2048xf32, #tpu.memory_space<hbm>>
        %dma_start3A_94 = tpu.memref_slice %arg5[%multiple_of3A_83] : memref<327680xf32, #tpu.memory_space<hbm>> -> memref<2048xf32, #tpu.memory_space<hbm>>
        tpu.enqueue_dma source(%dma_start3A_94 : memref<2048xf32, #tpu.memory_space<hbm>>) target(%arg9 : memref<2048xf32, #tpu.memory_space<vmem>>) target_semaphore(%run_scoped3A_92 : memref<!tpu.dma_semaphore, #tpu.memory_space<semaphore_mem>>)
        %dma_wait3A_95 = tpu.memref_slice %arg5[%multiple_of3A_83] : memref<327680xf32, #tpu.memory_space<hbm>> -> memref<2048xf32, #tpu.memory_space<hbm>>
        %dma_wait3A_96 = tpu.memref_slice %arg5[%multiple_of3A_83] : memref<327680xf32, #tpu.memory_space<hbm>> -> memref<2048xf32, #tpu.memory_space<hbm>>
        tpu.wait_dma2 semaphore(%run_scoped3A_92 : memref<!tpu.dma_semaphore, #tpu.memory_space<semaphore_mem>>) src(%dma_wait3A_96 : memref<2048xf32, #tpu.memory_space<hbm>>) dst(%arg9 : memref<2048xf32, #tpu.memory_space<vmem>>)
        tpu.yield
      }) : () -> ()
      %scan3A_84 = arith.constant 0 : i32
      %scan3A_85 = arith.constant 0 : i32
      %scan3A_86 = arith.constant 8 : i32
      %scan3A_87 = arith.addi %scan3A_85, %scan3A_86 : i32
      %scan3A_88 = arith.constant 1 : i32
      %scan3A_89 = scf.for %scan3A_92 = %scan3A_85 to %scan3A_87 step %scan3A_88 iter_args(%scan3A_93 = %scan3A_84) -> (i32)  : i32 {
        %mul3A_94 = arith.constant 2 : i32
        %mul3A_95 = arith.muli %scan3A_92, %mul3A_94 : i32
        %add3A_96 = arith.constant 0 : i32
        %add3A_97 = arith.addi %mul3A_95, %add3A_96 : i32
        %mul3A_98 = arith.constant 16 : i32
        %mul3A_99 = arith.muli %scan3A_72, %mul3A_98 : i32
        %add3A_100 = arith.addi %mul3A_99, %add3A_97 : i32
        %add3A_101 = arith.constant 1 : i32
        %add3A_102 = arith.addi %add3A_100, %add3A_101 : i32
        %lt3A = arith.constant 80 : i32
        %lt3A_103 = arith.cmpi slt, %add3A_102, %lt3A : i32
        %convert_element_type3A = arith.extui %lt3A_103 : i1 to i32
        %cond3A = arith.constant 0 : i32
        %cond3A_104 = arith.cmpi ne, %convert_element_type3A, %cond3A : i32
        scf.if %cond3A_104 {
          %add3A_150 = arith.constant 1 : i32
          %add3A_151 = arith.addi %add3A_100, %add3A_150 : i32
          %mul3A_152 = arith.constant 128 : i32
          %mul3A_153 = arith.muli %add3A_151, %mul3A_152 : i32
          %dma_start3A_154 = arith.constant 1 : i32
          %dma_start3A_155 = arith.constant 0 : i32
          %dma_start3A_156 = arith.constant 0 : i32
          %dma_start3A_157 = tpu.memref_slice %arg10[%dma_start3A_154, %dma_start3A_155, %dma_start3A_156] : memref<2x128x128xf32, #tpu.memory_space<vmem>> -> memref<1x128x128xf32, #tpu.memory_space<vmem>>
          %dma_start3A_158 = tpu.memref_squeeze %dma_start3A_157 : memref<1x128x128xf32, #tpu.memory_space<vmem>> -> memref<128x128xf32, #tpu.memory_space<vmem>>
          %dma_start3A_159 = tpu.memref_slice %arg7[%mul3A_153] : memref<10240xi32, #tpu.memory_space<vmem>> -> memref<128xi32, #tpu.memory_space<vmem>>
          %dma_start3A_160 = arith.constant 0 : i32
          %dma_start3A_161 = arith.constant 0 : i32
          %dma_start3A_162 = tpu.memref_slice %arg2[%dma_start3A_160, %dma_start3A_161] : memref<10000x128xf32, #tpu.memory_space<hbm>> -> memref<10000x128xf32, #tpu.memory_space<hbm>>
          tpu.enqueue_indirect_dma source(%dma_start3A_162 : memref<10000x128xf32, #tpu.memory_space<hbm>>) target(%dma_start3A_158 : memref<128x128xf32, #tpu.memory_space<vmem>>) offsets(%dma_start3A_159 : memref<128xi32, #tpu.memory_space<vmem>>) semaphore(%arg12 : memref<!tpu.dma_semaphore, #tpu.memory_space<semaphore_mem>>)
        } else {
        }
        %scan3A_105 = arith.constant 0 : i32
        %scan3A_106 = arith.constant 0 : i32
        %scan3A_107 = arith.constant 8 : i32
        %scan3A_108 = arith.addi %scan3A_106, %scan3A_107 : i32
        %scan3A_109 = arith.constant 1 : i32
        %scan3A_110 = scf.for %scan3A_150 = %scan3A_106 to %scan3A_108 step %scan3A_109 iter_args(%scan3A_151 = %scan3A_105) -> (i32)  : i32 {
          %mul3A_152 = arith.constant 128 : i32
          %mul3A_153 = arith.muli %add3A_97, %mul3A_152 : i32
          %mul3A_154 = arith.constant 16 : i32
          %mul3A_155 = arith.muli %scan3A_150, %mul3A_154 : i32
          %add3A_156 = arith.addi %mul3A_153, %mul3A_155 : i32
          %get3A = arith.index_cast %add3A_156 : i32 to index
          %get3A_157 = tpu.vector_load %arg9[%get3A] {strides = array<i32>} : memref<2048xf32, #tpu.memory_space<vmem>>, vector<16xf32>,
          %get3A_158 = vector.shape_cast %get3A_157 : vector<16xf32> to vector<16xf32>
          %mul3A_159 = arith.constant 16 : i32
          %mul3A_160 = arith.muli %scan3A_150, %mul3A_159 : i32
          %add3A_161 = arith.constant 0 : i32
          %add3A_162 = arith.addi %mul3A_160, %add3A_161 : i32
          %slice3A = vector.extract_strided_slice %get3A_158 {offsets = [0], sizes = [1], strides = [1]} : vector<16xf32> to vector<1xf32>
          %squeeze3A = vector.extract %slice3A[0] : f32 from vector<1xf32>
          %broadcast_in_dim3A_163 = vector.broadcast %squeeze3A : f32 to vector<16xf32>
          %get3A_164 = arith.constant 0 : i32
          %get3A_165 = arith.index_cast %get3A_164 : i32 to index
          %get3A_166 = arith.index_cast %add3A_162 : i32 to index
          %get3A_167 = arith.constant 0 : index
          %get3A_168 = tpu.vector_load %arg10[%get3A_165, %get3A_166, %get3A_167] {strides = array<i32>} : memref<2x128x128xf32, #tpu.memory_space<vmem>>, vector<1x1x16xf32>,
          %get3A_169 = vector.shape_cast %get3A_168 : vector<1x1x16xf32> to vector<16xf32>
          %mul3A_170 = arith.mulf %get3A_169, %broadcast_in_dim3A_163 : vector<16xf32>
          %swap3A = arith.constant 0 : i32
          %swap3A_171 = arith.index_cast %swap3A : i32 to index
          %swap3A_172 = arith.index_cast %add3A_162 : i32 to index
          %swap3A_173 = arith.constant 0 : index
          %swap3A_174 = tpu.vector_load %arg10[%swap3A_171, %swap3A_172, %swap3A_173] {strides = array<i32>} : memref<2x128x128xf32, #tpu.memory_space<vmem>>, vector<1x1x16xf32>,
          %swap3A_175 = vector.shape_cast %swap3A_174 : vector<1x1x16xf32> to vector<16xf32>
          %swap3A_176 = vector.shape_cast %mul3A_170 : vector<16xf32> to vector<1x1x16xf32>
          tpu.vector_store %arg10[%swap3A_171, %swap3A_172, %swap3A_173], %swap3A_176 {strides = array<i32>} : memref<2x128x128xf32, #tpu.memory_space<vmem>>, vector<1x1x16xf32>,
          %get3A_177 = arith.constant 0 : i32
          %get3A_178 = arith.index_cast %get3A_177 : i32 to index
          %get3A_179 = arith.index_cast %add3A_162 : i32 to index
          %get3A_180 = arith.constant 16 : index
          %get3A_181 = tpu.vector_load %arg10[%get3A_178, %get3A_179, %get3A_180] {strides = array<i32>} : memref<2x128x128xf32, #tpu.memory_space<vmem>>, vector<1x1x16xf32>,
          %get3A_182 = vector.shape_cast %get3A_181 : vector<1x1x16xf32> to vector<16xf32>
          %mul3A_183 = arith.mulf %get3A_182, %broadcast_in_dim3A_163 : vector<16xf32>
          %swap3A_184 = arith.constant 0 : i32
          %swap3A_185 = arith.index_cast %swap3A_184 : i32 to index
          %swap3A_186 = arith.index_cast %add3A_162 : i32 to index
          %swap3A_187 = arith.constant 16 : index
          %swap3A_188 = tpu.vector_load %arg10[%swap3A_185, %swap3A_186, %swap3A_187] {strides = array<i32>} : memref<2x128x128xf32, #tpu.memory_space<vmem>>, vector<1x1x16xf32>,
          %swap3A_189 = vector.shape_cast %swap3A_188 : vector<1x1x16xf32> to vector<16xf32>
          %swap3A_190 = vector.shape_cast %mul3A_183 : vector<16xf32> to vector<1x1x16xf32>
          tpu.vector_store %arg10[%swap3A_185, %swap3A_186, %swap3A_187], %swap3A_190 {strides = array<i32>} : memref<2x128x128xf32, #tpu.memory_space<vmem>>, vector<1x1x16xf32>,
          %get3A_191 = arith.constant 0 : i32
          %get3A_192 = arith.index_cast %get3A_191 : i32 to index
          %get3A_193 = arith.index_cast %add3A_162 : i32 to index
          %get3A_194 = arith.constant 32 : index
          %get3A_195 = tpu.vector_load %arg10[%get3A_192, %get3A_193, %get3A_194] {strides = array<i32>} : memref<2x128x128xf32, #tpu.memory_space<vmem>>, vector<1x1x16xf32>,
          %get3A_196 = vector.shape_cast %get3A_195 : vector<1x1x16xf32> to vector<16xf32>
          %mul3A_197 = arith.mulf %get3A_196, %broadcast_in_dim3A_163 : vector<16xf32>
          %swap3A_198 = arith.constant 0 : i32
          %swap3A_199 = arith.index_cast %swap3A_198 : i32 to index
          %swap3A_200 = arith.index_cast %add3A_162 : i32 to index
          %swap3A_201 = arith.constant 32 : index
          %swap3A_202 = tpu.vector_load %arg10[%swap3A_199, %swap3A_200, %swap3A_201] {strides = array<i32>} : memref<2x128x128xf32, #tpu.memory_space<vmem>>, vector<1x1x16xf32>,
          %swap3A_203 = vector.shape_cast %swap3A_202 : vector<1x1x16xf32> to vector<16xf32>
          %swap3A_204 = vector.shape_cast %mul3A_197 : vector<16xf32> to vector<1x1x16xf32>
          tpu.vector_store %arg10[%swap3A_199, %swap3A_200, %swap3A_201], %swap3A_204 {strides = array<i32>} : memref<2x128x128xf32, #tpu.memory_space<vmem>>, vector<1x1x16xf32>,
          %get3A_205 = arith.constant 0 : i32
          %get3A_206 = arith.index_cast %get3A_205 : i32 to index
          %get3A_207 = arith.index_cast %add3A_162 : i32 to index
          %get3A_208 = arith.constant 48 : index
          %get3A_209 = tpu.vector_load %arg10[%get3A_206, %get3A_207, %get3A_208] {strides = array<i32>} : memref<2x128x128xf32, #tpu.memory_space<vmem>>, vector<1x1x16xf32>,
          %get3A_210 = vector.shape_cast %get3A_209 : vector<1x1x16xf32> to vector<16xf32>
          %mul3A_211 = arith.mulf %get3A_210, %broadcast_in_dim3A_163 : vector<16xf32>
          %swap3A_212 = arith.constant 0 : i32
          %swap3A_213 = arith.index_cast %swap3A_212 : i32 to index
          %swap3A_214 = arith.index_cast %add3A_162 : i32 to index
          %swap3A_215 = arith.constant 48 : index
          %swap3A_216 = tpu.vector_load %arg10[%swap3A_213, %swap3A_214, %swap3A_215] {strides = array<i32>} : memref<2x128x128xf32, #tpu.memory_space<vmem>>, vector<1x1x16xf32>,
          %swap3A_217 = vector.shape_cast %swap3A_216 : vector<1x1x16xf32> to vector<16xf32>
          %swap3A_218 = vector.shape_cast %mul3A_211 : vector<16xf32> to vector<1x1x16xf32>
          tpu.vector_store %arg10[%swap3A_213, %swap3A_214, %swap3A_215], %swap3A_218 {strides = array<i32>} : memref<2x128x128xf32, #tpu.memory_space<vmem>>, vector<1x1x16xf32>,
          %get3A_219 = arith.constant 0 : i32
          %get3A_220 = arith.index_cast %get3A_219 : i32 to index
          %get3A_221 = arith.index_cast %add3A_162 : i32 to index
          %get3A_222 = arith.constant 64 : index
          %get3A_223 = tpu.vector_load %arg10[%get3A_220, %get3A_221, %get3A_222] {strides = array<i32>} : memref<2x128x128xf32, #tpu.memory_space<vmem>>, vector<1x1x16xf32>,
          %get3A_224 = vector.shape_cast %get3A_223 : vector<1x1x16xf32> to vector<16xf32>
          %mul3A_225 = arith.mulf %get3A_224, %broadcast_in_dim3A_163 : vector<16xf32>
          %swap3A_226 = arith.constant 0 : i32
          %swap3A_227 = arith.index_cast %swap3A_226 : i32 to index
          %swap3A_228 = arith.index_cast %add3A_162 : i32 to index
          %swap3A_229 = arith.constant 64 : index
          %swap3A_230 = tpu.vector_load %arg10[%swap3A_227, %swap3A_228, %swap3A_229] {strides = array<i32>} : memref<2x128x128xf32, #tpu.memory_space<vmem>>, vector<1x1x16xf32>,
          %swap3A_231 = vector.shape_cast %swap3A_230 : vector<1x1x16xf32> to vector<16xf32>
          %swap3A_232 = vector.shape_cast %mul3A_225 : vector<16xf32> to vector<1x1x16xf32>
          tpu.vector_store %arg10[%swap3A_227, %swap3A_228, %swap3A_229], %swap3A_232 {strides = array<i32>} : memref<2x128x128xf32, #tpu.memory_space<vmem>>, vector<1x1x16xf32>,
          %get3A_233 = arith.constant 0 : i32
          %get3A_234 = arith.index_cast %get3A_233 : i32 to index
          %get3A_235 = arith.index_cast %add3A_162 : i32 to index
          %get3A_236 = arith.constant 80 : index
          %get3A_237 = tpu.vector_load %arg10[%get3A_234, %get3A_235, %get3A_236] {strides = array<i32>} : memref<2x128x128xf32, #tpu.memory_space<vmem>>, vector<1x1x16xf32>,
          %get3A_238 = vector.shape_cast %get3A_237 : vector<1x1x16xf32> to vector<16xf32>
          %mul3A_239 = arith.mulf %get3A_238, %broadcast_in_dim3A_163 : vector<16xf32>
          %swap3A_240 = arith.constant 0 : i32
          %swap3A_241 = arith.index_cast %swap3A_240 : i32 to index
          %swap3A_242 = arith.index_cast %add3A_162 : i32 to index
          %swap3A_243 = arith.constant 80 : index
          %swap3A_244 = tpu.vector_load %arg10[%swap3A_241, %swap3A_242, %swap3A_243] {strides = array<i32>} : memref<2x128x128xf32, #tpu.memory_space<vmem>>, vector<1x1x16xf32>,
          %swap3A_245 = vector.shape_cast %swap3A_244 : vector<1x1x16xf32> to vector<16xf32>
          %swap3A_246 = vector.shape_cast %mul3A_239 : vector<16xf32> to vector<1x1x16xf32>
          tpu.vector_store %arg10[%swap3A_241, %swap3A_242, %swap3A_243], %swap3A_246 {strides = array<i32>} : memref<2x128x128xf32, #tpu.memory_space<vmem>>, vector<1x1x16xf32>,
          %get3A_247 = arith.constant 0 : i32
          %get3A_248 = arith.index_cast %get3A_247 : i32 to index
          %get3A_249 = arith.index_cast %add3A_162 : i32 to index
          %get3A_250 = arith.constant 96 : index
          %get3A_251 = tpu.vector_load %arg10[%get3A_248, %get3A_249, %get3A_250] {strides = array<i32>} : memref<2x128x128xf32, #tpu.memory_space<vmem>>, vector<1x1x16xf32>,
          %get3A_252 = vector.shape_cast %get3A_251 : vector<1x1x16xf32> to vector<16xf32>
          %mul3A_253 = arith.mulf %get3A_252, %broadcast_in_dim3A_163 : vector<16xf32>
          %swap3A_254 = arith.constant 0 : i32
          %swap3A_255 = arith.index_cast %swap3A_254 : i32 to index
          %swap3A_256 = arith.index_cast %add3A_162 : i32 to index
          %swap3A_257 = arith.constant 96 : index
          %swap3A_258 = tpu.vector_load %arg10[%swap3A_255, %swap3A_256, %swap3A_257] {strides = array<i32>} : memref<2x128x128xf32, #tpu.memory_space<vmem>>, vector<1x1x16xf32>,
          %swap3A_259 = vector.shape_cast %swap3A_258 : vector<1x1x16xf32> to vector<16xf32>
          %swap3A_260 = vector.shape_cast %mul3A_253 : vector<16xf32> to vector<1x1x16xf32>
          tpu.vector_store %arg10[%swap3A_255, %swap3A_256, %swap3A_257], %swap3A_260 {strides = array<i32>} : memref<2x128x128xf32, #tpu.memory_space<vmem>>, vector<1x1x16xf32>,
          %get3A_261 = arith.constant 0 : i32
          %get3A_262 = arith.index_cast %get3A_261 : i32 to index
          %get3A_263 = arith.index_cast %add3A_162 : i32 to index
          %get3A_264 = arith.constant 112 : index
          %get3A_265 = tpu.vector_load %arg10[%get3A_262, %get3A_263, %get3A_264] {strides = array<i32>} : memref<2x128x128xf32, #tpu.memory_space<vmem>>, vector<1x1x16xf32>,
          %get3A_266 = vector.shape_cast %get3A_265 : vector<1x1x16xf32> to vector<16xf32>
          %mul3A_267 = arith.mulf %get3A_266, %broadcast_in_dim3A_163 : vector<16xf32>
          %swap3A_268 = arith.constant 0 : i32
          %swap3A_269 = arith.index_cast %swap3A_268 : i32 to index
          %swap3A_270 = arith.index_cast %add3A_162 : i32 to index
          %swap3A_271 = arith.constant 112 : index
          %swap3A_272 = tpu.vector_load %arg10[%swap3A_269, %swap3A_270, %swap3A_271] {strides = array<i32>} : memref<2x128x128xf32, #tpu.memory_space<vmem>>, vector<1x1x16xf32>,
          %swap3A_273 = vector.shape_cast %swap3A_272 : vector<1x1x16xf32> to vector<16xf32>
          %swap3A_274 = vector.shape_cast %mul3A_267 : vector<16xf32> to vector<1x1x16xf32>
          tpu.vector_store %arg10[%swap3A_269, %swap3A_270, %swap3A_271], %swap3A_274 {strides = array<i32>} : memref<2x128x128xf32, #tpu.memory_space<vmem>>, vector<1x1x16xf32>,
          %mul3A_275 = arith.constant 16 : i32
          %mul3A_276 = arith.muli %scan3A_150, %mul3A_275 : i32
          %add3A_277 = arith.constant 1 : i32
          %add3A_278 = arith.addi %mul3A_276, %add3A_277 : i32
          %slice3A_279 = vector.extract_strided_slice %get3A_158 {offsets = [1], sizes = [1], strides = [1]} : vector<16xf32> to vector<1xf32>
          %squeeze3A_280 = vector.extract %slice3A_279[0] : f32 from vector<1xf32>
          %broadcast_in_dim3A_281 = vector.broadcast %squeeze3A_280 : f32 to vector<16xf32>
          %get3A_282 = arith.constant 0 : i32
          %get3A_283 = arith.index_cast %get3A_282 : i32 to index
          %get3A_284 = arith.index_cast %add3A_278 : i32 to index
          %get3A_285 = arith.constant 0 : index
          %get3A_286 = tpu.vector_load %arg10[%get3A_283, %get3A_284, %get3A_285] {strides = array<i32>} : memref<2x128x128xf32, #tpu.memory_space<vmem>>, vector<1x1x16xf32>,
          %get3A_287 = vector.shape_cast %get3A_286 : vector<1x1x16xf32> to vector<16xf32>
          %mul3A_288 = arith.mulf %get3A_287, %broadcast_in_dim3A_281 : vector<16xf32>
          %swap3A_289 = arith.constant 0 : i32
          %swap3A_290 = arith.index_cast %swap3A_289 : i32 to index
          %swap3A_291 = arith.index_cast %add3A_278 : i32 to index
          %swap3A_292 = arith.constant 0 : index
          %swap3A_293 = tpu.vector_load %arg10[%swap3A_290, %swap3A_291, %swap3A_292] {strides = array<i32>} : memref<2x128x128xf32, #tpu.memory_space<vmem>>, vector<1x1x16xf32>,
          %swap3A_294 = vector.shape_cast %swap3A_293 : vector<1x1x16xf32> to vector<16xf32>
          %swap3A_295 = vector.shape_cast %mul3A_288 : vector<16xf32> to vector<1x1x16xf32>
          tpu.vector_store %arg10[%swap3A_290, %swap3A_291, %swap3A_292], %swap3A_295 {strides = array<i32>} : memref<2x128x128xf32, #tpu.memory_space<vmem>>, vector<1x1x16xf32>,
          %get3A_296 = arith.constant 0 : i32
          %get3A_297 = arith.index_cast %get3A_296 : i32 to index
          %get3A_298 = arith.index_cast %add3A_278 : i32 to index
          %get3A_299 = arith.constant 16 : index
          %get3A_300 = tpu.vector_load %arg10[%get3A_297, %get3A_298, %get3A_299] {strides = array<i32>} : memref<2x128x128xf32, #tpu.memory_space<vmem>>, vector<1x1x16xf32>,
          %get3A_301 = vector.shape_cast %get3A_300 : vector<1x1x16xf32> to vector<16xf32>
          %mul3A_302 = arith.mulf %get3A_301, %broadcast_in_dim3A_281 : vector<16xf32>
          %swap3A_303 = arith.constant 0 : i32
          %swap3A_304 = arith.index_cast %swap3A_303 : i32 to index
          %swap3A_305 = arith.index_cast %add3A_278 : i32 to index
          %swap3A_306 = arith.constant 16 : index
          %swap3A_307 = tpu.vector_load %arg10[%swap3A_304, %swap3A_305, %swap3A_306] {strides = array<i32>} : memref<2x128x128xf32, #tpu.memory_space<vmem>>, vector<1x1x16xf32>,
          %swap3A_308 = vector.shape_cast %swap3A_307 : vector<1x1x16xf32> to vector<16xf32>
          %swap3A_309 = vector.shape_cast %mul3A_302 : vector<16xf32> to vector<1x1x16xf32>
          tpu.vector_store %arg10[%swap3A_304, %swap3A_305, %swap3A_306], %swap3A_309 {strides = array<i32>} : memref<2x128x128xf32, #tpu.memory_space<vmem>>, vector<1x1x16xf32>,
          %get3A_310 = arith.constant 0 : i32
          %get3A_311 = arith.index_cast %get3A_310 : i32 to index
          %get3A_312 = arith.index_cast %add3A_278 : i32 to index
          %get3A_313 = arith.constant 32 : index
          %get3A_314 = tpu.vector_load %arg10[%get3A_311, %get3A_312, %get3A_313] {strides = array<i32>} : memref<2x128x128xf32, #tpu.memory_space<vmem>>, vector<1x1x16xf32>,
          %get3A_315 = vector.shape_cast %get3A_314 : vector<1x1x16xf32> to vector<16xf32>
          %mul3A_316 = arith.mulf %get3A_315, %broadcast_in_dim3A_281 : vector<16xf32>
          %swap3A_317 = arith.constant 0 : i32
          %swap3A_318 = arith.index_cast %swap3A_317 : i32 to index
          %swap3A_319 = arith.index_cast %add3A_278 : i32 to index
          %swap3A_320 = arith.constant 32 : index
          %swap3A_321 = tpu.vector_load %arg10[%swap3A_318, %swap3A_319, %swap3A_320] {strides = array<i32>} : memref<2x128x128xf32, #tpu.memory_space<vmem>>, vector<1x1x16xf32>,
          %swap3A_322 = vector.shape_cast %swap3A_321 : vector<1x1x16xf32> to vector<16xf32>
          %swap3A_323 = vector.shape_cast %mul3A_316 : vector<16xf32> to vector<1x1x16xf32>
          tpu.vector_store %arg10[%swap3A_318, %swap3A_319, %swap3A_320], %swap3A_323 {strides = array<i32>} : memref<2x128x128xf32, #tpu.memory_space<vmem>>, vector<1x1x16xf32>,
          %get3A_324 = arith.constant 0 : i32
          %get3A_325 = arith.index_cast %get3A_324 : i32 to index
          %get3A_326 = arith.index_cast %add3A_278 : i32 to index
          %get3A_327 = arith.constant 48 : index
          %get3A_328 = tpu.vector_load %arg10[%get3A_325, %get3A_326, %get3A_327] {strides = array<i32>} : memref<2x128x128xf32, #tpu.memory_space<vmem>>, vector<1x1x16xf32>,
          %get3A_329 = vector.shape_cast %get3A_328 : vector<1x1x16xf32> to vector<16xf32>
          %mul3A_330 = arith.mulf %get3A_329, %broadcast_in_dim3A_281 : vector<16xf32>
          %swap3A_331 = arith.constant 0 : i32
          %swap3A_332 = arith.index_cast %swap3A_331 : i32 to index
          %swap3A_333 = arith.index_cast %add3A_278 : i32 to index
          %swap3A_334 = arith.constant 48 : index
          %swap3A_335 = tpu.vector_load %arg10[%swap3A_332, %swap3A_333, %swap3A_334] {strides = array<i32>} : memref<2x128x128xf32, #tpu.memory_space<vmem>>, vector<1x1x16xf32>,
          %swap3A_336 = vector.shape_cast %swap3A_335 : vector<1x1x16xf32> to vector<16xf32>
          %swap3A_337 = vector.shape_cast %mul3A_330 : vector<16xf32> to vector<1x1x16xf32>
          tpu.vector_store %arg10[%swap3A_332, %swap3A_333, %swap3A_334], %swap3A_337 {strides = array<i32>} : memref<2x128x128xf32, #tpu.memory_space<vmem>>, vector<1x1x16xf32>,
          %get3A_338 = arith.constant 0 : i32
          %get3A_339 = arith.index_cast %get3A_338 : i32 to index
          %get3A_340 = arith.index_cast %add3A_278 : i32 to index
          %get3A_341 = arith.constant 64 : index
          %get3A_342 = tpu.vector_load %arg10[%get3A_339, %get3A_340, %get3A_341] {strides = array<i32>} : memref<2x128x128xf32, #tpu.memory_space<vmem>>, vector<1x1x16xf32>,
          %get3A_343 = vector.shape_cast %get3A_342 : vector<1x1x16xf32> to vector<16xf32>
          %mul3A_344 = arith.mulf %get3A_343, %broadcast_in_dim3A_281 : vector<16xf32>
          %swap3A_345 = arith.constant 0 : i32
          %swap3A_346 = arith.index_cast %swap3A_345 : i32 to index
          %swap3A_347 = arith.index_cast %add3A_278 : i32 to index
          %swap3A_348 = arith.constant 64 : index
          %swap3A_349 = tpu.vector_load %arg10[%swap3A_346, %swap3A_347, %swap3A_348] {strides = array<i32>} : memref<2x128x128xf32, #tpu.memory_space<vmem>>, vector<1x1x16xf32>,
          %swap3A_350 = vector.shape_cast %swap3A_349 : vector<1x1x16xf32> to vector<16xf32>
          %swap3A_351 = vector.shape_cast %mul3A_344 : vector<16xf32> to vector<1x1x16xf32>
          tpu.vector_store %arg10[%swap3A_346, %swap3A_347, %swap3A_348], %swap3A_351 {strides = array<i32>} : memref<2x128x128xf32, #tpu.memory_space<vmem>>, vector<1x1x16xf32>,
          %get3A_352 = arith.constant 0 : i32
          %get3A_353 = arith.index_cast %get3A_352 : i32 to index
          %get3A_354 = arith.index_cast %add3A_278 : i32 to index
          %get3A_355 = arith.constant 80 : index
          %get3A_356 = tpu.vector_load %arg10[%get3A_353, %get3A_354, %get3A_355] {strides = array<i32>} : memref<2x128x128xf32, #tpu.memory_space<vmem>>, vector<1x1x16xf32>,
          %get3A_357 = vector.shape_cast %get3A_356 : vector<1x1x16xf32> to vector<16xf32>
          %mul3A_358 = arith.mulf %get3A_357, %broadcast_in_dim3A_281 : vector<16xf32>
          %swap3A_359 = arith.constant 0 : i32
          %swap3A_360 = arith.index_cast %swap3A_359 : i32 to index
          %swap3A_361 = arith.index_cast %add3A_278 : i32 to index
          %swap3A_362 = arith.constant 80 : index
          %swap3A_363 = tpu.vector_load %arg10[%swap3A_360, %swap3A_361, %swap3A_362] {strides = array<i32>} : memref<2x128x128xf32, #tpu.memory_space<vmem>>, vector<1x1x16xf32>,
          %swap3A_364 = vector.shape_cast %swap3A_363 : vector<1x1x16xf32> to vector<16xf32>
          %swap3A_365 = vector.shape_cast %mul3A_358 : vector<16xf32> to vector<1x1x16xf32>
          tpu.vector_store %arg10[%swap3A_360, %swap3A_361, %swap3A_362], %swap3A_365 {strides = array<i32>} : memref<2x128x128xf32, #tpu.memory_space<vmem>>, vector<1x1x16xf32>,
          %get3A_366 = arith.constant 0 : i32
          %get3A_367 = arith.index_cast %get3A_366 : i32 to index
          %get3A_368 = arith.index_cast %add3A_278 : i32 to index
          %get3A_369 = arith.constant 96 : index
          %get3A_370 = tpu.vector_load %arg10[%get3A_367, %get3A_368, %get3A_369] {strides = array<i32>} : memref<2x128x128xf32, #tpu.memory_space<vmem>>, vector<1x1x16xf32>,
          %get3A_371 = vector.shape_cast %get3A_370 : vector<1x1x16xf32> to vector<16xf32>
          %mul3A_372 = arith.mulf %get3A_371, %broadcast_in_dim3A_281 : vector<16xf32>
          %swap3A_373 = arith.constant 0 : i32
          %swap3A_374 = arith.index_cast %swap3A_373 : i32 to index
          %swap3A_375 = arith.index_cast %add3A_278 : i32 to index
          %swap3A_376 = arith.constant 96 : index
          %swap3A_377 = tpu.vector_load %arg10[%swap3A_374, %swap3A_375, %swap3A_376] {strides = array<i32>} : memref<2x128x128xf32, #tpu.memory_space<vmem>>, vector<1x1x16xf32>,
          %swap3A_378 = vector.shape_cast %swap3A_377 : vector<1x1x16xf32> to vector<16xf32>
          %swap3A_379 = vector.shape_cast %mul3A_372 : vector<16xf32> to vector<1x1x16xf32>
          tpu.vector_store %arg10[%swap3A_374, %swap3A_375, %swap3A_376], %swap3A_379 {strides = array<i32>} : memref<2x128x128xf32, #tpu.memory_space<vmem>>, vector<1x1x16xf32>,
          %get3A_380 = arith.constant 0 : i32
          %get3A_381 = arith.index_cast %get3A_380 : i32 to index
          %get3A_382 = arith.index_cast %add3A_278 : i32 to index
          %get3A_383 = arith.constant 112 : index
          %get3A_384 = tpu.vector_load %arg10[%get3A_381, %get3A_382, %get3A_383] {strides = array<i32>} : memref<2x128x128xf32, #tpu.memory_space<vmem>>, vector<1x1x16xf32>,
          %get3A_385 = vector.shape_cast %get3A_384 : vector<1x1x16xf32> to vector<16xf32>
          %mul3A_386 = arith.mulf %get3A_385, %broadcast_in_dim3A_281 : vector<16xf32>
          %swap3A_387 = arith.constant 0 : i32
          %swap3A_388 = arith.index_cast %swap3A_387 : i32 to index
          %swap3A_389 = arith.index_cast %add3A_278 : i32 to index
          %swap3A_390 = arith.constant 112 : index
          %swap3A_391 = tpu.vector_load %arg10[%swap3A_388, %swap3A_389, %swap3A_390] {strides = array<i32>} : memref<2x128x128xf32, #tpu.memory_space<vmem>>, vector<1x1x16xf32>,
          %swap3A_392 = vector.shape_cast %swap3A_391 : vector<1x1x16xf32> to vector<16xf32>
          %swap3A_393 = vector.shape_cast %mul3A_386 : vector<16xf32> to vector<1x1x16xf32>
          tpu.vector_store %arg10[%swap3A_388, %swap3A_389, %swap3A_390], %swap3A_393 {strides = array<i32>} : memref<2x128x128xf32, #tpu.memory_space<vmem>>, vector<1x1x16xf32>,
          %mul3A_394 = arith.constant 16 : i32
          %mul3A_395 = arith.muli %scan3A_150, %mul3A_394 : i32
          %add3A_396 = arith.constant 2 : i32
          %add3A_397 = arith.addi %mul3A_395, %add3A_396 : i32
          %slice3A_398 = vector.extract_strided_slice %get3A_158 {offsets = [2], sizes = [1], strides = [1]} : vector<16xf32> to vector<1xf32>
          %squeeze3A_399 = vector.extract %slice3A_398[0] : f32 from vector<1xf32>
          %broadcast_in_dim3A_400 = vector.broadcast %squeeze3A_399 : f32 to vector<16xf32>
          %get3A_401 = arith.constant 0 : i32
          %get3A_402 = arith.index_cast %get3A_401 : i32 to index
          %get3A_403 = arith.index_cast %add3A_397 : i32 to index
          %get3A_404 = arith.constant 0 : index
          %get3A_405 = tpu.vector_load %arg10[%get3A_402, %get3A_403, %get3A_404] {strides = array<i32>} : memref<2x128x128xf32, #tpu.memory_space<vmem>>, vector<1x1x16xf32>,
          %get3A_406 = vector.shape_cast %get3A_405 : vector<1x1x16xf32> to vector<16xf32>
          %mul3A_407 = arith.mulf %get3A_406, %broadcast_in_dim3A_400 : vector<16xf32>
          %swap3A_408 = arith.constant 0 : i32
          %swap3A_409 = arith.index_cast %swap3A_408 : i32 to index
          %swap3A_410 = arith.index_cast %add3A_397 : i32 to index
          %swap3A_411 = arith.constant 0 : index
          %swap3A_412 = tpu.vector_load %arg10[%swap3A_409, %swap3A_410, %swap3A_411] {strides = array<i32>} : memref<2x128x128xf32, #tpu.memory_space<vmem>>, vector<1x1x16xf32>,
          %swap3A_413 = vector.shape_cast %swap3A_412 : vector<1x1x16xf32> to vector<16xf32>
          %swap3A_414 = vector.shape_cast %mul3A_407 : vector<16xf32> to vector<1x1x16xf32>
          tpu.vector_store %arg10[%swap3A_409, %swap3A_410, %swap3A_411], %swap3A_414 {strides = array<i32>} : memref<2x128x128xf32, #tpu.memory_space<vmem>>, vector<1x1x16xf32>,
          %get3A_415 = arith.constant 0 : i32
          %get3A_416 = arith.index_cast %get3A_415 : i32 to index
          %get3A_417 = arith.index_cast %add3A_397 : i32 to index
          %get3A_418 = arith.constant 16 : index
          %get3A_419 = tpu.vector_load %arg10[%get3A_416, %get3A_417, %get3A_418] {strides = array<i32>} : memref<2x128x128xf32, #tpu.memory_space<vmem>>, vector<1x1x16xf32>,
          %get3A_420 = vector.shape_cast %get3A_419 : vector<1x1x16xf32> to vector<16xf32>
          %mul3A_421 = arith.mulf %get3A_420, %broadcast_in_dim3A_400 : vector<16xf32>
          %swap3A_422 = arith.constant 0 : i32
          %swap3A_423 = arith.index_cast %swap3A_422 : i32 to index
          %swap3A_424 = arith.index_cast %add3A_397 : i32 to index
          %swap3A_425 = arith.constant 16 : index
          %swap3A_426 = tpu.vector_load %arg10[%swap3A_423, %swap3A_424, %swap3A_425] {strides = array<i32>} : memref<2x128x128xf32, #tpu.memory_space<vmem>>, vector<1x1x16xf32>,
          %swap3A_427 = vector.shape_cast %swap3A_426 : vector<1x1x16xf32> to vector<16xf32>
          %swap3A_428 = vector.shape_cast %mul3A_421 : vector<16xf32> to vector<1x1x16xf32>
          tpu.vector_store %arg10[%swap3A_423, %swap3A_424, %swap3A_425], %swap3A_428 {strides = array<i32>} : memref<2x128x128xf32, #tpu.memory_space<vmem>>, vector<1x1x16xf32>,
          %get3A_429 = arith.constant 0 : i32
          %get3A_430 = arith.index_cast %get3A_429 : i32 to index
          %get3A_431 = arith.index_cast %add3A_397 : i32 to index
          %get3A_432 = arith.constant 32 : index
          %get3A_433 = tpu.vector_load %arg10[%get3A_430, %get3A_431, %get3A_432] {strides = array<i32>} : memref<2x128x128xf32, #tpu.memory_space<vmem>>, vector<1x1x16xf32>,
          %get3A_434 = vector.shape_cast %get3A_433 : vector<1x1x16xf32> to vector<16xf32>
          %mul3A_435 = arith.mulf %get3A_434, %broadcast_in_dim3A_400 : vector<16xf32>
          %swap3A_436 = arith.constant 0 : i32
          %swap3A_437 = arith.index_cast %swap3A_436 : i32 to index
          %swap3A_438 = arith.index_cast %add3A_397 : i32 to index
          %swap3A_439 = arith.constant 32 : index
          %swap3A_440 = tpu.vector_load %arg10[%swap3A_437, %swap3A_438, %swap3A_439] {strides = array<i32>} : memref<2x128x128xf32, #tpu.memory_space<vmem>>, vector<1x1x16xf32>,
          %swap3A_441 = vector.shape_cast %swap3A_440 : vector<1x1x16xf32> to vector<16xf32>
          %swap3A_442 = vector.shape_cast %mul3A_435 : vector<16xf32> to vector<1x1x16xf32>
          tpu.vector_store %arg10[%swap3A_437, %swap3A_438, %swap3A_439], %swap3A_442 {strides = array<i32>} : memref<2x128x128xf32, #tpu.memory_space<vmem>>, vector<1x1x16xf32>,
          %get3A_443 = arith.constant 0 : i32
          %get3A_444 = arith.index_cast %get3A_443 : i32 to index
          %get3A_445 = arith.index_cast %add3A_397 : i32 to index
          %get3A_446 = arith.constant 48 : index
          %get3A_447 = tpu.vector_load %arg10[%get3A_444, %get3A_445, %get3A_446] {strides = array<i32>} : memref<2x128x128xf32, #tpu.memory_space<vmem>>, vector<1x1x16xf32>,
          %get3A_448 = vector.shape_cast %get3A_447 : vector<1x1x16xf32> to vector<16xf32>
          %mul3A_449 = arith.mulf %get3A_448, %broadcast_in_dim3A_400 : vector<16xf32>
          %swap3A_450 = arith.constant 0 : i32
          %swap3A_451 = arith.index_cast %swap3A_450 : i32 to index
          %swap3A_452 = arith.index_cast %add3A_397 : i32 to index
          %swap3A_453 = arith.constant 48 : index
          %swap3A_454 = tpu.vector_load %arg10[%swap3A_451, %swap3A_452, %swap3A_453] {strides = array<i32>} : memref<2x128x128xf32, #tpu.memory_space<vmem>>, vector<1x1x16xf32>,
          %swap3A_455 = vector.shape_cast %swap3A_454 : vector<1x1x16xf32> to vector<16xf32>
          %swap3A_456 = vector.shape_cast %mul3A_449 : vector<16xf32> to vector<1x1x16xf32>
          tpu.vector_store %arg10[%swap3A_451, %swap3A_452, %swap3A_453], %swap3A_456 {strides = array<i32>} : memref<2x128x128xf32, #tpu.memory_space<vmem>>, vector<1x1x16xf32>,
          %get3A_457 = arith.constant 0 : i32
          %get3A_458 = arith.index_cast %get3A_457 : i32 to index
          %get3A_459 = arith.index_cast %add3A_397 : i32 to index
          %get3A_460 = arith.constant 64 : index
          %get3A_461 = tpu.vector_load %arg10[%get3A_458, %get3A_459, %get3A_460] {strides = array<i32>} : memref<2x128x128xf32, #tpu.memory_space<vmem>>, vector<1x1x16xf32>,
          %get3A_462 = vector.shape_cast %get3A_461 : vector<1x1x16xf32> to vector<16xf32>
          %mul3A_463 = arith.mulf %get3A_462, %broadcast_in_dim3A_400 : vector<16xf32>
          %swap3A_464 = arith.constant 0 : i32
          %swap3A_465 = arith.index_cast %swap3A_464 : i32 to index
          %swap3A_466 = arith.index_cast %add3A_397 : i32 to index
          %swap3A_467 = arith.constant 64 : index
          %swap3A_468 = tpu.vector_load %arg10[%swap3A_465, %swap3A_466, %swap3A_467] {strides = array<i32>} : memref<2x128x128xf32, #tpu.memory_space<vmem>>, vector<1x1x16xf32>,
          %swap3A_469 = vector.shape_cast %swap3A_468 : vector<1x1x16xf32> to vector<16xf32>
          %swap3A_470 = vector.shape_cast %mul3A_463 : vector<16xf32> to vector<1x1x16xf32>
          tpu.vector_store %arg10[%swap3A_465, %swap3A_466, %swap3A_467], %swap3A_470 {strides = array<i32>} : memref<2x128x128xf32, #tpu.memory_space<vmem>>, vector<1x1x16xf32>,
          %get3A_471 = arith.constant 0 : i32
          %get3A_472 = arith.index_cast %get3A_471 : i32 to index
          %get3A_473 = arith.index_cast %add3A_397 : i32 to index
          %get3A_474 = arith.constant 80 : index
          %get3A_475 = tpu.vector_load %arg10[%get3A_472, %get3A_473, %get3A_474] {strides = array<i32>} : memref<2x128x128xf32, #tpu.memory_space<vmem>>, vector<1x1x16xf32>,
          %get3A_476 = vector.shape_cast %get3A_475 : vector<1x1x16xf32> to vector<16xf32>
          %mul3A_477 = arith.mulf %get3A_476, %broadcast_in_dim3A_400 : vector<16xf32>
          %swap3A_478 = arith.constant 0 : i32
          %swap3A_479 = arith.index_cast %swap3A_478 : i32 to index
          %swap3A_480 = arith.index_cast %add3A_397 : i32 to index
          %swap3A_481 = arith.constant 80 : index
          %swap3A_482 = tpu.vector_load %arg10[%swap3A_479, %swap3A_480, %swap3A_481] {strides = array<i32>} : memref<2x128x128xf32, #tpu.memory_space<vmem>>, vector<1x1x16xf32>,
          %swap3A_483 = vector.shape_cast %swap3A_482 : vector<1x1x16xf32> to vector<16xf32>
          %swap3A_484 = vector.shape_cast %mul3A_477 : vector<16xf32> to vector<1x1x16xf32>
          tpu.vector_store %arg10[%swap3A_479, %swap3A_480, %swap3A_481], %swap3A_484 {strides = array<i32>} : memref<2x128x128xf32, #tpu.memory_space<vmem>>, vector<1x1x16xf32>,
          %get3A_485 = arith.constant 0 : i32
          %get3A_486 = arith.index_cast %get3A_485 : i32 to index
          %get3A_487 = arith.index_cast %add3A_397 : i32 to index
          %get3A_488 = arith.constant 96 : index
          %get3A_489 = tpu.vector_load %arg10[%get3A_486, %get3A_487, %get3A_488] {strides = array<i32>} : memref<2x128x128xf32, #tpu.memory_space<vmem>>, vector<1x1x16xf32>,
          %get3A_490 = vector.shape_cast %get3A_489 : vector<1x1x16xf32> to vector<16xf32>
          %mul3A_491 = arith.mulf %get3A_490, %broadcast_in_dim3A_400 : vector<16xf32>
          %swap3A_492 = arith.constant 0 : i32
          %swap3A_493 = arith.index_cast %swap3A_492 : i32 to index
          %swap3A_494 = arith.index_cast %add3A_397 : i32 to index
          %swap3A_495 = arith.constant 96 : index
          %swap3A_496 = tpu.vector_load %arg10[%swap3A_493, %swap3A_494, %swap3A_495] {strides = array<i32>} : memref<2x128x128xf32, #tpu.memory_space<vmem>>, vector<1x1x16xf32>,
          %swap3A_497 = vector.shape_cast %swap3A_496 : vector<1x1x16xf32> to vector<16xf32>
          %swap3A_498 = vector.shape_cast %mul3A_491 : vector<16xf32> to vector<1x1x16xf32>
          tpu.vector_store %arg10[%swap3A_493, %swap3A_494, %swap3A_495], %swap3A_498 {strides = array<i32>} : memref<2x128x128xf32, #tpu.memory_space<vmem>>, vector<1x1x16xf32>,
          %get3A_499 = arith.constant 0 : i32
          %get3A_500 = arith.index_cast %get3A_499 : i32 to index
          %get3A_501 = arith.index_cast %add3A_397 : i32 to index
          %get3A_502 = arith.constant 112 : index
          %get3A_503 = tpu.vector_load %arg10[%get3A_500, %get3A_501, %get3A_502] {strides = array<i32>} : memref<2x128x128xf32, #tpu.memory_space<vmem>>, vector<1x1x16xf32>,
          %get3A_504 = vector.shape_cast %get3A_503 : vector<1x1x16xf32> to vector<16xf32>
          %mul3A_505 = arith.mulf %get3A_504, %broadcast_in_dim3A_400 : vector<16xf32>
          %swap3A_506 = arith.constant 0 : i32
          %swap3A_507 = arith.index_cast %swap3A_506 : i32 to index
          %swap3A_508 = arith.index_cast %add3A_397 : i32 to index
          %swap3A_509 = arith.constant 112 : index
          %swap3A_510 = tpu.vector_load %arg10[%swap3A_507, %swap3A_508, %swap3A_509] {strides = array<i32>} : memref<2x128x128xf32, #tpu.memory_space<vmem>>, vector<1x1x16xf32>,
          %swap3A_511 = vector.shape_cast %swap3A_510 : vector<1x1x16xf32> to vector<16xf32>
          %swap3A_512 = vector.shape_cast %mul3A_505 : vector<16xf32> to vector<1x1x16xf32>
          tpu.vector_store %arg10[%swap3A_507, %swap3A_508, %swap3A_509], %swap3A_512 {strides = array<i32>} : memref<2x128x128xf32, #tpu.memory_space<vmem>>, vector<1x1x16xf32>,
          %mul3A_513 = arith.constant 16 : i32
          %mul3A_514 = arith.muli %scan3A_150, %mul3A_513 : i32
          %add3A_515 = arith.constant 3 : i32
          %add3A_516 = arith.addi %mul3A_514, %add3A_515 : i32
          %slice3A_517 = vector.extract_strided_slice %get3A_158 {offsets = [3], sizes = [1], strides = [1]} : vector<16xf32> to vector<1xf32>
          %squeeze3A_518 = vector.extract %slice3A_517[0] : f32 from vector<1xf32>
          %broadcast_in_dim3A_519 = vector.broadcast %squeeze3A_518 : f32 to vector<16xf32>
          %get3A_520 = arith.constant 0 : i32
          %get3A_521 = arith.index_cast %get3A_520 : i32 to index
          %get3A_522 = arith.index_cast %add3A_516 : i32 to index
          %get3A_523 = arith.constant 0 : index
          %get3A_524 = tpu.vector_load %arg10[%get3A_521, %get3A_522, %get3A_523] {strides = array<i32>} : memref<2x128x128xf32, #tpu.memory_space<vmem>>, vector<1x1x16xf32>,
          %get3A_525 = vector.shape_cast %get3A_524 : vector<1x1x16xf32> to vector<16xf32>
          %mul3A_526 = arith.mulf %get3A_525, %broadcast_in_dim3A_519 : vector<16xf32>
          %swap3A_527 = arith.constant 0 : i32
          %swap3A_528 = arith.index_cast %swap3A_527 : i32 to index
          %swap3A_529 = arith.index_cast %add3A_516 : i32 to index
          %swap3A_530 = arith.constant 0 : index
          %swap3A_531 = tpu.vector_load %arg10[%swap3A_528, %swap3A_529, %swap3A_530] {strides = array<i32>} : memref<2x128x128xf32, #tpu.memory_space<vmem>>, vector<1x1x16xf32>,
          %swap3A_532 = vector.shape_cast %swap3A_531 : vector<1x1x16xf32> to vector<16xf32>
          %swap3A_533 = vector.shape_cast %mul3A_526 : vector<16xf32> to vector<1x1x16xf32>
          tpu.vector_store %arg10[%swap3A_528, %swap3A_529, %swap3A_530], %swap3A_533 {strides = array<i32>} : memref<2x128x128xf32, #tpu.memory_space<vmem>>, vector<1x1x16xf32>,
          %get3A_534 = arith.constant 0 : i32
          %get3A_535 = arith.index_cast %get3A_534 : i32 to index
          %get3A_536 = arith.index_cast %add3A_516 : i32 to index
          %get3A_537 = arith.constant 16 : index
          %get3A_538 = tpu.vector_load %arg10[%get3A_535, %get3A_536, %get3A_537] {strides = array<i32>} : memref<2x128x128xf32, #tpu.memory_space<vmem>>, vector<1x1x16xf32>,
          %get3A_539 = vector.shape_cast %get3A_538 : vector<1x1x16xf32> to vector<16xf32>
          %mul3A_540 = arith.mulf %get3A_539, %broadcast_in_dim3A_519 : vector<16xf32>
          %swap3A_541 = arith.constant 0 : i32
          %swap3A_542 = arith.index_cast %swap3A_541 : i32 to index
          %swap3A_543 = arith.index_cast %add3A_516 : i32 to index
          %swap3A_544 = arith.constant 16 : index
          %swap3A_545 = tpu.vector_load %arg10[%swap3A_542, %swap3A_543, %swap3A_544] {strides = array<i32>} : memref<2x128x128xf32, #tpu.memory_space<vmem>>, vector<1x1x16xf32>,
          %swap3A_546 = vector.shape_cast %swap3A_545 : vector<1x1x16xf32> to vector<16xf32>
          %swap3A_547 = vector.shape_cast %mul3A_540 : vector<16xf32> to vector<1x1x16xf32>
          tpu.vector_store %arg10[%swap3A_542, %swap3A_543, %swap3A_544], %swap3A_547 {strides = array<i32>} : memref<2x128x128xf32, #tpu.memory_space<vmem>>, vector<1x1x16xf32>,
          %get3A_548 = arith.constant 0 : i32
          %get3A_549 = arith.index_cast %get3A_548 : i32 to index
          %get3A_550 = arith.index_cast %add3A_516 : i32 to index
          %get3A_551 = arith.constant 32 : index
          %get3A_552 = tpu.vector_load %arg10[%get3A_549, %get3A_550, %get3A_551] {strides = array<i32>} : memref<2x128x128xf32, #tpu.memory_space<vmem>>, vector<1x1x16xf32>,
          %get3A_553 = vector.shape_cast %get3A_552 : vector<1x1x16xf32> to vector<16xf32>
          %mul3A_554 = arith.mulf %get3A_553, %broadcast_in_dim3A_519 : vector<16xf32>
          %swap3A_555 = arith.constant 0 : i32
          %swap3A_556 = arith.index_cast %swap3A_555 : i32 to index
          %swap3A_557 = arith.index_cast %add3A_516 : i32 to index
          %swap3A_558 = arith.constant 32 : index
          %swap3A_559 = tpu.vector_load %arg10[%swap3A_556, %swap3A_557, %swap3A_558] {strides = array<i32>} : memref<2x128x128xf32, #tpu.memory_space<vmem>>, vector<1x1x16xf32>,
          %swap3A_560 = vector.shape_cast %swap3A_559 : vector<1x1x16xf32> to vector<16xf32>
          %swap3A_561 = vector.shape_cast %mul3A_554 : vector<16xf32> to vector<1x1x16xf32>
          tpu.vector_store %arg10[%swap3A_556, %swap3A_557, %swap3A_558], %swap3A_561 {strides = array<i32>} : memref<2x128x128xf32, #tpu.memory_space<vmem>>, vector<1x1x16xf32>,
          %get3A_562 = arith.constant 0 : i32
          %get3A_563 = arith.index_cast %get3A_562 : i32 to index
          %get3A_564 = arith.index_cast %add3A_516 : i32 to index
          %get3A_565 = arith.constant 48 : index
          %get3A_566 = tpu.vector_load %arg10[%get3A_563, %get3A_564, %get3A_565] {strides = array<i32>} : memref<2x128x128xf32, #tpu.memory_space<vmem>>, vector<1x1x16xf32>,
          %get3A_567 = vector.shape_cast %get3A_566 : vector<1x1x16xf32> to vector<16xf32>
          %mul3A_568 = arith.mulf %get3A_567, %broadcast_in_dim3A_519 : vector<16xf32>
          %swap3A_569 = arith.constant 0 : i32
          %swap3A_570 = arith.index_cast %swap3A_569 : i32 to index
          %swap3A_571 = arith.index_cast %add3A_516 : i32 to index
          %swap3A_572 = arith.constant 48 : index
          %swap3A_573 = tpu.vector_load %arg10[%swap3A_570, %swap3A_571, %swap3A_572] {strides = array<i32>} : memref<2x128x128xf32, #tpu.memory_space<vmem>>, vector<1x1x16xf32>,
          %swap3A_574 = vector.shape_cast %swap3A_573 : vector<1x1x16xf32> to vector<16xf32>
          %swap3A_575 = vector.shape_cast %mul3A_568 : vector<16xf32> to vector<1x1x16xf32>
          tpu.vector_store %arg10[%swap3A_570, %swap3A_571, %swap3A_572], %swap3A_575 {strides = array<i32>} : memref<2x128x128xf32, #tpu.memory_space<vmem>>, vector<1x1x16xf32>,
          %get3A_576 = arith.constant 0 : i32
          %get3A_577 = arith.index_cast %get3A_576 : i32 to index
          %get3A_578 = arith.index_cast %add3A_516 : i32 to index
          %get3A_579 = arith.constant 64 : index
          %get3A_580 = tpu.vector_load %arg10[%get3A_577, %get3A_578, %get3A_579] {strides = array<i32>} : memref<2x128x128xf32, #tpu.memory_space<vmem>>, vector<1x1x16xf32>,
          %get3A_581 = vector.shape_cast %get3A_580 : vector<1x1x16xf32> to vector<16xf32>
          %mul3A_582 = arith.mulf %get3A_581, %broadcast_in_dim3A_519 : vector<16xf32>
          %swap3A_583 = arith.constant 0 : i32
          %swap3A_584 = arith.index_cast %swap3A_583 : i32 to index
          %swap3A_585 = arith.index_cast %add3A_516 : i32 to index
          %swap3A_586 = arith.constant 64 : index
          %swap3A_587 = tpu.vector_load %arg10[%swap3A_584, %swap3A_585, %swap3A_586] {strides = array<i32>} : memref<2x128x128xf32, #tpu.memory_space<vmem>>, vector<1x1x16xf32>,
          %swap3A_588 = vector.shape_cast %swap3A_587 : vector<1x1x16xf32> to vector<16xf32>
          %swap3A_589 = vector.shape_cast %mul3A_582 : vector<16xf32> to vector<1x1x16xf32>
          tpu.vector_store %arg10[%swap3A_584, %swap3A_585, %swap3A_586], %swap3A_589 {strides = array<i32>} : memref<2x128x128xf32, #tpu.memory_space<vmem>>, vector<1x1x16xf32>,
          %get3A_590 = arith.constant 0 : i32
          %get3A_591 = arith.index_cast %get3A_590 : i32 to index
          %get3A_592 = arith.index_cast %add3A_516 : i32 to index
          %get3A_593 = arith.constant 80 : index
          %get3A_594 = tpu.vector_load %arg10[%get3A_591, %get3A_592, %get3A_593] {strides = array<i32>} : memref<2x128x128xf32, #tpu.memory_space<vmem>>, vector<1x1x16xf32>,
          %get3A_595 = vector.shape_cast %get3A_594 : vector<1x1x16xf32> to vector<16xf32>
          %mul3A_596 = arith.mulf %get3A_595, %broadcast_in_dim3A_519 : vector<16xf32>
          %swap3A_597 = arith.constant 0 : i32
          %swap3A_598 = arith.index_cast %swap3A_597 : i32 to index
          %swap3A_599 = arith.index_cast %add3A_516 : i32 to index
          %swap3A_600 = arith.constant 80 : index
          %swap3A_601 = tpu.vector_load %arg10[%swap3A_598, %swap3A_599, %swap3A_600] {strides = array<i32>} : memref<2x128x128xf32, #tpu.memory_space<vmem>>, vector<1x1x16xf32>,
          %swap3A_602 = vector.shape_cast %swap3A_601 : vector<1x1x16xf32> to vector<16xf32>
          %swap3A_603 = vector.shape_cast %mul3A_596 : vector<16xf32> to vector<1x1x16xf32>
          tpu.vector_store %arg10[%swap3A_598, %swap3A_599, %swap3A_600], %swap3A_603 {strides = array<i32>} : memref<2x128x128xf32, #tpu.memory_space<vmem>>, vector<1x1x16xf32>,
          %get3A_604 = arith.constant 0 : i32
          %get3A_605 = arith.index_cast %get3A_604 : i32 to index
          %get3A_606 = arith.index_cast %add3A_516 : i32 to index
          %get3A_607 = arith.constant 96 : index
          %get3A_608 = tpu.vector_load %arg10[%get3A_605, %get3A_606, %get3A_607] {strides = array<i32>} : memref<2x128x128xf32, #tpu.memory_space<vmem>>, vector<1x1x16xf32>,
          %get3A_609 = vector.shape_cast %get3A_608 : vector<1x1x16xf32> to vector<16xf32>
          %mul3A_610 = arith.mulf %get3A_609, %broadcast_in_dim3A_519 : vector<16xf32>
          %swap3A_611 = arith.constant 0 : i32
          %swap3A_612 = arith.index_cast %swap3A_611 : i32 to index
          %swap3A_613 = arith.index_cast %add3A_516 : i32 to index
          %swap3A_614 = arith.constant 96 : index
          %swap3A_615 = tpu.vector_load %arg10[%swap3A_612, %swap3A_613, %swap3A_614] {strides = array<i32>} : memref<2x128x128xf32, #tpu.memory_space<vmem>>, vector<1x1x16xf32>,
          %swap3A_616 = vector.shape_cast %swap3A_615 : vector<1x1x16xf32> to vector<16xf32>
          %swap3A_617 = vector.shape_cast %mul3A_610 : vector<16xf32> to vector<1x1x16xf32>
          tpu.vector_store %arg10[%swap3A_612, %swap3A_613, %swap3A_614], %swap3A_617 {strides = array<i32>} : memref<2x128x128xf32, #tpu.memory_space<vmem>>, vector<1x1x16xf32>,
          %get3A_618 = arith.constant 0 : i32
          %get3A_619 = arith.index_cast %get3A_618 : i32 to index
          %get3A_620 = arith.index_cast %add3A_516 : i32 to index
          %get3A_621 = arith.constant 112 : index
          %get3A_622 = tpu.vector_load %arg10[%get3A_619, %get3A_620, %get3A_621] {strides = array<i32>} : memref<2x128x128xf32, #tpu.memory_space<vmem>>, vector<1x1x16xf32>,
          %get3A_623 = vector.shape_cast %get3A_622 : vector<1x1x16xf32> to vector<16xf32>
          %mul3A_624 = arith.mulf %get3A_623, %broadcast_in_dim3A_519 : vector<16xf32>
          %swap3A_625 = arith.constant 0 : i32
          %swap3A_626 = arith.index_cast %swap3A_625 : i32 to index
          %swap3A_627 = arith.index_cast %add3A_516 : i32 to index
          %swap3A_628 = arith.constant 112 : index
          %swap3A_629 = tpu.vector_load %arg10[%swap3A_626, %swap3A_627, %swap3A_628] {strides = array<i32>} : memref<2x128x128xf32, #tpu.memory_space<vmem>>, vector<1x1x16xf32>,
          %swap3A_630 = vector.shape_cast %swap3A_629 : vector<1x1x16xf32> to vector<16xf32>
          %swap3A_631 = vector.shape_cast %mul3A_624 : vector<16xf32> to vector<1x1x16xf32>
          tpu.vector_store %arg10[%swap3A_626, %swap3A_627, %swap3A_628], %swap3A_631 {strides = array<i32>} : memref<2x128x128xf32, #tpu.memory_space<vmem>>, vector<1x1x16xf32>,
          %mul3A_632 = arith.constant 16 : i32
          %mul3A_633 = arith.muli %scan3A_150, %mul3A_632 : i32
          %add3A_634 = arith.constant 4 : i32
          %add3A_635 = arith.addi %mul3A_633, %add3A_634 : i32
          %slice3A_636 = vector.extract_strided_slice %get3A_158 {offsets = [4], sizes = [1], strides = [1]} : vector<16xf32> to vector<1xf32>
          %squeeze3A_637 = vector.extract %slice3A_636[0] : f32 from vector<1xf32>
          %broadcast_in_dim3A_638 = vector.broadcast %squeeze3A_637 : f32 to vector<16xf32>
          %get3A_639 = arith.constant 0 : i32
          %get3A_640 = arith.index_cast %get3A_639 : i32 to index
          %get3A_641 = arith.index_cast %add3A_635 : i32 to index
          %get3A_642 = arith.constant 0 : index
          %get3A_643 = tpu.vector_load %arg10[%get3A_640, %get3A_641, %get3A_642] {strides = array<i32>} : memref<2x128x128xf32, #tpu.memory_space<vmem>>, vector<1x1x16xf32>,
          %get3A_644 = vector.shape_cast %get3A_643 : vector<1x1x16xf32> to vector<16xf32>
          %mul3A_645 = arith.mulf %get3A_644, %broadcast_in_dim3A_638 : vector<16xf32>
          %swap3A_646 = arith.constant 0 : i32
          %swap3A_647 = arith.index_cast %swap3A_646 : i32 to index
          %swap3A_648 = arith.index_cast %add3A_635 : i32 to index
          %swap3A_649 = arith.constant 0 : index
          %swap3A_650 = tpu.vector_load %arg10[%swap3A_647, %swap3A_648, %swap3A_649] {strides = array<i32>} : memref<2x128x128xf32, #tpu.memory_space<vmem>>, vector<1x1x16xf32>,
          %swap3A_651 = vector.shape_cast %swap3A_650 : vector<1x1x16xf32> to vector<16xf32>
          %swap3A_652 = vector.shape_cast %mul3A_645 : vector<16xf32> to vector<1x1x16xf32>
          tpu.vector_store %arg10[%swap3A_647, %swap3A_648, %swap3A_649], %swap3A_652 {strides = array<i32>} : memref<2x128x128xf32, #tpu.memory_space<vmem>>, vector<1x1x16xf32>,
          %get3A_653 = arith.constant 0 : i32
          %get3A_654 = arith.index_cast %get3A_653 : i32 to index
          %get3A_655 = arith.index_cast %add3A_635 : i32 to index
          %get3A_656 = arith.constant 16 : index
          %get3A_657 = tpu.vector_load %arg10[%get3A_654, %get3A_655, %get3A_656] {strides = array<i32>} : memref<2x128x128xf32, #tpu.memory_space<vmem>>, vector<1x1x16xf32>,
          %get3A_658 = vector.shape_cast %get3A_657 : vector<1x1x16xf32> to vector<16xf32>
          %mul3A_659 = arith.mulf %get3A_658, %broadcast_in_dim3A_638 : vector<16xf32>
          %swap3A_660 = arith.constant 0 : i32
          %swap3A_661 = arith.index_cast %swap3A_660 : i32 to index
          %swap3A_662 = arith.index_cast %add3A_635 : i32 to index
          %swap3A_663 = arith.constant 16 : index
          %swap3A_664 = tpu.vector_load %arg10[%swap3A_661, %swap3A_662, %swap3A_663] {strides = array<i32>} : memref<2x128x128xf32, #tpu.memory_space<vmem>>, vector<1x1x16xf32>,
          %swap3A_665 = vector.shape_cast %swap3A_664 : vector<1x1x16xf32> to vector<16xf32>
          %swap3A_666 = vector.shape_cast %mul3A_659 : vector<16xf32> to vector<1x1x16xf32>
          tpu.vector_store %arg10[%swap3A_661, %swap3A_662, %swap3A_663], %swap3A_666 {strides = array<i32>} : memref<2x128x128xf32, #tpu.memory_space<vmem>>, vector<1x1x16xf32>,
          %get3A_667 = arith.constant 0 : i32
          %get3A_668 = arith.index_cast %get3A_667 : i32 to index
          %get3A_669 = arith.index_cast %add3A_635 : i32 to index
          %get3A_670 = arith.constant 32 : index
          %get3A_671 = tpu.vector_load %arg10[%get3A_668, %get3A_669, %get3A_670] {strides = array<i32>} : memref<2x128x128xf32, #tpu.memory_space<vmem>>, vector<1x1x16xf32>,
          %get3A_672 = vector.shape_cast %get3A_671 : vector<1x1x16xf32> to vector<16xf32>
          %mul3A_673 = arith.mulf %get3A_672, %broadcast_in_dim3A_638 : vector<16xf32>
          %swap3A_674 = arith.constant 0 : i32
          %swap3A_675 = arith.index_cast %swap3A_674 : i32 to index
          %swap3A_676 = arith.index_cast %add3A_635 : i32 to index
          %swap3A_677 = arith.constant 32 : index
          %swap3A_678 = tpu.vector_load %arg10[%swap3A_675, %swap3A_676, %swap3A_677] {strides = array<i32>} : memref<2x128x128xf32, #tpu.memory_space<vmem>>, vector<1x1x16xf32>,
          %swap3A_679 = vector.shape_cast %swap3A_678 : vector<1x1x16xf32> to vector<16xf32>
          %swap3A_680 = vector.shape_cast %mul3A_673 : vector<16xf32> to vector<1x1x16xf32>
          tpu.vector_store %arg10[%swap3A_675, %swap3A_676, %swap3A_677], %swap3A_680 {strides = array<i32>} : memref<2x128x128xf32, #tpu.memory_space<vmem>>, vector<1x1x16xf32>,
          %get3A_681 = arith.constant 0 : i32
          %get3A_682 = arith.index_cast %get3A_681 : i32 to index
          %get3A_683 = arith.index_cast %add3A_635 : i32 to index
          %get3A_684 = arith.constant 48 : index
          %get3A_685 = tpu.vector_load %arg10[%get3A_682, %get3A_683, %get3A_684] {strides = array<i32>} : memref<2x128x128xf32, #tpu.memory_space<vmem>>, vector<1x1x16xf32>,
          %get3A_686 = vector.shape_cast %get3A_685 : vector<1x1x16xf32> to vector<16xf32>
          %mul3A_687 = arith.mulf %get3A_686, %broadcast_in_dim3A_638 : vector<16xf32>
          %swap3A_688 = arith.constant 0 : i32
          %swap3A_689 = arith.index_cast %swap3A_688 : i32 to index
          %swap3A_690 = arith.index_cast %add3A_635 : i32 to index
          %swap3A_691 = arith.constant 48 : index
          %swap3A_692 = tpu.vector_load %arg10[%swap3A_689, %swap3A_690, %swap3A_691] {strides = array<i32>} : memref<2x128x128xf32, #tpu.memory_space<vmem>>, vector<1x1x16xf32>,
          %swap3A_693 = vector.shape_cast %swap3A_692 : vector<1x1x16xf32> to vector<16xf32>
          %swap3A_694 = vector.shape_cast %mul3A_687 : vector<16xf32> to vector<1x1x16xf32>
          tpu.vector_store %arg10[%swap3A_689, %swap3A_690, %swap3A_691], %swap3A_694 {strides = array<i32>} : memref<2x128x128xf32, #tpu.memory_space<vmem>>, vector<1x1x16xf32>,
          %get3A_695 = arith.constant 0 : i32
          %get3A_696 = arith.index_cast %get3A_695 : i32 to index
          %get3A_697 = arith.index_cast %add3A_635 : i32 to index
          %get3A_698 = arith.constant 64 : index
          %get3A_699 = tpu.vector_load %arg10[%get3A_696, %get3A_697, %get3A_698] {strides = array<i32>} : memref<2x128x128xf32, #tpu.memory_space<vmem>>, vector<1x1x16xf32>,
          %get3A_700 = vector.shape_cast %get3A_699 : vector<1x1x16xf32> to vector<16xf32>
          %mul3A_701 = arith.mulf %get3A_700, %broadcast_in_dim3A_638 : vector<16xf32>
          %swap3A_702 = arith.constant 0 : i32
          %swap3A_703 = arith.index_cast %swap3A_702 : i32 to index
          %swap3A_704 = arith.index_cast %add3A_635 : i32 to index
          %swap3A_705 = arith.constant 64 : index
          %swap3A_706 = tpu.vector_load %arg10[%swap3A_703, %swap3A_704, %swap3A_705] {strides = array<i32>} : memref<2x128x128xf32, #tpu.memory_space<vmem>>, vector<1x1x16xf32>,
          %swap3A_707 = vector.shape_cast %swap3A_706 : vector<1x1x16xf32> to vector<16xf32>
          %swap3A_708 = vector.shape_cast %mul3A_701 : vector<16xf32> to vector<1x1x16xf32>
          tpu.vector_store %arg10[%swap3A_703, %swap3A_704, %swap3A_705], %swap3A_708 {strides = array<i32>} : memref<2x128x128xf32, #tpu.memory_space<vmem>>, vector<1x1x16xf32>,
          %get3A_709 = arith.constant 0 : i32
          %get3A_710 = arith.index_cast %get3A_709 : i32 to index
          %get3A_711 = arith.index_cast %add3A_635 : i32 to index
          %get3A_712 = arith.constant 80 : index
          %get3A_713 = tpu.vector_load %arg10[%get3A_710, %get3A_711, %get3A_712] {strides = array<i32>} : memref<2x128x128xf32, #tpu.memory_space<vmem>>, vector<1x1x16xf32>,
          %get3A_714 = vector.shape_cast %get3A_713 : vector<1x1x16xf32> to vector<16xf32>
          %mul3A_715 = arith.mulf %get3A_714, %broadcast_in_dim3A_638 : vector<16xf32>
          %swap3A_716 = arith.constant 0 : i32
          %swap3A_717 = arith.index_cast %swap3A_716 : i32 to index
          %swap3A_718 = arith.index_cast %add3A_635 : i32 to index
          %swap3A_719 = arith.constant 80 : index
          %swap3A_720 = tpu.vector_load %arg10[%swap3A_717, %swap3A_718, %swap3A_719] {strides = array<i32>} : memref<2x128x128xf32, #tpu.memory_space<vmem>>, vector<1x1x16xf32>,
          %swap3A_721 = vector.shape_cast %swap3A_720 : vector<1x1x16xf32> to vector<16xf32>
          %swap3A_722 = vector.shape_cast %mul3A_715 : vector<16xf32> to vector<1x1x16xf32>
          tpu.vector_store %arg10[%swap3A_717, %swap3A_718, %swap3A_719], %swap3A_722 {strides = array<i32>} : memref<2x128x128xf32, #tpu.memory_space<vmem>>, vector<1x1x16xf32>,
          %get3A_723 = arith.constant 0 : i32
          %get3A_724 = arith.index_cast %get3A_723 : i32 to index
          %get3A_725 = arith.index_cast %add3A_635 : i32 to index
          %get3A_726 = arith.constant 96 : index
          %get3A_727 = tpu.vector_load %arg10[%get3A_724, %get3A_725, %get3A_726] {strides = array<i32>} : memref<2x128x128xf32, #tpu.memory_space<vmem>>, vector<1x1x16xf32>,
          %get3A_728 = vector.shape_cast %get3A_727 : vector<1x1x16xf32> to vector<16xf32>
          %mul3A_729 = arith.mulf %get3A_728, %broadcast_in_dim3A_638 : vector<16xf32>
          %swap3A_730 = arith.constant 0 : i32
          %swap3A_731 = arith.index_cast %swap3A_730 : i32 to index
          %swap3A_732 = arith.index_cast %add3A_635 : i32 to index
          %swap3A_733 = arith.constant 96 : index
          %swap3A_734 = tpu.vector_load %arg10[%swap3A_731, %swap3A_732, %swap3A_733] {strides = array<i32>} : memref<2x128x128xf32, #tpu.memory_space<vmem>>, vector<1x1x16xf32>,
          %swap3A_735 = vector.shape_cast %swap3A_734 : vector<1x1x16xf32> to vector<16xf32>
          %swap3A_736 = vector.shape_cast %mul3A_729 : vector<16xf32> to vector<1x1x16xf32>
          tpu.vector_store %arg10[%swap3A_731, %swap3A_732, %swap3A_733], %swap3A_736 {strides = array<i32>} : memref<2x128x128xf32, #tpu.memory_space<vmem>>, vector<1x1x16xf32>,
          %get3A_737 = arith.constant 0 : i32
          %get3A_738 = arith.index_cast %get3A_737 : i32 to index
          %get3A_739 = arith.index_cast %add3A_635 : i32 to index
          %get3A_740 = arith.constant 112 : index
          %get3A_741 = tpu.vector_load %arg10[%get3A_738, %get3A_739, %get3A_740] {strides = array<i32>} : memref<2x128x128xf32, #tpu.memory_space<vmem>>, vector<1x1x16xf32>,
          %get3A_742 = vector.shape_cast %get3A_741 : vector<1x1x16xf32> to vector<16xf32>
          %mul3A_743 = arith.mulf %get3A_742, %broadcast_in_dim3A_638 : vector<16xf32>
          %swap3A_744 = arith.constant 0 : i32
          %swap3A_745 = arith.index_cast %swap3A_744 : i32 to index
          %swap3A_746 = arith.index_cast %add3A_635 : i32 to index
          %swap3A_747 = arith.constant 112 : index
          %swap3A_748 = tpu.vector_load %arg10[%swap3A_745, %swap3A_746, %swap3A_747] {strides = array<i32>} : memref<2x128x128xf32, #tpu.memory_space<vmem>>, vector<1x1x16xf32>,
          %swap3A_749 = vector.shape_cast %swap3A_748 : vector<1x1x16xf32> to vector<16xf32>
          %swap3A_750 = vector.shape_cast %mul3A_743 : vector<16xf32> to vector<1x1x16xf32>
          tpu.vector_store %arg10[%swap3A_745, %swap3A_746, %swap3A_747], %swap3A_750 {strides = array<i32>} : memref<2x128x128xf32, #tpu.memory_space<vmem>>, vector<1x1x16xf32>,
          %mul3A_751 = arith.constant 16 : i32
          %mul3A_752 = arith.muli %scan3A_150, %mul3A_751 : i32
          %add3A_753 = arith.constant 5 : i32
          %add3A_754 = arith.addi %mul3A_752, %add3A_753 : i32
          %slice3A_755 = vector.extract_strided_slice %get3A_158 {offsets = [5], sizes = [1], strides = [1]} : vector<16xf32> to vector<1xf32>
          %squeeze3A_756 = vector.extract %slice3A_755[0] : f32 from vector<1xf32>
          %broadcast_in_dim3A_757 = vector.broadcast %squeeze3A_756 : f32 to vector<16xf32>
          %get3A_758 = arith.constant 0 : i32
          %get3A_759 = arith.index_cast %get3A_758 : i32 to index
          %get3A_760 = arith.index_cast %add3A_754 : i32 to index
          %get3A_761 = arith.constant 0 : index
          %get3A_762 = tpu.vector_load %arg10[%get3A_759, %get3A_760, %get3A_761] {strides = array<i32>} : memref<2x128x128xf32, #tpu.memory_space<vmem>>, vector<1x1x16xf32>,
          %get3A_763 = vector.shape_cast %get3A_762 : vector<1x1x16xf32> to vector<16xf32>
          %mul3A_764 = arith.mulf %get3A_763, %broadcast_in_dim3A_757 : vector<16xf32>
          %swap3A_765 = arith.constant 0 : i32
          %swap3A_766 = arith.index_cast %swap3A_765 : i32 to index
          %swap3A_767 = arith.index_cast %add3A_754 : i32 to index
          %swap3A_768 = arith.constant 0 : index
          %swap3A_769 = tpu.vector_load %arg10[%swap3A_766, %swap3A_767, %swap3A_768] {strides = array<i32>} : memref<2x128x128xf32, #tpu.memory_space<vmem>>, vector<1x1x16xf32>,
          %swap3A_770 = vector.shape_cast %swap3A_769 : vector<1x1x16xf32> to vector<16xf32>
          %swap3A_771 = vector.shape_cast %mul3A_764 : vector<16xf32> to vector<1x1x16xf32>
          tpu.vector_store %arg10[%swap3A_766, %swap3A_767, %swap3A_768], %swap3A_771 {strides = array<i32>} : memref<2x128x128xf32, #tpu.memory_space<vmem>>, vector<1x1x16xf32>,
          %get3A_772 = arith.constant 0 : i32
          %get3A_773 = arith.index_cast %get3A_772 : i32 to index
          %get3A_774 = arith.index_cast %add3A_754 : i32 to index
          %get3A_775 = arith.constant 16 : index
          %get3A_776 = tpu.vector_load %arg10[%get3A_773, %get3A_774, %get3A_775] {strides = array<i32>} : memref<2x128x128xf32, #tpu.memory_space<vmem>>, vector<1x1x16xf32>,
          %get3A_777 = vector.shape_cast %get3A_776 : vector<1x1x16xf32> to vector<16xf32>
          %mul3A_778 = arith.mulf %get3A_777, %broadcast_in_dim3A_757 : vector<16xf32>
          %swap3A_779 = arith.constant 0 : i32
          %swap3A_780 = arith.index_cast %swap3A_779 : i32 to index
          %swap3A_781 = arith.index_cast %add3A_754 : i32 to index
          %swap3A_782 = arith.constant 16 : index
          %swap3A_783 = tpu.vector_load %arg10[%swap3A_780, %swap3A_781, %swap3A_782] {strides = array<i32>} : memref<2x128x128xf32, #tpu.memory_space<vmem>>, vector<1x1x16xf32>,
          %swap3A_784 = vector.shape_cast %swap3A_783 : vector<1x1x16xf32> to vector<16xf32>
          %swap3A_785 = vector.shape_cast %mul3A_778 : vector<16xf32> to vector<1x1x16xf32>
          tpu.vector_store %arg10[%swap3A_780, %swap3A_781, %swap3A_782], %swap3A_785 {strides = array<i32>} : memref<2x128x128xf32, #tpu.memory_space<vmem>>, vector<1x1x16xf32>,
          %get3A_786 = arith.constant 0 : i32
          %get3A_787 = arith.index_cast %get3A_786 : i32 to index
          %get3A_788 = arith.index_cast %add3A_754 : i32 to index
          %get3A_789 = arith.constant 32 : index
          %get3A_790 = tpu.vector_load %arg10[%get3A_787, %get3A_788, %get3A_789] {strides = array<i32>} : memref<2x128x128xf32, #tpu.memory_space<vmem>>, vector<1x1x16xf32>,
          %get3A_791 = vector.shape_cast %get3A_790 : vector<1x1x16xf32> to vector<16xf32>
          %mul3A_792 = arith.mulf %get3A_791, %broadcast_in_dim3A_757 : vector<16xf32>
          %swap3A_793 = arith.constant 0 : i32
          %swap3A_794 = arith.index_cast %swap3A_793 : i32 to index
          %swap3A_795 = arith.index_cast %add3A_754 : i32 to index
          %swap3A_796 = arith.constant 32 : index
          %swap3A_797 = tpu.vector_load %arg10[%swap3A_794, %swap3A_795, %swap3A_796] {strides = array<i32>} : memref<2x128x128xf32, #tpu.memory_space<vmem>>, vector<1x1x16xf32>,
          %swap3A_798 = vector.shape_cast %swap3A_797 : vector<1x1x16xf32> to vector<16xf32>
          %swap3A_799 = vector.shape_cast %mul3A_792 : vector<16xf32> to vector<1x1x16xf32>
          tpu.vector_store %arg10[%swap3A_794, %swap3A_795, %swap3A_796], %swap3A_799 {strides = array<i32>} : memref<2x128x128xf32, #tpu.memory_space<vmem>>, vector<1x1x16xf32>,
          %get3A_800 = arith.constant 0 : i32
          %get3A_801 = arith.index_cast %get3A_800 : i32 to index
          %get3A_802 = arith.index_cast %add3A_754 : i32 to index
          %get3A_803 = arith.constant 48 : index
          %get3A_804 = tpu.vector_load %arg10[%get3A_801, %get3A_802, %get3A_803] {strides = array<i32>} : memref<2x128x128xf32, #tpu.memory_space<vmem>>, vector<1x1x16xf32>,
          %get3A_805 = vector.shape_cast %get3A_804 : vector<1x1x16xf32> to vector<16xf32>
          %mul3A_806 = arith.mulf %get3A_805, %broadcast_in_dim3A_757 : vector<16xf32>
          %swap3A_807 = arith.constant 0 : i32
          %swap3A_808 = arith.index_cast %swap3A_807 : i32 to index
          %swap3A_809 = arith.index_cast %add3A_754 : i32 to index
          %swap3A_810 = arith.constant 48 : index
          %swap3A_811 = tpu.vector_load %arg10[%swap3A_808, %swap3A_809, %swap3A_810] {strides = array<i32>} : memref<2x128x128xf32, #tpu.memory_space<vmem>>, vector<1x1x16xf32>,
          %swap3A_812 = vector.shape_cast %swap3A_811 : vector<1x1x16xf32> to vector<16xf32>
          %swap3A_813 = vector.shape_cast %mul3A_806 : vector<16xf32> to vector<1x1x16xf32>
          tpu.vector_store %arg10[%swap3A_808, %swap3A_809, %swap3A_810], %swap3A_813 {strides = array<i32>} : memref<2x128x128xf32, #tpu.memory_space<vmem>>, vector<1x1x16xf32>,
          %get3A_814 = arith.constant 0 : i32
          %get3A_815 = arith.index_cast %get3A_814 : i32 to index
          %get3A_816 = arith.index_cast %add3A_754 : i32 to index
          %get3A_817 = arith.constant 64 : index
          %get3A_818 = tpu.vector_load %arg10[%get3A_815, %get3A_816, %get3A_817] {strides = array<i32>} : memref<2x128x128xf32, #tpu.memory_space<vmem>>, vector<1x1x16xf32>,
          %get3A_819 = vector.shape_cast %get3A_818 : vector<1x1x16xf32> to vector<16xf32>
          %mul3A_820 = arith.mulf %get3A_819, %broadcast_in_dim3A_757 : vector<16xf32>
          %swap3A_821 = arith.constant 0 : i32
          %swap3A_822 = arith.index_cast %swap3A_821 : i32 to index
          %swap3A_823 = arith.index_cast %add3A_754 : i32 to index
          %swap3A_824 = arith.constant 64 : index
          %swap3A_825 = tpu.vector_load %arg10[%swap3A_822, %swap3A_823, %swap3A_824] {strides = array<i32>} : memref<2x128x128xf32, #tpu.memory_space<vmem>>, vector<1x1x16xf32>,
          %swap3A_826 = vector.shape_cast %swap3A_825 : vector<1x1x16xf32> to vector<16xf32>
          %swap3A_827 = vector.shape_cast %mul3A_820 : vector<16xf32> to vector<1x1x16xf32>
          tpu.vector_store %arg10[%swap3A_822, %swap3A_823, %swap3A_824], %swap3A_827 {strides = array<i32>} : memref<2x128x128xf32, #tpu.memory_space<vmem>>, vector<1x1x16xf32>,
          %get3A_828 = arith.constant 0 : i32
          %get3A_829 = arith.index_cast %get3A_828 : i32 to index
          %get3A_830 = arith.index_cast %add3A_754 : i32 to index
          %get3A_831 = arith.constant 80 : index
          %get3A_832 = tpu.vector_load %arg10[%get3A_829, %get3A_830, %get3A_831] {strides = array<i32>} : memref<2x128x128xf32, #tpu.memory_space<vmem>>, vector<1x1x16xf32>,
          %get3A_833 = vector.shape_cast %get3A_832 : vector<1x1x16xf32> to vector<16xf32>
          %mul3A_834 = arith.mulf %get3A_833, %broadcast_in_dim3A_757 : vector<16xf32>
          %swap3A_835 = arith.constant 0 : i32
          %swap3A_836 = arith.index_cast %swap3A_835 : i32 to index
          %swap3A_837 = arith.index_cast %add3A_754 : i32 to index
          %swap3A_838 = arith.constant 80 : index
          %swap3A_839 = tpu.vector_load %arg10[%swap3A_836, %swap3A_837, %swap3A_838] {strides = array<i32>} : memref<2x128x128xf32, #tpu.memory_space<vmem>>, vector<1x1x16xf32>,
          %swap3A_840 = vector.shape_cast %swap3A_839 : vector<1x1x16xf32> to vector<16xf32>
          %swap3A_841 = vector.shape_cast %mul3A_834 : vector<16xf32> to vector<1x1x16xf32>
          tpu.vector_store %arg10[%swap3A_836, %swap3A_837, %swap3A_838], %swap3A_841 {strides = array<i32>} : memref<2x128x128xf32, #tpu.memory_space<vmem>>, vector<1x1x16xf32>,
          %get3A_842 = arith.constant 0 : i32
          %get3A_843 = arith.index_cast %get3A_842 : i32 to index
          %get3A_844 = arith.index_cast %add3A_754 : i32 to index
          %get3A_845 = arith.constant 96 : index
          %get3A_846 = tpu.vector_load %arg10[%get3A_843, %get3A_844, %get3A_845] {strides = array<i32>} : memref<2x128x128xf32, #tpu.memory_space<vmem>>, vector<1x1x16xf32>,
          %get3A_847 = vector.shape_cast %get3A_846 : vector<1x1x16xf32> to vector<16xf32>
          %mul3A_848 = arith.mulf %get3A_847, %broadcast_in_dim3A_757 : vector<16xf32>
          %swap3A_849 = arith.constant 0 : i32
          %swap3A_850 = arith.index_cast %swap3A_849 : i32 to index
          %swap3A_851 = arith.index_cast %add3A_754 : i32 to index
          %swap3A_852 = arith.constant 96 : index
          %swap3A_853 = tpu.vector_load %arg10[%swap3A_850, %swap3A_851, %swap3A_852] {strides = array<i32>} : memref<2x128x128xf32, #tpu.memory_space<vmem>>, vector<1x1x16xf32>,
          %swap3A_854 = vector.shape_cast %swap3A_853 : vector<1x1x16xf32> to vector<16xf32>
          %swap3A_855 = vector.shape_cast %mul3A_848 : vector<16xf32> to vector<1x1x16xf32>
          tpu.vector_store %arg10[%swap3A_850, %swap3A_851, %swap3A_852], %swap3A_855 {strides = array<i32>} : memref<2x128x128xf32, #tpu.memory_space<vmem>>, vector<1x1x16xf32>,
          %get3A_856 = arith.constant 0 : i32
          %get3A_857 = arith.index_cast %get3A_856 : i32 to index
          %get3A_858 = arith.index_cast %add3A_754 : i32 to index
          %get3A_859 = arith.constant 112 : index
          %get3A_860 = tpu.vector_load %arg10[%get3A_857, %get3A_858, %get3A_859] {strides = array<i32>} : memref<2x128x128xf32, #tpu.memory_space<vmem>>, vector<1x1x16xf32>,
          %get3A_861 = vector.shape_cast %get3A_860 : vector<1x1x16xf32> to vector<16xf32>
          %mul3A_862 = arith.mulf %get3A_861, %broadcast_in_dim3A_757 : vector<16xf32>
          %swap3A_863 = arith.constant 0 : i32
          %swap3A_864 = arith.index_cast %swap3A_863 : i32 to index
          %swap3A_865 = arith.index_cast %add3A_754 : i32 to index
          %swap3A_866 = arith.constant 112 : index
          %swap3A_867 = tpu.vector_load %arg10[%swap3A_864, %swap3A_865, %swap3A_866] {strides = array<i32>} : memref<2x128x128xf32, #tpu.memory_space<vmem>>, vector<1x1x16xf32>,
          %swap3A_868 = vector.shape_cast %swap3A_867 : vector<1x1x16xf32> to vector<16xf32>
          %swap3A_869 = vector.shape_cast %mul3A_862 : vector<16xf32> to vector<1x1x16xf32>
          tpu.vector_store %arg10[%swap3A_864, %swap3A_865, %swap3A_866], %swap3A_869 {strides = array<i32>} : memref<2x128x128xf32, #tpu.memory_space<vmem>>, vector<1x1x16xf32>,
          %mul3A_870 = arith.constant 16 : i32
          %mul3A_871 = arith.muli %scan3A_150, %mul3A_870 : i32
          %add3A_872 = arith.constant 6 : i32
          %add3A_873 = arith.addi %mul3A_871, %add3A_872 : i32
          %slice3A_874 = vector.extract_strided_slice %get3A_158 {offsets = [6], sizes = [1], strides = [1]} : vector<16xf32> to vector<1xf32>
          %squeeze3A_875 = vector.extract %slice3A_874[0] : f32 from vector<1xf32>
          %broadcast_in_dim3A_876 = vector.broadcast %squeeze3A_875 : f32 to vector<16xf32>
          %get3A_877 = arith.constant 0 : i32
          %get3A_878 = arith.index_cast %get3A_877 : i32 to index
          %get3A_879 = arith.index_cast %add3A_873 : i32 to index
          %get3A_880 = arith.constant 0 : index
          %get3A_881 = tpu.vector_load %arg10[%get3A_878, %get3A_879, %get3A_880] {strides = array<i32>} : memref<2x128x128xf32, #tpu.memory_space<vmem>>, vector<1x1x16xf32>,
          %get3A_882 = vector.shape_cast %get3A_881 : vector<1x1x16xf32> to vector<16xf32>
          %mul3A_883 = arith.mulf %get3A_882, %broadcast_in_dim3A_876 : vector<16xf32>
          %swap3A_884 = arith.constant 0 : i32
          %swap3A_885 = arith.index_cast %swap3A_884 : i32 to index
          %swap3A_886 = arith.index_cast %add3A_873 : i32 to index
          %swap3A_887 = arith.constant 0 : index
          %swap3A_888 = tpu.vector_load %arg10[%swap3A_885, %swap3A_886, %swap3A_887] {strides = array<i32>} : memref<2x128x128xf32, #tpu.memory_space<vmem>>, vector<1x1x16xf32>,
          %swap3A_889 = vector.shape_cast %swap3A_888 : vector<1x1x16xf32> to vector<16xf32>
          %swap3A_890 = vector.shape_cast %mul3A_883 : vector<16xf32> to vector<1x1x16xf32>
          tpu.vector_store %arg10[%swap3A_885, %swap3A_886, %swap3A_887], %swap3A_890 {strides = array<i32>} : memref<2x128x128xf32, #tpu.memory_space<vmem>>, vector<1x1x16xf32>,
          %get3A_891 = arith.constant 0 : i32
          %get3A_892 = arith.index_cast %get3A_891 : i32 to index
          %get3A_893 = arith.index_cast %add3A_873 : i32 to index
          %get3A_894 = arith.constant 16 : index
          %get3A_895 = tpu.vector_load %arg10[%get3A_892, %get3A_893, %get3A_894] {strides = array<i32>} : memref<2x128x128xf32, #tpu.memory_space<vmem>>, vector<1x1x16xf32>,
          %get3A_896 = vector.shape_cast %get3A_895 : vector<1x1x16xf32> to vector<16xf32>
          %mul3A_897 = arith.mulf %get3A_896, %broadcast_in_dim3A_876 : vector<16xf32>
          %swap3A_898 = arith.constant 0 : i32
          %swap3A_899 = arith.index_cast %swap3A_898 : i32 to index
          %swap3A_900 = arith.index_cast %add3A_873 : i32 to index
          %swap3A_901 = arith.constant 16 : index
          %swap3A_902 = tpu.vector_load %arg10[%swap3A_899, %swap3A_900, %swap3A_901] {strides = array<i32>} : memref<2x128x128xf32, #tpu.memory_space<vmem>>, vector<1x1x16xf32>,
          %swap3A_903 = vector.shape_cast %swap3A_902 : vector<1x1x16xf32> to vector<16xf32>
          %swap3A_904 = vector.shape_cast %mul3A_897 : vector<16xf32> to vector<1x1x16xf32>
          tpu.vector_store %arg10[%swap3A_899, %swap3A_900, %swap3A_901], %swap3A_904 {strides = array<i32>} : memref<2x128x128xf32, #tpu.memory_space<vmem>>, vector<1x1x16xf32>,
          %get3A_905 = arith.constant 0 : i32
          %get3A_906 = arith.index_cast %get3A_905 : i32 to index
          %get3A_907 = arith.index_cast %add3A_873 : i32 to index
          %get3A_908 = arith.constant 32 : index
          %get3A_909 = tpu.vector_load %arg10[%get3A_906, %get3A_907, %get3A_908] {strides = array<i32>} : memref<2x128x128xf32, #tpu.memory_space<vmem>>, vector<1x1x16xf32>,
          %get3A_910 = vector.shape_cast %get3A_909 : vector<1x1x16xf32> to vector<16xf32>
          %mul3A_911 = arith.mulf %get3A_910, %broadcast_in_dim3A_876 : vector<16xf32>
          %swap3A_912 = arith.constant 0 : i32
          %swap3A_913 = arith.index_cast %swap3A_912 : i32 to index
          %swap3A_914 = arith.index_cast %add3A_873 : i32 to index
          %swap3A_915 = arith.constant 32 : index
          %swap3A_916 = tpu.vector_load %arg10[%swap3A_913, %swap3A_914, %swap3A_915] {strides = array<i32>} : memref<2x128x128xf32, #tpu.memory_space<vmem>>, vector<1x1x16xf32>,
          %swap3A_917 = vector.shape_cast %swap3A_916 : vector<1x1x16xf32> to vector<16xf32>
          %swap3A_918 = vector.shape_cast %mul3A_911 : vector<16xf32> to vector<1x1x16xf32>
          tpu.vector_store %arg10[%swap3A_913, %swap3A_914, %swap3A_915], %swap3A_918 {strides = array<i32>} : memref<2x128x128xf32, #tpu.memory_space<vmem>>, vector<1x1x16xf32>,
          %get3A_919 = arith.constant 0 : i32
          %get3A_920 = arith.index_cast %get3A_919 : i32 to index
          %get3A_921 = arith.index_cast %add3A_873 : i32 to index
          %get3A_922 = arith.constant 48 : index
          %get3A_923 = tpu.vector_load %arg10[%get3A_920, %get3A_921, %get3A_922] {strides = array<i32>} : memref<2x128x128xf32, #tpu.memory_space<vmem>>, vector<1x1x16xf32>,
          %get3A_924 = vector.shape_cast %get3A_923 : vector<1x1x16xf32> to vector<16xf32>
          %mul3A_925 = arith.mulf %get3A_924, %broadcast_in_dim3A_876 : vector<16xf32>
          %swap3A_926 = arith.constant 0 : i32
          %swap3A_927 = arith.index_cast %swap3A_926 : i32 to index
          %swap3A_928 = arith.index_cast %add3A_873 : i32 to index
          %swap3A_929 = arith.constant 48 : index
          %swap3A_930 = tpu.vector_load %arg10[%swap3A_927, %swap3A_928, %swap3A_929] {strides = array<i32>} : memref<2x128x128xf32, #tpu.memory_space<vmem>>, vector<1x1x16xf32>,
          %swap3A_931 = vector.shape_cast %swap3A_930 : vector<1x1x16xf32> to vector<16xf32>
          %swap3A_932 = vector.shape_cast %mul3A_925 : vector<16xf32> to vector<1x1x16xf32>
          tpu.vector_store %arg10[%swap3A_927, %swap3A_928, %swap3A_929], %swap3A_932 {strides = array<i32>} : memref<2x128x128xf32, #tpu.memory_space<vmem>>, vector<1x1x16xf32>,
          %get3A_933 = arith.constant 0 : i32
          %get3A_934 = arith.index_cast %get3A_933 : i32 to index
          %get3A_935 = arith.index_cast %add3A_873 : i32 to index
          %get3A_936 = arith.constant 64 : index
          %get3A_937 = tpu.vector_load %arg10[%get3A_934, %get3A_935, %get3A_936] {strides = array<i32>} : memref<2x128x128xf32, #tpu.memory_space<vmem>>, vector<1x1x16xf32>,
          %get3A_938 = vector.shape_cast %get3A_937 : vector<1x1x16xf32> to vector<16xf32>
          %mul3A_939 = arith.mulf %get3A_938, %broadcast_in_dim3A_876 : vector<16xf32>
          %swap3A_940 = arith.constant 0 : i32
          %swap3A_941 = arith.index_cast %swap3A_940 : i32 to index
          %swap3A_942 = arith.index_cast %add3A_873 : i32 to index
          %swap3A_943 = arith.constant 64 : index
          %swap3A_944 = tpu.vector_load %arg10[%swap3A_941, %swap3A_942, %swap3A_943] {strides = array<i32>} : memref<2x128x128xf32, #tpu.memory_space<vmem>>, vector<1x1x16xf32>,
          %swap3A_945 = vector.shape_cast %swap3A_944 : vector<1x1x16xf32> to vector<16xf32>
          %swap3A_946 = vector.shape_cast %mul3A_939 : vector<16xf32> to vector<1x1x16xf32>
          tpu.vector_store %arg10[%swap3A_941, %swap3A_942, %swap3A_943], %swap3A_946 {strides = array<i32>} : memref<2x128x128xf32, #tpu.memory_space<vmem>>, vector<1x1x16xf32>,
          %get3A_947 = arith.constant 0 : i32
          %get3A_948 = arith.index_cast %get3A_947 : i32 to index
          %get3A_949 = arith.index_cast %add3A_873 : i32 to index
          %get3A_950 = arith.constant 80 : index
          %get3A_951 = tpu.vector_load %arg10[%get3A_948, %get3A_949, %get3A_950] {strides = array<i32>} : memref<2x128x128xf32, #tpu.memory_space<vmem>>, vector<1x1x16xf32>,
          %get3A_952 = vector.shape_cast %get3A_951 : vector<1x1x16xf32> to vector<16xf32>
          %mul3A_953 = arith.mulf %get3A_952, %broadcast_in_dim3A_876 : vector<16xf32>
          %swap3A_954 = arith.constant 0 : i32
          %swap3A_955 = arith.index_cast %swap3A_954 : i32 to index
          %swap3A_956 = arith.index_cast %add3A_873 : i32 to index
          %swap3A_957 = arith.constant 80 : index
          %swap3A_958 = tpu.vector_load %arg10[%swap3A_955, %swap3A_956, %swap3A_957] {strides = array<i32>} : memref<2x128x128xf32, #tpu.memory_space<vmem>>, vector<1x1x16xf32>,
          %swap3A_959 = vector.shape_cast %swap3A_958 : vector<1x1x16xf32> to vector<16xf32>
          %swap3A_960 = vector.shape_cast %mul3A_953 : vector<16xf32> to vector<1x1x16xf32>
          tpu.vector_store %arg10[%swap3A_955, %swap3A_956, %swap3A_957], %swap3A_960 {strides = array<i32>} : memref<2x128x128xf32, #tpu.memory_space<vmem>>, vector<1x1x16xf32>,
          %get3A_961 = arith.constant 0 : i32
          %get3A_962 = arith.index_cast %get3A_961 : i32 to index
          %get3A_963 = arith.index_cast %add3A_873 : i32 to index
          %get3A_964 = arith.constant 96 : index
          %get3A_965 = tpu.vector_load %arg10[%get3A_962, %get3A_963, %get3A_964] {strides = array<i32>} : memref<2x128x128xf32, #tpu.memory_space<vmem>>, vector<1x1x16xf32>,
          %get3A_966 = vector.shape_cast %get3A_965 : vector<1x1x16xf32> to vector<16xf32>
          %mul3A_967 = arith.mulf %get3A_966, %broadcast_in_dim3A_876 : vector<16xf32>
          %swap3A_968 = arith.constant 0 : i32
          %swap3A_969 = arith.index_cast %swap3A_968 : i32 to index
          %swap3A_970 = arith.index_cast %add3A_873 : i32 to index
          %swap3A_971 = arith.constant 96 : index
          %swap3A_972 = tpu.vector_load %arg10[%swap3A_969, %swap3A_970, %swap3A_971] {strides = array<i32>} : memref<2x128x128xf32, #tpu.memory_space<vmem>>, vector<1x1x16xf32>,
          %swap3A_973 = vector.shape_cast %swap3A_972 : vector<1x1x16xf32> to vector<16xf32>
          %swap3A_974 = vector.shape_cast %mul3A_967 : vector<16xf32> to vector<1x1x16xf32>
          tpu.vector_store %arg10[%swap3A_969, %swap3A_970, %swap3A_971], %swap3A_974 {strides = array<i32>} : memref<2x128x128xf32, #tpu.memory_space<vmem>>, vector<1x1x16xf32>,
          %get3A_975 = arith.constant 0 : i32
          %get3A_976 = arith.index_cast %get3A_975 : i32 to index
          %get3A_977 = arith.index_cast %add3A_873 : i32 to index
          %get3A_978 = arith.constant 112 : index
          %get3A_979 = tpu.vector_load %arg10[%get3A_976, %get3A_977, %get3A_978] {strides = array<i32>} : memref<2x128x128xf32, #tpu.memory_space<vmem>>, vector<1x1x16xf32>,
          %get3A_980 = vector.shape_cast %get3A_979 : vector<1x1x16xf32> to vector<16xf32>
          %mul3A_981 = arith.mulf %get3A_980, %broadcast_in_dim3A_876 : vector<16xf32>
          %swap3A_982 = arith.constant 0 : i32
          %swap3A_983 = arith.index_cast %swap3A_982 : i32 to index
          %swap3A_984 = arith.index_cast %add3A_873 : i32 to index
          %swap3A_985 = arith.constant 112 : index
          %swap3A_986 = tpu.vector_load %arg10[%swap3A_983, %swap3A_984, %swap3A_985] {strides = array<i32>} : memref<2x128x128xf32, #tpu.memory_space<vmem>>, vector<1x1x16xf32>,
          %swap3A_987 = vector.shape_cast %swap3A_986 : vector<1x1x16xf32> to vector<16xf32>
          %swap3A_988 = vector.shape_cast %mul3A_981 : vector<16xf32> to vector<1x1x16xf32>
          tpu.vector_store %arg10[%swap3A_983, %swap3A_984, %swap3A_985], %swap3A_988 {strides = array<i32>} : memref<2x128x128xf32, #tpu.memory_space<vmem>>, vector<1x1x16xf32>,
          %mul3A_989 = arith.constant 16 : i32
          %mul3A_990 = arith.muli %scan3A_150, %mul3A_989 : i32
          %add3A_991 = arith.constant 7 : i32
          %add3A_992 = arith.addi %mul3A_990, %add3A_991 : i32
          %slice3A_993 = vector.extract_strided_slice %get3A_158 {offsets = [7], sizes = [1], strides = [1]} : vector<16xf32> to vector<1xf32>
          %squeeze3A_994 = vector.extract %slice3A_993[0] : f32 from vector<1xf32>
          %broadcast_in_dim3A_995 = vector.broadcast %squeeze3A_994 : f32 to vector<16xf32>
          %get3A_996 = arith.constant 0 : i32
          %get3A_997 = arith.index_cast %get3A_996 : i32 to index
          %get3A_998 = arith.index_cast %add3A_992 : i32 to index
          %get3A_999 = arith.constant 0 : index
          %get3A_1000 = tpu.vector_load %arg10[%get3A_997, %get3A_998, %get3A_999] {strides = array<i32>} : memref<2x128x128xf32, #tpu.memory_space<vmem>>, vector<1x1x16xf32>,
          %get3A_1001 = vector.shape_cast %get3A_1000 : vector<1x1x16xf32> to vector<16xf32>
          %mul3A_1002 = arith.mulf %get3A_1001, %broadcast_in_dim3A_995 : vector<16xf32>
          %swap3A_1003 = arith.constant 0 : i32
          %swap3A_1004 = arith.index_cast %swap3A_1003 : i32 to index
          %swap3A_1005 = arith.index_cast %add3A_992 : i32 to index
          %swap3A_1006 = arith.constant 0 : index
          %swap3A_1007 = tpu.vector_load %arg10[%swap3A_1004, %swap3A_1005, %swap3A_1006] {strides = array<i32>} : memref<2x128x128xf32, #tpu.memory_space<vmem>>, vector<1x1x16xf32>,
          %swap3A_1008 = vector.shape_cast %swap3A_1007 : vector<1x1x16xf32> to vector<16xf32>
          %swap3A_1009 = vector.shape_cast %mul3A_1002 : vector<16xf32> to vector<1x1x16xf32>
          tpu.vector_store %arg10[%swap3A_1004, %swap3A_1005, %swap3A_1006], %swap3A_1009 {strides = array<i32>} : memref<2x128x128xf32, #tpu.memory_space<vmem>>, vector<1x1x16xf32>,
          %get3A_1010 = arith.constant 0 : i32
          %get3A_1011 = arith.index_cast %get3A_1010 : i32 to index
          %get3A_1012 = arith.index_cast %add3A_992 : i32 to index
          %get3A_1013 = arith.constant 16 : index
          %get3A_1014 = tpu.vector_load %arg10[%get3A_1011, %get3A_1012, %get3A_1013] {strides = array<i32>} : memref<2x128x128xf32, #tpu.memory_space<vmem>>, vector<1x1x16xf32>,
          %get3A_1015 = vector.shape_cast %get3A_1014 : vector<1x1x16xf32> to vector<16xf32>
          %mul3A_1016 = arith.mulf %get3A_1015, %broadcast_in_dim3A_995 : vector<16xf32>
          %swap3A_1017 = arith.constant 0 : i32
          %swap3A_1018 = arith.index_cast %swap3A_1017 : i32 to index
          %swap3A_1019 = arith.index_cast %add3A_992 : i32 to index
          %swap3A_1020 = arith.constant 16 : index
          %swap3A_1021 = tpu.vector_load %arg10[%swap3A_1018, %swap3A_1019, %swap3A_1020] {strides = array<i32>} : memref<2x128x128xf32, #tpu.memory_space<vmem>>, vector<1x1x16xf32>,
          %swap3A_1022 = vector.shape_cast %swap3A_1021 : vector<1x1x16xf32> to vector<16xf32>
          %swap3A_1023 = vector.shape_cast %mul3A_1016 : vector<16xf32> to vector<1x1x16xf32>
          tpu.vector_store %arg10[%swap3A_1018, %swap3A_1019, %swap3A_1020], %swap3A_1023 {strides = array<i32>} : memref<2x128x128xf32, #tpu.memory_space<vmem>>, vector<1x1x16xf32>,
          %get3A_1024 = arith.constant 0 : i32
          %get3A_1025 = arith.index_cast %get3A_1024 : i32 to index
          %get3A_1026 = arith.index_cast %add3A_992 : i32 to index
          %get3A_1027 = arith.constant 32 : index
          %get3A_1028 = tpu.vector_load %arg10[%get3A_1025, %get3A_1026, %get3A_1027] {strides = array<i32>} : memref<2x128x128xf32, #tpu.memory_space<vmem>>, vector<1x1x16xf32>,
          %get3A_1029 = vector.shape_cast %get3A_1028 : vector<1x1x16xf32> to vector<16xf32>
          %mul3A_1030 = arith.mulf %get3A_1029, %broadcast_in_dim3A_995 : vector<16xf32>
          %swap3A_1031 = arith.constant 0 : i32
          %swap3A_1032 = arith.index_cast %swap3A_1031 : i32 to index
          %swap3A_1033 = arith.index_cast %add3A_992 : i32 to index
          %swap3A_1034 = arith.constant 32 : index
          %swap3A_1035 = tpu.vector_load %arg10[%swap3A_1032, %swap3A_1033, %swap3A_1034] {strides = array<i32>} : memref<2x128x128xf32, #tpu.memory_space<vmem>>, vector<1x1x16xf32>,
          %swap3A_1036 = vector.shape_cast %swap3A_1035 : vector<1x1x16xf32> to vector<16xf32>
          %swap3A_1037 = vector.shape_cast %mul3A_1030 : vector<16xf32> to vector<1x1x16xf32>
          tpu.vector_store %arg10[%swap3A_1032, %swap3A_1033, %swap3A_1034], %swap3A_1037 {strides = array<i32>} : memref<2x128x128xf32, #tpu.memory_space<vmem>>, vector<1x1x16xf32>,
          %get3A_1038 = arith.constant 0 : i32
          %get3A_1039 = arith.index_cast %get3A_1038 : i32 to index
          %get3A_1040 = arith.index_cast %add3A_992 : i32 to index
          %get3A_1041 = arith.constant 48 : index
          %get3A_1042 = tpu.vector_load %arg10[%get3A_1039, %get3A_1040, %get3A_1041] {strides = array<i32>} : memref<2x128x128xf32, #tpu.memory_space<vmem>>, vector<1x1x16xf32>,
          %get3A_1043 = vector.shape_cast %get3A_1042 : vector<1x1x16xf32> to vector<16xf32>
          %mul3A_1044 = arith.mulf %get3A_1043, %broadcast_in_dim3A_995 : vector<16xf32>
          %swap3A_1045 = arith.constant 0 : i32
          %swap3A_1046 = arith.index_cast %swap3A_1045 : i32 to index
          %swap3A_1047 = arith.index_cast %add3A_992 : i32 to index
          %swap3A_1048 = arith.constant 48 : index
          %swap3A_1049 = tpu.vector_load %arg10[%swap3A_1046, %swap3A_1047, %swap3A_1048] {strides = array<i32>} : memref<2x128x128xf32, #tpu.memory_space<vmem>>, vector<1x1x16xf32>,
          %swap3A_1050 = vector.shape_cast %swap3A_1049 : vector<1x1x16xf32> to vector<16xf32>
          %swap3A_1051 = vector.shape_cast %mul3A_1044 : vector<16xf32> to vector<1x1x16xf32>
          tpu.vector_store %arg10[%swap3A_1046, %swap3A_1047, %swap3A_1048], %swap3A_1051 {strides = array<i32>} : memref<2x128x128xf32, #tpu.memory_space<vmem>>, vector<1x1x16xf32>,
          %get3A_1052 = arith.constant 0 : i32
          %get3A_1053 = arith.index_cast %get3A_1052 : i32 to index
          %get3A_1054 = arith.index_cast %add3A_992 : i32 to index
          %get3A_1055 = arith.constant 64 : index
          %get3A_1056 = tpu.vector_load %arg10[%get3A_1053, %get3A_1054, %get3A_1055] {strides = array<i32>} : memref<2x128x128xf32, #tpu.memory_space<vmem>>, vector<1x1x16xf32>,
          %get3A_1057 = vector.shape_cast %get3A_1056 : vector<1x1x16xf32> to vector<16xf32>
          %mul3A_1058 = arith.mulf %get3A_1057, %broadcast_in_dim3A_995 : vector<16xf32>
          %swap3A_1059 = arith.constant 0 : i32
          %swap3A_1060 = arith.index_cast %swap3A_1059 : i32 to index
          %swap3A_1061 = arith.index_cast %add3A_992 : i32 to index
          %swap3A_1062 = arith.constant 64 : index
          %swap3A_1063 = tpu.vector_load %arg10[%swap3A_1060, %swap3A_1061, %swap3A_1062] {strides = array<i32>} : memref<2x128x128xf32, #tpu.memory_space<vmem>>, vector<1x1x16xf32>,
          %swap3A_1064 = vector.shape_cast %swap3A_1063 : vector<1x1x16xf32> to vector<16xf32>
          %swap3A_1065 = vector.shape_cast %mul3A_1058 : vector<16xf32> to vector<1x1x16xf32>
          tpu.vector_store %arg10[%swap3A_1060, %swap3A_1061, %swap3A_1062], %swap3A_1065 {strides = array<i32>} : memref<2x128x128xf32, #tpu.memory_space<vmem>>, vector<1x1x16xf32>,
          %get3A_1066 = arith.constant 0 : i32
          %get3A_1067 = arith.index_cast %get3A_1066 : i32 to index
          %get3A_1068 = arith.index_cast %add3A_992 : i32 to index
          %get3A_1069 = arith.constant 80 : index
          %get3A_1070 = tpu.vector_load %arg10[%get3A_1067, %get3A_1068, %get3A_1069] {strides = array<i32>} : memref<2x128x128xf32, #tpu.memory_space<vmem>>, vector<1x1x16xf32>,
          %get3A_1071 = vector.shape_cast %get3A_1070 : vector<1x1x16xf32> to vector<16xf32>
          %mul3A_1072 = arith.mulf %get3A_1071, %broadcast_in_dim3A_995 : vector<16xf32>
          %swap3A_1073 = arith.constant 0 : i32
          %swap3A_1074 = arith.index_cast %swap3A_1073 : i32 to index
          %swap3A_1075 = arith.index_cast %add3A_992 : i32 to index
          %swap3A_1076 = arith.constant 80 : index
          %swap3A_1077 = tpu.vector_load %arg10[%swap3A_1074, %swap3A_1075, %swap3A_1076] {strides = array<i32>} : memref<2x128x128xf32, #tpu.memory_space<vmem>>, vector<1x1x16xf32>,
          %swap3A_1078 = vector.shape_cast %swap3A_1077 : vector<1x1x16xf32> to vector<16xf32>
          %swap3A_1079 = vector.shape_cast %mul3A_1072 : vector<16xf32> to vector<1x1x16xf32>
          tpu.vector_store %arg10[%swap3A_1074, %swap3A_1075, %swap3A_1076], %swap3A_1079 {strides = array<i32>} : memref<2x128x128xf32, #tpu.memory_space<vmem>>, vector<1x1x16xf32>,
          %get3A_1080 = arith.constant 0 : i32
          %get3A_1081 = arith.index_cast %get3A_1080 : i32 to index
          %get3A_1082 = arith.index_cast %add3A_992 : i32 to index
          %get3A_1083 = arith.constant 96 : index
          %get3A_1084 = tpu.vector_load %arg10[%get3A_1081, %get3A_1082, %get3A_1083] {strides = array<i32>} : memref<2x128x128xf32, #tpu.memory_space<vmem>>, vector<1x1x16xf32>,
          %get3A_1085 = vector.shape_cast %get3A_1084 : vector<1x1x16xf32> to vector<16xf32>
          %mul3A_1086 = arith.mulf %get3A_1085, %broadcast_in_dim3A_995 : vector<16xf32>
          %swap3A_1087 = arith.constant 0 : i32
          %swap3A_1088 = arith.index_cast %swap3A_1087 : i32 to index
          %swap3A_1089 = arith.index_cast %add3A_992 : i32 to index
          %swap3A_1090 = arith.constant 96 : index
          %swap3A_1091 = tpu.vector_load %arg10[%swap3A_1088, %swap3A_1089, %swap3A_1090] {strides = array<i32>} : memref<2x128x128xf32, #tpu.memory_space<vmem>>, vector<1x1x16xf32>,
          %swap3A_1092 = vector.shape_cast %swap3A_1091 : vector<1x1x16xf32> to vector<16xf32>
          %swap3A_1093 = vector.shape_cast %mul3A_1086 : vector<16xf32> to vector<1x1x16xf32>
          tpu.vector_store %arg10[%swap3A_1088, %swap3A_1089, %swap3A_1090], %swap3A_1093 {strides = array<i32>} : memref<2x128x128xf32, #tpu.memory_space<vmem>>, vector<1x1x16xf32>,
          %get3A_1094 = arith.constant 0 : i32
          %get3A_1095 = arith.index_cast %get3A_1094 : i32 to index
          %get3A_1096 = arith.index_cast %add3A_992 : i32 to index
          %get3A_1097 = arith.constant 112 : index
          %get3A_1098 = tpu.vector_load %arg10[%get3A_1095, %get3A_1096, %get3A_1097] {strides = array<i32>} : memref<2x128x128xf32, #tpu.memory_space<vmem>>, vector<1x1x16xf32>,
          %get3A_1099 = vector.shape_cast %get3A_1098 : vector<1x1x16xf32> to vector<16xf32>
          %mul3A_1100 = arith.mulf %get3A_1099, %broadcast_in_dim3A_995 : vector<16xf32>
          %swap3A_1101 = arith.constant 0 : i32
          %swap3A_1102 = arith.index_cast %swap3A_1101 : i32 to index
          %swap3A_1103 = arith.index_cast %add3A_992 : i32 to index
          %swap3A_1104 = arith.constant 112 : index
          %swap3A_1105 = tpu.vector_load %arg10[%swap3A_1102, %swap3A_1103, %swap3A_1104] {strides = array<i32>} : memref<2x128x128xf32, #tpu.memory_space<vmem>>, vector<1x1x16xf32>,
          %swap3A_1106 = vector.shape_cast %swap3A_1105 : vector<1x1x16xf32> to vector<16xf32>
          %swap3A_1107 = vector.shape_cast %mul3A_1100 : vector<16xf32> to vector<1x1x16xf32>
          tpu.vector_store %arg10[%swap3A_1102, %swap3A_1103, %swap3A_1104], %swap3A_1107 {strides = array<i32>} : memref<2x128x128xf32, #tpu.memory_space<vmem>>, vector<1x1x16xf32>,
          %mul3A_1108 = arith.constant 16 : i32
          %mul3A_1109 = arith.muli %scan3A_150, %mul3A_1108 : i32
          %add3A_1110 = arith.constant 8 : i32
          %add3A_1111 = arith.addi %mul3A_1109, %add3A_1110 : i32
          %slice3A_1112 = vector.extract_strided_slice %get3A_158 {offsets = [8], sizes = [1], strides = [1]} : vector<16xf32> to vector<1xf32>
          %squeeze3A_1113 = vector.extract %slice3A_1112[0] : f32 from vector<1xf32>
          %broadcast_in_dim3A_1114 = vector.broadcast %squeeze3A_1113 : f32 to vector<16xf32>
          %get3A_1115 = arith.constant 0 : i32
          %get3A_1116 = arith.index_cast %get3A_1115 : i32 to index
          %get3A_1117 = arith.index_cast %add3A_1111 : i32 to index
          %get3A_1118 = arith.constant 0 : index
          %get3A_1119 = tpu.vector_load %arg10[%get3A_1116, %get3A_1117, %get3A_1118] {strides = array<i32>} : memref<2x128x128xf32, #tpu.memory_space<vmem>>, vector<1x1x16xf32>,
          %get3A_1120 = vector.shape_cast %get3A_1119 : vector<1x1x16xf32> to vector<16xf32>
          %mul3A_1121 = arith.mulf %get3A_1120, %broadcast_in_dim3A_1114 : vector<16xf32>
          %swap3A_1122 = arith.constant 0 : i32
          %swap3A_1123 = arith.index_cast %swap3A_1122 : i32 to index
          %swap3A_1124 = arith.index_cast %add3A_1111 : i32 to index
          %swap3A_1125 = arith.constant 0 : index
          %swap3A_1126 = tpu.vector_load %arg10[%swap3A_1123, %swap3A_1124, %swap3A_1125] {strides = array<i32>} : memref<2x128x128xf32, #tpu.memory_space<vmem>>, vector<1x1x16xf32>,
          %swap3A_1127 = vector.shape_cast %swap3A_1126 : vector<1x1x16xf32> to vector<16xf32>
          %swap3A_1128 = vector.shape_cast %mul3A_1121 : vector<16xf32> to vector<1x1x16xf32>
          tpu.vector_store %arg10[%swap3A_1123, %swap3A_1124, %swap3A_1125], %swap3A_1128 {strides = array<i32>} : memref<2x128x128xf32, #tpu.memory_space<vmem>>, vector<1x1x16xf32>,
          %get3A_1129 = arith.constant 0 : i32
          %get3A_1130 = arith.index_cast %get3A_1129 : i32 to index
          %get3A_1131 = arith.index_cast %add3A_1111 : i32 to index
          %get3A_1132 = arith.constant 16 : index
          %get3A_1133 = tpu.vector_load %arg10[%get3A_1130, %get3A_1131, %get3A_1132] {strides = array<i32>} : memref<2x128x128xf32, #tpu.memory_space<vmem>>, vector<1x1x16xf32>,
          %get3A_1134 = vector.shape_cast %get3A_1133 : vector<1x1x16xf32> to vector<16xf32>
          %mul3A_1135 = arith.mulf %get3A_1134, %broadcast_in_dim3A_1114 : vector<16xf32>
          %swap3A_1136 = arith.constant 0 : i32
          %swap3A_1137 = arith.index_cast %swap3A_1136 : i32 to index
          %swap3A_1138 = arith.index_cast %add3A_1111 : i32 to index
          %swap3A_1139 = arith.constant 16 : index
          %swap3A_1140 = tpu.vector_load %arg10[%swap3A_1137, %swap3A_1138, %swap3A_1139] {strides = array<i32>} : memref<2x128x128xf32, #tpu.memory_space<vmem>>, vector<1x1x16xf32>,
          %swap3A_1141 = vector.shape_cast %swap3A_1140 : vector<1x1x16xf32> to vector<16xf32>
          %swap3A_1142 = vector.shape_cast %mul3A_1135 : vector<16xf32> to vector<1x1x16xf32>
          tpu.vector_store %arg10[%swap3A_1137, %swap3A_1138, %swap3A_1139], %swap3A_1142 {strides = array<i32>} : memref<2x128x128xf32, #tpu.memory_space<vmem>>, vector<1x1x16xf32>,
          %get3A_1143 = arith.constant 0 : i32
          %get3A_1144 = arith.index_cast %get3A_1143 : i32 to index
          %get3A_1145 = arith.index_cast %add3A_1111 : i32 to index
          %get3A_1146 = arith.constant 32 : index
          %get3A_1147 = tpu.vector_load %arg10[%get3A_1144, %get3A_1145, %get3A_1146] {strides = array<i32>} : memref<2x128x128xf32, #tpu.memory_space<vmem>>, vector<1x1x16xf32>,
          %get3A_1148 = vector.shape_cast %get3A_1147 : vector<1x1x16xf32> to vector<16xf32>
          %mul3A_1149 = arith.mulf %get3A_1148, %broadcast_in_dim3A_1114 : vector<16xf32>
          %swap3A_1150 = arith.constant 0 : i32
          %swap3A_1151 = arith.index_cast %swap3A_1150 : i32 to index
          %swap3A_1152 = arith.index_cast %add3A_1111 : i32 to index
          %swap3A_1153 = arith.constant 32 : index
          %swap3A_1154 = tpu.vector_load %arg10[%swap3A_1151, %swap3A_1152, %swap3A_1153] {strides = array<i32>} : memref<2x128x128xf32, #tpu.memory_space<vmem>>, vector<1x1x16xf32>,
          %swap3A_1155 = vector.shape_cast %swap3A_1154 : vector<1x1x16xf32> to vector<16xf32>
          %swap3A_1156 = vector.shape_cast %mul3A_1149 : vector<16xf32> to vector<1x1x16xf32>
          tpu.vector_store %arg10[%swap3A_1151, %swap3A_1152, %swap3A_1153], %swap3A_1156 {strides = array<i32>} : memref<2x128x128xf32, #tpu.memory_space<vmem>>, vector<1x1x16xf32>,
          %get3A_1157 = arith.constant 0 : i32
          %get3A_1158 = arith.index_cast %get3A_1157 : i32 to index
          %get3A_1159 = arith.index_cast %add3A_1111 : i32 to index
          %get3A_1160 = arith.constant 48 : index
          %get3A_1161 = tpu.vector_load %arg10[%get3A_1158, %get3A_1159, %get3A_1160] {strides = array<i32>} : memref<2x128x128xf32, #tpu.memory_space<vmem>>, vector<1x1x16xf32>,
          %get3A_1162 = vector.shape_cast %get3A_1161 : vector<1x1x16xf32> to vector<16xf32>
          %mul3A_1163 = arith.mulf %get3A_1162, %broadcast_in_dim3A_1114 : vector<16xf32>
          %swap3A_1164 = arith.constant 0 : i32
          %swap3A_1165 = arith.index_cast %swap3A_1164 : i32 to index
          %swap3A_1166 = arith.index_cast %add3A_1111 : i32 to index
          %swap3A_1167 = arith.constant 48 : index
          %swap3A_1168 = tpu.vector_load %arg10[%swap3A_1165, %swap3A_1166, %swap3A_1167] {strides = array<i32>} : memref<2x128x128xf32, #tpu.memory_space<vmem>>, vector<1x1x16xf32>,
          %swap3A_1169 = vector.shape_cast %swap3A_1168 : vector<1x1x16xf32> to vector<16xf32>
          %swap3A_1170 = vector.shape_cast %mul3A_1163 : vector<16xf32> to vector<1x1x16xf32>
          tpu.vector_store %arg10[%swap3A_1165, %swap3A_1166, %swap3A_1167], %swap3A_1170 {strides = array<i32>} : memref<2x128x128xf32, #tpu.memory_space<vmem>>, vector<1x1x16xf32>,
          %get3A_1171 = arith.constant 0 : i32
          %get3A_1172 = arith.index_cast %get3A_1171 : i32 to index
          %get3A_1173 = arith.index_cast %add3A_1111 : i32 to index
          %get3A_1174 = arith.constant 64 : index
          %get3A_1175 = tpu.vector_load %arg10[%get3A_1172, %get3A_1173, %get3A_1174] {strides = array<i32>} : memref<2x128x128xf32, #tpu.memory_space<vmem>>, vector<1x1x16xf32>,
          %get3A_1176 = vector.shape_cast %get3A_1175 : vector<1x1x16xf32> to vector<16xf32>
          %mul3A_1177 = arith.mulf %get3A_1176, %broadcast_in_dim3A_1114 : vector<16xf32>
          %swap3A_1178 = arith.constant 0 : i32
          %swap3A_1179 = arith.index_cast %swap3A_1178 : i32 to index
          %swap3A_1180 = arith.index_cast %add3A_1111 : i32 to index
          %swap3A_1181 = arith.constant 64 : index
          %swap3A_1182 = tpu.vector_load %arg10[%swap3A_1179, %swap3A_1180, %swap3A_1181] {strides = array<i32>} : memref<2x128x128xf32, #tpu.memory_space<vmem>>, vector<1x1x16xf32>,
          %swap3A_1183 = vector.shape_cast %swap3A_1182 : vector<1x1x16xf32> to vector<16xf32>
          %swap3A_1184 = vector.shape_cast %mul3A_1177 : vector<16xf32> to vector<1x1x16xf32>
          tpu.vector_store %arg10[%swap3A_1179, %swap3A_1180, %swap3A_1181], %swap3A_1184 {strides = array<i32>} : memref<2x128x128xf32, #tpu.memory_space<vmem>>, vector<1x1x16xf32>,
          %get3A_1185 = arith.constant 0 : i32
          %get3A_1186 = arith.index_cast %get3A_1185 : i32 to index
          %get3A_1187 = arith.index_cast %add3A_1111 : i32 to index
          %get3A_1188 = arith.constant 80 : index
          %get3A_1189 = tpu.vector_load %arg10[%get3A_1186, %get3A_1187, %get3A_1188] {strides = array<i32>} : memref<2x128x128xf32, #tpu.memory_space<vmem>>, vector<1x1x16xf32>,
          %get3A_1190 = vector.shape_cast %get3A_1189 : vector<1x1x16xf32> to vector<16xf32>
          %mul3A_1191 = arith.mulf %get3A_1190, %broadcast_in_dim3A_1114 : vector<16xf32>
          %swap3A_1192 = arith.constant 0 : i32
          %swap3A_1193 = arith.index_cast %swap3A_1192 : i32 to index
          %swap3A_1194 = arith.index_cast %add3A_1111 : i32 to index
          %swap3A_1195 = arith.constant 80 : index
          %swap3A_1196 = tpu.vector_load %arg10[%swap3A_1193, %swap3A_1194, %swap3A_1195] {strides = array<i32>} : memref<2x128x128xf32, #tpu.memory_space<vmem>>, vector<1x1x16xf32>,
          %swap3A_1197 = vector.shape_cast %swap3A_1196 : vector<1x1x16xf32> to vector<16xf32>
          %swap3A_1198 = vector.shape_cast %mul3A_1191 : vector<16xf32> to vector<1x1x16xf32>
          tpu.vector_store %arg10[%swap3A_1193, %swap3A_1194, %swap3A_1195], %swap3A_1198 {strides = array<i32>} : memref<2x128x128xf32, #tpu.memory_space<vmem>>, vector<1x1x16xf32>,
          %get3A_1199 = arith.constant 0 : i32
          %get3A_1200 = arith.index_cast %get3A_1199 : i32 to index
          %get3A_1201 = arith.index_cast %add3A_1111 : i32 to index
          %get3A_1202 = arith.constant 96 : index
          %get3A_1203 = tpu.vector_load %arg10[%get3A_1200, %get3A_1201, %get3A_1202] {strides = array<i32>} : memref<2x128x128xf32, #tpu.memory_space<vmem>>, vector<1x1x16xf32>,
          %get3A_1204 = vector.shape_cast %get3A_1203 : vector<1x1x16xf32> to vector<16xf32>
          %mul3A_1205 = arith.mulf %get3A_1204, %broadcast_in_dim3A_1114 : vector<16xf32>
          %swap3A_1206 = arith.constant 0 : i32
          %swap3A_1207 = arith.index_cast %swap3A_1206 : i32 to index
          %swap3A_1208 = arith.index_cast %add3A_1111 : i32 to index
          %swap3A_1209 = arith.constant 96 : index
          %swap3A_1210 = tpu.vector_load %arg10[%swap3A_1207, %swap3A_1208, %swap3A_1209] {strides = array<i32>} : memref<2x128x128xf32, #tpu.memory_space<vmem>>, vector<1x1x16xf32>,
          %swap3A_1211 = vector.shape_cast %swap3A_1210 : vector<1x1x16xf32> to vector<16xf32>
          %swap3A_1212 = vector.shape_cast %mul3A_1205 : vector<16xf32> to vector<1x1x16xf32>
          tpu.vector_store %arg10[%swap3A_1207, %swap3A_1208, %swap3A_1209], %swap3A_1212 {strides = array<i32>} : memref<2x128x128xf32, #tpu.memory_space<vmem>>, vector<1x1x16xf32>,
          %get3A_1213 = arith.constant 0 : i32
          %get3A_1214 = arith.index_cast %get3A_1213 : i32 to index
          %get3A_1215 = arith.index_cast %add3A_1111 : i32 to index
          %get3A_1216 = arith.constant 112 : index
          %get3A_1217 = tpu.vector_load %arg10[%get3A_1214, %get3A_1215, %get3A_1216] {strides = array<i32>} : memref<2x128x128xf32, #tpu.memory_space<vmem>>, vector<1x1x16xf32>,
          %get3A_1218 = vector.shape_cast %get3A_1217 : vector<1x1x16xf32> to vector<16xf32>
          %mul3A_1219 = arith.mulf %get3A_1218, %broadcast_in_dim3A_1114 : vector<16xf32>
          %swap3A_1220 = arith.constant 0 : i32
          %swap3A_1221 = arith.index_cast %swap3A_1220 : i32 to index
          %swap3A_1222 = arith.index_cast %add3A_1111 : i32 to index
          %swap3A_1223 = arith.constant 112 : index
          %swap3A_1224 = tpu.vector_load %arg10[%swap3A_1221, %swap3A_1222, %swap3A_1223] {strides = array<i32>} : memref<2x128x128xf32, #tpu.memory_space<vmem>>, vector<1x1x16xf32>,
          %swap3A_1225 = vector.shape_cast %swap3A_1224 : vector<1x1x16xf32> to vector<16xf32>
          %swap3A_1226 = vector.shape_cast %mul3A_1219 : vector<16xf32> to vector<1x1x16xf32>
          tpu.vector_store %arg10[%swap3A_1221, %swap3A_1222, %swap3A_1223], %swap3A_1226 {strides = array<i32>} : memref<2x128x128xf32, #tpu.memory_space<vmem>>, vector<1x1x16xf32>,
          %mul3A_1227 = arith.constant 16 : i32
          %mul3A_1228 = arith.muli %scan3A_150, %mul3A_1227 : i32
          %add3A_1229 = arith.constant 9 : i32
          %add3A_1230 = arith.addi %mul3A_1228, %add3A_1229 : i32
          %slice3A_1231 = vector.extract_strided_slice %get3A_158 {offsets = [9], sizes = [1], strides = [1]} : vector<16xf32> to vector<1xf32>
          %squeeze3A_1232 = vector.extract %slice3A_1231[0] : f32 from vector<1xf32>
          %broadcast_in_dim3A_1233 = vector.broadcast %squeeze3A_1232 : f32 to vector<16xf32>
          %get3A_1234 = arith.constant 0 : i32
          %get3A_1235 = arith.index_cast %get3A_1234 : i32 to index
          %get3A_1236 = arith.index_cast %add3A_1230 : i32 to index
          %get3A_1237 = arith.constant 0 : index
          %get3A_1238 = tpu.vector_load %arg10[%get3A_1235, %get3A_1236, %get3A_1237] {strides = array<i32>} : memref<2x128x128xf32, #tpu.memory_space<vmem>>, vector<1x1x16xf32>,
          %get3A_1239 = vector.shape_cast %get3A_1238 : vector<1x1x16xf32> to vector<16xf32>
          %mul3A_1240 = arith.mulf %get3A_1239, %broadcast_in_dim3A_1233 : vector<16xf32>
          %swap3A_1241 = arith.constant 0 : i32
          %swap3A_1242 = arith.index_cast %swap3A_1241 : i32 to index
          %swap3A_1243 = arith.index_cast %add3A_1230 : i32 to index
          %swap3A_1244 = arith.constant 0 : index
          %swap3A_1245 = tpu.vector_load %arg10[%swap3A_1242, %swap3A_1243, %swap3A_1244] {strides = array<i32>} : memref<2x128x128xf32, #tpu.memory_space<vmem>>, vector<1x1x16xf32>,
          %swap3A_1246 = vector.shape_cast %swap3A_1245 : vector<1x1x16xf32> to vector<16xf32>
          %swap3A_1247 = vector.shape_cast %mul3A_1240 : vector<16xf32> to vector<1x1x16xf32>
          tpu.vector_store %arg10[%swap3A_1242, %swap3A_1243, %swap3A_1244], %swap3A_1247 {strides = array<i32>} : memref<2x128x128xf32, #tpu.memory_space<vmem>>, vector<1x1x16xf32>,
          %get3A_1248 = arith.constant 0 : i32
          %get3A_1249 = arith.index_cast %get3A_1248 : i32 to index
          %get3A_1250 = arith.index_cast %add3A_1230 : i32 to index
          %get3A_1251 = arith.constant 16 : index
          %get3A_1252 = tpu.vector_load %arg10[%get3A_1249, %get3A_1250, %get3A_1251] {strides = array<i32>} : memref<2x128x128xf32, #tpu.memory_space<vmem>>, vector<1x1x16xf32>,
          %get3A_1253 = vector.shape_cast %get3A_1252 : vector<1x1x16xf32> to vector<16xf32>
          %mul3A_1254 = arith.mulf %get3A_1253, %broadcast_in_dim3A_1233 : vector<16xf32>
          %swap3A_1255 = arith.constant 0 : i32
          %swap3A_1256 = arith.index_cast %swap3A_1255 : i32 to index
          %swap3A_1257 = arith.index_cast %add3A_1230 : i32 to index
          %swap3A_1258 = arith.constant 16 : index
          %swap3A_1259 = tpu.vector_load %arg10[%swap3A_1256, %swap3A_1257, %swap3A_1258] {strides = array<i32>} : memref<2x128x128xf32, #tpu.memory_space<vmem>>, vector<1x1x16xf32>,
          %swap3A_1260 = vector.shape_cast %swap3A_1259 : vector<1x1x16xf32> to vector<16xf32>
          %swap3A_1261 = vector.shape_cast %mul3A_1254 : vector<16xf32> to vector<1x1x16xf32>
          tpu.vector_store %arg10[%swap3A_1256, %swap3A_1257, %swap3A_1258], %swap3A_1261 {strides = array<i32>} : memref<2x128x128xf32, #tpu.memory_space<vmem>>, vector<1x1x16xf32>,
          %get3A_1262 = arith.constant 0 : i32
          %get3A_1263 = arith.index_cast %get3A_1262 : i32 to index
          %get3A_1264 = arith.index_cast %add3A_1230 : i32 to index
          %get3A_1265 = arith.constant 32 : index
          %get3A_1266 = tpu.vector_load %arg10[%get3A_1263, %get3A_1264, %get3A_1265] {strides = array<i32>} : memref<2x128x128xf32, #tpu.memory_space<vmem>>, vector<1x1x16xf32>,
          %get3A_1267 = vector.shape_cast %get3A_1266 : vector<1x1x16xf32> to vector<16xf32>
          %mul3A_1268 = arith.mulf %get3A_1267, %broadcast_in_dim3A_1233 : vector<16xf32>
          %swap3A_1269 = arith.constant 0 : i32
          %swap3A_1270 = arith.index_cast %swap3A_1269 : i32 to index
          %swap3A_1271 = arith.index_cast %add3A_1230 : i32 to index
          %swap3A_1272 = arith.constant 32 : index
          %swap3A_1273 = tpu.vector_load %arg10[%swap3A_1270, %swap3A_1271, %swap3A_1272] {strides = array<i32>} : memref<2x128x128xf32, #tpu.memory_space<vmem>>, vector<1x1x16xf32>,
          %swap3A_1274 = vector.shape_cast %swap3A_1273 : vector<1x1x16xf32> to vector<16xf32>
          %swap3A_1275 = vector.shape_cast %mul3A_1268 : vector<16xf32> to vector<1x1x16xf32>
          tpu.vector_store %arg10[%swap3A_1270, %swap3A_1271, %swap3A_1272], %swap3A_1275 {strides = array<i32>} : memref<2x128x128xf32, #tpu.memory_space<vmem>>, vector<1x1x16xf32>,
          %get3A_1276 = arith.constant 0 : i32
          %get3A_1277 = arith.index_cast %get3A_1276 : i32 to index
          %get3A_1278 = arith.index_cast %add3A_1230 : i32 to index
          %get3A_1279 = arith.constant 48 : index
          %get3A_1280 = tpu.vector_load %arg10[%get3A_1277, %get3A_1278, %get3A_1279] {strides = array<i32>} : memref<2x128x128xf32, #tpu.memory_space<vmem>>, vector<1x1x16xf32>,
          %get3A_1281 = vector.shape_cast %get3A_1280 : vector<1x1x16xf32> to vector<16xf32>
          %mul3A_1282 = arith.mulf %get3A_1281, %broadcast_in_dim3A_1233 : vector<16xf32>
          %swap3A_1283 = arith.constant 0 : i32
          %swap3A_1284 = arith.index_cast %swap3A_1283 : i32 to index
          %swap3A_1285 = arith.index_cast %add3A_1230 : i32 to index
          %swap3A_1286 = arith.constant 48 : index
          %swap3A_1287 = tpu.vector_load %arg10[%swap3A_1284, %swap3A_1285, %swap3A_1286] {strides = array<i32>} : memref<2x128x128xf32, #tpu.memory_space<vmem>>, vector<1x1x16xf32>,
          %swap3A_1288 = vector.shape_cast %swap3A_1287 : vector<1x1x16xf32> to vector<16xf32>
          %swap3A_1289 = vector.shape_cast %mul3A_1282 : vector<16xf32> to vector<1x1x16xf32>
          tpu.vector_store %arg10[%swap3A_1284, %swap3A_1285, %swap3A_1286], %swap3A_1289 {strides = array<i32>} : memref<2x128x128xf32, #tpu.memory_space<vmem>>, vector<1x1x16xf32>,
          %get3A_1290 = arith.constant 0 : i32
          %get3A_1291 = arith.index_cast %get3A_1290 : i32 to index
          %get3A_1292 = arith.index_cast %add3A_1230 : i32 to index
          %get3A_1293 = arith.constant 64 : index
          %get3A_1294 = tpu.vector_load %arg10[%get3A_1291, %get3A_1292, %get3A_1293] {strides = array<i32>} : memref<2x128x128xf32, #tpu.memory_space<vmem>>, vector<1x1x16xf32>,
          %get3A_1295 = vector.shape_cast %get3A_1294 : vector<1x1x16xf32> to vector<16xf32>
          %mul3A_1296 = arith.mulf %get3A_1295, %broadcast_in_dim3A_1233 : vector<16xf32>
          %swap3A_1297 = arith.constant 0 : i32
          %swap3A_1298 = arith.index_cast %swap3A_1297 : i32 to index
          %swap3A_1299 = arith.index_cast %add3A_1230 : i32 to index
          %swap3A_1300 = arith.constant 64 : index
          %swap3A_1301 = tpu.vector_load %arg10[%swap3A_1298, %swap3A_1299, %swap3A_1300] {strides = array<i32>} : memref<2x128x128xf32, #tpu.memory_space<vmem>>, vector<1x1x16xf32>,
          %swap3A_1302 = vector.shape_cast %swap3A_1301 : vector<1x1x16xf32> to vector<16xf32>
          %swap3A_1303 = vector.shape_cast %mul3A_1296 : vector<16xf32> to vector<1x1x16xf32>
          tpu.vector_store %arg10[%swap3A_1298, %swap3A_1299, %swap3A_1300], %swap3A_1303 {strides = array<i32>} : memref<2x128x128xf32, #tpu.memory_space<vmem>>, vector<1x1x16xf32>,
          %get3A_1304 = arith.constant 0 : i32
          %get3A_1305 = arith.index_cast %get3A_1304 : i32 to index
          %get3A_1306 = arith.index_cast %add3A_1230 : i32 to index
          %get3A_1307 = arith.constant 80 : index
          %get3A_1308 = tpu.vector_load %arg10[%get3A_1305, %get3A_1306, %get3A_1307] {strides = array<i32>} : memref<2x128x128xf32, #tpu.memory_space<vmem>>, vector<1x1x16xf32>,
          %get3A_1309 = vector.shape_cast %get3A_1308 : vector<1x1x16xf32> to vector<16xf32>
          %mul3A_1310 = arith.mulf %get3A_1309, %broadcast_in_dim3A_1233 : vector<16xf32>
          %swap3A_1311 = arith.constant 0 : i32
          %swap3A_1312 = arith.index_cast %swap3A_1311 : i32 to index
          %swap3A_1313 = arith.index_cast %add3A_1230 : i32 to index
          %swap3A_1314 = arith.constant 80 : index
          %swap3A_1315 = tpu.vector_load %arg10[%swap3A_1312, %swap3A_1313, %swap3A_1314] {strides = array<i32>} : memref<2x128x128xf32, #tpu.memory_space<vmem>>, vector<1x1x16xf32>,
          %swap3A_1316 = vector.shape_cast %swap3A_1315 : vector<1x1x16xf32> to vector<16xf32>
          %swap3A_1317 = vector.shape_cast %mul3A_1310 : vector<16xf32> to vector<1x1x16xf32>
          tpu.vector_store %arg10[%swap3A_1312, %swap3A_1313, %swap3A_1314], %swap3A_1317 {strides = array<i32>} : memref<2x128x128xf32, #tpu.memory_space<vmem>>, vector<1x1x16xf32>,
          %get3A_1318 = arith.constant 0 : i32
          %get3A_1319 = arith.index_cast %get3A_1318 : i32 to index
          %get3A_1320 = arith.index_cast %add3A_1230 : i32 to index
          %get3A_1321 = arith.constant 96 : index
          %get3A_1322 = tpu.vector_load %arg10[%get3A_1319, %get3A_1320, %get3A_1321] {strides = array<i32>} : memref<2x128x128xf32, #tpu.memory_space<vmem>>, vector<1x1x16xf32>,
          %get3A_1323 = vector.shape_cast %get3A_1322 : vector<1x1x16xf32> to vector<16xf32>
          %mul3A_1324 = arith.mulf %get3A_1323, %broadcast_in_dim3A_1233 : vector<16xf32>
          %swap3A_1325 = arith.constant 0 : i32
          %swap3A_1326 = arith.index_cast %swap3A_1325 : i32 to index
          %swap3A_1327 = arith.index_cast %add3A_1230 : i32 to index
          %swap3A_1328 = arith.constant 96 : index
          %swap3A_1329 = tpu.vector_load %arg10[%swap3A_1326, %swap3A_1327, %swap3A_1328] {strides = array<i32>} : memref<2x128x128xf32, #tpu.memory_space<vmem>>, vector<1x1x16xf32>,
          %swap3A_1330 = vector.shape_cast %swap3A_1329 : vector<1x1x16xf32> to vector<16xf32>
          %swap3A_1331 = vector.shape_cast %mul3A_1324 : vector<16xf32> to vector<1x1x16xf32>
          tpu.vector_store %arg10[%swap3A_1326, %swap3A_1327, %swap3A_1328], %swap3A_1331 {strides = array<i32>} : memref<2x128x128xf32, #tpu.memory_space<vmem>>, vector<1x1x16xf32>,
          %get3A_1332 = arith.constant 0 : i32
          %get3A_1333 = arith.index_cast %get3A_1332 : i32 to index
          %get3A_1334 = arith.index_cast %add3A_1230 : i32 to index
          %get3A_1335 = arith.constant 112 : index
          %get3A_1336 = tpu.vector_load %arg10[%get3A_1333, %get3A_1334, %get3A_1335] {strides = array<i32>} : memref<2x128x128xf32, #tpu.memory_space<vmem>>, vector<1x1x16xf32>,
          %get3A_1337 = vector.shape_cast %get3A_1336 : vector<1x1x16xf32> to vector<16xf32>
          %mul3A_1338 = arith.mulf %get3A_1337, %broadcast_in_dim3A_1233 : vector<16xf32>
          %swap3A_1339 = arith.constant 0 : i32
          %swap3A_1340 = arith.index_cast %swap3A_1339 : i32 to index
          %swap3A_1341 = arith.index_cast %add3A_1230 : i32 to index
          %swap3A_1342 = arith.constant 112 : index
          %swap3A_1343 = tpu.vector_load %arg10[%swap3A_1340, %swap3A_1341, %swap3A_1342] {strides = array<i32>} : memref<2x128x128xf32, #tpu.memory_space<vmem>>, vector<1x1x16xf32>,
          %swap3A_1344 = vector.shape_cast %swap3A_1343 : vector<1x1x16xf32> to vector<16xf32>
          %swap3A_1345 = vector.shape_cast %mul3A_1338 : vector<16xf32> to vector<1x1x16xf32>
          tpu.vector_store %arg10[%swap3A_1340, %swap3A_1341, %swap3A_1342], %swap3A_1345 {strides = array<i32>} : memref<2x128x128xf32, #tpu.memory_space<vmem>>, vector<1x1x16xf32>,
          %mul3A_1346 = arith.constant 16 : i32
          %mul3A_1347 = arith.muli %scan3A_150, %mul3A_1346 : i32
          %add3A_1348 = arith.constant 10 : i32
          %add3A_1349 = arith.addi %mul3A_1347, %add3A_1348 : i32
          %slice3A_1350 = vector.extract_strided_slice %get3A_158 {offsets = [10], sizes = [1], strides = [1]} : vector<16xf32> to vector<1xf32>
          %squeeze3A_1351 = vector.extract %slice3A_1350[0] : f32 from vector<1xf32>
          %broadcast_in_dim3A_1352 = vector.broadcast %squeeze3A_1351 : f32 to vector<16xf32>
          %get3A_1353 = arith.constant 0 : i32
          %get3A_1354 = arith.index_cast %get3A_1353 : i32 to index
          %get3A_1355 = arith.index_cast %add3A_1349 : i32 to index
          %get3A_1356 = arith.constant 0 : index
          %get3A_1357 = tpu.vector_load %arg10[%get3A_1354, %get3A_1355, %get3A_1356] {strides = array<i32>} : memref<2x128x128xf32, #tpu.memory_space<vmem>>, vector<1x1x16xf32>,
          %get3A_1358 = vector.shape_cast %get3A_1357 : vector<1x1x16xf32> to vector<16xf32>
          %mul3A_1359 = arith.mulf %get3A_1358, %broadcast_in_dim3A_1352 : vector<16xf32>
          %swap3A_1360 = arith.constant 0 : i32
          %swap3A_1361 = arith.index_cast %swap3A_1360 : i32 to index
          %swap3A_1362 = arith.index_cast %add3A_1349 : i32 to index
          %swap3A_1363 = arith.constant 0 : index
          %swap3A_1364 = tpu.vector_load %arg10[%swap3A_1361, %swap3A_1362, %swap3A_1363] {strides = array<i32>} : memref<2x128x128xf32, #tpu.memory_space<vmem>>, vector<1x1x16xf32>,
          %swap3A_1365 = vector.shape_cast %swap3A_1364 : vector<1x1x16xf32> to vector<16xf32>
          %swap3A_1366 = vector.shape_cast %mul3A_1359 : vector<16xf32> to vector<1x1x16xf32>
          tpu.vector_store %arg10[%swap3A_1361, %swap3A_1362, %swap3A_1363], %swap3A_1366 {strides = array<i32>} : memref<2x128x128xf32, #tpu.memory_space<vmem>>, vector<1x1x16xf32>,
          %get3A_1367 = arith.constant 0 : i32
          %get3A_1368 = arith.index_cast %get3A_1367 : i32 to index
          %get3A_1369 = arith.index_cast %add3A_1349 : i32 to index
          %get3A_1370 = arith.constant 16 : index
          %get3A_1371 = tpu.vector_load %arg10[%get3A_1368, %get3A_1369, %get3A_1370] {strides = array<i32>} : memref<2x128x128xf32, #tpu.memory_space<vmem>>, vector<1x1x16xf32>,
          %get3A_1372 = vector.shape_cast %get3A_1371 : vector<1x1x16xf32> to vector<16xf32>
          %mul3A_1373 = arith.mulf %get3A_1372, %broadcast_in_dim3A_1352 : vector<16xf32>
          %swap3A_1374 = arith.constant 0 : i32
          %swap3A_1375 = arith.index_cast %swap3A_1374 : i32 to index
          %swap3A_1376 = arith.index_cast %add3A_1349 : i32 to index
          %swap3A_1377 = arith.constant 16 : index
          %swap3A_1378 = tpu.vector_load %arg10[%swap3A_1375, %swap3A_1376, %swap3A_1377] {strides = array<i32>} : memref<2x128x128xf32, #tpu.memory_space<vmem>>, vector<1x1x16xf32>,
          %swap3A_1379 = vector.shape_cast %swap3A_1378 : vector<1x1x16xf32> to vector<16xf32>
          %swap3A_1380 = vector.shape_cast %mul3A_1373 : vector<16xf32> to vector<1x1x16xf32>
          tpu.vector_store %arg10[%swap3A_1375, %swap3A_1376, %swap3A_1377], %swap3A_1380 {strides = array<i32>} : memref<2x128x128xf32, #tpu.memory_space<vmem>>, vector<1x1x16xf32>,
          %get3A_1381 = arith.constant 0 : i32
          %get3A_1382 = arith.index_cast %get3A_1381 : i32 to index
          %get3A_1383 = arith.index_cast %add3A_1349 : i32 to index
          %get3A_1384 = arith.constant 32 : index
          %get3A_1385 = tpu.vector_load %arg10[%get3A_1382, %get3A_1383, %get3A_1384] {strides = array<i32>} : memref<2x128x128xf32, #tpu.memory_space<vmem>>, vector<1x1x16xf32>,
          %get3A_1386 = vector.shape_cast %get3A_1385 : vector<1x1x16xf32> to vector<16xf32>
          %mul3A_1387 = arith.mulf %get3A_1386, %broadcast_in_dim3A_1352 : vector<16xf32>
          %swap3A_1388 = arith.constant 0 : i32
          %swap3A_1389 = arith.index_cast %swap3A_1388 : i32 to index
          %swap3A_1390 = arith.index_cast %add3A_1349 : i32 to index
          %swap3A_1391 = arith.constant 32 : index
          %swap3A_1392 = tpu.vector_load %arg10[%swap3A_1389, %swap3A_1390, %swap3A_1391] {strides = array<i32>} : memref<2x128x128xf32, #tpu.memory_space<vmem>>, vector<1x1x16xf32>,
          %swap3A_1393 = vector.shape_cast %swap3A_1392 : vector<1x1x16xf32> to vector<16xf32>
          %swap3A_1394 = vector.shape_cast %mul3A_1387 : vector<16xf32> to vector<1x1x16xf32>
          tpu.vector_store %arg10[%swap3A_1389, %swap3A_1390, %swap3A_1391], %swap3A_1394 {strides = array<i32>} : memref<2x128x128xf32, #tpu.memory_space<vmem>>, vector<1x1x16xf32>,
          %get3A_1395 = arith.constant 0 : i32
          %get3A_1396 = arith.index_cast %get3A_1395 : i32 to index
          %get3A_1397 = arith.index_cast %add3A_1349 : i32 to index
          %get3A_1398 = arith.constant 48 : index
          %get3A_1399 = tpu.vector_load %arg10[%get3A_1396, %get3A_1397, %get3A_1398] {strides = array<i32>} : memref<2x128x128xf32, #tpu.memory_space<vmem>>, vector<1x1x16xf32>,
          %get3A_1400 = vector.shape_cast %get3A_1399 : vector<1x1x16xf32> to vector<16xf32>
          %mul3A_1401 = arith.mulf %get3A_1400, %broadcast_in_dim3A_1352 : vector<16xf32>
          %swap3A_1402 = arith.constant 0 : i32
          %swap3A_1403 = arith.index_cast %swap3A_1402 : i32 to index
          %swap3A_1404 = arith.index_cast %add3A_1349 : i32 to index
          %swap3A_1405 = arith.constant 48 : index
          %swap3A_1406 = tpu.vector_load %arg10[%swap3A_1403, %swap3A_1404, %swap3A_1405] {strides = array<i32>} : memref<2x128x128xf32, #tpu.memory_space<vmem>>, vector<1x1x16xf32>,
          %swap3A_1407 = vector.shape_cast %swap3A_1406 : vector<1x1x16xf32> to vector<16xf32>
          %swap3A_1408 = vector.shape_cast %mul3A_1401 : vector<16xf32> to vector<1x1x16xf32>
          tpu.vector_store %arg10[%swap3A_1403, %swap3A_1404, %swap3A_1405], %swap3A_1408 {strides = array<i32>} : memref<2x128x128xf32, #tpu.memory_space<vmem>>, vector<1x1x16xf32>,
          %get3A_1409 = arith.constant 0 : i32
          %get3A_1410 = arith.index_cast %get3A_1409 : i32 to index
          %get3A_1411 = arith.index_cast %add3A_1349 : i32 to index
          %get3A_1412 = arith.constant 64 : index
          %get3A_1413 = tpu.vector_load %arg10[%get3A_1410, %get3A_1411, %get3A_1412] {strides = array<i32>} : memref<2x128x128xf32, #tpu.memory_space<vmem>>, vector<1x1x16xf32>,
          %get3A_1414 = vector.shape_cast %get3A_1413 : vector<1x1x16xf32> to vector<16xf32>
          %mul3A_1415 = arith.mulf %get3A_1414, %broadcast_in_dim3A_1352 : vector<16xf32>
          %swap3A_1416 = arith.constant 0 : i32
          %swap3A_1417 = arith.index_cast %swap3A_1416 : i32 to index
          %swap3A_1418 = arith.index_cast %add3A_1349 : i32 to index
          %swap3A_1419 = arith.constant 64 : index
          %swap3A_1420 = tpu.vector_load %arg10[%swap3A_1417, %swap3A_1418, %swap3A_1419] {strides = array<i32>} : memref<2x128x128xf32, #tpu.memory_space<vmem>>, vector<1x1x16xf32>,
          %swap3A_1421 = vector.shape_cast %swap3A_1420 : vector<1x1x16xf32> to vector<16xf32>
          %swap3A_1422 = vector.shape_cast %mul3A_1415 : vector<16xf32> to vector<1x1x16xf32>
          tpu.vector_store %arg10[%swap3A_1417, %swap3A_1418, %swap3A_1419], %swap3A_1422 {strides = array<i32>} : memref<2x128x128xf32, #tpu.memory_space<vmem>>, vector<1x1x16xf32>,
          %get3A_1423 = arith.constant 0 : i32
          %get3A_1424 = arith.index_cast %get3A_1423 : i32 to index
          %get3A_1425 = arith.index_cast %add3A_1349 : i32 to index
          %get3A_1426 = arith.constant 80 : index
          %get3A_1427 = tpu.vector_load %arg10[%get3A_1424, %get3A_1425, %get3A_1426] {strides = array<i32>} : memref<2x128x128xf32, #tpu.memory_space<vmem>>, vector<1x1x16xf32>,
          %get3A_1428 = vector.shape_cast %get3A_1427 : vector<1x1x16xf32> to vector<16xf32>
          %mul3A_1429 = arith.mulf %get3A_1428, %broadcast_in_dim3A_1352 : vector<16xf32>
          %swap3A_1430 = arith.constant 0 : i32
          %swap3A_1431 = arith.index_cast %swap3A_1430 : i32 to index
          %swap3A_1432 = arith.index_cast %add3A_1349 : i32 to index
          %swap3A_1433 = arith.constant 80 : index
          %swap3A_1434 = tpu.vector_load %arg10[%swap3A_1431, %swap3A_1432, %swap3A_1433] {strides = array<i32>} : memref<2x128x128xf32, #tpu.memory_space<vmem>>, vector<1x1x16xf32>,
          %swap3A_1435 = vector.shape_cast %swap3A_1434 : vector<1x1x16xf32> to vector<16xf32>
          %swap3A_1436 = vector.shape_cast %mul3A_1429 : vector<16xf32> to vector<1x1x16xf32>
          tpu.vector_store %arg10[%swap3A_1431, %swap3A_1432, %swap3A_1433], %swap3A_1436 {strides = array<i32>} : memref<2x128x128xf32, #tpu.memory_space<vmem>>, vector<1x1x16xf32>,
          %get3A_1437 = arith.constant 0 : i32
          %get3A_1438 = arith.index_cast %get3A_1437 : i32 to index
          %get3A_1439 = arith.index_cast %add3A_1349 : i32 to index
          %get3A_1440 = arith.constant 96 : index
          %get3A_1441 = tpu.vector_load %arg10[%get3A_1438, %get3A_1439, %get3A_1440] {strides = array<i32>} : memref<2x128x128xf32, #tpu.memory_space<vmem>>, vector<1x1x16xf32>,
          %get3A_1442 = vector.shape_cast %get3A_1441 : vector<1x1x16xf32> to vector<16xf32>
          %mul3A_1443 = arith.mulf %get3A_1442, %broadcast_in_dim3A_1352 : vector<16xf32>
          %swap3A_1444 = arith.constant 0 : i32
          %swap3A_1445 = arith.index_cast %swap3A_1444 : i32 to index
          %swap3A_1446 = arith.index_cast %add3A_1349 : i32 to index
          %swap3A_1447 = arith.constant 96 : index
          %swap3A_1448 = tpu.vector_load %arg10[%swap3A_1445, %swap3A_1446, %swap3A_1447] {strides = array<i32>} : memref<2x128x128xf32, #tpu.memory_space<vmem>>, vector<1x1x16xf32>,
          %swap3A_1449 = vector.shape_cast %swap3A_1448 : vector<1x1x16xf32> to vector<16xf32>
          %swap3A_1450 = vector.shape_cast %mul3A_1443 : vector<16xf32> to vector<1x1x16xf32>
          tpu.vector_store %arg10[%swap3A_1445, %swap3A_1446, %swap3A_1447], %swap3A_1450 {strides = array<i32>} : memref<2x128x128xf32, #tpu.memory_space<vmem>>, vector<1x1x16xf32>,
          %get3A_1451 = arith.constant 0 : i32
          %get3A_1452 = arith.index_cast %get3A_1451 : i32 to index
          %get3A_1453 = arith.index_cast %add3A_1349 : i32 to index
          %get3A_1454 = arith.constant 112 : index
          %get3A_1455 = tpu.vector_load %arg10[%get3A_1452, %get3A_1453, %get3A_1454] {strides = array<i32>} : memref<2x128x128xf32, #tpu.memory_space<vmem>>, vector<1x1x16xf32>,
          %get3A_1456 = vector.shape_cast %get3A_1455 : vector<1x1x16xf32> to vector<16xf32>
          %mul3A_1457 = arith.mulf %get3A_1456, %broadcast_in_dim3A_1352 : vector<16xf32>
          %swap3A_1458 = arith.constant 0 : i32
          %swap3A_1459 = arith.index_cast %swap3A_1458 : i32 to index
          %swap3A_1460 = arith.index_cast %add3A_1349 : i32 to index
          %swap3A_1461 = arith.constant 112 : index
          %swap3A_1462 = tpu.vector_load %arg10[%swap3A_1459, %swap3A_1460, %swap3A_1461] {strides = array<i32>} : memref<2x128x128xf32, #tpu.memory_space<vmem>>, vector<1x1x16xf32>,
          %swap3A_1463 = vector.shape_cast %swap3A_1462 : vector<1x1x16xf32> to vector<16xf32>
          %swap3A_1464 = vector.shape_cast %mul3A_1457 : vector<16xf32> to vector<1x1x16xf32>
          tpu.vector_store %arg10[%swap3A_1459, %swap3A_1460, %swap3A_1461], %swap3A_1464 {strides = array<i32>} : memref<2x128x128xf32, #tpu.memory_space<vmem>>, vector<1x1x16xf32>,
          %mul3A_1465 = arith.constant 16 : i32
          %mul3A_1466 = arith.muli %scan3A_150, %mul3A_1465 : i32
          %add3A_1467 = arith.constant 11 : i32
          %add3A_1468 = arith.addi %mul3A_1466, %add3A_1467 : i32
          %slice3A_1469 = vector.extract_strided_slice %get3A_158 {offsets = [11], sizes = [1], strides = [1]} : vector<16xf32> to vector<1xf32>
          %squeeze3A_1470 = vector.extract %slice3A_1469[0] : f32 from vector<1xf32>
          %broadcast_in_dim3A_1471 = vector.broadcast %squeeze3A_1470 : f32 to vector<16xf32>
          %get3A_1472 = arith.constant 0 : i32
          %get3A_1473 = arith.index_cast %get3A_1472 : i32 to index
          %get3A_1474 = arith.index_cast %add3A_1468 : i32 to index
          %get3A_1475 = arith.constant 0 : index
          %get3A_1476 = tpu.vector_load %arg10[%get3A_1473, %get3A_1474, %get3A_1475] {strides = array<i32>} : memref<2x128x128xf32, #tpu.memory_space<vmem>>, vector<1x1x16xf32>,
          %get3A_1477 = vector.shape_cast %get3A_1476 : vector<1x1x16xf32> to vector<16xf32>
          %mul3A_1478 = arith.mulf %get3A_1477, %broadcast_in_dim3A_1471 : vector<16xf32>
          %swap3A_1479 = arith.constant 0 : i32
          %swap3A_1480 = arith.index_cast %swap3A_1479 : i32 to index
          %swap3A_1481 = arith.index_cast %add3A_1468 : i32 to index
          %swap3A_1482 = arith.constant 0 : index
          %swap3A_1483 = tpu.vector_load %arg10[%swap3A_1480, %swap3A_1481, %swap3A_1482] {strides = array<i32>} : memref<2x128x128xf32, #tpu.memory_space<vmem>>, vector<1x1x16xf32>,
          %swap3A_1484 = vector.shape_cast %swap3A_1483 : vector<1x1x16xf32> to vector<16xf32>
          %swap3A_1485 = vector.shape_cast %mul3A_1478 : vector<16xf32> to vector<1x1x16xf32>
          tpu.vector_store %arg10[%swap3A_1480, %swap3A_1481, %swap3A_1482], %swap3A_1485 {strides = array<i32>} : memref<2x128x128xf32, #tpu.memory_space<vmem>>, vector<1x1x16xf32>,
          %get3A_1486 = arith.constant 0 : i32
          %get3A_1487 = arith.index_cast %get3A_1486 : i32 to index
          %get3A_1488 = arith.index_cast %add3A_1468 : i32 to index
          %get3A_1489 = arith.constant 16 : index
          %get3A_1490 = tpu.vector_load %arg10[%get3A_1487, %get3A_1488, %get3A_1489] {strides = array<i32>} : memref<2x128x128xf32, #tpu.memory_space<vmem>>, vector<1x1x16xf32>,
          %get3A_1491 = vector.shape_cast %get3A_1490 : vector<1x1x16xf32> to vector<16xf32>
          %mul3A_1492 = arith.mulf %get3A_1491, %broadcast_in_dim3A_1471 : vector<16xf32>
          %swap3A_1493 = arith.constant 0 : i32
          %swap3A_1494 = arith.index_cast %swap3A_1493 : i32 to index
          %swap3A_1495 = arith.index_cast %add3A_1468 : i32 to index
          %swap3A_1496 = arith.constant 16 : index
          %swap3A_1497 = tpu.vector_load %arg10[%swap3A_1494, %swap3A_1495, %swap3A_1496] {strides = array<i32>} : memref<2x128x128xf32, #tpu.memory_space<vmem>>, vector<1x1x16xf32>,
          %swap3A_1498 = vector.shape_cast %swap3A_1497 : vector<1x1x16xf32> to vector<16xf32>
          %swap3A_1499 = vector.shape_cast %mul3A_1492 : vector<16xf32> to vector<1x1x16xf32>
          tpu.vector_store %arg10[%swap3A_1494, %swap3A_1495, %swap3A_1496], %swap3A_1499 {strides = array<i32>} : memref<2x128x128xf32, #tpu.memory_space<vmem>>, vector<1x1x16xf32>,
          %get3A_1500 = arith.constant 0 : i32
          %get3A_1501 = arith.index_cast %get3A_1500 : i32 to index
          %get3A_1502 = arith.index_cast %add3A_1468 : i32 to index
          %get3A_1503 = arith.constant 32 : index
          %get3A_1504 = tpu.vector_load %arg10[%get3A_1501, %get3A_1502, %get3A_1503] {strides = array<i32>} : memref<2x128x128xf32, #tpu.memory_space<vmem>>, vector<1x1x16xf32>,
          %get3A_1505 = vector.shape_cast %get3A_1504 : vector<1x1x16xf32> to vector<16xf32>
          %mul3A_1506 = arith.mulf %get3A_1505, %broadcast_in_dim3A_1471 : vector<16xf32>
          %swap3A_1507 = arith.constant 0 : i32
          %swap3A_1508 = arith.index_cast %swap3A_1507 : i32 to index
          %swap3A_1509 = arith.index_cast %add3A_1468 : i32 to index
          %swap3A_1510 = arith.constant 32 : index
          %swap3A_1511 = tpu.vector_load %arg10[%swap3A_1508, %swap3A_1509, %swap3A_1510] {strides = array<i32>} : memref<2x128x128xf32, #tpu.memory_space<vmem>>, vector<1x1x16xf32>,
          %swap3A_1512 = vector.shape_cast %swap3A_1511 : vector<1x1x16xf32> to vector<16xf32>
          %swap3A_1513 = vector.shape_cast %mul3A_1506 : vector<16xf32> to vector<1x1x16xf32>
          tpu.vector_store %arg10[%swap3A_1508, %swap3A_1509, %swap3A_1510], %swap3A_1513 {strides = array<i32>} : memref<2x128x128xf32, #tpu.memory_space<vmem>>, vector<1x1x16xf32>,
          %get3A_1514 = arith.constant 0 : i32
          %get3A_1515 = arith.index_cast %get3A_1514 : i32 to index
          %get3A_1516 = arith.index_cast %add3A_1468 : i32 to index
          %get3A_1517 = arith.constant 48 : index
          %get3A_1518 = tpu.vector_load %arg10[%get3A_1515, %get3A_1516, %get3A_1517] {strides = array<i32>} : memref<2x128x128xf32, #tpu.memory_space<vmem>>, vector<1x1x16xf32>,
          %get3A_1519 = vector.shape_cast %get3A_1518 : vector<1x1x16xf32> to vector<16xf32>
          %mul3A_1520 = arith.mulf %get3A_1519, %broadcast_in_dim3A_1471 : vector<16xf32>
          %swap3A_1521 = arith.constant 0 : i32
          %swap3A_1522 = arith.index_cast %swap3A_1521 : i32 to index
          %swap3A_1523 = arith.index_cast %add3A_1468 : i32 to index
          %swap3A_1524 = arith.constant 48 : index
          %swap3A_1525 = tpu.vector_load %arg10[%swap3A_1522, %swap3A_1523, %swap3A_1524] {strides = array<i32>} : memref<2x128x128xf32, #tpu.memory_space<vmem>>, vector<1x1x16xf32>,
          %swap3A_1526 = vector.shape_cast %swap3A_1525 : vector<1x1x16xf32> to vector<16xf32>
          %swap3A_1527 = vector.shape_cast %mul3A_1520 : vector<16xf32> to vector<1x1x16xf32>
          tpu.vector_store %arg10[%swap3A_1522, %swap3A_1523, %swap3A_1524], %swap3A_1527 {strides = array<i32>} : memref<2x128x128xf32, #tpu.memory_space<vmem>>, vector<1x1x16xf32>,
          %get3A_1528 = arith.constant 0 : i32
          %get3A_1529 = arith.index_cast %get3A_1528 : i32 to index
          %get3A_1530 = arith.index_cast %add3A_1468 : i32 to index
          %get3A_1531 = arith.constant 64 : index
          %get3A_1532 = tpu.vector_load %arg10[%get3A_1529, %get3A_1530, %get3A_1531] {strides = array<i32>} : memref<2x128x128xf32, #tpu.memory_space<vmem>>, vector<1x1x16xf32>,
          %get3A_1533 = vector.shape_cast %get3A_1532 : vector<1x1x16xf32> to vector<16xf32>
          %mul3A_1534 = arith.mulf %get3A_1533, %broadcast_in_dim3A_1471 : vector<16xf32>
          %swap3A_1535 = arith.constant 0 : i32
          %swap3A_1536 = arith.index_cast %swap3A_1535 : i32 to index
          %swap3A_1537 = arith.index_cast %add3A_1468 : i32 to index
          %swap3A_1538 = arith.constant 64 : index
          %swap3A_1539 = tpu.vector_load %arg10[%swap3A_1536, %swap3A_1537, %swap3A_1538] {strides = array<i32>} : memref<2x128x128xf32, #tpu.memory_space<vmem>>, vector<1x1x16xf32>,
          %swap3A_1540 = vector.shape_cast %swap3A_1539 : vector<1x1x16xf32> to vector<16xf32>
          %swap3A_1541 = vector.shape_cast %mul3A_1534 : vector<16xf32> to vector<1x1x16xf32>
          tpu.vector_store %arg10[%swap3A_1536, %swap3A_1537, %swap3A_1538], %swap3A_1541 {strides = array<i32>} : memref<2x128x128xf32, #tpu.memory_space<vmem>>, vector<1x1x16xf32>,
          %get3A_1542 = arith.constant 0 : i32
          %get3A_1543 = arith.index_cast %get3A_1542 : i32 to index
          %get3A_1544 = arith.index_cast %add3A_1468 : i32 to index
          %get3A_1545 = arith.constant 80 : index
          %get3A_1546 = tpu.vector_load %arg10[%get3A_1543, %get3A_1544, %get3A_1545] {strides = array<i32>} : memref<2x128x128xf32, #tpu.memory_space<vmem>>, vector<1x1x16xf32>,
          %get3A_1547 = vector.shape_cast %get3A_1546 : vector<1x1x16xf32> to vector<16xf32>
          %mul3A_1548 = arith.mulf %get3A_1547, %broadcast_in_dim3A_1471 : vector<16xf32>
          %swap3A_1549 = arith.constant 0 : i32
          %swap3A_1550 = arith.index_cast %swap3A_1549 : i32 to index
          %swap3A_1551 = arith.index_cast %add3A_1468 : i32 to index
          %swap3A_1552 = arith.constant 80 : index
          %swap3A_1553 = tpu.vector_load %arg10[%swap3A_1550, %swap3A_1551, %swap3A_1552] {strides = array<i32>} : memref<2x128x128xf32, #tpu.memory_space<vmem>>, vector<1x1x16xf32>,
          %swap3A_1554 = vector.shape_cast %swap3A_1553 : vector<1x1x16xf32> to vector<16xf32>
          %swap3A_1555 = vector.shape_cast %mul3A_1548 : vector<16xf32> to vector<1x1x16xf32>
          tpu.vector_store %arg10[%swap3A_1550, %swap3A_1551, %swap3A_1552], %swap3A_1555 {strides = array<i32>} : memref<2x128x128xf32, #tpu.memory_space<vmem>>, vector<1x1x16xf32>,
          %get3A_1556 = arith.constant 0 : i32
          %get3A_1557 = arith.index_cast %get3A_1556 : i32 to index
          %get3A_1558 = arith.index_cast %add3A_1468 : i32 to index
          %get3A_1559 = arith.constant 96 : index
          %get3A_1560 = tpu.vector_load %arg10[%get3A_1557, %get3A_1558, %get3A_1559] {strides = array<i32>} : memref<2x128x128xf32, #tpu.memory_space<vmem>>, vector<1x1x16xf32>,
          %get3A_1561 = vector.shape_cast %get3A_1560 : vector<1x1x16xf32> to vector<16xf32>
          %mul3A_1562 = arith.mulf %get3A_1561, %broadcast_in_dim3A_1471 : vector<16xf32>
          %swap3A_1563 = arith.constant 0 : i32
          %swap3A_1564 = arith.index_cast %swap3A_1563 : i32 to index
          %swap3A_1565 = arith.index_cast %add3A_1468 : i32 to index
          %swap3A_1566 = arith.constant 96 : index
          %swap3A_1567 = tpu.vector_load %arg10[%swap3A_1564, %swap3A_1565, %swap3A_1566] {strides = array<i32>} : memref<2x128x128xf32, #tpu.memory_space<vmem>>, vector<1x1x16xf32>,
          %swap3A_1568 = vector.shape_cast %swap3A_1567 : vector<1x1x16xf32> to vector<16xf32>
          %swap3A_1569 = vector.shape_cast %mul3A_1562 : vector<16xf32> to vector<1x1x16xf32>
          tpu.vector_store %arg10[%swap3A_1564, %swap3A_1565, %swap3A_1566], %swap3A_1569 {strides = array<i32>} : memref<2x128x128xf32, #tpu.memory_space<vmem>>, vector<1x1x16xf32>,
          %get3A_1570 = arith.constant 0 : i32
          %get3A_1571 = arith.index_cast %get3A_1570 : i32 to index
          %get3A_1572 = arith.index_cast %add3A_1468 : i32 to index
          %get3A_1573 = arith.constant 112 : index
          %get3A_1574 = tpu.vector_load %arg10[%get3A_1571, %get3A_1572, %get3A_1573] {strides = array<i32>} : memref<2x128x128xf32, #tpu.memory_space<vmem>>, vector<1x1x16xf32>,
          %get3A_1575 = vector.shape_cast %get3A_1574 : vector<1x1x16xf32> to vector<16xf32>
          %mul3A_1576 = arith.mulf %get3A_1575, %broadcast_in_dim3A_1471 : vector<16xf32>
          %swap3A_1577 = arith.constant 0 : i32
          %swap3A_1578 = arith.index_cast %swap3A_1577 : i32 to index
          %swap3A_1579 = arith.index_cast %add3A_1468 : i32 to index
          %swap3A_1580 = arith.constant 112 : index
          %swap3A_1581 = tpu.vector_load %arg10[%swap3A_1578, %swap3A_1579, %swap3A_1580] {strides = array<i32>} : memref<2x128x128xf32, #tpu.memory_space<vmem>>, vector<1x1x16xf32>,
          %swap3A_1582 = vector.shape_cast %swap3A_1581 : vector<1x1x16xf32> to vector<16xf32>
          %swap3A_1583 = vector.shape_cast %mul3A_1576 : vector<16xf32> to vector<1x1x16xf32>
          tpu.vector_store %arg10[%swap3A_1578, %swap3A_1579, %swap3A_1580], %swap3A_1583 {strides = array<i32>} : memref<2x128x128xf32, #tpu.memory_space<vmem>>, vector<1x1x16xf32>,
          %mul3A_1584 = arith.constant 16 : i32
          %mul3A_1585 = arith.muli %scan3A_150, %mul3A_1584 : i32
          %add3A_1586 = arith.constant 12 : i32
          %add3A_1587 = arith.addi %mul3A_1585, %add3A_1586 : i32
          %slice3A_1588 = vector.extract_strided_slice %get3A_158 {offsets = [12], sizes = [1], strides = [1]} : vector<16xf32> to vector<1xf32>
          %squeeze3A_1589 = vector.extract %slice3A_1588[0] : f32 from vector<1xf32>
          %broadcast_in_dim3A_1590 = vector.broadcast %squeeze3A_1589 : f32 to vector<16xf32>
          %get3A_1591 = arith.constant 0 : i32
          %get3A_1592 = arith.index_cast %get3A_1591 : i32 to index
          %get3A_1593 = arith.index_cast %add3A_1587 : i32 to index
          %get3A_1594 = arith.constant 0 : index
          %get3A_1595 = tpu.vector_load %arg10[%get3A_1592, %get3A_1593, %get3A_1594] {strides = array<i32>} : memref<2x128x128xf32, #tpu.memory_space<vmem>>, vector<1x1x16xf32>,
          %get3A_1596 = vector.shape_cast %get3A_1595 : vector<1x1x16xf32> to vector<16xf32>
          %mul3A_1597 = arith.mulf %get3A_1596, %broadcast_in_dim3A_1590 : vector<16xf32>
          %swap3A_1598 = arith.constant 0 : i32
          %swap3A_1599 = arith.index_cast %swap3A_1598 : i32 to index
          %swap3A_1600 = arith.index_cast %add3A_1587 : i32 to index
          %swap3A_1601 = arith.constant 0 : index
          %swap3A_1602 = tpu.vector_load %arg10[%swap3A_1599, %swap3A_1600, %swap3A_1601] {strides = array<i32>} : memref<2x128x128xf32, #tpu.memory_space<vmem>>, vector<1x1x16xf32>,
          %swap3A_1603 = vector.shape_cast %swap3A_1602 : vector<1x1x16xf32> to vector<16xf32>
          %swap3A_1604 = vector.shape_cast %mul3A_1597 : vector<16xf32> to vector<1x1x16xf32>
          tpu.vector_store %arg10[%swap3A_1599, %swap3A_1600, %swap3A_1601], %swap3A_1604 {strides = array<i32>} : memref<2x128x128xf32, #tpu.memory_space<vmem>>, vector<1x1x16xf32>,
          %get3A_1605 = arith.constant 0 : i32
          %get3A_1606 = arith.index_cast %get3A_1605 : i32 to index
          %get3A_1607 = arith.index_cast %add3A_1587 : i32 to index
          %get3A_1608 = arith.constant 16 : index
          %get3A_1609 = tpu.vector_load %arg10[%get3A_1606, %get3A_1607, %get3A_1608] {strides = array<i32>} : memref<2x128x128xf32, #tpu.memory_space<vmem>>, vector<1x1x16xf32>,
          %get3A_1610 = vector.shape_cast %get3A_1609 : vector<1x1x16xf32> to vector<16xf32>
          %mul3A_1611 = arith.mulf %get3A_1610, %broadcast_in_dim3A_1590 : vector<16xf32>
          %swap3A_1612 = arith.constant 0 : i32
          %swap3A_1613 = arith.index_cast %swap3A_1612 : i32 to index
          %swap3A_1614 = arith.index_cast %add3A_1587 : i32 to index
          %swap3A_1615 = arith.constant 16 : index
          %swap3A_1616 = tpu.vector_load %arg10[%swap3A_1613, %swap3A_1614, %swap3A_1615] {strides = array<i32>} : memref<2x128x128xf32, #tpu.memory_space<vmem>>, vector<1x1x16xf32>,
          %swap3A_1617 = vector.shape_cast %swap3A_1616 : vector<1x1x16xf32> to vector<16xf32>
          %swap3A_1618 = vector.shape_cast %mul3A_1611 : vector<16xf32> to vector<1x1x16xf32>
          tpu.vector_store %arg10[%swap3A_1613, %swap3A_1614, %swap3A_1615], %swap3A_1618 {strides = array<i32>} : memref<2x128x128xf32, #tpu.memory_space<vmem>>, vector<1x1x16xf32>,
          %get3A_1619 = arith.constant 0 : i32
          %get3A_1620 = arith.index_cast %get3A_1619 : i32 to index
          %get3A_1621 = arith.index_cast %add3A_1587 : i32 to index
          %get3A_1622 = arith.constant 32 : index
          %get3A_1623 = tpu.vector_load %arg10[%get3A_1620, %get3A_1621, %get3A_1622] {strides = array<i32>} : memref<2x128x128xf32, #tpu.memory_space<vmem>>, vector<1x1x16xf32>,
          %get3A_1624 = vector.shape_cast %get3A_1623 : vector<1x1x16xf32> to vector<16xf32>
          %mul3A_1625 = arith.mulf %get3A_1624, %broadcast_in_dim3A_1590 : vector<16xf32>
          %swap3A_1626 = arith.constant 0 : i32
          %swap3A_1627 = arith.index_cast %swap3A_1626 : i32 to index
          %swap3A_1628 = arith.index_cast %add3A_1587 : i32 to index
          %swap3A_1629 = arith.constant 32 : index
          %swap3A_1630 = tpu.vector_load %arg10[%swap3A_1627, %swap3A_1628, %swap3A_1629] {strides = array<i32>} : memref<2x128x128xf32, #tpu.memory_space<vmem>>, vector<1x1x16xf32>,
          %swap3A_1631 = vector.shape_cast %swap3A_1630 : vector<1x1x16xf32> to vector<16xf32>
          %swap3A_1632 = vector.shape_cast %mul3A_1625 : vector<16xf32> to vector<1x1x16xf32>
          tpu.vector_store %arg10[%swap3A_1627, %swap3A_1628, %swap3A_1629], %swap3A_1632 {strides = array<i32>} : memref<2x128x128xf32, #tpu.memory_space<vmem>>, vector<1x1x16xf32>,
          %get3A_1633 = arith.constant 0 : i32
          %get3A_1634 = arith.index_cast %get3A_1633 : i32 to index
          %get3A_1635 = arith.index_cast %add3A_1587 : i32 to index
          %get3A_1636 = arith.constant 48 : index
          %get3A_1637 = tpu.vector_load %arg10[%get3A_1634, %get3A_1635, %get3A_1636] {strides = array<i32>} : memref<2x128x128xf32, #tpu.memory_space<vmem>>, vector<1x1x16xf32>,
          %get3A_1638 = vector.shape_cast %get3A_1637 : vector<1x1x16xf32> to vector<16xf32>
          %mul3A_1639 = arith.mulf %get3A_1638, %broadcast_in_dim3A_1590 : vector<16xf32>
          %swap3A_1640 = arith.constant 0 : i32
          %swap3A_1641 = arith.index_cast %swap3A_1640 : i32 to index
          %swap3A_1642 = arith.index_cast %add3A_1587 : i32 to index
          %swap3A_1643 = arith.constant 48 : index
          %swap3A_1644 = tpu.vector_load %arg10[%swap3A_1641, %swap3A_1642, %swap3A_1643] {strides = array<i32>} : memref<2x128x128xf32, #tpu.memory_space<vmem>>, vector<1x1x16xf32>,
          %swap3A_1645 = vector.shape_cast %swap3A_1644 : vector<1x1x16xf32> to vector<16xf32>
          %swap3A_1646 = vector.shape_cast %mul3A_1639 : vector<16xf32> to vector<1x1x16xf32>
          tpu.vector_store %arg10[%swap3A_1641, %swap3A_1642, %swap3A_1643], %swap3A_1646 {strides = array<i32>} : memref<2x128x128xf32, #tpu.memory_space<vmem>>, vector<1x1x16xf32>,
          %get3A_1647 = arith.constant 0 : i32
          %get3A_1648 = arith.index_cast %get3A_1647 : i32 to index
          %get3A_1649 = arith.index_cast %add3A_1587 : i32 to index
          %get3A_1650 = arith.constant 64 : index
          %get3A_1651 = tpu.vector_load %arg10[%get3A_1648, %get3A_1649, %get3A_1650] {strides = array<i32>} : memref<2x128x128xf32, #tpu.memory_space<vmem>>, vector<1x1x16xf32>,
          %get3A_1652 = vector.shape_cast %get3A_1651 : vector<1x1x16xf32> to vector<16xf32>
          %mul3A_1653 = arith.mulf %get3A_1652, %broadcast_in_dim3A_1590 : vector<16xf32>
          %swap3A_1654 = arith.constant 0 : i32
          %swap3A_1655 = arith.index_cast %swap3A_1654 : i32 to index
          %swap3A_1656 = arith.index_cast %add3A_1587 : i32 to index
          %swap3A_1657 = arith.constant 64 : index
          %swap3A_1658 = tpu.vector_load %arg10[%swap3A_1655, %swap3A_1656, %swap3A_1657] {strides = array<i32>} : memref<2x128x128xf32, #tpu.memory_space<vmem>>, vector<1x1x16xf32>,
          %swap3A_1659 = vector.shape_cast %swap3A_1658 : vector<1x1x16xf32> to vector<16xf32>
          %swap3A_1660 = vector.shape_cast %mul3A_1653 : vector<16xf32> to vector<1x1x16xf32>
          tpu.vector_store %arg10[%swap3A_1655, %swap3A_1656, %swap3A_1657], %swap3A_1660 {strides = array<i32>} : memref<2x128x128xf32, #tpu.memory_space<vmem>>, vector<1x1x16xf32>,
          %get3A_1661 = arith.constant 0 : i32
          %get3A_1662 = arith.index_cast %get3A_1661 : i32 to index
          %get3A_1663 = arith.index_cast %add3A_1587 : i32 to index
          %get3A_1664 = arith.constant 80 : index
          %get3A_1665 = tpu.vector_load %arg10[%get3A_1662, %get3A_1663, %get3A_1664] {strides = array<i32>} : memref<2x128x128xf32, #tpu.memory_space<vmem>>, vector<1x1x16xf32>,
          %get3A_1666 = vector.shape_cast %get3A_1665 : vector<1x1x16xf32> to vector<16xf32>
          %mul3A_1667 = arith.mulf %get3A_1666, %broadcast_in_dim3A_1590 : vector<16xf32>
          %swap3A_1668 = arith.constant 0 : i32
          %swap3A_1669 = arith.index_cast %swap3A_1668 : i32 to index
          %swap3A_1670 = arith.index_cast %add3A_1587 : i32 to index
          %swap3A_1671 = arith.constant 80 : index
          %swap3A_1672 = tpu.vector_load %arg10[%swap3A_1669, %swap3A_1670, %swap3A_1671] {strides = array<i32>} : memref<2x128x128xf32, #tpu.memory_space<vmem>>, vector<1x1x16xf32>,
          %swap3A_1673 = vector.shape_cast %swap3A_1672 : vector<1x1x16xf32> to vector<16xf32>
          %swap3A_1674 = vector.shape_cast %mul3A_1667 : vector<16xf32> to vector<1x1x16xf32>
          tpu.vector_store %arg10[%swap3A_1669, %swap3A_1670, %swap3A_1671], %swap3A_1674 {strides = array<i32>} : memref<2x128x128xf32, #tpu.memory_space<vmem>>, vector<1x1x16xf32>,
          %get3A_1675 = arith.constant 0 : i32
          %get3A_1676 = arith.index_cast %get3A_1675 : i32 to index
          %get3A_1677 = arith.index_cast %add3A_1587 : i32 to index
          %get3A_1678 = arith.constant 96 : index
          %get3A_1679 = tpu.vector_load %arg10[%get3A_1676, %get3A_1677, %get3A_1678] {strides = array<i32>} : memref<2x128x128xf32, #tpu.memory_space<vmem>>, vector<1x1x16xf32>,
          %get3A_1680 = vector.shape_cast %get3A_1679 : vector<1x1x16xf32> to vector<16xf32>
          %mul3A_1681 = arith.mulf %get3A_1680, %broadcast_in_dim3A_1590 : vector<16xf32>
          %swap3A_1682 = arith.constant 0 : i32
          %swap3A_1683 = arith.index_cast %swap3A_1682 : i32 to index
          %swap3A_1684 = arith.index_cast %add3A_1587 : i32 to index
          %swap3A_1685 = arith.constant 96 : index
          %swap3A_1686 = tpu.vector_load %arg10[%swap3A_1683, %swap3A_1684, %swap3A_1685] {strides = array<i32>} : memref<2x128x128xf32, #tpu.memory_space<vmem>>, vector<1x1x16xf32>,
          %swap3A_1687 = vector.shape_cast %swap3A_1686 : vector<1x1x16xf32> to vector<16xf32>
          %swap3A_1688 = vector.shape_cast %mul3A_1681 : vector<16xf32> to vector<1x1x16xf32>
          tpu.vector_store %arg10[%swap3A_1683, %swap3A_1684, %swap3A_1685], %swap3A_1688 {strides = array<i32>} : memref<2x128x128xf32, #tpu.memory_space<vmem>>, vector<1x1x16xf32>,
          %get3A_1689 = arith.constant 0 : i32
          %get3A_1690 = arith.index_cast %get3A_1689 : i32 to index
          %get3A_1691 = arith.index_cast %add3A_1587 : i32 to index
          %get3A_1692 = arith.constant 112 : index
          %get3A_1693 = tpu.vector_load %arg10[%get3A_1690, %get3A_1691, %get3A_1692] {strides = array<i32>} : memref<2x128x128xf32, #tpu.memory_space<vmem>>, vector<1x1x16xf32>,
          %get3A_1694 = vector.shape_cast %get3A_1693 : vector<1x1x16xf32> to vector<16xf32>
          %mul3A_1695 = arith.mulf %get3A_1694, %broadcast_in_dim3A_1590 : vector<16xf32>
          %swap3A_1696 = arith.constant 0 : i32
          %swap3A_1697 = arith.index_cast %swap3A_1696 : i32 to index
          %swap3A_1698 = arith.index_cast %add3A_1587 : i32 to index
          %swap3A_1699 = arith.constant 112 : index
          %swap3A_1700 = tpu.vector_load %arg10[%swap3A_1697, %swap3A_1698, %swap3A_1699] {strides = array<i32>} : memref<2x128x128xf32, #tpu.memory_space<vmem>>, vector<1x1x16xf32>,
          %swap3A_1701 = vector.shape_cast %swap3A_1700 : vector<1x1x16xf32> to vector<16xf32>
          %swap3A_1702 = vector.shape_cast %mul3A_1695 : vector<16xf32> to vector<1x1x16xf32>
          tpu.vector_store %arg10[%swap3A_1697, %swap3A_1698, %swap3A_1699], %swap3A_1702 {strides = array<i32>} : memref<2x128x128xf32, #tpu.memory_space<vmem>>, vector<1x1x16xf32>,
          %mul3A_1703 = arith.constant 16 : i32
          %mul3A_1704 = arith.muli %scan3A_150, %mul3A_1703 : i32
          %add3A_1705 = arith.constant 13 : i32
          %add3A_1706 = arith.addi %mul3A_1704, %add3A_1705 : i32
          %slice3A_1707 = vector.extract_strided_slice %get3A_158 {offsets = [13], sizes = [1], strides = [1]} : vector<16xf32> to vector<1xf32>
          %squeeze3A_1708 = vector.extract %slice3A_1707[0] : f32 from vector<1xf32>
          %broadcast_in_dim3A_1709 = vector.broadcast %squeeze3A_1708 : f32 to vector<16xf32>
          %get3A_1710 = arith.constant 0 : i32
          %get3A_1711 = arith.index_cast %get3A_1710 : i32 to index
          %get3A_1712 = arith.index_cast %add3A_1706 : i32 to index
          %get3A_1713 = arith.constant 0 : index
          %get3A_1714 = tpu.vector_load %arg10[%get3A_1711, %get3A_1712, %get3A_1713] {strides = array<i32>} : memref<2x128x128xf32, #tpu.memory_space<vmem>>, vector<1x1x16xf32>,
          %get3A_1715 = vector.shape_cast %get3A_1714 : vector<1x1x16xf32> to vector<16xf32>
          %mul3A_1716 = arith.mulf %get3A_1715, %broadcast_in_dim3A_1709 : vector<16xf32>
          %swap3A_1717 = arith.constant 0 : i32
          %swap3A_1718 = arith.index_cast %swap3A_1717 : i32 to index
          %swap3A_1719 = arith.index_cast %add3A_1706 : i32 to index
          %swap3A_1720 = arith.constant 0 : index
          %swap3A_1721 = tpu.vector_load %arg10[%swap3A_1718, %swap3A_1719, %swap3A_1720] {strides = array<i32>} : memref<2x128x128xf32, #tpu.memory_space<vmem>>, vector<1x1x16xf32>,
          %swap3A_1722 = vector.shape_cast %swap3A_1721 : vector<1x1x16xf32> to vector<16xf32>
          %swap3A_1723 = vector.shape_cast %mul3A_1716 : vector<16xf32> to vector<1x1x16xf32>
          tpu.vector_store %arg10[%swap3A_1718, %swap3A_1719, %swap3A_1720], %swap3A_1723 {strides = array<i32>} : memref<2x128x128xf32, #tpu.memory_space<vmem>>, vector<1x1x16xf32>,
          %get3A_1724 = arith.constant 0 : i32
          %get3A_1725 = arith.index_cast %get3A_1724 : i32 to index
          %get3A_1726 = arith.index_cast %add3A_1706 : i32 to index
          %get3A_1727 = arith.constant 16 : index
          %get3A_1728 = tpu.vector_load %arg10[%get3A_1725, %get3A_1726, %get3A_1727] {strides = array<i32>} : memref<2x128x128xf32, #tpu.memory_space<vmem>>, vector<1x1x16xf32>,
          %get3A_1729 = vector.shape_cast %get3A_1728 : vector<1x1x16xf32> to vector<16xf32>
          %mul3A_1730 = arith.mulf %get3A_1729, %broadcast_in_dim3A_1709 : vector<16xf32>
          %swap3A_1731 = arith.constant 0 : i32
          %swap3A_1732 = arith.index_cast %swap3A_1731 : i32 to index
          %swap3A_1733 = arith.index_cast %add3A_1706 : i32 to index
          %swap3A_1734 = arith.constant 16 : index
          %swap3A_1735 = tpu.vector_load %arg10[%swap3A_1732, %swap3A_1733, %swap3A_1734] {strides = array<i32>} : memref<2x128x128xf32, #tpu.memory_space<vmem>>, vector<1x1x16xf32>,
          %swap3A_1736 = vector.shape_cast %swap3A_1735 : vector<1x1x16xf32> to vector<16xf32>
          %swap3A_1737 = vector.shape_cast %mul3A_1730 : vector<16xf32> to vector<1x1x16xf32>
          tpu.vector_store %arg10[%swap3A_1732, %swap3A_1733, %swap3A_1734], %swap3A_1737 {strides = array<i32>} : memref<2x128x128xf32, #tpu.memory_space<vmem>>, vector<1x1x16xf32>,
          %get3A_1738 = arith.constant 0 : i32
          %get3A_1739 = arith.index_cast %get3A_1738 : i32 to index
          %get3A_1740 = arith.index_cast %add3A_1706 : i32 to index
          %get3A_1741 = arith.constant 32 : index
          %get3A_1742 = tpu.vector_load %arg10[%get3A_1739, %get3A_1740, %get3A_1741] {strides = array<i32>} : memref<2x128x128xf32, #tpu.memory_space<vmem>>, vector<1x1x16xf32>,
          %get3A_1743 = vector.shape_cast %get3A_1742 : vector<1x1x16xf32> to vector<16xf32>
          %mul3A_1744 = arith.mulf %get3A_1743, %broadcast_in_dim3A_1709 : vector<16xf32>
          %swap3A_1745 = arith.constant 0 : i32
          %swap3A_1746 = arith.index_cast %swap3A_1745 : i32 to index
          %swap3A_1747 = arith.index_cast %add3A_1706 : i32 to index
          %swap3A_1748 = arith.constant 32 : index
          %swap3A_1749 = tpu.vector_load %arg10[%swap3A_1746, %swap3A_1747, %swap3A_1748] {strides = array<i32>} : memref<2x128x128xf32, #tpu.memory_space<vmem>>, vector<1x1x16xf32>,
          %swap3A_1750 = vector.shape_cast %swap3A_1749 : vector<1x1x16xf32> to vector<16xf32>
          %swap3A_1751 = vector.shape_cast %mul3A_1744 : vector<16xf32> to vector<1x1x16xf32>
          tpu.vector_store %arg10[%swap3A_1746, %swap3A_1747, %swap3A_1748], %swap3A_1751 {strides = array<i32>} : memref<2x128x128xf32, #tpu.memory_space<vmem>>, vector<1x1x16xf32>,
          %get3A_1752 = arith.constant 0 : i32
          %get3A_1753 = arith.index_cast %get3A_1752 : i32 to index
          %get3A_1754 = arith.index_cast %add3A_1706 : i32 to index
          %get3A_1755 = arith.constant 48 : index
          %get3A_1756 = tpu.vector_load %arg10[%get3A_1753, %get3A_1754, %get3A_1755] {strides = array<i32>} : memref<2x128x128xf32, #tpu.memory_space<vmem>>, vector<1x1x16xf32>,
          %get3A_1757 = vector.shape_cast %get3A_1756 : vector<1x1x16xf32> to vector<16xf32>
          %mul3A_1758 = arith.mulf %get3A_1757, %broadcast_in_dim3A_1709 : vector<16xf32>
          %swap3A_1759 = arith.constant 0 : i32
          %swap3A_1760 = arith.index_cast %swap3A_1759 : i32 to index
          %swap3A_1761 = arith.index_cast %add3A_1706 : i32 to index
          %swap3A_1762 = arith.constant 48 : index
          %swap3A_1763 = tpu.vector_load %arg10[%swap3A_1760, %swap3A_1761, %swap3A_1762] {strides = array<i32>} : memref<2x128x128xf32, #tpu.memory_space<vmem>>, vector<1x1x16xf32>,
          %swap3A_1764 = vector.shape_cast %swap3A_1763 : vector<1x1x16xf32> to vector<16xf32>
          %swap3A_1765 = vector.shape_cast %mul3A_1758 : vector<16xf32> to vector<1x1x16xf32>
          tpu.vector_store %arg10[%swap3A_1760, %swap3A_1761, %swap3A_1762], %swap3A_1765 {strides = array<i32>} : memref<2x128x128xf32, #tpu.memory_space<vmem>>, vector<1x1x16xf32>,
          %get3A_1766 = arith.constant 0 : i32
          %get3A_1767 = arith.index_cast %get3A_1766 : i32 to index
          %get3A_1768 = arith.index_cast %add3A_1706 : i32 to index
          %get3A_1769 = arith.constant 64 : index
          %get3A_1770 = tpu.vector_load %arg10[%get3A_1767, %get3A_1768, %get3A_1769] {strides = array<i32>} : memref<2x128x128xf32, #tpu.memory_space<vmem>>, vector<1x1x16xf32>,
          %get3A_1771 = vector.shape_cast %get3A_1770 : vector<1x1x16xf32> to vector<16xf32>
          %mul3A_1772 = arith.mulf %get3A_1771, %broadcast_in_dim3A_1709 : vector<16xf32>
          %swap3A_1773 = arith.constant 0 : i32
          %swap3A_1774 = arith.index_cast %swap3A_1773 : i32 to index
          %swap3A_1775 = arith.index_cast %add3A_1706 : i32 to index
          %swap3A_1776 = arith.constant 64 : index
          %swap3A_1777 = tpu.vector_load %arg10[%swap3A_1774, %swap3A_1775, %swap3A_1776] {strides = array<i32>} : memref<2x128x128xf32, #tpu.memory_space<vmem>>, vector<1x1x16xf32>,
          %swap3A_1778 = vector.shape_cast %swap3A_1777 : vector<1x1x16xf32> to vector<16xf32>
          %swap3A_1779 = vector.shape_cast %mul3A_1772 : vector<16xf32> to vector<1x1x16xf32>
          tpu.vector_store %arg10[%swap3A_1774, %swap3A_1775, %swap3A_1776], %swap3A_1779 {strides = array<i32>} : memref<2x128x128xf32, #tpu.memory_space<vmem>>, vector<1x1x16xf32>,
          %get3A_1780 = arith.constant 0 : i32
          %get3A_1781 = arith.index_cast %get3A_1780 : i32 to index
          %get3A_1782 = arith.index_cast %add3A_1706 : i32 to index
          %get3A_1783 = arith.constant 80 : index
          %get3A_1784 = tpu.vector_load %arg10[%get3A_1781, %get3A_1782, %get3A_1783] {strides = array<i32>} : memref<2x128x128xf32, #tpu.memory_space<vmem>>, vector<1x1x16xf32>,
          %get3A_1785 = vector.shape_cast %get3A_1784 : vector<1x1x16xf32> to vector<16xf32>
          %mul3A_1786 = arith.mulf %get3A_1785, %broadcast_in_dim3A_1709 : vector<16xf32>
          %swap3A_1787 = arith.constant 0 : i32
          %swap3A_1788 = arith.index_cast %swap3A_1787 : i32 to index
          %swap3A_1789 = arith.index_cast %add3A_1706 : i32 to index
          %swap3A_1790 = arith.constant 80 : index
          %swap3A_1791 = tpu.vector_load %arg10[%swap3A_1788, %swap3A_1789, %swap3A_1790] {strides = array<i32>} : memref<2x128x128xf32, #tpu.memory_space<vmem>>, vector<1x1x16xf32>,
          %swap3A_1792 = vector.shape_cast %swap3A_1791 : vector<1x1x16xf32> to vector<16xf32>
          %swap3A_1793 = vector.shape_cast %mul3A_1786 : vector<16xf32> to vector<1x1x16xf32>
          tpu.vector_store %arg10[%swap3A_1788, %swap3A_1789, %swap3A_1790], %swap3A_1793 {strides = array<i32>} : memref<2x128x128xf32, #tpu.memory_space<vmem>>, vector<1x1x16xf32>,
          %get3A_1794 = arith.constant 0 : i32
          %get3A_1795 = arith.index_cast %get3A_1794 : i32 to index
          %get3A_1796 = arith.index_cast %add3A_1706 : i32 to index
          %get3A_1797 = arith.constant 96 : index
          %get3A_1798 = tpu.vector_load %arg10[%get3A_1795, %get3A_1796, %get3A_1797] {strides = array<i32>} : memref<2x128x128xf32, #tpu.memory_space<vmem>>, vector<1x1x16xf32>,
          %get3A_1799 = vector.shape_cast %get3A_1798 : vector<1x1x16xf32> to vector<16xf32>
          %mul3A_1800 = arith.mulf %get3A_1799, %broadcast_in_dim3A_1709 : vector<16xf32>
          %swap3A_1801 = arith.constant 0 : i32
          %swap3A_1802 = arith.index_cast %swap3A_1801 : i32 to index
          %swap3A_1803 = arith.index_cast %add3A_1706 : i32 to index
          %swap3A_1804 = arith.constant 96 : index
          %swap3A_1805 = tpu.vector_load %arg10[%swap3A_1802, %swap3A_1803, %swap3A_1804] {strides = array<i32>} : memref<2x128x128xf32, #tpu.memory_space<vmem>>, vector<1x1x16xf32>,
          %swap3A_1806 = vector.shape_cast %swap3A_1805 : vector<1x1x16xf32> to vector<16xf32>
          %swap3A_1807 = vector.shape_cast %mul3A_1800 : vector<16xf32> to vector<1x1x16xf32>
          tpu.vector_store %arg10[%swap3A_1802, %swap3A_1803, %swap3A_1804], %swap3A_1807 {strides = array<i32>} : memref<2x128x128xf32, #tpu.memory_space<vmem>>, vector<1x1x16xf32>,
          %get3A_1808 = arith.constant 0 : i32
          %get3A_1809 = arith.index_cast %get3A_1808 : i32 to index
          %get3A_1810 = arith.index_cast %add3A_1706 : i32 to index
          %get3A_1811 = arith.constant 112 : index
          %get3A_1812 = tpu.vector_load %arg10[%get3A_1809, %get3A_1810, %get3A_1811] {strides = array<i32>} : memref<2x128x128xf32, #tpu.memory_space<vmem>>, vector<1x1x16xf32>,
          %get3A_1813 = vector.shape_cast %get3A_1812 : vector<1x1x16xf32> to vector<16xf32>
          %mul3A_1814 = arith.mulf %get3A_1813, %broadcast_in_dim3A_1709 : vector<16xf32>
          %swap3A_1815 = arith.constant 0 : i32
          %swap3A_1816 = arith.index_cast %swap3A_1815 : i32 to index
          %swap3A_1817 = arith.index_cast %add3A_1706 : i32 to index
          %swap3A_1818 = arith.constant 112 : index
          %swap3A_1819 = tpu.vector_load %arg10[%swap3A_1816, %swap3A_1817, %swap3A_1818] {strides = array<i32>} : memref<2x128x128xf32, #tpu.memory_space<vmem>>, vector<1x1x16xf32>,
          %swap3A_1820 = vector.shape_cast %swap3A_1819 : vector<1x1x16xf32> to vector<16xf32>
          %swap3A_1821 = vector.shape_cast %mul3A_1814 : vector<16xf32> to vector<1x1x16xf32>
          tpu.vector_store %arg10[%swap3A_1816, %swap3A_1817, %swap3A_1818], %swap3A_1821 {strides = array<i32>} : memref<2x128x128xf32, #tpu.memory_space<vmem>>, vector<1x1x16xf32>,
          %mul3A_1822 = arith.constant 16 : i32
          %mul3A_1823 = arith.muli %scan3A_150, %mul3A_1822 : i32
          %add3A_1824 = arith.constant 14 : i32
          %add3A_1825 = arith.addi %mul3A_1823, %add3A_1824 : i32
          %slice3A_1826 = vector.extract_strided_slice %get3A_158 {offsets = [14], sizes = [1], strides = [1]} : vector<16xf32> to vector<1xf32>
          %squeeze3A_1827 = vector.extract %slice3A_1826[0] : f32 from vector<1xf32>
          %broadcast_in_dim3A_1828 = vector.broadcast %squeeze3A_1827 : f32 to vector<16xf32>
          %get3A_1829 = arith.constant 0 : i32
          %get3A_1830 = arith.index_cast %get3A_1829 : i32 to index
          %get3A_1831 = arith.index_cast %add3A_1825 : i32 to index
          %get3A_1832 = arith.constant 0 : index
          %get3A_1833 = tpu.vector_load %arg10[%get3A_1830, %get3A_1831, %get3A_1832] {strides = array<i32>} : memref<2x128x128xf32, #tpu.memory_space<vmem>>, vector<1x1x16xf32>,
          %get3A_1834 = vector.shape_cast %get3A_1833 : vector<1x1x16xf32> to vector<16xf32>
          %mul3A_1835 = arith.mulf %get3A_1834, %broadcast_in_dim3A_1828 : vector<16xf32>
          %swap3A_1836 = arith.constant 0 : i32
          %swap3A_1837 = arith.index_cast %swap3A_1836 : i32 to index
          %swap3A_1838 = arith.index_cast %add3A_1825 : i32 to index
          %swap3A_1839 = arith.constant 0 : index
          %swap3A_1840 = tpu.vector_load %arg10[%swap3A_1837, %swap3A_1838, %swap3A_1839] {strides = array<i32>} : memref<2x128x128xf32, #tpu.memory_space<vmem>>, vector<1x1x16xf32>,
          %swap3A_1841 = vector.shape_cast %swap3A_1840 : vector<1x1x16xf32> to vector<16xf32>
          %swap3A_1842 = vector.shape_cast %mul3A_1835 : vector<16xf32> to vector<1x1x16xf32>
          tpu.vector_store %arg10[%swap3A_1837, %swap3A_1838, %swap3A_1839], %swap3A_1842 {strides = array<i32>} : memref<2x128x128xf32, #tpu.memory_space<vmem>>, vector<1x1x16xf32>,
          %get3A_1843 = arith.constant 0 : i32
          %get3A_1844 = arith.index_cast %get3A_1843 : i32 to index
          %get3A_1845 = arith.index_cast %add3A_1825 : i32 to index
          %get3A_1846 = arith.constant 16 : index
          %get3A_1847 = tpu.vector_load %arg10[%get3A_1844, %get3A_1845, %get3A_1846] {strides = array<i32>} : memref<2x128x128xf32, #tpu.memory_space<vmem>>, vector<1x1x16xf32>,
          %get3A_1848 = vector.shape_cast %get3A_1847 : vector<1x1x16xf32> to vector<16xf32>
          %mul3A_1849 = arith.mulf %get3A_1848, %broadcast_in_dim3A_1828 : vector<16xf32>
          %swap3A_1850 = arith.constant 0 : i32
          %swap3A_1851 = arith.index_cast %swap3A_1850 : i32 to index
          %swap3A_1852 = arith.index_cast %add3A_1825 : i32 to index
          %swap3A_1853 = arith.constant 16 : index
          %swap3A_1854 = tpu.vector_load %arg10[%swap3A_1851, %swap3A_1852, %swap3A_1853] {strides = array<i32>} : memref<2x128x128xf32, #tpu.memory_space<vmem>>, vector<1x1x16xf32>,
          %swap3A_1855 = vector.shape_cast %swap3A_1854 : vector<1x1x16xf32> to vector<16xf32>
          %swap3A_1856 = vector.shape_cast %mul3A_1849 : vector<16xf32> to vector<1x1x16xf32>
          tpu.vector_store %arg10[%swap3A_1851, %swap3A_1852, %swap3A_1853], %swap3A_1856 {strides = array<i32>} : memref<2x128x128xf32, #tpu.memory_space<vmem>>, vector<1x1x16xf32>,
          %get3A_1857 = arith.constant 0 : i32
          %get3A_1858 = arith.index_cast %get3A_1857 : i32 to index
          %get3A_1859 = arith.index_cast %add3A_1825 : i32 to index
          %get3A_1860 = arith.constant 32 : index
          %get3A_1861 = tpu.vector_load %arg10[%get3A_1858, %get3A_1859, %get3A_1860] {strides = array<i32>} : memref<2x128x128xf32, #tpu.memory_space<vmem>>, vector<1x1x16xf32>,
          %get3A_1862 = vector.shape_cast %get3A_1861 : vector<1x1x16xf32> to vector<16xf32>
          %mul3A_1863 = arith.mulf %get3A_1862, %broadcast_in_dim3A_1828 : vector<16xf32>
          %swap3A_1864 = arith.constant 0 : i32
          %swap3A_1865 = arith.index_cast %swap3A_1864 : i32 to index
          %swap3A_1866 = arith.index_cast %add3A_1825 : i32 to index
          %swap3A_1867 = arith.constant 32 : index
          %swap3A_1868 = tpu.vector_load %arg10[%swap3A_1865, %swap3A_1866, %swap3A_1867] {strides = array<i32>} : memref<2x128x128xf32, #tpu.memory_space<vmem>>, vector<1x1x16xf32>,
          %swap3A_1869 = vector.shape_cast %swap3A_1868 : vector<1x1x16xf32> to vector<16xf32>
          %swap3A_1870 = vector.shape_cast %mul3A_1863 : vector<16xf32> to vector<1x1x16xf32>
          tpu.vector_store %arg10[%swap3A_1865, %swap3A_1866, %swap3A_1867], %swap3A_1870 {strides = array<i32>} : memref<2x128x128xf32, #tpu.memory_space<vmem>>, vector<1x1x16xf32>,
          %get3A_1871 = arith.constant 0 : i32
          %get3A_1872 = arith.index_cast %get3A_1871 : i32 to index
          %get3A_1873 = arith.index_cast %add3A_1825 : i32 to index
          %get3A_1874 = arith.constant 48 : index
          %get3A_1875 = tpu.vector_load %arg10[%get3A_1872, %get3A_1873, %get3A_1874] {strides = array<i32>} : memref<2x128x128xf32, #tpu.memory_space<vmem>>, vector<1x1x16xf32>,
          %get3A_1876 = vector.shape_cast %get3A_1875 : vector<1x1x16xf32> to vector<16xf32>
          %mul3A_1877 = arith.mulf %get3A_1876, %broadcast_in_dim3A_1828 : vector<16xf32>
          %swap3A_1878 = arith.constant 0 : i32
          %swap3A_1879 = arith.index_cast %swap3A_1878 : i32 to index
          %swap3A_1880 = arith.index_cast %add3A_1825 : i32 to index
          %swap3A_1881 = arith.constant 48 : index
          %swap3A_1882 = tpu.vector_load %arg10[%swap3A_1879, %swap3A_1880, %swap3A_1881] {strides = array<i32>} : memref<2x128x128xf32, #tpu.memory_space<vmem>>, vector<1x1x16xf32>,
          %swap3A_1883 = vector.shape_cast %swap3A_1882 : vector<1x1x16xf32> to vector<16xf32>
          %swap3A_1884 = vector.shape_cast %mul3A_1877 : vector<16xf32> to vector<1x1x16xf32>
          tpu.vector_store %arg10[%swap3A_1879, %swap3A_1880, %swap3A_1881], %swap3A_1884 {strides = array<i32>} : memref<2x128x128xf32, #tpu.memory_space<vmem>>, vector<1x1x16xf32>,
          %get3A_1885 = arith.constant 0 : i32
          %get3A_1886 = arith.index_cast %get3A_1885 : i32 to index
          %get3A_1887 = arith.index_cast %add3A_1825 : i32 to index
          %get3A_1888 = arith.constant 64 : index
          %get3A_1889 = tpu.vector_load %arg10[%get3A_1886, %get3A_1887, %get3A_1888] {strides = array<i32>} : memref<2x128x128xf32, #tpu.memory_space<vmem>>, vector<1x1x16xf32>,
          %get3A_1890 = vector.shape_cast %get3A_1889 : vector<1x1x16xf32> to vector<16xf32>
          %mul3A_1891 = arith.mulf %get3A_1890, %broadcast_in_dim3A_1828 : vector<16xf32>
          %swap3A_1892 = arith.constant 0 : i32
          %swap3A_1893 = arith.index_cast %swap3A_1892 : i32 to index
          %swap3A_1894 = arith.index_cast %add3A_1825 : i32 to index
          %swap3A_1895 = arith.constant 64 : index
          %swap3A_1896 = tpu.vector_load %arg10[%swap3A_1893, %swap3A_1894, %swap3A_1895] {strides = array<i32>} : memref<2x128x128xf32, #tpu.memory_space<vmem>>, vector<1x1x16xf32>,
          %swap3A_1897 = vector.shape_cast %swap3A_1896 : vector<1x1x16xf32> to vector<16xf32>
          %swap3A_1898 = vector.shape_cast %mul3A_1891 : vector<16xf32> to vector<1x1x16xf32>
          tpu.vector_store %arg10[%swap3A_1893, %swap3A_1894, %swap3A_1895], %swap3A_1898 {strides = array<i32>} : memref<2x128x128xf32, #tpu.memory_space<vmem>>, vector<1x1x16xf32>,
          %get3A_1899 = arith.constant 0 : i32
          %get3A_1900 = arith.index_cast %get3A_1899 : i32 to index
          %get3A_1901 = arith.index_cast %add3A_1825 : i32 to index
          %get3A_1902 = arith.constant 80 : index
          %get3A_1903 = tpu.vector_load %arg10[%get3A_1900, %get3A_1901, %get3A_1902] {strides = array<i32>} : memref<2x128x128xf32, #tpu.memory_space<vmem>>, vector<1x1x16xf32>,
          %get3A_1904 = vector.shape_cast %get3A_1903 : vector<1x1x16xf32> to vector<16xf32>
          %mul3A_1905 = arith.mulf %get3A_1904, %broadcast_in_dim3A_1828 : vector<16xf32>
          %swap3A_1906 = arith.constant 0 : i32
          %swap3A_1907 = arith.index_cast %swap3A_1906 : i32 to index
          %swap3A_1908 = arith.index_cast %add3A_1825 : i32 to index
          %swap3A_1909 = arith.constant 80 : index
          %swap3A_1910 = tpu.vector_load %arg10[%swap3A_1907, %swap3A_1908, %swap3A_1909] {strides = array<i32>} : memref<2x128x128xf32, #tpu.memory_space<vmem>>, vector<1x1x16xf32>,
          %swap3A_1911 = vector.shape_cast %swap3A_1910 : vector<1x1x16xf32> to vector<16xf32>
          %swap3A_1912 = vector.shape_cast %mul3A_1905 : vector<16xf32> to vector<1x1x16xf32>
          tpu.vector_store %arg10[%swap3A_1907, %swap3A_1908, %swap3A_1909], %swap3A_1912 {strides = array<i32>} : memref<2x128x128xf32, #tpu.memory_space<vmem>>, vector<1x1x16xf32>,
          %get3A_1913 = arith.constant 0 : i32
          %get3A_1914 = arith.index_cast %get3A_1913 : i32 to index
          %get3A_1915 = arith.index_cast %add3A_1825 : i32 to index
          %get3A_1916 = arith.constant 96 : index
          %get3A_1917 = tpu.vector_load %arg10[%get3A_1914, %get3A_1915, %get3A_1916] {strides = array<i32>} : memref<2x128x128xf32, #tpu.memory_space<vmem>>, vector<1x1x16xf32>,
          %get3A_1918 = vector.shape_cast %get3A_1917 : vector<1x1x16xf32> to vector<16xf32>
          %mul3A_1919 = arith.mulf %get3A_1918, %broadcast_in_dim3A_1828 : vector<16xf32>
          %swap3A_1920 = arith.constant 0 : i32
          %swap3A_1921 = arith.index_cast %swap3A_1920 : i32 to index
          %swap3A_1922 = arith.index_cast %add3A_1825 : i32 to index
          %swap3A_1923 = arith.constant 96 : index
          %swap3A_1924 = tpu.vector_load %arg10[%swap3A_1921, %swap3A_1922, %swap3A_1923] {strides = array<i32>} : memref<2x128x128xf32, #tpu.memory_space<vmem>>, vector<1x1x16xf32>,
          %swap3A_1925 = vector.shape_cast %swap3A_1924 : vector<1x1x16xf32> to vector<16xf32>
          %swap3A_1926 = vector.shape_cast %mul3A_1919 : vector<16xf32> to vector<1x1x16xf32>
          tpu.vector_store %arg10[%swap3A_1921, %swap3A_1922, %swap3A_1923], %swap3A_1926 {strides = array<i32>} : memref<2x128x128xf32, #tpu.memory_space<vmem>>, vector<1x1x16xf32>,
          %get3A_1927 = arith.constant 0 : i32
          %get3A_1928 = arith.index_cast %get3A_1927 : i32 to index
          %get3A_1929 = arith.index_cast %add3A_1825 : i32 to index
          %get3A_1930 = arith.constant 112 : index
          %get3A_1931 = tpu.vector_load %arg10[%get3A_1928, %get3A_1929, %get3A_1930] {strides = array<i32>} : memref<2x128x128xf32, #tpu.memory_space<vmem>>, vector<1x1x16xf32>,
          %get3A_1932 = vector.shape_cast %get3A_1931 : vector<1x1x16xf32> to vector<16xf32>
          %mul3A_1933 = arith.mulf %get3A_1932, %broadcast_in_dim3A_1828 : vector<16xf32>
          %swap3A_1934 = arith.constant 0 : i32
          %swap3A_1935 = arith.index_cast %swap3A_1934 : i32 to index
          %swap3A_1936 = arith.index_cast %add3A_1825 : i32 to index
          %swap3A_1937 = arith.constant 112 : index
          %swap3A_1938 = tpu.vector_load %arg10[%swap3A_1935, %swap3A_1936, %swap3A_1937] {strides = array<i32>} : memref<2x128x128xf32, #tpu.memory_space<vmem>>, vector<1x1x16xf32>,
          %swap3A_1939 = vector.shape_cast %swap3A_1938 : vector<1x1x16xf32> to vector<16xf32>
          %swap3A_1940 = vector.shape_cast %mul3A_1933 : vector<16xf32> to vector<1x1x16xf32>
          tpu.vector_store %arg10[%swap3A_1935, %swap3A_1936, %swap3A_1937], %swap3A_1940 {strides = array<i32>} : memref<2x128x128xf32, #tpu.memory_space<vmem>>, vector<1x1x16xf32>,
          %mul3A_1941 = arith.constant 16 : i32
          %mul3A_1942 = arith.muli %scan3A_150, %mul3A_1941 : i32
          %add3A_1943 = arith.constant 15 : i32
          %add3A_1944 = arith.addi %mul3A_1942, %add3A_1943 : i32
          %slice3A_1945 = vector.extract_strided_slice %get3A_158 {offsets = [15], sizes = [1], strides = [1]} : vector<16xf32> to vector<1xf32>
          %squeeze3A_1946 = vector.extract %slice3A_1945[0] : f32 from vector<1xf32>
          %broadcast_in_dim3A_1947 = vector.broadcast %squeeze3A_1946 : f32 to vector<16xf32>
          %get3A_1948 = arith.constant 0 : i32
          %get3A_1949 = arith.index_cast %get3A_1948 : i32 to index
          %get3A_1950 = arith.index_cast %add3A_1944 : i32 to index
          %get3A_1951 = arith.constant 0 : index
          %get3A_1952 = tpu.vector_load %arg10[%get3A_1949, %get3A_1950, %get3A_1951] {strides = array<i32>} : memref<2x128x128xf32, #tpu.memory_space<vmem>>, vector<1x1x16xf32>,
          %get3A_1953 = vector.shape_cast %get3A_1952 : vector<1x1x16xf32> to vector<16xf32>
          %mul3A_1954 = arith.mulf %get3A_1953, %broadcast_in_dim3A_1947 : vector<16xf32>
          %swap3A_1955 = arith.constant 0 : i32
          %swap3A_1956 = arith.index_cast %swap3A_1955 : i32 to index
          %swap3A_1957 = arith.index_cast %add3A_1944 : i32 to index
          %swap3A_1958 = arith.constant 0 : index
          %swap3A_1959 = tpu.vector_load %arg10[%swap3A_1956, %swap3A_1957, %swap3A_1958] {strides = array<i32>} : memref<2x128x128xf32, #tpu.memory_space<vmem>>, vector<1x1x16xf32>,
          %swap3A_1960 = vector.shape_cast %swap3A_1959 : vector<1x1x16xf32> to vector<16xf32>
          %swap3A_1961 = vector.shape_cast %mul3A_1954 : vector<16xf32> to vector<1x1x16xf32>
          tpu.vector_store %arg10[%swap3A_1956, %swap3A_1957, %swap3A_1958], %swap3A_1961 {strides = array<i32>} : memref<2x128x128xf32, #tpu.memory_space<vmem>>, vector<1x1x16xf32>,
          %get3A_1962 = arith.constant 0 : i32
          %get3A_1963 = arith.index_cast %get3A_1962 : i32 to index
          %get3A_1964 = arith.index_cast %add3A_1944 : i32 to index
          %get3A_1965 = arith.constant 16 : index
          %get3A_1966 = tpu.vector_load %arg10[%get3A_1963, %get3A_1964, %get3A_1965] {strides = array<i32>} : memref<2x128x128xf32, #tpu.memory_space<vmem>>, vector<1x1x16xf32>,
          %get3A_1967 = vector.shape_cast %get3A_1966 : vector<1x1x16xf32> to vector<16xf32>
          %mul3A_1968 = arith.mulf %get3A_1967, %broadcast_in_dim3A_1947 : vector<16xf32>
          %swap3A_1969 = arith.constant 0 : i32
          %swap3A_1970 = arith.index_cast %swap3A_1969 : i32 to index
          %swap3A_1971 = arith.index_cast %add3A_1944 : i32 to index
          %swap3A_1972 = arith.constant 16 : index
          %swap3A_1973 = tpu.vector_load %arg10[%swap3A_1970, %swap3A_1971, %swap3A_1972] {strides = array<i32>} : memref<2x128x128xf32, #tpu.memory_space<vmem>>, vector<1x1x16xf32>,
          %swap3A_1974 = vector.shape_cast %swap3A_1973 : vector<1x1x16xf32> to vector<16xf32>
          %swap3A_1975 = vector.shape_cast %mul3A_1968 : vector<16xf32> to vector<1x1x16xf32>
          tpu.vector_store %arg10[%swap3A_1970, %swap3A_1971, %swap3A_1972], %swap3A_1975 {strides = array<i32>} : memref<2x128x128xf32, #tpu.memory_space<vmem>>, vector<1x1x16xf32>,
          %get3A_1976 = arith.constant 0 : i32
          %get3A_1977 = arith.index_cast %get3A_1976 : i32 to index
          %get3A_1978 = arith.index_cast %add3A_1944 : i32 to index
          %get3A_1979 = arith.constant 32 : index
          %get3A_1980 = tpu.vector_load %arg10[%get3A_1977, %get3A_1978, %get3A_1979] {strides = array<i32>} : memref<2x128x128xf32, #tpu.memory_space<vmem>>, vector<1x1x16xf32>,
          %get3A_1981 = vector.shape_cast %get3A_1980 : vector<1x1x16xf32> to vector<16xf32>
          %mul3A_1982 = arith.mulf %get3A_1981, %broadcast_in_dim3A_1947 : vector<16xf32>
          %swap3A_1983 = arith.constant 0 : i32
          %swap3A_1984 = arith.index_cast %swap3A_1983 : i32 to index
          %swap3A_1985 = arith.index_cast %add3A_1944 : i32 to index
          %swap3A_1986 = arith.constant 32 : index
          %swap3A_1987 = tpu.vector_load %arg10[%swap3A_1984, %swap3A_1985, %swap3A_1986] {strides = array<i32>} : memref<2x128x128xf32, #tpu.memory_space<vmem>>, vector<1x1x16xf32>,
          %swap3A_1988 = vector.shape_cast %swap3A_1987 : vector<1x1x16xf32> to vector<16xf32>
          %swap3A_1989 = vector.shape_cast %mul3A_1982 : vector<16xf32> to vector<1x1x16xf32>
          tpu.vector_store %arg10[%swap3A_1984, %swap3A_1985, %swap3A_1986], %swap3A_1989 {strides = array<i32>} : memref<2x128x128xf32, #tpu.memory_space<vmem>>, vector<1x1x16xf32>,
          %get3A_1990 = arith.constant 0 : i32
          %get3A_1991 = arith.index_cast %get3A_1990 : i32 to index
          %get3A_1992 = arith.index_cast %add3A_1944 : i32 to index
          %get3A_1993 = arith.constant 48 : index
          %get3A_1994 = tpu.vector_load %arg10[%get3A_1991, %get3A_1992, %get3A_1993] {strides = array<i32>} : memref<2x128x128xf32, #tpu.memory_space<vmem>>, vector<1x1x16xf32>,
          %get3A_1995 = vector.shape_cast %get3A_1994 : vector<1x1x16xf32> to vector<16xf32>
          %mul3A_1996 = arith.mulf %get3A_1995, %broadcast_in_dim3A_1947 : vector<16xf32>
          %swap3A_1997 = arith.constant 0 : i32
          %swap3A_1998 = arith.index_cast %swap3A_1997 : i32 to index
          %swap3A_1999 = arith.index_cast %add3A_1944 : i32 to index
          %swap3A_2000 = arith.constant 48 : index
          %swap3A_2001 = tpu.vector_load %arg10[%swap3A_1998, %swap3A_1999, %swap3A_2000] {strides = array<i32>} : memref<2x128x128xf32, #tpu.memory_space<vmem>>, vector<1x1x16xf32>,
          %swap3A_2002 = vector.shape_cast %swap3A_2001 : vector<1x1x16xf32> to vector<16xf32>
          %swap3A_2003 = vector.shape_cast %mul3A_1996 : vector<16xf32> to vector<1x1x16xf32>
          tpu.vector_store %arg10[%swap3A_1998, %swap3A_1999, %swap3A_2000], %swap3A_2003 {strides = array<i32>} : memref<2x128x128xf32, #tpu.memory_space<vmem>>, vector<1x1x16xf32>,
          %get3A_2004 = arith.constant 0 : i32
          %get3A_2005 = arith.index_cast %get3A_2004 : i32 to index
          %get3A_2006 = arith.index_cast %add3A_1944 : i32 to index
          %get3A_2007 = arith.constant 64 : index
          %get3A_2008 = tpu.vector_load %arg10[%get3A_2005, %get3A_2006, %get3A_2007] {strides = array<i32>} : memref<2x128x128xf32, #tpu.memory_space<vmem>>, vector<1x1x16xf32>,
          %get3A_2009 = vector.shape_cast %get3A_2008 : vector<1x1x16xf32> to vector<16xf32>
          %mul3A_2010 = arith.mulf %get3A_2009, %broadcast_in_dim3A_1947 : vector<16xf32>
          %swap3A_2011 = arith.constant 0 : i32
          %swap3A_2012 = arith.index_cast %swap3A_2011 : i32 to index
          %swap3A_2013 = arith.index_cast %add3A_1944 : i32 to index
          %swap3A_2014 = arith.constant 64 : index
          %swap3A_2015 = tpu.vector_load %arg10[%swap3A_2012, %swap3A_2013, %swap3A_2014] {strides = array<i32>} : memref<2x128x128xf32, #tpu.memory_space<vmem>>, vector<1x1x16xf32>,
          %swap3A_2016 = vector.shape_cast %swap3A_2015 : vector<1x1x16xf32> to vector<16xf32>
          %swap3A_2017 = vector.shape_cast %mul3A_2010 : vector<16xf32> to vector<1x1x16xf32>
          tpu.vector_store %arg10[%swap3A_2012, %swap3A_2013, %swap3A_2014], %swap3A_2017 {strides = array<i32>} : memref<2x128x128xf32, #tpu.memory_space<vmem>>, vector<1x1x16xf32>,
          %get3A_2018 = arith.constant 0 : i32
          %get3A_2019 = arith.index_cast %get3A_2018 : i32 to index
          %get3A_2020 = arith.index_cast %add3A_1944 : i32 to index
          %get3A_2021 = arith.constant 80 : index
          %get3A_2022 = tpu.vector_load %arg10[%get3A_2019, %get3A_2020, %get3A_2021] {strides = array<i32>} : memref<2x128x128xf32, #tpu.memory_space<vmem>>, vector<1x1x16xf32>,
          %get3A_2023 = vector.shape_cast %get3A_2022 : vector<1x1x16xf32> to vector<16xf32>
          %mul3A_2024 = arith.mulf %get3A_2023, %broadcast_in_dim3A_1947 : vector<16xf32>
          %swap3A_2025 = arith.constant 0 : i32
          %swap3A_2026 = arith.index_cast %swap3A_2025 : i32 to index
          %swap3A_2027 = arith.index_cast %add3A_1944 : i32 to index
          %swap3A_2028 = arith.constant 80 : index
          %swap3A_2029 = tpu.vector_load %arg10[%swap3A_2026, %swap3A_2027, %swap3A_2028] {strides = array<i32>} : memref<2x128x128xf32, #tpu.memory_space<vmem>>, vector<1x1x16xf32>,
          %swap3A_2030 = vector.shape_cast %swap3A_2029 : vector<1x1x16xf32> to vector<16xf32>
          %swap3A_2031 = vector.shape_cast %mul3A_2024 : vector<16xf32> to vector<1x1x16xf32>
          tpu.vector_store %arg10[%swap3A_2026, %swap3A_2027, %swap3A_2028], %swap3A_2031 {strides = array<i32>} : memref<2x128x128xf32, #tpu.memory_space<vmem>>, vector<1x1x16xf32>,
          %get3A_2032 = arith.constant 0 : i32
          %get3A_2033 = arith.index_cast %get3A_2032 : i32 to index
          %get3A_2034 = arith.index_cast %add3A_1944 : i32 to index
          %get3A_2035 = arith.constant 96 : index
          %get3A_2036 = tpu.vector_load %arg10[%get3A_2033, %get3A_2034, %get3A_2035] {strides = array<i32>} : memref<2x128x128xf32, #tpu.memory_space<vmem>>, vector<1x1x16xf32>,
          %get3A_2037 = vector.shape_cast %get3A_2036 : vector<1x1x16xf32> to vector<16xf32>
          %mul3A_2038 = arith.mulf %get3A_2037, %broadcast_in_dim3A_1947 : vector<16xf32>
          %swap3A_2039 = arith.constant 0 : i32
          %swap3A_2040 = arith.index_cast %swap3A_2039 : i32 to index
          %swap3A_2041 = arith.index_cast %add3A_1944 : i32 to index
          %swap3A_2042 = arith.constant 96 : index
          %swap3A_2043 = tpu.vector_load %arg10[%swap3A_2040, %swap3A_2041, %swap3A_2042] {strides = array<i32>} : memref<2x128x128xf32, #tpu.memory_space<vmem>>, vector<1x1x16xf32>,
          %swap3A_2044 = vector.shape_cast %swap3A_2043 : vector<1x1x16xf32> to vector<16xf32>
          %swap3A_2045 = vector.shape_cast %mul3A_2038 : vector<16xf32> to vector<1x1x16xf32>
          tpu.vector_store %arg10[%swap3A_2040, %swap3A_2041, %swap3A_2042], %swap3A_2045 {strides = array<i32>} : memref<2x128x128xf32, #tpu.memory_space<vmem>>, vector<1x1x16xf32>,
          %get3A_2046 = arith.constant 0 : i32
          %get3A_2047 = arith.index_cast %get3A_2046 : i32 to index
          %get3A_2048 = arith.index_cast %add3A_1944 : i32 to index
          %get3A_2049 = arith.constant 112 : index
          %get3A_2050 = tpu.vector_load %arg10[%get3A_2047, %get3A_2048, %get3A_2049] {strides = array<i32>} : memref<2x128x128xf32, #tpu.memory_space<vmem>>, vector<1x1x16xf32>,
          %get3A_2051 = vector.shape_cast %get3A_2050 : vector<1x1x16xf32> to vector<16xf32>
          %mul3A_2052 = arith.mulf %get3A_2051, %broadcast_in_dim3A_1947 : vector<16xf32>
          %swap3A_2053 = arith.constant 0 : i32
          %swap3A_2054 = arith.index_cast %swap3A_2053 : i32 to index
          %swap3A_2055 = arith.index_cast %add3A_1944 : i32 to index
          %swap3A_2056 = arith.constant 112 : index
          %swap3A_2057 = tpu.vector_load %arg10[%swap3A_2054, %swap3A_2055, %swap3A_2056] {strides = array<i32>} : memref<2x128x128xf32, #tpu.memory_space<vmem>>, vector<1x1x16xf32>,
          %swap3A_2058 = vector.shape_cast %swap3A_2057 : vector<1x1x16xf32> to vector<16xf32>
          %swap3A_2059 = vector.shape_cast %mul3A_2052 : vector<16xf32> to vector<1x1x16xf32>
          tpu.vector_store %arg10[%swap3A_2054, %swap3A_2055, %swap3A_2056], %swap3A_2059 {strides = array<i32>} : memref<2x128x128xf32, #tpu.memory_space<vmem>>, vector<1x1x16xf32>,
          %scan3A_2060 = arith.constant 0 : i32
          scf.yield %scan3A_2060 : i32
        }
        %scan3A_111 = arith.constant 8 : i32
        %add3A_112 = arith.constant 1 : i32
        %add3A_113 = arith.addi %add3A_100, %add3A_112 : i32
        %lt3A_114 = arith.constant 80 : i32
        %lt3A_115 = arith.cmpi slt, %add3A_113, %lt3A_114 : i32
        %convert_element_type3A_116 = arith.extui %lt3A_115 : i1 to i32
        %cond3A_117 = arith.constant 0 : i32
        %cond3A_118 = arith.cmpi ne, %convert_element_type3A_116, %cond3A_117 : i32
        scf.if %cond3A_118 {
          %add3A_150 = arith.constant 1 : i32
          %add3A_151 = arith.addi %add3A_100, %add3A_150 : i32
          %mul3A_152 = arith.constant 128 : i32
          %mul3A_153 = arith.muli %add3A_151, %mul3A_152 : i32
          %dma_wait3A_154 = arith.constant 1 : i32
          %dma_wait3A_155 = arith.constant 0 : i32
          %dma_wait3A_156 = arith.constant 0 : i32
          %dma_wait3A_157 = tpu.memref_slice %arg10[%dma_wait3A_154, %dma_wait3A_155, %dma_wait3A_156] : memref<2x128x128xf32, #tpu.memory_space<vmem>> -> memref<1x128x128xf32, #tpu.memory_space<vmem>>
          %dma_wait3A_158 = tpu.memref_squeeze %dma_wait3A_157 : memref<1x128x128xf32, #tpu.memory_space<vmem>> -> memref<128x128xf32, #tpu.memory_space<vmem>>
          %dma_wait3A_159 = tpu.memref_slice %arg7[%mul3A_153] : memref<10240xi32, #tpu.memory_space<vmem>> -> memref<128xi32, #tpu.memory_space<vmem>>
          %dma_wait3A_160 = arith.constant 0 : i32
          %dma_wait3A_161 = arith.constant 0 : i32
          %dma_wait3A_162 = tpu.memref_slice %arg2[%dma_wait3A_160, %dma_wait3A_161] : memref<10000x128xf32, #tpu.memory_space<hbm>> -> memref<10000x128xf32, #tpu.memory_space<hbm>>
          tpu.wait_indirect_dma semaphore(%arg12 : memref<!tpu.dma_semaphore, #tpu.memory_space<semaphore_mem>>) src(%dma_wait3A_162 : memref<10000x128xf32, #tpu.memory_space<hbm>>) dst(%dma_wait3A_158 : memref<128x128xf32, #tpu.memory_space<vmem>>)
        } else {
        }
        %run_scoped3A_119 = arith.constant 0 : i32
        "tpu.region"() ({
          %run_scoped3A_150 = tpu.sem_alloc : memref<!tpu.dma_semaphore, #tpu.memory_space<semaphore_mem>>
          %dma_start3A_151 = arith.constant 0 : i32
          %dma_start3A_152 = arith.constant 0 : i32
          %dma_start3A_153 = tpu.memref_slice %arg10[%run_scoped3A_119, %dma_start3A_151, %dma_start3A_152] : memref<2x128x128xf32, #tpu.memory_space<vmem>> -> memref<1x128x128xf32, #tpu.memory_space<vmem>>
          %dma_start3A_154 = tpu.memref_squeeze %dma_start3A_153 : memref<1x128x128xf32, #tpu.memory_space<vmem>> -> memref<128x128xf32, #tpu.memory_space<vmem>>
          %dma_start3A_155 = arith.constant 0 : i32
          %dma_start3A_156 = tpu.memref_slice %arg8[%add3A_97, %dma_start3A_155] : memref<16x128xi32, #tpu.memory_space<vmem>> -> memref<1x128xi32, #tpu.memory_space<vmem>>
          %dma_start3A_157 = tpu.memref_squeeze %dma_start3A_156 : memref<1x128xi32, #tpu.memory_space<vmem>> -> memref<128xi32, #tpu.memory_space<vmem>>
          %dma_start3A_158 = arith.constant 0 : i32
          %dma_start3A_159 = arith.constant 0 : i32
          %dma_start3A_160 = tpu.memref_slice %arg11[%dma_start3A_158, %dma_start3A_159] : memref<10240x128xf32, #tpu.memory_space<vmem_shared>> -> memref<10240x128xf32, #tpu.memory_space<vmem_shared>>
          tpu.enqueue_indirect_dma source(%dma_start3A_154 : memref<128x128xf32, #tpu.memory_space<vmem>>) target(%dma_start3A_160 : memref<10240x128xf32, #tpu.memory_space<vmem_shared>>) offsets(%dma_start3A_157 : memref<128xi32, #tpu.memory_space<vmem>>) semaphore(%run_scoped3A_150 : memref<!tpu.dma_semaphore, #tpu.memory_space<semaphore_mem>>) {add = true}
          %dma_wait3A_161 = arith.constant 0 : i32
          %dma_wait3A_162 = arith.constant 0 : i32
          %dma_wait3A_163 = tpu.memref_slice %arg10[%run_scoped3A_119, %dma_wait3A_161, %dma_wait3A_162] : memref<2x128x128xf32, #tpu.memory_space<vmem>> -> memref<1x128x128xf32, #tpu.memory_space<vmem>>
          %dma_wait3A_164 = tpu.memref_squeeze %dma_wait3A_163 : memref<1x128x128xf32, #tpu.memory_space<vmem>> -> memref<128x128xf32, #tpu.memory_space<vmem>>
          %dma_wait3A_165 = arith.constant 0 : i32
          %dma_wait3A_166 = tpu.memref_slice %arg8[%add3A_97, %dma_wait3A_165] : memref<16x128xi32, #tpu.memory_space<vmem>> -> memref<1x128xi32, #tpu.memory_space<vmem>>
          %dma_wait3A_167 = tpu.memref_squeeze %dma_wait3A_166 : memref<1x128xi32, #tpu.memory_space<vmem>> -> memref<128xi32, #tpu.memory_space<vmem>>
          %dma_wait3A_168 = arith.constant 0 : i32
          %dma_wait3A_169 = arith.constant 0 : i32
          %dma_wait3A_170 = tpu.memref_slice %arg11[%dma_wait3A_168, %dma_wait3A_169] : memref<10240x128xf32, #tpu.memory_space<vmem_shared>> -> memref<10240x128xf32, #tpu.memory_space<vmem_shared>>
          tpu.wait_indirect_dma semaphore(%run_scoped3A_150 : memref<!tpu.dma_semaphore, #tpu.memory_space<semaphore_mem>>) src(%dma_wait3A_164 : memref<128x128xf32, #tpu.memory_space<vmem>>) dst(%dma_wait3A_170 : memref<10240x128xf32, #tpu.memory_space<vmem_shared>>)
          tpu.yield
        }) : () -> ()
        %mul3A_120 = arith.constant 2 : i32
        %mul3A_121 = arith.muli %scan3A_92, %mul3A_120 : i32
        %add3A_122 = arith.constant 1 : i32
        %add3A_123 = arith.addi %mul3A_121, %add3A_122 : i32
        %mul3A_124 = arith.constant 16 : i32
        %mul3A_125 = arith.muli %scan3A_72, %mul3A_124 : i32
        %add3A_126 = arith.addi %mul3A_125, %add3A_123 : i32
        %add3A_127 = arith.constant 1 : i32
        %add3A_128 = arith.addi %add3A_126, %add3A_127 : i32
        %lt3A_129 = arith.constant 80 : i32
        %lt3A_130 = arith.cmpi slt, %add3A_128, %lt3A_129 : i32
        %convert_element_type3A_131 = arith.extui %lt3A_130 : i1 to i32
        %cond3A_132 = arith.constant 0 : i32
        %cond3A_133 = arith.cmpi ne, %convert_element_type3A_131, %cond3A_132 : i32
        scf.if %cond3A_133 {
          %add3A_150 = arith.constant 1 : i32
          %add3A_151 = arith.addi %add3A_126, %add3A_150 : i32
          %mul3A_152 = arith.constant 128 : i32
          %mul3A_153 = arith.muli %add3A_151, %mul3A_152 : i32
          %dma_start3A_154 = arith.constant 0 : i32
          %dma_start3A_155 = arith.constant 0 : i32
          %dma_start3A_156 = arith.constant 0 : i32
          %dma_start3A_157 = tpu.memref_slice %arg10[%dma_start3A_154, %dma_start3A_155, %dma_start3A_156] : memref<2x128x128xf32, #tpu.memory_space<vmem>> -> memref<1x128x128xf32, #tpu.memory_space<vmem>>
          %dma_start3A_158 = tpu.memref_squeeze %dma_start3A_157 : memref<1x128x128xf32, #tpu.memory_space<vmem>> -> memref<128x128xf32, #tpu.memory_space<vmem>>
          %dma_start3A_159 = tpu.memref_slice %arg7[%mul3A_153] : memref<10240xi32, #tpu.memory_space<vmem>> -> memref<128xi32, #tpu.memory_space<vmem>>
          %dma_start3A_160 = arith.constant 0 : i32
          %dma_start3A_161 = arith.constant 0 : i32
          %dma_start3A_162 = tpu.memref_slice %arg2[%dma_start3A_160, %dma_start3A_161] : memref<10000x128xf32, #tpu.memory_space<hbm>> -> memref<10000x128xf32, #tpu.memory_space<hbm>>
          tpu.enqueue_indirect_dma source(%dma_start3A_162 : memref<10000x128xf32, #tpu.memory_space<hbm>>) target(%dma_start3A_158 : memref<128x128xf32, #tpu.memory_space<vmem>>) offsets(%dma_start3A_159 : memref<128xi32, #tpu.memory_space<vmem>>) semaphore(%arg12 : memref<!tpu.dma_semaphore, #tpu.memory_space<semaphore_mem>>)
        } else {
        }
        %scan3A_134 = arith.constant 0 : i32
        %scan3A_135 = arith.constant 0 : i32
        %scan3A_136 = arith.constant 8 : i32
        %scan3A_137 = arith.addi %scan3A_135, %scan3A_136 : i32
        %scan3A_138 = arith.constant 1 : i32
        %scan3A_139 = scf.for %scan3A_150 = %scan3A_135 to %scan3A_137 step %scan3A_138 iter_args(%scan3A_151 = %scan3A_134) -> (i32)  : i32 {
          %mul3A_152 = arith.constant 128 : i32
          %mul3A_153 = arith.muli %add3A_123, %mul3A_152 : i32
          %mul3A_154 = arith.constant 16 : i32
          %mul3A_155 = arith.muli %scan3A_150, %mul3A_154 : i32
          %add3A_156 = arith.addi %mul3A_153, %mul3A_155 : i32
          %get3A = arith.index_cast %add3A_156 : i32 to index
          %get3A_157 = tpu.vector_load %arg9[%get3A] {strides = array<i32>} : memref<2048xf32, #tpu.memory_space<vmem>>, vector<16xf32>,
          %get3A_158 = vector.shape_cast %get3A_157 : vector<16xf32> to vector<16xf32>
          %mul3A_159 = arith.constant 16 : i32
          %mul3A_160 = arith.muli %scan3A_150, %mul3A_159 : i32
          %add3A_161 = arith.constant 0 : i32
          %add3A_162 = arith.addi %mul3A_160, %add3A_161 : i32
          %slice3A = vector.extract_strided_slice %get3A_158 {offsets = [0], sizes = [1], strides = [1]} : vector<16xf32> to vector<1xf32>
          %squeeze3A = vector.extract %slice3A[0] : f32 from vector<1xf32>
          %broadcast_in_dim3A_163 = vector.broadcast %squeeze3A : f32 to vector<16xf32>
          %get3A_164 = arith.constant 1 : i32
          %get3A_165 = arith.index_cast %get3A_164 : i32 to index
          %get3A_166 = arith.index_cast %add3A_162 : i32 to index
          %get3A_167 = arith.constant 0 : index
          %get3A_168 = tpu.vector_load %arg10[%get3A_165, %get3A_166, %get3A_167] {strides = array<i32>} : memref<2x128x128xf32, #tpu.memory_space<vmem>>, vector<1x1x16xf32>,
          %get3A_169 = vector.shape_cast %get3A_168 : vector<1x1x16xf32> to vector<16xf32>
          %mul3A_170 = arith.mulf %get3A_169, %broadcast_in_dim3A_163 : vector<16xf32>
          %swap3A = arith.constant 1 : i32
          %swap3A_171 = arith.index_cast %swap3A : i32 to index
          %swap3A_172 = arith.index_cast %add3A_162 : i32 to index
          %swap3A_173 = arith.constant 0 : index
          %swap3A_174 = tpu.vector_load %arg10[%swap3A_171, %swap3A_172, %swap3A_173] {strides = array<i32>} : memref<2x128x128xf32, #tpu.memory_space<vmem>>, vector<1x1x16xf32>,
          %swap3A_175 = vector.shape_cast %swap3A_174 : vector<1x1x16xf32> to vector<16xf32>
          %swap3A_176 = vector.shape_cast %mul3A_170 : vector<16xf32> to vector<1x1x16xf32>
          tpu.vector_store %arg10[%swap3A_171, %swap3A_172, %swap3A_173], %swap3A_176 {strides = array<i32>} : memref<2x128x128xf32, #tpu.memory_space<vmem>>, vector<1x1x16xf32>,
          %get3A_177 = arith.constant 1 : i32
          %get3A_178 = arith.index_cast %get3A_177 : i32 to index
          %get3A_179 = arith.index_cast %add3A_162 : i32 to index
          %get3A_180 = arith.constant 16 : index
          %get3A_181 = tpu.vector_load %arg10[%get3A_178, %get3A_179, %get3A_180] {strides = array<i32>} : memref<2x128x128xf32, #tpu.memory_space<vmem>>, vector<1x1x16xf32>,
          %get3A_182 = vector.shape_cast %get3A_181 : vector<1x1x16xf32> to vector<16xf32>
          %mul3A_183 = arith.mulf %get3A_182, %broadcast_in_dim3A_163 : vector<16xf32>
          %swap3A_184 = arith.constant 1 : i32
          %swap3A_185 = arith.index_cast %swap3A_184 : i32 to index
          %swap3A_186 = arith.index_cast %add3A_162 : i32 to index
          %swap3A_187 = arith.constant 16 : index
          %swap3A_188 = tpu.vector_load %arg10[%swap3A_185, %swap3A_186, %swap3A_187] {strides = array<i32>} : memref<2x128x128xf32, #tpu.memory_space<vmem>>, vector<1x1x16xf32>,
          %swap3A_189 = vector.shape_cast %swap3A_188 : vector<1x1x16xf32> to vector<16xf32>
          %swap3A_190 = vector.shape_cast %mul3A_183 : vector<16xf32> to vector<1x1x16xf32>
          tpu.vector_store %arg10[%swap3A_185, %swap3A_186, %swap3A_187], %swap3A_190 {strides = array<i32>} : memref<2x128x128xf32, #tpu.memory_space<vmem>>, vector<1x1x16xf32>,
          %get3A_191 = arith.constant 1 : i32
          %get3A_192 = arith.index_cast %get3A_191 : i32 to index
          %get3A_193 = arith.index_cast %add3A_162 : i32 to index
          %get3A_194 = arith.constant 32 : index
          %get3A_195 = tpu.vector_load %arg10[%get3A_192, %get3A_193, %get3A_194] {strides = array<i32>} : memref<2x128x128xf32, #tpu.memory_space<vmem>>, vector<1x1x16xf32>,
          %get3A_196 = vector.shape_cast %get3A_195 : vector<1x1x16xf32> to vector<16xf32>
          %mul3A_197 = arith.mulf %get3A_196, %broadcast_in_dim3A_163 : vector<16xf32>
          %swap3A_198 = arith.constant 1 : i32
          %swap3A_199 = arith.index_cast %swap3A_198 : i32 to index
          %swap3A_200 = arith.index_cast %add3A_162 : i32 to index
          %swap3A_201 = arith.constant 32 : index
          %swap3A_202 = tpu.vector_load %arg10[%swap3A_199, %swap3A_200, %swap3A_201] {strides = array<i32>} : memref<2x128x128xf32, #tpu.memory_space<vmem>>, vector<1x1x16xf32>,
          %swap3A_203 = vector.shape_cast %swap3A_202 : vector<1x1x16xf32> to vector<16xf32>
          %swap3A_204 = vector.shape_cast %mul3A_197 : vector<16xf32> to vector<1x1x16xf32>
          tpu.vector_store %arg10[%swap3A_199, %swap3A_200, %swap3A_201], %swap3A_204 {strides = array<i32>} : memref<2x128x128xf32, #tpu.memory_space<vmem>>, vector<1x1x16xf32>,
          %get3A_205 = arith.constant 1 : i32
          %get3A_206 = arith.index_cast %get3A_205 : i32 to index
          %get3A_207 = arith.index_cast %add3A_162 : i32 to index
          %get3A_208 = arith.constant 48 : index
          %get3A_209 = tpu.vector_load %arg10[%get3A_206, %get3A_207, %get3A_208] {strides = array<i32>} : memref<2x128x128xf32, #tpu.memory_space<vmem>>, vector<1x1x16xf32>,
          %get3A_210 = vector.shape_cast %get3A_209 : vector<1x1x16xf32> to vector<16xf32>
          %mul3A_211 = arith.mulf %get3A_210, %broadcast_in_dim3A_163 : vector<16xf32>
          %swap3A_212 = arith.constant 1 : i32
          %swap3A_213 = arith.index_cast %swap3A_212 : i32 to index
          %swap3A_214 = arith.index_cast %add3A_162 : i32 to index
          %swap3A_215 = arith.constant 48 : index
          %swap3A_216 = tpu.vector_load %arg10[%swap3A_213, %swap3A_214, %swap3A_215] {strides = array<i32>} : memref<2x128x128xf32, #tpu.memory_space<vmem>>, vector<1x1x16xf32>,
          %swap3A_217 = vector.shape_cast %swap3A_216 : vector<1x1x16xf32> to vector<16xf32>
          %swap3A_218 = vector.shape_cast %mul3A_211 : vector<16xf32> to vector<1x1x16xf32>
          tpu.vector_store %arg10[%swap3A_213, %swap3A_214, %swap3A_215], %swap3A_218 {strides = array<i32>} : memref<2x128x128xf32, #tpu.memory_space<vmem>>, vector<1x1x16xf32>,
          %get3A_219 = arith.constant 1 : i32
          %get3A_220 = arith.index_cast %get3A_219 : i32 to index
          %get3A_221 = arith.index_cast %add3A_162 : i32 to index
          %get3A_222 = arith.constant 64 : index
          %get3A_223 = tpu.vector_load %arg10[%get3A_220, %get3A_221, %get3A_222] {strides = array<i32>} : memref<2x128x128xf32, #tpu.memory_space<vmem>>, vector<1x1x16xf32>,
          %get3A_224 = vector.shape_cast %get3A_223 : vector<1x1x16xf32> to vector<16xf32>
          %mul3A_225 = arith.mulf %get3A_224, %broadcast_in_dim3A_163 : vector<16xf32>
          %swap3A_226 = arith.constant 1 : i32
          %swap3A_227 = arith.index_cast %swap3A_226 : i32 to index
          %swap3A_228 = arith.index_cast %add3A_162 : i32 to index
          %swap3A_229 = arith.constant 64 : index
          %swap3A_230 = tpu.vector_load %arg10[%swap3A_227, %swap3A_228, %swap3A_229] {strides = array<i32>} : memref<2x128x128xf32, #tpu.memory_space<vmem>>, vector<1x1x16xf32>,
          %swap3A_231 = vector.shape_cast %swap3A_230 : vector<1x1x16xf32> to vector<16xf32>
          %swap3A_232 = vector.shape_cast %mul3A_225 : vector<16xf32> to vector<1x1x16xf32>
          tpu.vector_store %arg10[%swap3A_227, %swap3A_228, %swap3A_229], %swap3A_232 {strides = array<i32>} : memref<2x128x128xf32, #tpu.memory_space<vmem>>, vector<1x1x16xf32>,
          %get3A_233 = arith.constant 1 : i32
          %get3A_234 = arith.index_cast %get3A_233 : i32 to index
          %get3A_235 = arith.index_cast %add3A_162 : i32 to index
          %get3A_236 = arith.constant 80 : index
          %get3A_237 = tpu.vector_load %arg10[%get3A_234, %get3A_235, %get3A_236] {strides = array<i32>} : memref<2x128x128xf32, #tpu.memory_space<vmem>>, vector<1x1x16xf32>,
          %get3A_238 = vector.shape_cast %get3A_237 : vector<1x1x16xf32> to vector<16xf32>
          %mul3A_239 = arith.mulf %get3A_238, %broadcast_in_dim3A_163 : vector<16xf32>
          %swap3A_240 = arith.constant 1 : i32
          %swap3A_241 = arith.index_cast %swap3A_240 : i32 to index
          %swap3A_242 = arith.index_cast %add3A_162 : i32 to index
          %swap3A_243 = arith.constant 80 : index
          %swap3A_244 = tpu.vector_load %arg10[%swap3A_241, %swap3A_242, %swap3A_243] {strides = array<i32>} : memref<2x128x128xf32, #tpu.memory_space<vmem>>, vector<1x1x16xf32>,
          %swap3A_245 = vector.shape_cast %swap3A_244 : vector<1x1x16xf32> to vector<16xf32>
          %swap3A_246 = vector.shape_cast %mul3A_239 : vector<16xf32> to vector<1x1x16xf32>
          tpu.vector_store %arg10[%swap3A_241, %swap3A_242, %swap3A_243], %swap3A_246 {strides = array<i32>} : memref<2x128x128xf32, #tpu.memory_space<vmem>>, vector<1x1x16xf32>,
          %get3A_247 = arith.constant 1 : i32
          %get3A_248 = arith.index_cast %get3A_247 : i32 to index
          %get3A_249 = arith.index_cast %add3A_162 : i32 to index
          %get3A_250 = arith.constant 96 : index
          %get3A_251 = tpu.vector_load %arg10[%get3A_248, %get3A_249, %get3A_250] {strides = array<i32>} : memref<2x128x128xf32, #tpu.memory_space<vmem>>, vector<1x1x16xf32>,
          %get3A_252 = vector.shape_cast %get3A_251 : vector<1x1x16xf32> to vector<16xf32>
          %mul3A_253 = arith.mulf %get3A_252, %broadcast_in_dim3A_163 : vector<16xf32>
          %swap3A_254 = arith.constant 1 : i32
          %swap3A_255 = arith.index_cast %swap3A_254 : i32 to index
          %swap3A_256 = arith.index_cast %add3A_162 : i32 to index
          %swap3A_257 = arith.constant 96 : index
          %swap3A_258 = tpu.vector_load %arg10[%swap3A_255, %swap3A_256, %swap3A_257] {strides = array<i32>} : memref<2x128x128xf32, #tpu.memory_space<vmem>>, vector<1x1x16xf32>,
          %swap3A_259 = vector.shape_cast %swap3A_258 : vector<1x1x16xf32> to vector<16xf32>
          %swap3A_260 = vector.shape_cast %mul3A_253 : vector<16xf32> to vector<1x1x16xf32>
          tpu.vector_store %arg10[%swap3A_255, %swap3A_256, %swap3A_257], %swap3A_260 {strides = array<i32>} : memref<2x128x128xf32, #tpu.memory_space<vmem>>, vector<1x1x16xf32>,
          %get3A_261 = arith.constant 1 : i32
          %get3A_262 = arith.index_cast %get3A_261 : i32 to index
          %get3A_263 = arith.index_cast %add3A_162 : i32 to index
          %get3A_264 = arith.constant 112 : index
          %get3A_265 = tpu.vector_load %arg10[%get3A_262, %get3A_263, %get3A_264] {strides = array<i32>} : memref<2x128x128xf32, #tpu.memory_space<vmem>>, vector<1x1x16xf32>,
          %get3A_266 = vector.shape_cast %get3A_265 : vector<1x1x16xf32> to vector<16xf32>
          %mul3A_267 = arith.mulf %get3A_266, %broadcast_in_dim3A_163 : vector<16xf32>
          %swap3A_268 = arith.constant 1 : i32
          %swap3A_269 = arith.index_cast %swap3A_268 : i32 to index
          %swap3A_270 = arith.index_cast %add3A_162 : i32 to index
          %swap3A_271 = arith.constant 112 : index
          %swap3A_272 = tpu.vector_load %arg10[%swap3A_269, %swap3A_270, %swap3A_271] {strides = array<i32>} : memref<2x128x128xf32, #tpu.memory_space<vmem>>, vector<1x1x16xf32>,
          %swap3A_273 = vector.shape_cast %swap3A_272 : vector<1x1x16xf32> to vector<16xf32>
          %swap3A_274 = vector.shape_cast %mul3A_267 : vector<16xf32> to vector<1x1x16xf32>
          tpu.vector_store %arg10[%swap3A_269, %swap3A_270, %swap3A_271], %swap3A_274 {strides = array<i32>} : memref<2x128x128xf32, #tpu.memory_space<vmem>>, vector<1x1x16xf32>,
          %mul3A_275 = arith.constant 16 : i32
          %mul3A_276 = arith.muli %scan3A_150, %mul3A_275 : i32
          %add3A_277 = arith.constant 1 : i32
          %add3A_278 = arith.addi %mul3A_276, %add3A_277 : i32
          %slice3A_279 = vector.extract_strided_slice %get3A_158 {offsets = [1], sizes = [1], strides = [1]} : vector<16xf32> to vector<1xf32>
          %squeeze3A_280 = vector.extract %slice3A_279[0] : f32 from vector<1xf32>
          %broadcast_in_dim3A_281 = vector.broadcast %squeeze3A_280 : f32 to vector<16xf32>
          %get3A_282 = arith.constant 1 : i32
          %get3A_283 = arith.index_cast %get3A_282 : i32 to index
          %get3A_284 = arith.index_cast %add3A_278 : i32 to index
          %get3A_285 = arith.constant 0 : index
          %get3A_286 = tpu.vector_load %arg10[%get3A_283, %get3A_284, %get3A_285] {strides = array<i32>} : memref<2x128x128xf32, #tpu.memory_space<vmem>>, vector<1x1x16xf32>,
          %get3A_287 = vector.shape_cast %get3A_286 : vector<1x1x16xf32> to vector<16xf32>
          %mul3A_288 = arith.mulf %get3A_287, %broadcast_in_dim3A_281 : vector<16xf32>
          %swap3A_289 = arith.constant 1 : i32
          %swap3A_290 = arith.index_cast %swap3A_289 : i32 to index
          %swap3A_291 = arith.index_cast %add3A_278 : i32 to index
          %swap3A_292 = arith.constant 0 : index
          %swap3A_293 = tpu.vector_load %arg10[%swap3A_290, %swap3A_291, %swap3A_292] {strides = array<i32>} : memref<2x128x128xf32, #tpu.memory_space<vmem>>, vector<1x1x16xf32>,
          %swap3A_294 = vector.shape_cast %swap3A_293 : vector<1x1x16xf32> to vector<16xf32>
          %swap3A_295 = vector.shape_cast %mul3A_288 : vector<16xf32> to vector<1x1x16xf32>
          tpu.vector_store %arg10[%swap3A_290, %swap3A_291, %swap3A_292], %swap3A_295 {strides = array<i32>} : memref<2x128x128xf32, #tpu.memory_space<vmem>>, vector<1x1x16xf32>,
          %get3A_296 = arith.constant 1 : i32
          %get3A_297 = arith.index_cast %get3A_296 : i32 to index
          %get3A_298 = arith.index_cast %add3A_278 : i32 to index
          %get3A_299 = arith.constant 16 : index
          %get3A_300 = tpu.vector_load %arg10[%get3A_297, %get3A_298, %get3A_299] {strides = array<i32>} : memref<2x128x128xf32, #tpu.memory_space<vmem>>, vector<1x1x16xf32>,
          %get3A_301 = vector.shape_cast %get3A_300 : vector<1x1x16xf32> to vector<16xf32>
          %mul3A_302 = arith.mulf %get3A_301, %broadcast_in_dim3A_281 : vector<16xf32>
          %swap3A_303 = arith.constant 1 : i32
          %swap3A_304 = arith.index_cast %swap3A_303 : i32 to index
          %swap3A_305 = arith.index_cast %add3A_278 : i32 to index
          %swap3A_306 = arith.constant 16 : index
          %swap3A_307 = tpu.vector_load %arg10[%swap3A_304, %swap3A_305, %swap3A_306] {strides = array<i32>} : memref<2x128x128xf32, #tpu.memory_space<vmem>>, vector<1x1x16xf32>,
          %swap3A_308 = vector.shape_cast %swap3A_307 : vector<1x1x16xf32> to vector<16xf32>
          %swap3A_309 = vector.shape_cast %mul3A_302 : vector<16xf32> to vector<1x1x16xf32>
          tpu.vector_store %arg10[%swap3A_304, %swap3A_305, %swap3A_306], %swap3A_309 {strides = array<i32>} : memref<2x128x128xf32, #tpu.memory_space<vmem>>, vector<1x1x16xf32>,
          %get3A_310 = arith.constant 1 : i32
          %get3A_311 = arith.index_cast %get3A_310 : i32 to index
          %get3A_312 = arith.index_cast %add3A_278 : i32 to index
          %get3A_313 = arith.constant 32 : index
          %get3A_314 = tpu.vector_load %arg10[%get3A_311, %get3A_312, %get3A_313] {strides = array<i32>} : memref<2x128x128xf32, #tpu.memory_space<vmem>>, vector<1x1x16xf32>,
          %get3A_315 = vector.shape_cast %get3A_314 : vector<1x1x16xf32> to vector<16xf32>
          %mul3A_316 = arith.mulf %get3A_315, %broadcast_in_dim3A_281 : vector<16xf32>
          %swap3A_317 = arith.constant 1 : i32
          %swap3A_318 = arith.index_cast %swap3A_317 : i32 to index
          %swap3A_319 = arith.index_cast %add3A_278 : i32 to index
          %swap3A_320 = arith.constant 32 : index
          %swap3A_321 = tpu.vector_load %arg10[%swap3A_318, %swap3A_319, %swap3A_320] {strides = array<i32>} : memref<2x128x128xf32, #tpu.memory_space<vmem>>, vector<1x1x16xf32>,
          %swap3A_322 = vector.shape_cast %swap3A_321 : vector<1x1x16xf32> to vector<16xf32>
          %swap3A_323 = vector.shape_cast %mul3A_316 : vector<16xf32> to vector<1x1x16xf32>
          tpu.vector_store %arg10[%swap3A_318, %swap3A_319, %swap3A_320], %swap3A_323 {strides = array<i32>} : memref<2x128x128xf32, #tpu.memory_space<vmem>>, vector<1x1x16xf32>,
          %get3A_324 = arith.constant 1 : i32
          %get3A_325 = arith.index_cast %get3A_324 : i32 to index
          %get3A_326 = arith.index_cast %add3A_278 : i32 to index
          %get3A_327 = arith.constant 48 : index
          %get3A_328 = tpu.vector_load %arg10[%get3A_325, %get3A_326, %get3A_327] {strides = array<i32>} : memref<2x128x128xf32, #tpu.memory_space<vmem>>, vector<1x1x16xf32>,
          %get3A_329 = vector.shape_cast %get3A_328 : vector<1x1x16xf32> to vector<16xf32>
          %mul3A_330 = arith.mulf %get3A_329, %broadcast_in_dim3A_281 : vector<16xf32>
          %swap3A_331 = arith.constant 1 : i32
          %swap3A_332 = arith.index_cast %swap3A_331 : i32 to index
          %swap3A_333 = arith.index_cast %add3A_278 : i32 to index
          %swap3A_334 = arith.constant 48 : index
          %swap3A_335 = tpu.vector_load %arg10[%swap3A_332, %swap3A_333, %swap3A_334] {strides = array<i32>} : memref<2x128x128xf32, #tpu.memory_space<vmem>>, vector<1x1x16xf32>,
          %swap3A_336 = vector.shape_cast %swap3A_335 : vector<1x1x16xf32> to vector<16xf32>
          %swap3A_337 = vector.shape_cast %mul3A_330 : vector<16xf32> to vector<1x1x16xf32>
          tpu.vector_store %arg10[%swap3A_332, %swap3A_333, %swap3A_334], %swap3A_337 {strides = array<i32>} : memref<2x128x128xf32, #tpu.memory_space<vmem>>, vector<1x1x16xf32>,
          %get3A_338 = arith.constant 1 : i32
          %get3A_339 = arith.index_cast %get3A_338 : i32 to index
          %get3A_340 = arith.index_cast %add3A_278 : i32 to index
          %get3A_341 = arith.constant 64 : index
          %get3A_342 = tpu.vector_load %arg10[%get3A_339, %get3A_340, %get3A_341] {strides = array<i32>} : memref<2x128x128xf32, #tpu.memory_space<vmem>>, vector<1x1x16xf32>,
          %get3A_343 = vector.shape_cast %get3A_342 : vector<1x1x16xf32> to vector<16xf32>
          %mul3A_344 = arith.mulf %get3A_343, %broadcast_in_dim3A_281 : vector<16xf32>
          %swap3A_345 = arith.constant 1 : i32
          %swap3A_346 = arith.index_cast %swap3A_345 : i32 to index
          %swap3A_347 = arith.index_cast %add3A_278 : i32 to index
          %swap3A_348 = arith.constant 64 : index
          %swap3A_349 = tpu.vector_load %arg10[%swap3A_346, %swap3A_347, %swap3A_348] {strides = array<i32>} : memref<2x128x128xf32, #tpu.memory_space<vmem>>, vector<1x1x16xf32>,
          %swap3A_350 = vector.shape_cast %swap3A_349 : vector<1x1x16xf32> to vector<16xf32>
          %swap3A_351 = vector.shape_cast %mul3A_344 : vector<16xf32> to vector<1x1x16xf32>
          tpu.vector_store %arg10[%swap3A_346, %swap3A_347, %swap3A_348], %swap3A_351 {strides = array<i32>} : memref<2x128x128xf32, #tpu.memory_space<vmem>>, vector<1x1x16xf32>,
          %get3A_352 = arith.constant 1 : i32
          %get3A_353 = arith.index_cast %get3A_352 : i32 to index
          %get3A_354 = arith.index_cast %add3A_278 : i32 to index
          %get3A_355 = arith.constant 80 : index
          %get3A_356 = tpu.vector_load %arg10[%get3A_353, %get3A_354, %get3A_355] {strides = array<i32>} : memref<2x128x128xf32, #tpu.memory_space<vmem>>, vector<1x1x16xf32>,
          %get3A_357 = vector.shape_cast %get3A_356 : vector<1x1x16xf32> to vector<16xf32>
          %mul3A_358 = arith.mulf %get3A_357, %broadcast_in_dim3A_281 : vector<16xf32>
          %swap3A_359 = arith.constant 1 : i32
          %swap3A_360 = arith.index_cast %swap3A_359 : i32 to index
          %swap3A_361 = arith.index_cast %add3A_278 : i32 to index
          %swap3A_362 = arith.constant 80 : index
          %swap3A_363 = tpu.vector_load %arg10[%swap3A_360, %swap3A_361, %swap3A_362] {strides = array<i32>} : memref<2x128x128xf32, #tpu.memory_space<vmem>>, vector<1x1x16xf32>,
          %swap3A_364 = vector.shape_cast %swap3A_363 : vector<1x1x16xf32> to vector<16xf32>
          %swap3A_365 = vector.shape_cast %mul3A_358 : vector<16xf32> to vector<1x1x16xf32>
          tpu.vector_store %arg10[%swap3A_360, %swap3A_361, %swap3A_362], %swap3A_365 {strides = array<i32>} : memref<2x128x128xf32, #tpu.memory_space<vmem>>, vector<1x1x16xf32>,
          %get3A_366 = arith.constant 1 : i32
          %get3A_367 = arith.index_cast %get3A_366 : i32 to index
          %get3A_368 = arith.index_cast %add3A_278 : i32 to index
          %get3A_369 = arith.constant 96 : index
          %get3A_370 = tpu.vector_load %arg10[%get3A_367, %get3A_368, %get3A_369] {strides = array<i32>} : memref<2x128x128xf32, #tpu.memory_space<vmem>>, vector<1x1x16xf32>,
          %get3A_371 = vector.shape_cast %get3A_370 : vector<1x1x16xf32> to vector<16xf32>
          %mul3A_372 = arith.mulf %get3A_371, %broadcast_in_dim3A_281 : vector<16xf32>
          %swap3A_373 = arith.constant 1 : i32
          %swap3A_374 = arith.index_cast %swap3A_373 : i32 to index
          %swap3A_375 = arith.index_cast %add3A_278 : i32 to index
          %swap3A_376 = arith.constant 96 : index
          %swap3A_377 = tpu.vector_load %arg10[%swap3A_374, %swap3A_375, %swap3A_376] {strides = array<i32>} : memref<2x128x128xf32, #tpu.memory_space<vmem>>, vector<1x1x16xf32>,
          %swap3A_378 = vector.shape_cast %swap3A_377 : vector<1x1x16xf32> to vector<16xf32>
          %swap3A_379 = vector.shape_cast %mul3A_372 : vector<16xf32> to vector<1x1x16xf32>
          tpu.vector_store %arg10[%swap3A_374, %swap3A_375, %swap3A_376], %swap3A_379 {strides = array<i32>} : memref<2x128x128xf32, #tpu.memory_space<vmem>>, vector<1x1x16xf32>,
          %get3A_380 = arith.constant 1 : i32
          %get3A_381 = arith.index_cast %get3A_380 : i32 to index
          %get3A_382 = arith.index_cast %add3A_278 : i32 to index
          %get3A_383 = arith.constant 112 : index
          %get3A_384 = tpu.vector_load %arg10[%get3A_381, %get3A_382, %get3A_383] {strides = array<i32>} : memref<2x128x128xf32, #tpu.memory_space<vmem>>, vector<1x1x16xf32>,
          %get3A_385 = vector.shape_cast %get3A_384 : vector<1x1x16xf32> to vector<16xf32>
          %mul3A_386 = arith.mulf %get3A_385, %broadcast_in_dim3A_281 : vector<16xf32>
          %swap3A_387 = arith.constant 1 : i32
          %swap3A_388 = arith.index_cast %swap3A_387 : i32 to index
          %swap3A_389 = arith.index_cast %add3A_278 : i32 to index
          %swap3A_390 = arith.constant 112 : index
          %swap3A_391 = tpu.vector_load %arg10[%swap3A_388, %swap3A_389, %swap3A_390] {strides = array<i32>} : memref<2x128x128xf32, #tpu.memory_space<vmem>>, vector<1x1x16xf32>,
          %swap3A_392 = vector.shape_cast %swap3A_391 : vector<1x1x16xf32> to vector<16xf32>
          %swap3A_393 = vector.shape_cast %mul3A_386 : vector<16xf32> to vector<1x1x16xf32>
          tpu.vector_store %arg10[%swap3A_388, %swap3A_389, %swap3A_390], %swap3A_393 {strides = array<i32>} : memref<2x128x128xf32, #tpu.memory_space<vmem>>, vector<1x1x16xf32>,
          %mul3A_394 = arith.constant 16 : i32
          %mul3A_395 = arith.muli %scan3A_150, %mul3A_394 : i32
          %add3A_396 = arith.constant 2 : i32
          %add3A_397 = arith.addi %mul3A_395, %add3A_396 : i32
          %slice3A_398 = vector.extract_strided_slice %get3A_158 {offsets = [2], sizes = [1], strides = [1]} : vector<16xf32> to vector<1xf32>
          %squeeze3A_399 = vector.extract %slice3A_398[0] : f32 from vector<1xf32>
          %broadcast_in_dim3A_400 = vector.broadcast %squeeze3A_399 : f32 to vector<16xf32>
          %get3A_401 = arith.constant 1 : i32
          %get3A_402 = arith.index_cast %get3A_401 : i32 to index
          %get3A_403 = arith.index_cast %add3A_397 : i32 to index
          %get3A_404 = arith.constant 0 : index
          %get3A_405 = tpu.vector_load %arg10[%get3A_402, %get3A_403, %get3A_404] {strides = array<i32>} : memref<2x128x128xf32, #tpu.memory_space<vmem>>, vector<1x1x16xf32>,
          %get3A_406 = vector.shape_cast %get3A_405 : vector<1x1x16xf32> to vector<16xf32>
          %mul3A_407 = arith.mulf %get3A_406, %broadcast_in_dim3A_400 : vector<16xf32>
          %swap3A_408 = arith.constant 1 : i32
          %swap3A_409 = arith.index_cast %swap3A_408 : i32 to index
          %swap3A_410 = arith.index_cast %add3A_397 : i32 to index
          %swap3A_411 = arith.constant 0 : index
          %swap3A_412 = tpu.vector_load %arg10[%swap3A_409, %swap3A_410, %swap3A_411] {strides = array<i32>} : memref<2x128x128xf32, #tpu.memory_space<vmem>>, vector<1x1x16xf32>,
          %swap3A_413 = vector.shape_cast %swap3A_412 : vector<1x1x16xf32> to vector<16xf32>
          %swap3A_414 = vector.shape_cast %mul3A_407 : vector<16xf32> to vector<1x1x16xf32>
          tpu.vector_store %arg10[%swap3A_409, %swap3A_410, %swap3A_411], %swap3A_414 {strides = array<i32>} : memref<2x128x128xf32, #tpu.memory_space<vmem>>, vector<1x1x16xf32>,
          %get3A_415 = arith.constant 1 : i32
          %get3A_416 = arith.index_cast %get3A_415 : i32 to index
          %get3A_417 = arith.index_cast %add3A_397 : i32 to index
          %get3A_418 = arith.constant 16 : index
          %get3A_419 = tpu.vector_load %arg10[%get3A_416, %get3A_417, %get3A_418] {strides = array<i32>} : memref<2x128x128xf32, #tpu.memory_space<vmem>>, vector<1x1x16xf32>,
          %get3A_420 = vector.shape_cast %get3A_419 : vector<1x1x16xf32> to vector<16xf32>
          %mul3A_421 = arith.mulf %get3A_420, %broadcast_in_dim3A_400 : vector<16xf32>
          %swap3A_422 = arith.constant 1 : i32
          %swap3A_423 = arith.index_cast %swap3A_422 : i32 to index
          %swap3A_424 = arith.index_cast %add3A_397 : i32 to index
          %swap3A_425 = arith.constant 16 : index
          %swap3A_426 = tpu.vector_load %arg10[%swap3A_423, %swap3A_424, %swap3A_425] {strides = array<i32>} : memref<2x128x128xf32, #tpu.memory_space<vmem>>, vector<1x1x16xf32>,
          %swap3A_427 = vector.shape_cast %swap3A_426 : vector<1x1x16xf32> to vector<16xf32>
          %swap3A_428 = vector.shape_cast %mul3A_421 : vector<16xf32> to vector<1x1x16xf32>
          tpu.vector_store %arg10[%swap3A_423, %swap3A_424, %swap3A_425], %swap3A_428 {strides = array<i32>} : memref<2x128x128xf32, #tpu.memory_space<vmem>>, vector<1x1x16xf32>,
          %get3A_429 = arith.constant 1 : i32
          %get3A_430 = arith.index_cast %get3A_429 : i32 to index
          %get3A_431 = arith.index_cast %add3A_397 : i32 to index
          %get3A_432 = arith.constant 32 : index
          %get3A_433 = tpu.vector_load %arg10[%get3A_430, %get3A_431, %get3A_432] {strides = array<i32>} : memref<2x128x128xf32, #tpu.memory_space<vmem>>, vector<1x1x16xf32>,
          %get3A_434 = vector.shape_cast %get3A_433 : vector<1x1x16xf32> to vector<16xf32>
          %mul3A_435 = arith.mulf %get3A_434, %broadcast_in_dim3A_400 : vector<16xf32>
          %swap3A_436 = arith.constant 1 : i32
          %swap3A_437 = arith.index_cast %swap3A_436 : i32 to index
          %swap3A_438 = arith.index_cast %add3A_397 : i32 to index
          %swap3A_439 = arith.constant 32 : index
          %swap3A_440 = tpu.vector_load %arg10[%swap3A_437, %swap3A_438, %swap3A_439] {strides = array<i32>} : memref<2x128x128xf32, #tpu.memory_space<vmem>>, vector<1x1x16xf32>,
          %swap3A_441 = vector.shape_cast %swap3A_440 : vector<1x1x16xf32> to vector<16xf32>
          %swap3A_442 = vector.shape_cast %mul3A_435 : vector<16xf32> to vector<1x1x16xf32>
          tpu.vector_store %arg10[%swap3A_437, %swap3A_438, %swap3A_439], %swap3A_442 {strides = array<i32>} : memref<2x128x128xf32, #tpu.memory_space<vmem>>, vector<1x1x16xf32>,
          %get3A_443 = arith.constant 1 : i32
          %get3A_444 = arith.index_cast %get3A_443 : i32 to index
          %get3A_445 = arith.index_cast %add3A_397 : i32 to index
          %get3A_446 = arith.constant 48 : index
          %get3A_447 = tpu.vector_load %arg10[%get3A_444, %get3A_445, %get3A_446] {strides = array<i32>} : memref<2x128x128xf32, #tpu.memory_space<vmem>>, vector<1x1x16xf32>,
          %get3A_448 = vector.shape_cast %get3A_447 : vector<1x1x16xf32> to vector<16xf32>
          %mul3A_449 = arith.mulf %get3A_448, %broadcast_in_dim3A_400 : vector<16xf32>
          %swap3A_450 = arith.constant 1 : i32
          %swap3A_451 = arith.index_cast %swap3A_450 : i32 to index
          %swap3A_452 = arith.index_cast %add3A_397 : i32 to index
          %swap3A_453 = arith.constant 48 : index
          %swap3A_454 = tpu.vector_load %arg10[%swap3A_451, %swap3A_452, %swap3A_453] {strides = array<i32>} : memref<2x128x128xf32, #tpu.memory_space<vmem>>, vector<1x1x16xf32>,
          %swap3A_455 = vector.shape_cast %swap3A_454 : vector<1x1x16xf32> to vector<16xf32>
          %swap3A_456 = vector.shape_cast %mul3A_449 : vector<16xf32> to vector<1x1x16xf32>
          tpu.vector_store %arg10[%swap3A_451, %swap3A_452, %swap3A_453], %swap3A_456 {strides = array<i32>} : memref<2x128x128xf32, #tpu.memory_space<vmem>>, vector<1x1x16xf32>,
          %get3A_457 = arith.constant 1 : i32
          %get3A_458 = arith.index_cast %get3A_457 : i32 to index
          %get3A_459 = arith.index_cast %add3A_397 : i32 to index
          %get3A_460 = arith.constant 64 : index
          %get3A_461 = tpu.vector_load %arg10[%get3A_458, %get3A_459, %get3A_460] {strides = array<i32>} : memref<2x128x128xf32, #tpu.memory_space<vmem>>, vector<1x1x16xf32>,
          %get3A_462 = vector.shape_cast %get3A_461 : vector<1x1x16xf32> to vector<16xf32>
          %mul3A_463 = arith.mulf %get3A_462, %broadcast_in_dim3A_400 : vector<16xf32>
          %swap3A_464 = arith.constant 1 : i32
          %swap3A_465 = arith.index_cast %swap3A_464 : i32 to index
          %swap3A_466 = arith.index_cast %add3A_397 : i32 to index
          %swap3A_467 = arith.constant 64 : index
          %swap3A_468 = tpu.vector_load %arg10[%swap3A_465, %swap3A_466, %swap3A_467] {strides = array<i32>} : memref<2x128x128xf32, #tpu.memory_space<vmem>>, vector<1x1x16xf32>,
          %swap3A_469 = vector.shape_cast %swap3A_468 : vector<1x1x16xf32> to vector<16xf32>
          %swap3A_470 = vector.shape_cast %mul3A_463 : vector<16xf32> to vector<1x1x16xf32>
          tpu.vector_store %arg10[%swap3A_465, %swap3A_466, %swap3A_467], %swap3A_470 {strides = array<i32>} : memref<2x128x128xf32, #tpu.memory_space<vmem>>, vector<1x1x16xf32>,
          %get3A_471 = arith.constant 1 : i32
          %get3A_472 = arith.index_cast %get3A_471 : i32 to index
          %get3A_473 = arith.index_cast %add3A_397 : i32 to index
          %get3A_474 = arith.constant 80 : index
          %get3A_475 = tpu.vector_load %arg10[%get3A_472, %get3A_473, %get3A_474] {strides = array<i32>} : memref<2x128x128xf32, #tpu.memory_space<vmem>>, vector<1x1x16xf32>,
          %get3A_476 = vector.shape_cast %get3A_475 : vector<1x1x16xf32> to vector<16xf32>
          %mul3A_477 = arith.mulf %get3A_476, %broadcast_in_dim3A_400 : vector<16xf32>
          %swap3A_478 = arith.constant 1 : i32
          %swap3A_479 = arith.index_cast %swap3A_478 : i32 to index
          %swap3A_480 = arith.index_cast %add3A_397 : i32 to index
          %swap3A_481 = arith.constant 80 : index
          %swap3A_482 = tpu.vector_load %arg10[%swap3A_479, %swap3A_480, %swap3A_481] {strides = array<i32>} : memref<2x128x128xf32, #tpu.memory_space<vmem>>, vector<1x1x16xf32>,
          %swap3A_483 = vector.shape_cast %swap3A_482 : vector<1x1x16xf32> to vector<16xf32>
          %swap3A_484 = vector.shape_cast %mul3A_477 : vector<16xf32> to vector<1x1x16xf32>
          tpu.vector_store %arg10[%swap3A_479, %swap3A_480, %swap3A_481], %swap3A_484 {strides = array<i32>} : memref<2x128x128xf32, #tpu.memory_space<vmem>>, vector<1x1x16xf32>,
          %get3A_485 = arith.constant 1 : i32
          %get3A_486 = arith.index_cast %get3A_485 : i32 to index
          %get3A_487 = arith.index_cast %add3A_397 : i32 to index
          %get3A_488 = arith.constant 96 : index
          %get3A_489 = tpu.vector_load %arg10[%get3A_486, %get3A_487, %get3A_488] {strides = array<i32>} : memref<2x128x128xf32, #tpu.memory_space<vmem>>, vector<1x1x16xf32>,
          %get3A_490 = vector.shape_cast %get3A_489 : vector<1x1x16xf32> to vector<16xf32>
          %mul3A_491 = arith.mulf %get3A_490, %broadcast_in_dim3A_400 : vector<16xf32>
          %swap3A_492 = arith.constant 1 : i32
          %swap3A_493 = arith.index_cast %swap3A_492 : i32 to index
          %swap3A_494 = arith.index_cast %add3A_397 : i32 to index
          %swap3A_495 = arith.constant 96 : index
          %swap3A_496 = tpu.vector_load %arg10[%swap3A_493, %swap3A_494, %swap3A_495] {strides = array<i32>} : memref<2x128x128xf32, #tpu.memory_space<vmem>>, vector<1x1x16xf32>,
          %swap3A_497 = vector.shape_cast %swap3A_496 : vector<1x1x16xf32> to vector<16xf32>
          %swap3A_498 = vector.shape_cast %mul3A_491 : vector<16xf32> to vector<1x1x16xf32>
          tpu.vector_store %arg10[%swap3A_493, %swap3A_494, %swap3A_495], %swap3A_498 {strides = array<i32>} : memref<2x128x128xf32, #tpu.memory_space<vmem>>, vector<1x1x16xf32>,
          %get3A_499 = arith.constant 1 : i32
          %get3A_500 = arith.index_cast %get3A_499 : i32 to index
          %get3A_501 = arith.index_cast %add3A_397 : i32 to index
          %get3A_502 = arith.constant 112 : index
          %get3A_503 = tpu.vector_load %arg10[%get3A_500, %get3A_501, %get3A_502] {strides = array<i32>} : memref<2x128x128xf32, #tpu.memory_space<vmem>>, vector<1x1x16xf32>,
          %get3A_504 = vector.shape_cast %get3A_503 : vector<1x1x16xf32> to vector<16xf32>
          %mul3A_505 = arith.mulf %get3A_504, %broadcast_in_dim3A_400 : vector<16xf32>
          %swap3A_506 = arith.constant 1 : i32
          %swap3A_507 = arith.index_cast %swap3A_506 : i32 to index
          %swap3A_508 = arith.index_cast %add3A_397 : i32 to index
          %swap3A_509 = arith.constant 112 : index
          %swap3A_510 = tpu.vector_load %arg10[%swap3A_507, %swap3A_508, %swap3A_509] {strides = array<i32>} : memref<2x128x128xf32, #tpu.memory_space<vmem>>, vector<1x1x16xf32>,
          %swap3A_511 = vector.shape_cast %swap3A_510 : vector<1x1x16xf32> to vector<16xf32>
          %swap3A_512 = vector.shape_cast %mul3A_505 : vector<16xf32> to vector<1x1x16xf32>
          tpu.vector_store %arg10[%swap3A_507, %swap3A_508, %swap3A_509], %swap3A_512 {strides = array<i32>} : memref<2x128x128xf32, #tpu.memory_space<vmem>>, vector<1x1x16xf32>,
          %mul3A_513 = arith.constant 16 : i32
          %mul3A_514 = arith.muli %scan3A_150, %mul3A_513 : i32
          %add3A_515 = arith.constant 3 : i32
          %add3A_516 = arith.addi %mul3A_514, %add3A_515 : i32
          %slice3A_517 = vector.extract_strided_slice %get3A_158 {offsets = [3], sizes = [1], strides = [1]} : vector<16xf32> to vector<1xf32>
          %squeeze3A_518 = vector.extract %slice3A_517[0] : f32 from vector<1xf32>
          %broadcast_in_dim3A_519 = vector.broadcast %squeeze3A_518 : f32 to vector<16xf32>
          %get3A_520 = arith.constant 1 : i32
          %get3A_521 = arith.index_cast %get3A_520 : i32 to index
          %get3A_522 = arith.index_cast %add3A_516 : i32 to index
          %get3A_523 = arith.constant 0 : index
          %get3A_524 = tpu.vector_load %arg10[%get3A_521, %get3A_522, %get3A_523] {strides = array<i32>} : memref<2x128x128xf32, #tpu.memory_space<vmem>>, vector<1x1x16xf32>,
          %get3A_525 = vector.shape_cast %get3A_524 : vector<1x1x16xf32> to vector<16xf32>
          %mul3A_526 = arith.mulf %get3A_525, %broadcast_in_dim3A_519 : vector<16xf32>
          %swap3A_527 = arith.constant 1 : i32
          %swap3A_528 = arith.index_cast %swap3A_527 : i32 to index
          %swap3A_529 = arith.index_cast %add3A_516 : i32 to index
          %swap3A_530 = arith.constant 0 : index
          %swap3A_531 = tpu.vector_load %arg10[%swap3A_528, %swap3A_529, %swap3A_530] {strides = array<i32>} : memref<2x128x128xf32, #tpu.memory_space<vmem>>, vector<1x1x16xf32>,
          %swap3A_532 = vector.shape_cast %swap3A_531 : vector<1x1x16xf32> to vector<16xf32>
          %swap3A_533 = vector.shape_cast %mul3A_526 : vector<16xf32> to vector<1x1x16xf32>
          tpu.vector_store %arg10[%swap3A_528, %swap3A_529, %swap3A_530], %swap3A_533 {strides = array<i32>} : memref<2x128x128xf32, #tpu.memory_space<vmem>>, vector<1x1x16xf32>,
          %get3A_534 = arith.constant 1 : i32
          %get3A_535 = arith.index_cast %get3A_534 : i32 to index
          %get3A_536 = arith.index_cast %add3A_516 : i32 to index
          %get3A_537 = arith.constant 16 : index
          %get3A_538 = tpu.vector_load %arg10[%get3A_535, %get3A_536, %get3A_537] {strides = array<i32>} : memref<2x128x128xf32, #tpu.memory_space<vmem>>, vector<1x1x16xf32>,
          %get3A_539 = vector.shape_cast %get3A_538 : vector<1x1x16xf32> to vector<16xf32>
          %mul3A_540 = arith.mulf %get3A_539, %broadcast_in_dim3A_519 : vector<16xf32>
          %swap3A_541 = arith.constant 1 : i32
          %swap3A_542 = arith.index_cast %swap3A_541 : i32 to index
          %swap3A_543 = arith.index_cast %add3A_516 : i32 to index
          %swap3A_544 = arith.constant 16 : index
          %swap3A_545 = tpu.vector_load %arg10[%swap3A_542, %swap3A_543, %swap3A_544] {strides = array<i32>} : memref<2x128x128xf32, #tpu.memory_space<vmem>>, vector<1x1x16xf32>,
          %swap3A_546 = vector.shape_cast %swap3A_545 : vector<1x1x16xf32> to vector<16xf32>
          %swap3A_547 = vector.shape_cast %mul3A_540 : vector<16xf32> to vector<1x1x16xf32>
          tpu.vector_store %arg10[%swap3A_542, %swap3A_543, %swap3A_544], %swap3A_547 {strides = array<i32>} : memref<2x128x128xf32, #tpu.memory_space<vmem>>, vector<1x1x16xf32>,
          %get3A_548 = arith.constant 1 : i32
          %get3A_549 = arith.index_cast %get3A_548 : i32 to index
          %get3A_550 = arith.index_cast %add3A_516 : i32 to index
          %get3A_551 = arith.constant 32 : index
          %get3A_552 = tpu.vector_load %arg10[%get3A_549, %get3A_550, %get3A_551] {strides = array<i32>} : memref<2x128x128xf32, #tpu.memory_space<vmem>>, vector<1x1x16xf32>,
          %get3A_553 = vector.shape_cast %get3A_552 : vector<1x1x16xf32> to vector<16xf32>
          %mul3A_554 = arith.mulf %get3A_553, %broadcast_in_dim3A_519 : vector<16xf32>
          %swap3A_555 = arith.constant 1 : i32
          %swap3A_556 = arith.index_cast %swap3A_555 : i32 to index
          %swap3A_557 = arith.index_cast %add3A_516 : i32 to index
          %swap3A_558 = arith.constant 32 : index
          %swap3A_559 = tpu.vector_load %arg10[%swap3A_556, %swap3A_557, %swap3A_558] {strides = array<i32>} : memref<2x128x128xf32, #tpu.memory_space<vmem>>, vector<1x1x16xf32>,
          %swap3A_560 = vector.shape_cast %swap3A_559 : vector<1x1x16xf32> to vector<16xf32>
          %swap3A_561 = vector.shape_cast %mul3A_554 : vector<16xf32> to vector<1x1x16xf32>
          tpu.vector_store %arg10[%swap3A_556, %swap3A_557, %swap3A_558], %swap3A_561 {strides = array<i32>} : memref<2x128x128xf32, #tpu.memory_space<vmem>>, vector<1x1x16xf32>,
          %get3A_562 = arith.constant 1 : i32
          %get3A_563 = arith.index_cast %get3A_562 : i32 to index
          %get3A_564 = arith.index_cast %add3A_516 : i32 to index
          %get3A_565 = arith.constant 48 : index
          %get3A_566 = tpu.vector_load %arg10[%get3A_563, %get3A_564, %get3A_565] {strides = array<i32>} : memref<2x128x128xf32, #tpu.memory_space<vmem>>, vector<1x1x16xf32>,
          %get3A_567 = vector.shape_cast %get3A_566 : vector<1x1x16xf32> to vector<16xf32>
          %mul3A_568 = arith.mulf %get3A_567, %broadcast_in_dim3A_519 : vector<16xf32>
          %swap3A_569 = arith.constant 1 : i32
          %swap3A_570 = arith.index_cast %swap3A_569 : i32 to index
          %swap3A_571 = arith.index_cast %add3A_516 : i32 to index
          %swap3A_572 = arith.constant 48 : index
          %swap3A_573 = tpu.vector_load %arg10[%swap3A_570, %swap3A_571, %swap3A_572] {strides = array<i32>} : memref<2x128x128xf32, #tpu.memory_space<vmem>>, vector<1x1x16xf32>,
          %swap3A_574 = vector.shape_cast %swap3A_573 : vector<1x1x16xf32> to vector<16xf32>
          %swap3A_575 = vector.shape_cast %mul3A_568 : vector<16xf32> to vector<1x1x16xf32>
          tpu.vector_store %arg10[%swap3A_570, %swap3A_571, %swap3A_572], %swap3A_575 {strides = array<i32>} : memref<2x128x128xf32, #tpu.memory_space<vmem>>, vector<1x1x16xf32>,
          %get3A_576 = arith.constant 1 : i32
          %get3A_577 = arith.index_cast %get3A_576 : i32 to index
          %get3A_578 = arith.index_cast %add3A_516 : i32 to index
          %get3A_579 = arith.constant 64 : index
          %get3A_580 = tpu.vector_load %arg10[%get3A_577, %get3A_578, %get3A_579] {strides = array<i32>} : memref<2x128x128xf32, #tpu.memory_space<vmem>>, vector<1x1x16xf32>,
          %get3A_581 = vector.shape_cast %get3A_580 : vector<1x1x16xf32> to vector<16xf32>
          %mul3A_582 = arith.mulf %get3A_581, %broadcast_in_dim3A_519 : vector<16xf32>
          %swap3A_583 = arith.constant 1 : i32
          %swap3A_584 = arith.index_cast %swap3A_583 : i32 to index
          %swap3A_585 = arith.index_cast %add3A_516 : i32 to index
          %swap3A_586 = arith.constant 64 : index
          %swap3A_587 = tpu.vector_load %arg10[%swap3A_584, %swap3A_585, %swap3A_586] {strides = array<i32>} : memref<2x128x128xf32, #tpu.memory_space<vmem>>, vector<1x1x16xf32>,
          %swap3A_588 = vector.shape_cast %swap3A_587 : vector<1x1x16xf32> to vector<16xf32>
          %swap3A_589 = vector.shape_cast %mul3A_582 : vector<16xf32> to vector<1x1x16xf32>
          tpu.vector_store %arg10[%swap3A_584, %swap3A_585, %swap3A_586], %swap3A_589 {strides = array<i32>} : memref<2x128x128xf32, #tpu.memory_space<vmem>>, vector<1x1x16xf32>,
          %get3A_590 = arith.constant 1 : i32
          %get3A_591 = arith.index_cast %get3A_590 : i32 to index
          %get3A_592 = arith.index_cast %add3A_516 : i32 to index
          %get3A_593 = arith.constant 80 : index
          %get3A_594 = tpu.vector_load %arg10[%get3A_591, %get3A_592, %get3A_593] {strides = array<i32>} : memref<2x128x128xf32, #tpu.memory_space<vmem>>, vector<1x1x16xf32>,
          %get3A_595 = vector.shape_cast %get3A_594 : vector<1x1x16xf32> to vector<16xf32>
          %mul3A_596 = arith.mulf %get3A_595, %broadcast_in_dim3A_519 : vector<16xf32>
          %swap3A_597 = arith.constant 1 : i32
          %swap3A_598 = arith.index_cast %swap3A_597 : i32 to index
          %swap3A_599 = arith.index_cast %add3A_516 : i32 to index
          %swap3A_600 = arith.constant 80 : index
          %swap3A_601 = tpu.vector_load %arg10[%swap3A_598, %swap3A_599, %swap3A_600] {strides = array<i32>} : memref<2x128x128xf32, #tpu.memory_space<vmem>>, vector<1x1x16xf32>,
          %swap3A_602 = vector.shape_cast %swap3A_601 : vector<1x1x16xf32> to vector<16xf32>
          %swap3A_603 = vector.shape_cast %mul3A_596 : vector<16xf32> to vector<1x1x16xf32>
          tpu.vector_store %arg10[%swap3A_598, %swap3A_599, %swap3A_600], %swap3A_603 {strides = array<i32>} : memref<2x128x128xf32, #tpu.memory_space<vmem>>, vector<1x1x16xf32>,
          %get3A_604 = arith.constant 1 : i32
          %get3A_605 = arith.index_cast %get3A_604 : i32 to index
          %get3A_606 = arith.index_cast %add3A_516 : i32 to index
          %get3A_607 = arith.constant 96 : index
          %get3A_608 = tpu.vector_load %arg10[%get3A_605, %get3A_606, %get3A_607] {strides = array<i32>} : memref<2x128x128xf32, #tpu.memory_space<vmem>>, vector<1x1x16xf32>,
          %get3A_609 = vector.shape_cast %get3A_608 : vector<1x1x16xf32> to vector<16xf32>
          %mul3A_610 = arith.mulf %get3A_609, %broadcast_in_dim3A_519 : vector<16xf32>
          %swap3A_611 = arith.constant 1 : i32
          %swap3A_612 = arith.index_cast %swap3A_611 : i32 to index
          %swap3A_613 = arith.index_cast %add3A_516 : i32 to index
          %swap3A_614 = arith.constant 96 : index
          %swap3A_615 = tpu.vector_load %arg10[%swap3A_612, %swap3A_613, %swap3A_614] {strides = array<i32>} : memref<2x128x128xf32, #tpu.memory_space<vmem>>, vector<1x1x16xf32>,
          %swap3A_616 = vector.shape_cast %swap3A_615 : vector<1x1x16xf32> to vector<16xf32>
          %swap3A_617 = vector.shape_cast %mul3A_610 : vector<16xf32> to vector<1x1x16xf32>
          tpu.vector_store %arg10[%swap3A_612, %swap3A_613, %swap3A_614], %swap3A_617 {strides = array<i32>} : memref<2x128x128xf32, #tpu.memory_space<vmem>>, vector<1x1x16xf32>,
          %get3A_618 = arith.constant 1 : i32
          %get3A_619 = arith.index_cast %get3A_618 : i32 to index
          %get3A_620 = arith.index_cast %add3A_516 : i32 to index
          %get3A_621 = arith.constant 112 : index
          %get3A_622 = tpu.vector_load %arg10[%get3A_619, %get3A_620, %get3A_621] {strides = array<i32>} : memref<2x128x128xf32, #tpu.memory_space<vmem>>, vector<1x1x16xf32>,
          %get3A_623 = vector.shape_cast %get3A_622 : vector<1x1x16xf32> to vector<16xf32>
          %mul3A_624 = arith.mulf %get3A_623, %broadcast_in_dim3A_519 : vector<16xf32>
          %swap3A_625 = arith.constant 1 : i32
          %swap3A_626 = arith.index_cast %swap3A_625 : i32 to index
          %swap3A_627 = arith.index_cast %add3A_516 : i32 to index
          %swap3A_628 = arith.constant 112 : index
          %swap3A_629 = tpu.vector_load %arg10[%swap3A_626, %swap3A_627, %swap3A_628] {strides = array<i32>} : memref<2x128x128xf32, #tpu.memory_space<vmem>>, vector<1x1x16xf32>,
          %swap3A_630 = vector.shape_cast %swap3A_629 : vector<1x1x16xf32> to vector<16xf32>
          %swap3A_631 = vector.shape_cast %mul3A_624 : vector<16xf32> to vector<1x1x16xf32>
          tpu.vector_store %arg10[%swap3A_626, %swap3A_627, %swap3A_628], %swap3A_631 {strides = array<i32>} : memref<2x128x128xf32, #tpu.memory_space<vmem>>, vector<1x1x16xf32>,
          %mul3A_632 = arith.constant 16 : i32
          %mul3A_633 = arith.muli %scan3A_150, %mul3A_632 : i32
          %add3A_634 = arith.constant 4 : i32
          %add3A_635 = arith.addi %mul3A_633, %add3A_634 : i32
          %slice3A_636 = vector.extract_strided_slice %get3A_158 {offsets = [4], sizes = [1], strides = [1]} : vector<16xf32> to vector<1xf32>
          %squeeze3A_637 = vector.extract %slice3A_636[0] : f32 from vector<1xf32>
          %broadcast_in_dim3A_638 = vector.broadcast %squeeze3A_637 : f32 to vector<16xf32>
          %get3A_639 = arith.constant 1 : i32
          %get3A_640 = arith.index_cast %get3A_639 : i32 to index
          %get3A_641 = arith.index_cast %add3A_635 : i32 to index
          %get3A_642 = arith.constant 0 : index
          %get3A_643 = tpu.vector_load %arg10[%get3A_640, %get3A_641, %get3A_642] {strides = array<i32>} : memref<2x128x128xf32, #tpu.memory_space<vmem>>, vector<1x1x16xf32>,
          %get3A_644 = vector.shape_cast %get3A_643 : vector<1x1x16xf32> to vector<16xf32>
          %mul3A_645 = arith.mulf %get3A_644, %broadcast_in_dim3A_638 : vector<16xf32>
          %swap3A_646 = arith.constant 1 : i32
          %swap3A_647 = arith.index_cast %swap3A_646 : i32 to index
          %swap3A_648 = arith.index_cast %add3A_635 : i32 to index
          %swap3A_649 = arith.constant 0 : index
          %swap3A_650 = tpu.vector_load %arg10[%swap3A_647, %swap3A_648, %swap3A_649] {strides = array<i32>} : memref<2x128x128xf32, #tpu.memory_space<vmem>>, vector<1x1x16xf32>,
          %swap3A_651 = vector.shape_cast %swap3A_650 : vector<1x1x16xf32> to vector<16xf32>
          %swap3A_652 = vector.shape_cast %mul3A_645 : vector<16xf32> to vector<1x1x16xf32>
          tpu.vector_store %arg10[%swap3A_647, %swap3A_648, %swap3A_649], %swap3A_652 {strides = array<i32>} : memref<2x128x128xf32, #tpu.memory_space<vmem>>, vector<1x1x16xf32>,
          %get3A_653 = arith.constant 1 : i32
          %get3A_654 = arith.index_cast %get3A_653 : i32 to index
          %get3A_655 = arith.index_cast %add3A_635 : i32 to index
          %get3A_656 = arith.constant 16 : index
          %get3A_657 = tpu.vector_load %arg10[%get3A_654, %get3A_655, %get3A_656] {strides = array<i32>} : memref<2x128x128xf32, #tpu.memory_space<vmem>>, vector<1x1x16xf32>,
          %get3A_658 = vector.shape_cast %get3A_657 : vector<1x1x16xf32> to vector<16xf32>
          %mul3A_659 = arith.mulf %get3A_658, %broadcast_in_dim3A_638 : vector<16xf32>
          %swap3A_660 = arith.constant 1 : i32
          %swap3A_661 = arith.index_cast %swap3A_660 : i32 to index
          %swap3A_662 = arith.index_cast %add3A_635 : i32 to index
          %swap3A_663 = arith.constant 16 : index
          %swap3A_664 = tpu.vector_load %arg10[%swap3A_661, %swap3A_662, %swap3A_663] {strides = array<i32>} : memref<2x128x128xf32, #tpu.memory_space<vmem>>, vector<1x1x16xf32>,
          %swap3A_665 = vector.shape_cast %swap3A_664 : vector<1x1x16xf32> to vector<16xf32>
          %swap3A_666 = vector.shape_cast %mul3A_659 : vector<16xf32> to vector<1x1x16xf32>
          tpu.vector_store %arg10[%swap3A_661, %swap3A_662, %swap3A_663], %swap3A_666 {strides = array<i32>} : memref<2x128x128xf32, #tpu.memory_space<vmem>>, vector<1x1x16xf32>,
          %get3A_667 = arith.constant 1 : i32
          %get3A_668 = arith.index_cast %get3A_667 : i32 to index
          %get3A_669 = arith.index_cast %add3A_635 : i32 to index
          %get3A_670 = arith.constant 32 : index
          %get3A_671 = tpu.vector_load %arg10[%get3A_668, %get3A_669, %get3A_670] {strides = array<i32>} : memref<2x128x128xf32, #tpu.memory_space<vmem>>, vector<1x1x16xf32>,
          %get3A_672 = vector.shape_cast %get3A_671 : vector<1x1x16xf32> to vector<16xf32>
          %mul3A_673 = arith.mulf %get3A_672, %broadcast_in_dim3A_638 : vector<16xf32>
          %swap3A_674 = arith.constant 1 : i32
          %swap3A_675 = arith.index_cast %swap3A_674 : i32 to index
          %swap3A_676 = arith.index_cast %add3A_635 : i32 to index
          %swap3A_677 = arith.constant 32 : index
          %swap3A_678 = tpu.vector_load %arg10[%swap3A_675, %swap3A_676, %swap3A_677] {strides = array<i32>} : memref<2x128x128xf32, #tpu.memory_space<vmem>>, vector<1x1x16xf32>,
          %swap3A_679 = vector.shape_cast %swap3A_678 : vector<1x1x16xf32> to vector<16xf32>
          %swap3A_680 = vector.shape_cast %mul3A_673 : vector<16xf32> to vector<1x1x16xf32>
          tpu.vector_store %arg10[%swap3A_675, %swap3A_676, %swap3A_677], %swap3A_680 {strides = array<i32>} : memref<2x128x128xf32, #tpu.memory_space<vmem>>, vector<1x1x16xf32>,
          %get3A_681 = arith.constant 1 : i32
          %get3A_682 = arith.index_cast %get3A_681 : i32 to index
          %get3A_683 = arith.index_cast %add3A_635 : i32 to index
          %get3A_684 = arith.constant 48 : index
          %get3A_685 = tpu.vector_load %arg10[%get3A_682, %get3A_683, %get3A_684] {strides = array<i32>} : memref<2x128x128xf32, #tpu.memory_space<vmem>>, vector<1x1x16xf32>,
          %get3A_686 = vector.shape_cast %get3A_685 : vector<1x1x16xf32> to vector<16xf32>
          %mul3A_687 = arith.mulf %get3A_686, %broadcast_in_dim3A_638 : vector<16xf32>
          %swap3A_688 = arith.constant 1 : i32
          %swap3A_689 = arith.index_cast %swap3A_688 : i32 to index
          %swap3A_690 = arith.index_cast %add3A_635 : i32 to index
          %swap3A_691 = arith.constant 48 : index
          %swap3A_692 = tpu.vector_load %arg10[%swap3A_689, %swap3A_690, %swap3A_691] {strides = array<i32>} : memref<2x128x128xf32, #tpu.memory_space<vmem>>, vector<1x1x16xf32>,
          %swap3A_693 = vector.shape_cast %swap3A_692 : vector<1x1x16xf32> to vector<16xf32>
          %swap3A_694 = vector.shape_cast %mul3A_687 : vector<16xf32> to vector<1x1x16xf32>
          tpu.vector_store %arg10[%swap3A_689, %swap3A_690, %swap3A_691], %swap3A_694 {strides = array<i32>} : memref<2x128x128xf32, #tpu.memory_space<vmem>>, vector<1x1x16xf32>,
          %get3A_695 = arith.constant 1 : i32
          %get3A_696 = arith.index_cast %get3A_695 : i32 to index
          %get3A_697 = arith.index_cast %add3A_635 : i32 to index
          %get3A_698 = arith.constant 64 : index
          %get3A_699 = tpu.vector_load %arg10[%get3A_696, %get3A_697, %get3A_698] {strides = array<i32>} : memref<2x128x128xf32, #tpu.memory_space<vmem>>, vector<1x1x16xf32>,
          %get3A_700 = vector.shape_cast %get3A_699 : vector<1x1x16xf32> to vector<16xf32>
          %mul3A_701 = arith.mulf %get3A_700, %broadcast_in_dim3A_638 : vector<16xf32>
          %swap3A_702 = arith.constant 1 : i32
          %swap3A_703 = arith.index_cast %swap3A_702 : i32 to index
          %swap3A_704 = arith.index_cast %add3A_635 : i32 to index
          %swap3A_705 = arith.constant 64 : index
          %swap3A_706 = tpu.vector_load %arg10[%swap3A_703, %swap3A_704, %swap3A_705] {strides = array<i32>} : memref<2x128x128xf32, #tpu.memory_space<vmem>>, vector<1x1x16xf32>,
          %swap3A_707 = vector.shape_cast %swap3A_706 : vector<1x1x16xf32> to vector<16xf32>
          %swap3A_708 = vector.shape_cast %mul3A_701 : vector<16xf32> to vector<1x1x16xf32>
          tpu.vector_store %arg10[%swap3A_703, %swap3A_704, %swap3A_705], %swap3A_708 {strides = array<i32>} : memref<2x128x128xf32, #tpu.memory_space<vmem>>, vector<1x1x16xf32>,
          %get3A_709 = arith.constant 1 : i32
          %get3A_710 = arith.index_cast %get3A_709 : i32 to index
          %get3A_711 = arith.index_cast %add3A_635 : i32 to index
          %get3A_712 = arith.constant 80 : index
          %get3A_713 = tpu.vector_load %arg10[%get3A_710, %get3A_711, %get3A_712] {strides = array<i32>} : memref<2x128x128xf32, #tpu.memory_space<vmem>>, vector<1x1x16xf32>,
          %get3A_714 = vector.shape_cast %get3A_713 : vector<1x1x16xf32> to vector<16xf32>
          %mul3A_715 = arith.mulf %get3A_714, %broadcast_in_dim3A_638 : vector<16xf32>
          %swap3A_716 = arith.constant 1 : i32
          %swap3A_717 = arith.index_cast %swap3A_716 : i32 to index
          %swap3A_718 = arith.index_cast %add3A_635 : i32 to index
          %swap3A_719 = arith.constant 80 : index
          %swap3A_720 = tpu.vector_load %arg10[%swap3A_717, %swap3A_718, %swap3A_719] {strides = array<i32>} : memref<2x128x128xf32, #tpu.memory_space<vmem>>, vector<1x1x16xf32>,
          %swap3A_721 = vector.shape_cast %swap3A_720 : vector<1x1x16xf32> to vector<16xf32>
          %swap3A_722 = vector.shape_cast %mul3A_715 : vector<16xf32> to vector<1x1x16xf32>
          tpu.vector_store %arg10[%swap3A_717, %swap3A_718, %swap3A_719], %swap3A_722 {strides = array<i32>} : memref<2x128x128xf32, #tpu.memory_space<vmem>>, vector<1x1x16xf32>,
          %get3A_723 = arith.constant 1 : i32
          %get3A_724 = arith.index_cast %get3A_723 : i32 to index
          %get3A_725 = arith.index_cast %add3A_635 : i32 to index
          %get3A_726 = arith.constant 96 : index
          %get3A_727 = tpu.vector_load %arg10[%get3A_724, %get3A_725, %get3A_726] {strides = array<i32>} : memref<2x128x128xf32, #tpu.memory_space<vmem>>, vector<1x1x16xf32>,
          %get3A_728 = vector.shape_cast %get3A_727 : vector<1x1x16xf32> to vector<16xf32>
          %mul3A_729 = arith.mulf %get3A_728, %broadcast_in_dim3A_638 : vector<16xf32>
          %swap3A_730 = arith.constant 1 : i32
          %swap3A_731 = arith.index_cast %swap3A_730 : i32 to index
          %swap3A_732 = arith.index_cast %add3A_635 : i32 to index
          %swap3A_733 = arith.constant 96 : index
          %swap3A_734 = tpu.vector_load %arg10[%swap3A_731, %swap3A_732, %swap3A_733] {strides = array<i32>} : memref<2x128x128xf32, #tpu.memory_space<vmem>>, vector<1x1x16xf32>,
          %swap3A_735 = vector.shape_cast %swap3A_734 : vector<1x1x16xf32> to vector<16xf32>
          %swap3A_736 = vector.shape_cast %mul3A_729 : vector<16xf32> to vector<1x1x16xf32>
          tpu.vector_store %arg10[%swap3A_731, %swap3A_732, %swap3A_733], %swap3A_736 {strides = array<i32>} : memref<2x128x128xf32, #tpu.memory_space<vmem>>, vector<1x1x16xf32>,
          %get3A_737 = arith.constant 1 : i32
          %get3A_738 = arith.index_cast %get3A_737 : i32 to index
          %get3A_739 = arith.index_cast %add3A_635 : i32 to index
          %get3A_740 = arith.constant 112 : index
          %get3A_741 = tpu.vector_load %arg10[%get3A_738, %get3A_739, %get3A_740] {strides = array<i32>} : memref<2x128x128xf32, #tpu.memory_space<vmem>>, vector<1x1x16xf32>,
          %get3A_742 = vector.shape_cast %get3A_741 : vector<1x1x16xf32> to vector<16xf32>
          %mul3A_743 = arith.mulf %get3A_742, %broadcast_in_dim3A_638 : vector<16xf32>
          %swap3A_744 = arith.constant 1 : i32
          %swap3A_745 = arith.index_cast %swap3A_744 : i32 to index
          %swap3A_746 = arith.index_cast %add3A_635 : i32 to index
          %swap3A_747 = arith.constant 112 : index
          %swap3A_748 = tpu.vector_load %arg10[%swap3A_745, %swap3A_746, %swap3A_747] {strides = array<i32>} : memref<2x128x128xf32, #tpu.memory_space<vmem>>, vector<1x1x16xf32>,
          %swap3A_749 = vector.shape_cast %swap3A_748 : vector<1x1x16xf32> to vector<16xf32>
          %swap3A_750 = vector.shape_cast %mul3A_743 : vector<16xf32> to vector<1x1x16xf32>
          tpu.vector_store %arg10[%swap3A_745, %swap3A_746, %swap3A_747], %swap3A_750 {strides = array<i32>} : memref<2x128x128xf32, #tpu.memory_space<vmem>>, vector<1x1x16xf32>,
          %mul3A_751 = arith.constant 16 : i32
          %mul3A_752 = arith.muli %scan3A_150, %mul3A_751 : i32
          %add3A_753 = arith.constant 5 : i32
          %add3A_754 = arith.addi %mul3A_752, %add3A_753 : i32
          %slice3A_755 = vector.extract_strided_slice %get3A_158 {offsets = [5], sizes = [1], strides = [1]} : vector<16xf32> to vector<1xf32>
          %squeeze3A_756 = vector.extract %slice3A_755[0] : f32 from vector<1xf32>
          %broadcast_in_dim3A_757 = vector.broadcast %squeeze3A_756 : f32 to vector<16xf32>
          %get3A_758 = arith.constant 1 : i32
          %get3A_759 = arith.index_cast %get3A_758 : i32 to index
          %get3A_760 = arith.index_cast %add3A_754 : i32 to index
          %get3A_761 = arith.constant 0 : index
          %get3A_762 = tpu.vector_load %arg10[%get3A_759, %get3A_760, %get3A_761] {strides = array<i32>} : memref<2x128x128xf32, #tpu.memory_space<vmem>>, vector<1x1x16xf32>,
          %get3A_763 = vector.shape_cast %get3A_762 : vector<1x1x16xf32> to vector<16xf32>
          %mul3A_764 = arith.mulf %get3A_763, %broadcast_in_dim3A_757 : vector<16xf32>
          %swap3A_765 = arith.constant 1 : i32
          %swap3A_766 = arith.index_cast %swap3A_765 : i32 to index
          %swap3A_767 = arith.index_cast %add3A_754 : i32 to index
          %swap3A_768 = arith.constant 0 : index
          %swap3A_769 = tpu.vector_load %arg10[%swap3A_766, %swap3A_767, %swap3A_768] {strides = array<i32>} : memref<2x128x128xf32, #tpu.memory_space<vmem>>, vector<1x1x16xf32>,
          %swap3A_770 = vector.shape_cast %swap3A_769 : vector<1x1x16xf32> to vector<16xf32>
          %swap3A_771 = vector.shape_cast %mul3A_764 : vector<16xf32> to vector<1x1x16xf32>
          tpu.vector_store %arg10[%swap3A_766, %swap3A_767, %swap3A_768], %swap3A_771 {strides = array<i32>} : memref<2x128x128xf32, #tpu.memory_space<vmem>>, vector<1x1x16xf32>,
          %get3A_772 = arith.constant 1 : i32
          %get3A_773 = arith.index_cast %get3A_772 : i32 to index
          %get3A_774 = arith.index_cast %add3A_754 : i32 to index
          %get3A_775 = arith.constant 16 : index
          %get3A_776 = tpu.vector_load %arg10[%get3A_773, %get3A_774, %get3A_775] {strides = array<i32>} : memref<2x128x128xf32, #tpu.memory_space<vmem>>, vector<1x1x16xf32>,
          %get3A_777 = vector.shape_cast %get3A_776 : vector<1x1x16xf32> to vector<16xf32>
          %mul3A_778 = arith.mulf %get3A_777, %broadcast_in_dim3A_757 : vector<16xf32>
          %swap3A_779 = arith.constant 1 : i32
          %swap3A_780 = arith.index_cast %swap3A_779 : i32 to index
          %swap3A_781 = arith.index_cast %add3A_754 : i32 to index
          %swap3A_782 = arith.constant 16 : index
          %swap3A_783 = tpu.vector_load %arg10[%swap3A_780, %swap3A_781, %swap3A_782] {strides = array<i32>} : memref<2x128x128xf32, #tpu.memory_space<vmem>>, vector<1x1x16xf32>,
          %swap3A_784 = vector.shape_cast %swap3A_783 : vector<1x1x16xf32> to vector<16xf32>
          %swap3A_785 = vector.shape_cast %mul3A_778 : vector<16xf32> to vector<1x1x16xf32>
          tpu.vector_store %arg10[%swap3A_780, %swap3A_781, %swap3A_782], %swap3A_785 {strides = array<i32>} : memref<2x128x128xf32, #tpu.memory_space<vmem>>, vector<1x1x16xf32>,
          %get3A_786 = arith.constant 1 : i32
          %get3A_787 = arith.index_cast %get3A_786 : i32 to index
          %get3A_788 = arith.index_cast %add3A_754 : i32 to index
          %get3A_789 = arith.constant 32 : index
          %get3A_790 = tpu.vector_load %arg10[%get3A_787, %get3A_788, %get3A_789] {strides = array<i32>} : memref<2x128x128xf32, #tpu.memory_space<vmem>>, vector<1x1x16xf32>,
          %get3A_791 = vector.shape_cast %get3A_790 : vector<1x1x16xf32> to vector<16xf32>
          %mul3A_792 = arith.mulf %get3A_791, %broadcast_in_dim3A_757 : vector<16xf32>
          %swap3A_793 = arith.constant 1 : i32
          %swap3A_794 = arith.index_cast %swap3A_793 : i32 to index
          %swap3A_795 = arith.index_cast %add3A_754 : i32 to index
          %swap3A_796 = arith.constant 32 : index
          %swap3A_797 = tpu.vector_load %arg10[%swap3A_794, %swap3A_795, %swap3A_796] {strides = array<i32>} : memref<2x128x128xf32, #tpu.memory_space<vmem>>, vector<1x1x16xf32>,
          %swap3A_798 = vector.shape_cast %swap3A_797 : vector<1x1x16xf32> to vector<16xf32>
          %swap3A_799 = vector.shape_cast %mul3A_792 : vector<16xf32> to vector<1x1x16xf32>
          tpu.vector_store %arg10[%swap3A_794, %swap3A_795, %swap3A_796], %swap3A_799 {strides = array<i32>} : memref<2x128x128xf32, #tpu.memory_space<vmem>>, vector<1x1x16xf32>,
          %get3A_800 = arith.constant 1 : i32
          %get3A_801 = arith.index_cast %get3A_800 : i32 to index
          %get3A_802 = arith.index_cast %add3A_754 : i32 to index
          %get3A_803 = arith.constant 48 : index
          %get3A_804 = tpu.vector_load %arg10[%get3A_801, %get3A_802, %get3A_803] {strides = array<i32>} : memref<2x128x128xf32, #tpu.memory_space<vmem>>, vector<1x1x16xf32>,
          %get3A_805 = vector.shape_cast %get3A_804 : vector<1x1x16xf32> to vector<16xf32>
          %mul3A_806 = arith.mulf %get3A_805, %broadcast_in_dim3A_757 : vector<16xf32>
          %swap3A_807 = arith.constant 1 : i32
          %swap3A_808 = arith.index_cast %swap3A_807 : i32 to index
          %swap3A_809 = arith.index_cast %add3A_754 : i32 to index
          %swap3A_810 = arith.constant 48 : index
          %swap3A_811 = tpu.vector_load %arg10[%swap3A_808, %swap3A_809, %swap3A_810] {strides = array<i32>} : memref<2x128x128xf32, #tpu.memory_space<vmem>>, vector<1x1x16xf32>,
          %swap3A_812 = vector.shape_cast %swap3A_811 : vector<1x1x16xf32> to vector<16xf32>
          %swap3A_813 = vector.shape_cast %mul3A_806 : vector<16xf32> to vector<1x1x16xf32>
          tpu.vector_store %arg10[%swap3A_808, %swap3A_809, %swap3A_810], %swap3A_813 {strides = array<i32>} : memref<2x128x128xf32, #tpu.memory_space<vmem>>, vector<1x1x16xf32>,
          %get3A_814 = arith.constant 1 : i32
          %get3A_815 = arith.index_cast %get3A_814 : i32 to index
          %get3A_816 = arith.index_cast %add3A_754 : i32 to index
          %get3A_817 = arith.constant 64 : index
          %get3A_818 = tpu.vector_load %arg10[%get3A_815, %get3A_816, %get3A_817] {strides = array<i32>} : memref<2x128x128xf32, #tpu.memory_space<vmem>>, vector<1x1x16xf32>,
          %get3A_819 = vector.shape_cast %get3A_818 : vector<1x1x16xf32> to vector<16xf32>
          %mul3A_820 = arith.mulf %get3A_819, %broadcast_in_dim3A_757 : vector<16xf32>
          %swap3A_821 = arith.constant 1 : i32
          %swap3A_822 = arith.index_cast %swap3A_821 : i32 to index
          %swap3A_823 = arith.index_cast %add3A_754 : i32 to index
          %swap3A_824 = arith.constant 64 : index
          %swap3A_825 = tpu.vector_load %arg10[%swap3A_822, %swap3A_823, %swap3A_824] {strides = array<i32>} : memref<2x128x128xf32, #tpu.memory_space<vmem>>, vector<1x1x16xf32>,
          %swap3A_826 = vector.shape_cast %swap3A_825 : vector<1x1x16xf32> to vector<16xf32>
          %swap3A_827 = vector.shape_cast %mul3A_820 : vector<16xf32> to vector<1x1x16xf32>
          tpu.vector_store %arg10[%swap3A_822, %swap3A_823, %swap3A_824], %swap3A_827 {strides = array<i32>} : memref<2x128x128xf32, #tpu.memory_space<vmem>>, vector<1x1x16xf32>,
          %get3A_828 = arith.constant 1 : i32
          %get3A_829 = arith.index_cast %get3A_828 : i32 to index
          %get3A_830 = arith.index_cast %add3A_754 : i32 to index
          %get3A_831 = arith.constant 80 : index
          %get3A_832 = tpu.vector_load %arg10[%get3A_829, %get3A_830, %get3A_831] {strides = array<i32>} : memref<2x128x128xf32, #tpu.memory_space<vmem>>, vector<1x1x16xf32>,
          %get3A_833 = vector.shape_cast %get3A_832 : vector<1x1x16xf32> to vector<16xf32>
          %mul3A_834 = arith.mulf %get3A_833, %broadcast_in_dim3A_757 : vector<16xf32>
          %swap3A_835 = arith.constant 1 : i32
          %swap3A_836 = arith.index_cast %swap3A_835 : i32 to index
          %swap3A_837 = arith.index_cast %add3A_754 : i32 to index
          %swap3A_838 = arith.constant 80 : index
          %swap3A_839 = tpu.vector_load %arg10[%swap3A_836, %swap3A_837, %swap3A_838] {strides = array<i32>} : memref<2x128x128xf32, #tpu.memory_space<vmem>>, vector<1x1x16xf32>,
          %swap3A_840 = vector.shape_cast %swap3A_839 : vector<1x1x16xf32> to vector<16xf32>
          %swap3A_841 = vector.shape_cast %mul3A_834 : vector<16xf32> to vector<1x1x16xf32>
          tpu.vector_store %arg10[%swap3A_836, %swap3A_837, %swap3A_838], %swap3A_841 {strides = array<i32>} : memref<2x128x128xf32, #tpu.memory_space<vmem>>, vector<1x1x16xf32>,
          %get3A_842 = arith.constant 1 : i32
          %get3A_843 = arith.index_cast %get3A_842 : i32 to index
          %get3A_844 = arith.index_cast %add3A_754 : i32 to index
          %get3A_845 = arith.constant 96 : index
          %get3A_846 = tpu.vector_load %arg10[%get3A_843, %get3A_844, %get3A_845] {strides = array<i32>} : memref<2x128x128xf32, #tpu.memory_space<vmem>>, vector<1x1x16xf32>,
          %get3A_847 = vector.shape_cast %get3A_846 : vector<1x1x16xf32> to vector<16xf32>
          %mul3A_848 = arith.mulf %get3A_847, %broadcast_in_dim3A_757 : vector<16xf32>
          %swap3A_849 = arith.constant 1 : i32
          %swap3A_850 = arith.index_cast %swap3A_849 : i32 to index
          %swap3A_851 = arith.index_cast %add3A_754 : i32 to index
          %swap3A_852 = arith.constant 96 : index
          %swap3A_853 = tpu.vector_load %arg10[%swap3A_850, %swap3A_851, %swap3A_852] {strides = array<i32>} : memref<2x128x128xf32, #tpu.memory_space<vmem>>, vector<1x1x16xf32>,
          %swap3A_854 = vector.shape_cast %swap3A_853 : vector<1x1x16xf32> to vector<16xf32>
          %swap3A_855 = vector.shape_cast %mul3A_848 : vector<16xf32> to vector<1x1x16xf32>
          tpu.vector_store %arg10[%swap3A_850, %swap3A_851, %swap3A_852], %swap3A_855 {strides = array<i32>} : memref<2x128x128xf32, #tpu.memory_space<vmem>>, vector<1x1x16xf32>,
          %get3A_856 = arith.constant 1 : i32
          %get3A_857 = arith.index_cast %get3A_856 : i32 to index
          %get3A_858 = arith.index_cast %add3A_754 : i32 to index
          %get3A_859 = arith.constant 112 : index
          %get3A_860 = tpu.vector_load %arg10[%get3A_857, %get3A_858, %get3A_859] {strides = array<i32>} : memref<2x128x128xf32, #tpu.memory_space<vmem>>, vector<1x1x16xf32>,
          %get3A_861 = vector.shape_cast %get3A_860 : vector<1x1x16xf32> to vector<16xf32>
          %mul3A_862 = arith.mulf %get3A_861, %broadcast_in_dim3A_757 : vector<16xf32>
          %swap3A_863 = arith.constant 1 : i32
          %swap3A_864 = arith.index_cast %swap3A_863 : i32 to index
          %swap3A_865 = arith.index_cast %add3A_754 : i32 to index
          %swap3A_866 = arith.constant 112 : index
          %swap3A_867 = tpu.vector_load %arg10[%swap3A_864, %swap3A_865, %swap3A_866] {strides = array<i32>} : memref<2x128x128xf32, #tpu.memory_space<vmem>>, vector<1x1x16xf32>,
          %swap3A_868 = vector.shape_cast %swap3A_867 : vector<1x1x16xf32> to vector<16xf32>
          %swap3A_869 = vector.shape_cast %mul3A_862 : vector<16xf32> to vector<1x1x16xf32>
          tpu.vector_store %arg10[%swap3A_864, %swap3A_865, %swap3A_866], %swap3A_869 {strides = array<i32>} : memref<2x128x128xf32, #tpu.memory_space<vmem>>, vector<1x1x16xf32>,
          %mul3A_870 = arith.constant 16 : i32
          %mul3A_871 = arith.muli %scan3A_150, %mul3A_870 : i32
          %add3A_872 = arith.constant 6 : i32
          %add3A_873 = arith.addi %mul3A_871, %add3A_872 : i32
          %slice3A_874 = vector.extract_strided_slice %get3A_158 {offsets = [6], sizes = [1], strides = [1]} : vector<16xf32> to vector<1xf32>
          %squeeze3A_875 = vector.extract %slice3A_874[0] : f32 from vector<1xf32>
          %broadcast_in_dim3A_876 = vector.broadcast %squeeze3A_875 : f32 to vector<16xf32>
          %get3A_877 = arith.constant 1 : i32
          %get3A_878 = arith.index_cast %get3A_877 : i32 to index
          %get3A_879 = arith.index_cast %add3A_873 : i32 to index
          %get3A_880 = arith.constant 0 : index
          %get3A_881 = tpu.vector_load %arg10[%get3A_878, %get3A_879, %get3A_880] {strides = array<i32>} : memref<2x128x128xf32, #tpu.memory_space<vmem>>, vector<1x1x16xf32>,
          %get3A_882 = vector.shape_cast %get3A_881 : vector<1x1x16xf32> to vector<16xf32>
          %mul3A_883 = arith.mulf %get3A_882, %broadcast_in_dim3A_876 : vector<16xf32>
          %swap3A_884 = arith.constant 1 : i32
          %swap3A_885 = arith.index_cast %swap3A_884 : i32 to index
          %swap3A_886 = arith.index_cast %add3A_873 : i32 to index
          %swap3A_887 = arith.constant 0 : index
          %swap3A_888 = tpu.vector_load %arg10[%swap3A_885, %swap3A_886, %swap3A_887] {strides = array<i32>} : memref<2x128x128xf32, #tpu.memory_space<vmem>>, vector<1x1x16xf32>,
          %swap3A_889 = vector.shape_cast %swap3A_888 : vector<1x1x16xf32> to vector<16xf32>
          %swap3A_890 = vector.shape_cast %mul3A_883 : vector<16xf32> to vector<1x1x16xf32>
          tpu.vector_store %arg10[%swap3A_885, %swap3A_886, %swap3A_887], %swap3A_890 {strides = array<i32>} : memref<2x128x128xf32, #tpu.memory_space<vmem>>, vector<1x1x16xf32>,
          %get3A_891 = arith.constant 1 : i32
          %get3A_892 = arith.index_cast %get3A_891 : i32 to index
          %get3A_893 = arith.index_cast %add3A_873 : i32 to index
          %get3A_894 = arith.constant 16 : index
          %get3A_895 = tpu.vector_load %arg10[%get3A_892, %get3A_893, %get3A_894] {strides = array<i32>} : memref<2x128x128xf32, #tpu.memory_space<vmem>>, vector<1x1x16xf32>,
          %get3A_896 = vector.shape_cast %get3A_895 : vector<1x1x16xf32> to vector<16xf32>
          %mul3A_897 = arith.mulf %get3A_896, %broadcast_in_dim3A_876 : vector<16xf32>
          %swap3A_898 = arith.constant 1 : i32
          %swap3A_899 = arith.index_cast %swap3A_898 : i32 to index
          %swap3A_900 = arith.index_cast %add3A_873 : i32 to index
          %swap3A_901 = arith.constant 16 : index
          %swap3A_902 = tpu.vector_load %arg10[%swap3A_899, %swap3A_900, %swap3A_901] {strides = array<i32>} : memref<2x128x128xf32, #tpu.memory_space<vmem>>, vector<1x1x16xf32>,
          %swap3A_903 = vector.shape_cast %swap3A_902 : vector<1x1x16xf32> to vector<16xf32>
          %swap3A_904 = vector.shape_cast %mul3A_897 : vector<16xf32> to vector<1x1x16xf32>
          tpu.vector_store %arg10[%swap3A_899, %swap3A_900, %swap3A_901], %swap3A_904 {strides = array<i32>} : memref<2x128x128xf32, #tpu.memory_space<vmem>>, vector<1x1x16xf32>,
          %get3A_905 = arith.constant 1 : i32
          %get3A_906 = arith.index_cast %get3A_905 : i32 to index
          %get3A_907 = arith.index_cast %add3A_873 : i32 to index
          %get3A_908 = arith.constant 32 : index
          %get3A_909 = tpu.vector_load %arg10[%get3A_906, %get3A_907, %get3A_908] {strides = array<i32>} : memref<2x128x128xf32, #tpu.memory_space<vmem>>, vector<1x1x16xf32>,
          %get3A_910 = vector.shape_cast %get3A_909 : vector<1x1x16xf32> to vector<16xf32>
          %mul3A_911 = arith.mulf %get3A_910, %broadcast_in_dim3A_876 : vector<16xf32>
          %swap3A_912 = arith.constant 1 : i32
          %swap3A_913 = arith.index_cast %swap3A_912 : i32 to index
          %swap3A_914 = arith.index_cast %add3A_873 : i32 to index
          %swap3A_915 = arith.constant 32 : index
          %swap3A_916 = tpu.vector_load %arg10[%swap3A_913, %swap3A_914, %swap3A_915] {strides = array<i32>} : memref<2x128x128xf32, #tpu.memory_space<vmem>>, vector<1x1x16xf32>,
          %swap3A_917 = vector.shape_cast %swap3A_916 : vector<1x1x16xf32> to vector<16xf32>
          %swap3A_918 = vector.shape_cast %mul3A_911 : vector<16xf32> to vector<1x1x16xf32>
          tpu.vector_store %arg10[%swap3A_913, %swap3A_914, %swap3A_915], %swap3A_918 {strides = array<i32>} : memref<2x128x128xf32, #tpu.memory_space<vmem>>, vector<1x1x16xf32>,
          %get3A_919 = arith.constant 1 : i32
          %get3A_920 = arith.index_cast %get3A_919 : i32 to index
          %get3A_921 = arith.index_cast %add3A_873 : i32 to index
          %get3A_922 = arith.constant 48 : index
          %get3A_923 = tpu.vector_load %arg10[%get3A_920, %get3A_921, %get3A_922] {strides = array<i32>} : memref<2x128x128xf32, #tpu.memory_space<vmem>>, vector<1x1x16xf32>,
          %get3A_924 = vector.shape_cast %get3A_923 : vector<1x1x16xf32> to vector<16xf32>
          %mul3A_925 = arith.mulf %get3A_924, %broadcast_in_dim3A_876 : vector<16xf32>
          %swap3A_926 = arith.constant 1 : i32
          %swap3A_927 = arith.index_cast %swap3A_926 : i32 to index
          %swap3A_928 = arith.index_cast %add3A_873 : i32 to index
          %swap3A_929 = arith.constant 48 : index
          %swap3A_930 = tpu.vector_load %arg10[%swap3A_927, %swap3A_928, %swap3A_929] {strides = array<i32>} : memref<2x128x128xf32, #tpu.memory_space<vmem>>, vector<1x1x16xf32>,
          %swap3A_931 = vector.shape_cast %swap3A_930 : vector<1x1x16xf32> to vector<16xf32>
          %swap3A_932 = vector.shape_cast %mul3A_925 : vector<16xf32> to vector<1x1x16xf32>
          tpu.vector_store %arg10[%swap3A_927, %swap3A_928, %swap3A_929], %swap3A_932 {strides = array<i32>} : memref<2x128x128xf32, #tpu.memory_space<vmem>>, vector<1x1x16xf32>,
          %get3A_933 = arith.constant 1 : i32
          %get3A_934 = arith.index_cast %get3A_933 : i32 to index
          %get3A_935 = arith.index_cast %add3A_873 : i32 to index
          %get3A_936 = arith.constant 64 : index
          %get3A_937 = tpu.vector_load %arg10[%get3A_934, %get3A_935, %get3A_936] {strides = array<i32>} : memref<2x128x128xf32, #tpu.memory_space<vmem>>, vector<1x1x16xf32>,
          %get3A_938 = vector.shape_cast %get3A_937 : vector<1x1x16xf32> to vector<16xf32>
          %mul3A_939 = arith.mulf %get3A_938, %broadcast_in_dim3A_876 : vector<16xf32>
          %swap3A_940 = arith.constant 1 : i32
          %swap3A_941 = arith.index_cast %swap3A_940 : i32 to index
          %swap3A_942 = arith.index_cast %add3A_873 : i32 to index
          %swap3A_943 = arith.constant 64 : index
          %swap3A_944 = tpu.vector_load %arg10[%swap3A_941, %swap3A_942, %swap3A_943] {strides = array<i32>} : memref<2x128x128xf32, #tpu.memory_space<vmem>>, vector<1x1x16xf32>,
          %swap3A_945 = vector.shape_cast %swap3A_944 : vector<1x1x16xf32> to vector<16xf32>
          %swap3A_946 = vector.shape_cast %mul3A_939 : vector<16xf32> to vector<1x1x16xf32>
          tpu.vector_store %arg10[%swap3A_941, %swap3A_942, %swap3A_943], %swap3A_946 {strides = array<i32>} : memref<2x128x128xf32, #tpu.memory_space<vmem>>, vector<1x1x16xf32>,
          %get3A_947 = arith.constant 1 : i32
          %get3A_948 = arith.index_cast %get3A_947 : i32 to index
          %get3A_949 = arith.index_cast %add3A_873 : i32 to index
          %get3A_950 = arith.constant 80 : index
          %get3A_951 = tpu.vector_load %arg10[%get3A_948, %get3A_949, %get3A_950] {strides = array<i32>} : memref<2x128x128xf32, #tpu.memory_space<vmem>>, vector<1x1x16xf32>,
          %get3A_952 = vector.shape_cast %get3A_951 : vector<1x1x16xf32> to vector<16xf32>
          %mul3A_953 = arith.mulf %get3A_952, %broadcast_in_dim3A_876 : vector<16xf32>
          %swap3A_954 = arith.constant 1 : i32
          %swap3A_955 = arith.index_cast %swap3A_954 : i32 to index
          %swap3A_956 = arith.index_cast %add3A_873 : i32 to index
          %swap3A_957 = arith.constant 80 : index
          %swap3A_958 = tpu.vector_load %arg10[%swap3A_955, %swap3A_956, %swap3A_957] {strides = array<i32>} : memref<2x128x128xf32, #tpu.memory_space<vmem>>, vector<1x1x16xf32>,
          %swap3A_959 = vector.shape_cast %swap3A_958 : vector<1x1x16xf32> to vector<16xf32>
          %swap3A_960 = vector.shape_cast %mul3A_953 : vector<16xf32> to vector<1x1x16xf32>
          tpu.vector_store %arg10[%swap3A_955, %swap3A_956, %swap3A_957], %swap3A_960 {strides = array<i32>} : memref<2x128x128xf32, #tpu.memory_space<vmem>>, vector<1x1x16xf32>,
          %get3A_961 = arith.constant 1 : i32
          %get3A_962 = arith.index_cast %get3A_961 : i32 to index
          %get3A_963 = arith.index_cast %add3A_873 : i32 to index
          %get3A_964 = arith.constant 96 : index
          %get3A_965 = tpu.vector_load %arg10[%get3A_962, %get3A_963, %get3A_964] {strides = array<i32>} : memref<2x128x128xf32, #tpu.memory_space<vmem>>, vector<1x1x16xf32>,
          %get3A_966 = vector.shape_cast %get3A_965 : vector<1x1x16xf32> to vector<16xf32>
          %mul3A_967 = arith.mulf %get3A_966, %broadcast_in_dim3A_876 : vector<16xf32>
          %swap3A_968 = arith.constant 1 : i32
          %swap3A_969 = arith.index_cast %swap3A_968 : i32 to index
          %swap3A_970 = arith.index_cast %add3A_873 : i32 to index
          %swap3A_971 = arith.constant 96 : index
          %swap3A_972 = tpu.vector_load %arg10[%swap3A_969, %swap3A_970, %swap3A_971] {strides = array<i32>} : memref<2x128x128xf32, #tpu.memory_space<vmem>>, vector<1x1x16xf32>,
          %swap3A_973 = vector.shape_cast %swap3A_972 : vector<1x1x16xf32> to vector<16xf32>
          %swap3A_974 = vector.shape_cast %mul3A_967 : vector<16xf32> to vector<1x1x16xf32>
          tpu.vector_store %arg10[%swap3A_969, %swap3A_970, %swap3A_971], %swap3A_974 {strides = array<i32>} : memref<2x128x128xf32, #tpu.memory_space<vmem>>, vector<1x1x16xf32>,
          %get3A_975 = arith.constant 1 : i32
          %get3A_976 = arith.index_cast %get3A_975 : i32 to index
          %get3A_977 = arith.index_cast %add3A_873 : i32 to index
          %get3A_978 = arith.constant 112 : index
          %get3A_979 = tpu.vector_load %arg10[%get3A_976, %get3A_977, %get3A_978] {strides = array<i32>} : memref<2x128x128xf32, #tpu.memory_space<vmem>>, vector<1x1x16xf32>,
          %get3A_980 = vector.shape_cast %get3A_979 : vector<1x1x16xf32> to vector<16xf32>
          %mul3A_981 = arith.mulf %get3A_980, %broadcast_in_dim3A_876 : vector<16xf32>
          %swap3A_982 = arith.constant 1 : i32
          %swap3A_983 = arith.index_cast %swap3A_982 : i32 to index
          %swap3A_984 = arith.index_cast %add3A_873 : i32 to index
          %swap3A_985 = arith.constant 112 : index
          %swap3A_986 = tpu.vector_load %arg10[%swap3A_983, %swap3A_984, %swap3A_985] {strides = array<i32>} : memref<2x128x128xf32, #tpu.memory_space<vmem>>, vector<1x1x16xf32>,
          %swap3A_987 = vector.shape_cast %swap3A_986 : vector<1x1x16xf32> to vector<16xf32>
          %swap3A_988 = vector.shape_cast %mul3A_981 : vector<16xf32> to vector<1x1x16xf32>
          tpu.vector_store %arg10[%swap3A_983, %swap3A_984, %swap3A_985], %swap3A_988 {strides = array<i32>} : memref<2x128x128xf32, #tpu.memory_space<vmem>>, vector<1x1x16xf32>,
          %mul3A_989 = arith.constant 16 : i32
          %mul3A_990 = arith.muli %scan3A_150, %mul3A_989 : i32
          %add3A_991 = arith.constant 7 : i32
          %add3A_992 = arith.addi %mul3A_990, %add3A_991 : i32
          %slice3A_993 = vector.extract_strided_slice %get3A_158 {offsets = [7], sizes = [1], strides = [1]} : vector<16xf32> to vector<1xf32>
          %squeeze3A_994 = vector.extract %slice3A_993[0] : f32 from vector<1xf32>
          %broadcast_in_dim3A_995 = vector.broadcast %squeeze3A_994 : f32 to vector<16xf32>
          %get3A_996 = arith.constant 1 : i32
          %get3A_997 = arith.index_cast %get3A_996 : i32 to index
          %get3A_998 = arith.index_cast %add3A_992 : i32 to index
          %get3A_999 = arith.constant 0 : index
          %get3A_1000 = tpu.vector_load %arg10[%get3A_997, %get3A_998, %get3A_999] {strides = array<i32>} : memref<2x128x128xf32, #tpu.memory_space<vmem>>, vector<1x1x16xf32>,
          %get3A_1001 = vector.shape_cast %get3A_1000 : vector<1x1x16xf32> to vector<16xf32>
          %mul3A_1002 = arith.mulf %get3A_1001, %broadcast_in_dim3A_995 : vector<16xf32>
          %swap3A_1003 = arith.constant 1 : i32
          %swap3A_1004 = arith.index_cast %swap3A_1003 : i32 to index
          %swap3A_1005 = arith.index_cast %add3A_992 : i32 to index
          %swap3A_1006 = arith.constant 0 : index
          %swap3A_1007 = tpu.vector_load %arg10[%swap3A_1004, %swap3A_1005, %swap3A_1006] {strides = array<i32>} : memref<2x128x128xf32, #tpu.memory_space<vmem>>, vector<1x1x16xf32>,
          %swap3A_1008 = vector.shape_cast %swap3A_1007 : vector<1x1x16xf32> to vector<16xf32>
          %swap3A_1009 = vector.shape_cast %mul3A_1002 : vector<16xf32> to vector<1x1x16xf32>
          tpu.vector_store %arg10[%swap3A_1004, %swap3A_1005, %swap3A_1006], %swap3A_1009 {strides = array<i32>} : memref<2x128x128xf32, #tpu.memory_space<vmem>>, vector<1x1x16xf32>,
          %get3A_1010 = arith.constant 1 : i32
          %get3A_1011 = arith.index_cast %get3A_1010 : i32 to index
          %get3A_1012 = arith.index_cast %add3A_992 : i32 to index
          %get3A_1013 = arith.constant 16 : index
          %get3A_1014 = tpu.vector_load %arg10[%get3A_1011, %get3A_1012, %get3A_1013] {strides = array<i32>} : memref<2x128x128xf32, #tpu.memory_space<vmem>>, vector<1x1x16xf32>,
          %get3A_1015 = vector.shape_cast %get3A_1014 : vector<1x1x16xf32> to vector<16xf32>
          %mul3A_1016 = arith.mulf %get3A_1015, %broadcast_in_dim3A_995 : vector<16xf32>
          %swap3A_1017 = arith.constant 1 : i32
          %swap3A_1018 = arith.index_cast %swap3A_1017 : i32 to index
          %swap3A_1019 = arith.index_cast %add3A_992 : i32 to index
          %swap3A_1020 = arith.constant 16 : index
          %swap3A_1021 = tpu.vector_load %arg10[%swap3A_1018, %swap3A_1019, %swap3A_1020] {strides = array<i32>} : memref<2x128x128xf32, #tpu.memory_space<vmem>>, vector<1x1x16xf32>,
          %swap3A_1022 = vector.shape_cast %swap3A_1021 : vector<1x1x16xf32> to vector<16xf32>
          %swap3A_1023 = vector.shape_cast %mul3A_1016 : vector<16xf32> to vector<1x1x16xf32>
          tpu.vector_store %arg10[%swap3A_1018, %swap3A_1019, %swap3A_1020], %swap3A_1023 {strides = array<i32>} : memref<2x128x128xf32, #tpu.memory_space<vmem>>, vector<1x1x16xf32>,
          %get3A_1024 = arith.constant 1 : i32
          %get3A_1025 = arith.index_cast %get3A_1024 : i32 to index
          %get3A_1026 = arith.index_cast %add3A_992 : i32 to index
          %get3A_1027 = arith.constant 32 : index
          %get3A_1028 = tpu.vector_load %arg10[%get3A_1025, %get3A_1026, %get3A_1027] {strides = array<i32>} : memref<2x128x128xf32, #tpu.memory_space<vmem>>, vector<1x1x16xf32>,
          %get3A_1029 = vector.shape_cast %get3A_1028 : vector<1x1x16xf32> to vector<16xf32>
          %mul3A_1030 = arith.mulf %get3A_1029, %broadcast_in_dim3A_995 : vector<16xf32>
          %swap3A_1031 = arith.constant 1 : i32
          %swap3A_1032 = arith.index_cast %swap3A_1031 : i32 to index
          %swap3A_1033 = arith.index_cast %add3A_992 : i32 to index
          %swap3A_1034 = arith.constant 32 : index
          %swap3A_1035 = tpu.vector_load %arg10[%swap3A_1032, %swap3A_1033, %swap3A_1034] {strides = array<i32>} : memref<2x128x128xf32, #tpu.memory_space<vmem>>, vector<1x1x16xf32>,
          %swap3A_1036 = vector.shape_cast %swap3A_1035 : vector<1x1x16xf32> to vector<16xf32>
          %swap3A_1037 = vector.shape_cast %mul3A_1030 : vector<16xf32> to vector<1x1x16xf32>
          tpu.vector_store %arg10[%swap3A_1032, %swap3A_1033, %swap3A_1034], %swap3A_1037 {strides = array<i32>} : memref<2x128x128xf32, #tpu.memory_space<vmem>>, vector<1x1x16xf32>,
          %get3A_1038 = arith.constant 1 : i32
          %get3A_1039 = arith.index_cast %get3A_1038 : i32 to index
          %get3A_1040 = arith.index_cast %add3A_992 : i32 to index
          %get3A_1041 = arith.constant 48 : index
          %get3A_1042 = tpu.vector_load %arg10[%get3A_1039, %get3A_1040, %get3A_1041] {strides = array<i32>} : memref<2x128x128xf32, #tpu.memory_space<vmem>>, vector<1x1x16xf32>,
          %get3A_1043 = vector.shape_cast %get3A_1042 : vector<1x1x16xf32> to vector<16xf32>
          %mul3A_1044 = arith.mulf %get3A_1043, %broadcast_in_dim3A_995 : vector<16xf32>
          %swap3A_1045 = arith.constant 1 : i32
          %swap3A_1046 = arith.index_cast %swap3A_1045 : i32 to index
          %swap3A_1047 = arith.index_cast %add3A_992 : i32 to index
          %swap3A_1048 = arith.constant 48 : index
          %swap3A_1049 = tpu.vector_load %arg10[%swap3A_1046, %swap3A_1047, %swap3A_1048] {strides = array<i32>} : memref<2x128x128xf32, #tpu.memory_space<vmem>>, vector<1x1x16xf32>,
          %swap3A_1050 = vector.shape_cast %swap3A_1049 : vector<1x1x16xf32> to vector<16xf32>
          %swap3A_1051 = vector.shape_cast %mul3A_1044 : vector<16xf32> to vector<1x1x16xf32>
          tpu.vector_store %arg10[%swap3A_1046, %swap3A_1047, %swap3A_1048], %swap3A_1051 {strides = array<i32>} : memref<2x128x128xf32, #tpu.memory_space<vmem>>, vector<1x1x16xf32>,
          %get3A_1052 = arith.constant 1 : i32
          %get3A_1053 = arith.index_cast %get3A_1052 : i32 to index
          %get3A_1054 = arith.index_cast %add3A_992 : i32 to index
          %get3A_1055 = arith.constant 64 : index
          %get3A_1056 = tpu.vector_load %arg10[%get3A_1053, %get3A_1054, %get3A_1055] {strides = array<i32>} : memref<2x128x128xf32, #tpu.memory_space<vmem>>, vector<1x1x16xf32>,
          %get3A_1057 = vector.shape_cast %get3A_1056 : vector<1x1x16xf32> to vector<16xf32>
          %mul3A_1058 = arith.mulf %get3A_1057, %broadcast_in_dim3A_995 : vector<16xf32>
          %swap3A_1059 = arith.constant 1 : i32
          %swap3A_1060 = arith.index_cast %swap3A_1059 : i32 to index
          %swap3A_1061 = arith.index_cast %add3A_992 : i32 to index
          %swap3A_1062 = arith.constant 64 : index
          %swap3A_1063 = tpu.vector_load %arg10[%swap3A_1060, %swap3A_1061, %swap3A_1062] {strides = array<i32>} : memref<2x128x128xf32, #tpu.memory_space<vmem>>, vector<1x1x16xf32>,
          %swap3A_1064 = vector.shape_cast %swap3A_1063 : vector<1x1x16xf32> to vector<16xf32>
          %swap3A_1065 = vector.shape_cast %mul3A_1058 : vector<16xf32> to vector<1x1x16xf32>
          tpu.vector_store %arg10[%swap3A_1060, %swap3A_1061, %swap3A_1062], %swap3A_1065 {strides = array<i32>} : memref<2x128x128xf32, #tpu.memory_space<vmem>>, vector<1x1x16xf32>,
          %get3A_1066 = arith.constant 1 : i32
          %get3A_1067 = arith.index_cast %get3A_1066 : i32 to index
          %get3A_1068 = arith.index_cast %add3A_992 : i32 to index
          %get3A_1069 = arith.constant 80 : index
          %get3A_1070 = tpu.vector_load %arg10[%get3A_1067, %get3A_1068, %get3A_1069] {strides = array<i32>} : memref<2x128x128xf32, #tpu.memory_space<vmem>>, vector<1x1x16xf32>,
          %get3A_1071 = vector.shape_cast %get3A_1070 : vector<1x1x16xf32> to vector<16xf32>
          %mul3A_1072 = arith.mulf %get3A_1071, %broadcast_in_dim3A_995 : vector<16xf32>
          %swap3A_1073 = arith.constant 1 : i32
          %swap3A_1074 = arith.index_cast %swap3A_1073 : i32 to index
          %swap3A_1075 = arith.index_cast %add3A_992 : i32 to index
          %swap3A_1076 = arith.constant 80 : index
          %swap3A_1077 = tpu.vector_load %arg10[%swap3A_1074, %swap3A_1075, %swap3A_1076] {strides = array<i32>} : memref<2x128x128xf32, #tpu.memory_space<vmem>>, vector<1x1x16xf32>,
          %swap3A_1078 = vector.shape_cast %swap3A_1077 : vector<1x1x16xf32> to vector<16xf32>
          %swap3A_1079 = vector.shape_cast %mul3A_1072 : vector<16xf32> to vector<1x1x16xf32>
          tpu.vector_store %arg10[%swap3A_1074, %swap3A_1075, %swap3A_1076], %swap3A_1079 {strides = array<i32>} : memref<2x128x128xf32, #tpu.memory_space<vmem>>, vector<1x1x16xf32>,
          %get3A_1080 = arith.constant 1 : i32
          %get3A_1081 = arith.index_cast %get3A_1080 : i32 to index
          %get3A_1082 = arith.index_cast %add3A_992 : i32 to index
          %get3A_1083 = arith.constant 96 : index
          %get3A_1084 = tpu.vector_load %arg10[%get3A_1081, %get3A_1082, %get3A_1083] {strides = array<i32>} : memref<2x128x128xf32, #tpu.memory_space<vmem>>, vector<1x1x16xf32>,
          %get3A_1085 = vector.shape_cast %get3A_1084 : vector<1x1x16xf32> to vector<16xf32>
          %mul3A_1086 = arith.mulf %get3A_1085, %broadcast_in_dim3A_995 : vector<16xf32>
          %swap3A_1087 = arith.constant 1 : i32
          %swap3A_1088 = arith.index_cast %swap3A_1087 : i32 to index
          %swap3A_1089 = arith.index_cast %add3A_992 : i32 to index
          %swap3A_1090 = arith.constant 96 : index
          %swap3A_1091 = tpu.vector_load %arg10[%swap3A_1088, %swap3A_1089, %swap3A_1090] {strides = array<i32>} : memref<2x128x128xf32, #tpu.memory_space<vmem>>, vector<1x1x16xf32>,
          %swap3A_1092 = vector.shape_cast %swap3A_1091 : vector<1x1x16xf32> to vector<16xf32>
          %swap3A_1093 = vector.shape_cast %mul3A_1086 : vector<16xf32> to vector<1x1x16xf32>
          tpu.vector_store %arg10[%swap3A_1088, %swap3A_1089, %swap3A_1090], %swap3A_1093 {strides = array<i32>} : memref<2x128x128xf32, #tpu.memory_space<vmem>>, vector<1x1x16xf32>,
          %get3A_1094 = arith.constant 1 : i32
          %get3A_1095 = arith.index_cast %get3A_1094 : i32 to index
          %get3A_1096 = arith.index_cast %add3A_992 : i32 to index
          %get3A_1097 = arith.constant 112 : index
          %get3A_1098 = tpu.vector_load %arg10[%get3A_1095, %get3A_1096, %get3A_1097] {strides = array<i32>} : memref<2x128x128xf32, #tpu.memory_space<vmem>>, vector<1x1x16xf32>,
          %get3A_1099 = vector.shape_cast %get3A_1098 : vector<1x1x16xf32> to vector<16xf32>
          %mul3A_1100 = arith.mulf %get3A_1099, %broadcast_in_dim3A_995 : vector<16xf32>
          %swap3A_1101 = arith.constant 1 : i32
          %swap3A_1102 = arith.index_cast %swap3A_1101 : i32 to index
          %swap3A_1103 = arith.index_cast %add3A_992 : i32 to index
          %swap3A_1104 = arith.constant 112 : index
          %swap3A_1105 = tpu.vector_load %arg10[%swap3A_1102, %swap3A_1103, %swap3A_1104] {strides = array<i32>} : memref<2x128x128xf32, #tpu.memory_space<vmem>>, vector<1x1x16xf32>,
          %swap3A_1106 = vector.shape_cast %swap3A_1105 : vector<1x1x16xf32> to vector<16xf32>
          %swap3A_1107 = vector.shape_cast %mul3A_1100 : vector<16xf32> to vector<1x1x16xf32>
          tpu.vector_store %arg10[%swap3A_1102, %swap3A_1103, %swap3A_1104], %swap3A_1107 {strides = array<i32>} : memref<2x128x128xf32, #tpu.memory_space<vmem>>, vector<1x1x16xf32>,
          %mul3A_1108 = arith.constant 16 : i32
          %mul3A_1109 = arith.muli %scan3A_150, %mul3A_1108 : i32
          %add3A_1110 = arith.constant 8 : i32
          %add3A_1111 = arith.addi %mul3A_1109, %add3A_1110 : i32
          %slice3A_1112 = vector.extract_strided_slice %get3A_158 {offsets = [8], sizes = [1], strides = [1]} : vector<16xf32> to vector<1xf32>
          %squeeze3A_1113 = vector.extract %slice3A_1112[0] : f32 from vector<1xf32>
          %broadcast_in_dim3A_1114 = vector.broadcast %squeeze3A_1113 : f32 to vector<16xf32>
          %get3A_1115 = arith.constant 1 : i32
          %get3A_1116 = arith.index_cast %get3A_1115 : i32 to index
          %get3A_1117 = arith.index_cast %add3A_1111 : i32 to index
          %get3A_1118 = arith.constant 0 : index
          %get3A_1119 = tpu.vector_load %arg10[%get3A_1116, %get3A_1117, %get3A_1118] {strides = array<i32>} : memref<2x128x128xf32, #tpu.memory_space<vmem>>, vector<1x1x16xf32>,
          %get3A_1120 = vector.shape_cast %get3A_1119 : vector<1x1x16xf32> to vector<16xf32>
          %mul3A_1121 = arith.mulf %get3A_1120, %broadcast_in_dim3A_1114 : vector<16xf32>
          %swap3A_1122 = arith.constant 1 : i32
          %swap3A_1123 = arith.index_cast %swap3A_1122 : i32 to index
          %swap3A_1124 = arith.index_cast %add3A_1111 : i32 to index
          %swap3A_1125 = arith.constant 0 : index
          %swap3A_1126 = tpu.vector_load %arg10[%swap3A_1123, %swap3A_1124, %swap3A_1125] {strides = array<i32>} : memref<2x128x128xf32, #tpu.memory_space<vmem>>, vector<1x1x16xf32>,
          %swap3A_1127 = vector.shape_cast %swap3A_1126 : vector<1x1x16xf32> to vector<16xf32>
          %swap3A_1128 = vector.shape_cast %mul3A_1121 : vector<16xf32> to vector<1x1x16xf32>
          tpu.vector_store %arg10[%swap3A_1123, %swap3A_1124, %swap3A_1125], %swap3A_1128 {strides = array<i32>} : memref<2x128x128xf32, #tpu.memory_space<vmem>>, vector<1x1x16xf32>,
          %get3A_1129 = arith.constant 1 : i32
          %get3A_1130 = arith.index_cast %get3A_1129 : i32 to index
          %get3A_1131 = arith.index_cast %add3A_1111 : i32 to index
          %get3A_1132 = arith.constant 16 : index
          %get3A_1133 = tpu.vector_load %arg10[%get3A_1130, %get3A_1131, %get3A_1132] {strides = array<i32>} : memref<2x128x128xf32, #tpu.memory_space<vmem>>, vector<1x1x16xf32>,
          %get3A_1134 = vector.shape_cast %get3A_1133 : vector<1x1x16xf32> to vector<16xf32>
          %mul3A_1135 = arith.mulf %get3A_1134, %broadcast_in_dim3A_1114 : vector<16xf32>
          %swap3A_1136 = arith.constant 1 : i32
          %swap3A_1137 = arith.index_cast %swap3A_1136 : i32 to index
          %swap3A_1138 = arith.index_cast %add3A_1111 : i32 to index
          %swap3A_1139 = arith.constant 16 : index
          %swap3A_1140 = tpu.vector_load %arg10[%swap3A_1137, %swap3A_1138, %swap3A_1139] {strides = array<i32>} : memref<2x128x128xf32, #tpu.memory_space<vmem>>, vector<1x1x16xf32>,
          %swap3A_1141 = vector.shape_cast %swap3A_1140 : vector<1x1x16xf32> to vector<16xf32>
          %swap3A_1142 = vector.shape_cast %mul3A_1135 : vector<16xf32> to vector<1x1x16xf32>
          tpu.vector_store %arg10[%swap3A_1137, %swap3A_1138, %swap3A_1139], %swap3A_1142 {strides = array<i32>} : memref<2x128x128xf32, #tpu.memory_space<vmem>>, vector<1x1x16xf32>,
          %get3A_1143 = arith.constant 1 : i32
          %get3A_1144 = arith.index_cast %get3A_1143 : i32 to index
          %get3A_1145 = arith.index_cast %add3A_1111 : i32 to index
          %get3A_1146 = arith.constant 32 : index
          %get3A_1147 = tpu.vector_load %arg10[%get3A_1144, %get3A_1145, %get3A_1146] {strides = array<i32>} : memref<2x128x128xf32, #tpu.memory_space<vmem>>, vector<1x1x16xf32>,
          %get3A_1148 = vector.shape_cast %get3A_1147 : vector<1x1x16xf32> to vector<16xf32>
          %mul3A_1149 = arith.mulf %get3A_1148, %broadcast_in_dim3A_1114 : vector<16xf32>
          %swap3A_1150 = arith.constant 1 : i32
          %swap3A_1151 = arith.index_cast %swap3A_1150 : i32 to index
          %swap3A_1152 = arith.index_cast %add3A_1111 : i32 to index
          %swap3A_1153 = arith.constant 32 : index
          %swap3A_1154 = tpu.vector_load %arg10[%swap3A_1151, %swap3A_1152, %swap3A_1153] {strides = array<i32>} : memref<2x128x128xf32, #tpu.memory_space<vmem>>, vector<1x1x16xf32>,
          %swap3A_1155 = vector.shape_cast %swap3A_1154 : vector<1x1x16xf32> to vector<16xf32>
          %swap3A_1156 = vector.shape_cast %mul3A_1149 : vector<16xf32> to vector<1x1x16xf32>
          tpu.vector_store %arg10[%swap3A_1151, %swap3A_1152, %swap3A_1153], %swap3A_1156 {strides = array<i32>} : memref<2x128x128xf32, #tpu.memory_space<vmem>>, vector<1x1x16xf32>,
          %get3A_1157 = arith.constant 1 : i32
          %get3A_1158 = arith.index_cast %get3A_1157 : i32 to index
          %get3A_1159 = arith.index_cast %add3A_1111 : i32 to index
          %get3A_1160 = arith.constant 48 : index
          %get3A_1161 = tpu.vector_load %arg10[%get3A_1158, %get3A_1159, %get3A_1160] {strides = array<i32>} : memref<2x128x128xf32, #tpu.memory_space<vmem>>, vector<1x1x16xf32>,
          %get3A_1162 = vector.shape_cast %get3A_1161 : vector<1x1x16xf32> to vector<16xf32>
          %mul3A_1163 = arith.mulf %get3A_1162, %broadcast_in_dim3A_1114 : vector<16xf32>
          %swap3A_1164 = arith.constant 1 : i32
          %swap3A_1165 = arith.index_cast %swap3A_1164 : i32 to index
          %swap3A_1166 = arith.index_cast %add3A_1111 : i32 to index
          %swap3A_1167 = arith.constant 48 : index
          %swap3A_1168 = tpu.vector_load %arg10[%swap3A_1165, %swap3A_1166, %swap3A_1167] {strides = array<i32>} : memref<2x128x128xf32, #tpu.memory_space<vmem>>, vector<1x1x16xf32>,
          %swap3A_1169 = vector.shape_cast %swap3A_1168 : vector<1x1x16xf32> to vector<16xf32>
          %swap3A_1170 = vector.shape_cast %mul3A_1163 : vector<16xf32> to vector<1x1x16xf32>
          tpu.vector_store %arg10[%swap3A_1165, %swap3A_1166, %swap3A_1167], %swap3A_1170 {strides = array<i32>} : memref<2x128x128xf32, #tpu.memory_space<vmem>>, vector<1x1x16xf32>,
          %get3A_1171 = arith.constant 1 : i32
          %get3A_1172 = arith.index_cast %get3A_1171 : i32 to index
          %get3A_1173 = arith.index_cast %add3A_1111 : i32 to index
          %get3A_1174 = arith.constant 64 : index
          %get3A_1175 = tpu.vector_load %arg10[%get3A_1172, %get3A_1173, %get3A_1174] {strides = array<i32>} : memref<2x128x128xf32, #tpu.memory_space<vmem>>, vector<1x1x16xf32>,
          %get3A_1176 = vector.shape_cast %get3A_1175 : vector<1x1x16xf32> to vector<16xf32>
          %mul3A_1177 = arith.mulf %get3A_1176, %broadcast_in_dim3A_1114 : vector<16xf32>
          %swap3A_1178 = arith.constant 1 : i32
          %swap3A_1179 = arith.index_cast %swap3A_1178 : i32 to index
          %swap3A_1180 = arith.index_cast %add3A_1111 : i32 to index
          %swap3A_1181 = arith.constant 64 : index
          %swap3A_1182 = tpu.vector_load %arg10[%swap3A_1179, %swap3A_1180, %swap3A_1181] {strides = array<i32>} : memref<2x128x128xf32, #tpu.memory_space<vmem>>, vector<1x1x16xf32>,
          %swap3A_1183 = vector.shape_cast %swap3A_1182 : vector<1x1x16xf32> to vector<16xf32>
          %swap3A_1184 = vector.shape_cast %mul3A_1177 : vector<16xf32> to vector<1x1x16xf32>
          tpu.vector_store %arg10[%swap3A_1179, %swap3A_1180, %swap3A_1181], %swap3A_1184 {strides = array<i32>} : memref<2x128x128xf32, #tpu.memory_space<vmem>>, vector<1x1x16xf32>,
          %get3A_1185 = arith.constant 1 : i32
          %get3A_1186 = arith.index_cast %get3A_1185 : i32 to index
          %get3A_1187 = arith.index_cast %add3A_1111 : i32 to index
          %get3A_1188 = arith.constant 80 : index
          %get3A_1189 = tpu.vector_load %arg10[%get3A_1186, %get3A_1187, %get3A_1188] {strides = array<i32>} : memref<2x128x128xf32, #tpu.memory_space<vmem>>, vector<1x1x16xf32>,
          %get3A_1190 = vector.shape_cast %get3A_1189 : vector<1x1x16xf32> to vector<16xf32>
          %mul3A_1191 = arith.mulf %get3A_1190, %broadcast_in_dim3A_1114 : vector<16xf32>
          %swap3A_1192 = arith.constant 1 : i32
          %swap3A_1193 = arith.index_cast %swap3A_1192 : i32 to index
          %swap3A_1194 = arith.index_cast %add3A_1111 : i32 to index
          %swap3A_1195 = arith.constant 80 : index
          %swap3A_1196 = tpu.vector_load %arg10[%swap3A_1193, %swap3A_1194, %swap3A_1195] {strides = array<i32>} : memref<2x128x128xf32, #tpu.memory_space<vmem>>, vector<1x1x16xf32>,
          %swap3A_1197 = vector.shape_cast %swap3A_1196 : vector<1x1x16xf32> to vector<16xf32>
          %swap3A_1198 = vector.shape_cast %mul3A_1191 : vector<16xf32> to vector<1x1x16xf32>
          tpu.vector_store %arg10[%swap3A_1193, %swap3A_1194, %swap3A_1195], %swap3A_1198 {strides = array<i32>} : memref<2x128x128xf32, #tpu.memory_space<vmem>>, vector<1x1x16xf32>,
          %get3A_1199 = arith.constant 1 : i32
          %get3A_1200 = arith.index_cast %get3A_1199 : i32 to index
          %get3A_1201 = arith.index_cast %add3A_1111 : i32 to index
          %get3A_1202 = arith.constant 96 : index
          %get3A_1203 = tpu.vector_load %arg10[%get3A_1200, %get3A_1201, %get3A_1202] {strides = array<i32>} : memref<2x128x128xf32, #tpu.memory_space<vmem>>, vector<1x1x16xf32>,
          %get3A_1204 = vector.shape_cast %get3A_1203 : vector<1x1x16xf32> to vector<16xf32>
          %mul3A_1205 = arith.mulf %get3A_1204, %broadcast_in_dim3A_1114 : vector<16xf32>
          %swap3A_1206 = arith.constant 1 : i32
          %swap3A_1207 = arith.index_cast %swap3A_1206 : i32 to index
          %swap3A_1208 = arith.index_cast %add3A_1111 : i32 to index
          %swap3A_1209 = arith.constant 96 : index
          %swap3A_1210 = tpu.vector_load %arg10[%swap3A_1207, %swap3A_1208, %swap3A_1209] {strides = array<i32>} : memref<2x128x128xf32, #tpu.memory_space<vmem>>, vector<1x1x16xf32>,
          %swap3A_1211 = vector.shape_cast %swap3A_1210 : vector<1x1x16xf32> to vector<16xf32>
          %swap3A_1212 = vector.shape_cast %mul3A_1205 : vector<16xf32> to vector<1x1x16xf32>
          tpu.vector_store %arg10[%swap3A_1207, %swap3A_1208, %swap3A_1209], %swap3A_1212 {strides = array<i32>} : memref<2x128x128xf32, #tpu.memory_space<vmem>>, vector<1x1x16xf32>,
          %get3A_1213 = arith.constant 1 : i32
          %get3A_1214 = arith.index_cast %get3A_1213 : i32 to index
          %get3A_1215 = arith.index_cast %add3A_1111 : i32 to index
          %get3A_1216 = arith.constant 112 : index
          %get3A_1217 = tpu.vector_load %arg10[%get3A_1214, %get3A_1215, %get3A_1216] {strides = array<i32>} : memref<2x128x128xf32, #tpu.memory_space<vmem>>, vector<1x1x16xf32>,
          %get3A_1218 = vector.shape_cast %get3A_1217 : vector<1x1x16xf32> to vector<16xf32>
          %mul3A_1219 = arith.mulf %get3A_1218, %broadcast_in_dim3A_1114 : vector<16xf32>
          %swap3A_1220 = arith.constant 1 : i32
          %swap3A_1221 = arith.index_cast %swap3A_1220 : i32 to index
          %swap3A_1222 = arith.index_cast %add3A_1111 : i32 to index
          %swap3A_1223 = arith.constant 112 : index
          %swap3A_1224 = tpu.vector_load %arg10[%swap3A_1221, %swap3A_1222, %swap3A_1223] {strides = array<i32>} : memref<2x128x128xf32, #tpu.memory_space<vmem>>, vector<1x1x16xf32>,
          %swap3A_1225 = vector.shape_cast %swap3A_1224 : vector<1x1x16xf32> to vector<16xf32>
          %swap3A_1226 = vector.shape_cast %mul3A_1219 : vector<16xf32> to vector<1x1x16xf32>
          tpu.vector_store %arg10[%swap3A_1221, %swap3A_1222, %swap3A_1223], %swap3A_1226 {strides = array<i32>} : memref<2x128x128xf32, #tpu.memory_space<vmem>>, vector<1x1x16xf32>,
          %mul3A_1227 = arith.constant 16 : i32
          %mul3A_1228 = arith.muli %scan3A_150, %mul3A_1227 : i32
          %add3A_1229 = arith.constant 9 : i32
          %add3A_1230 = arith.addi %mul3A_1228, %add3A_1229 : i32
          %slice3A_1231 = vector.extract_strided_slice %get3A_158 {offsets = [9], sizes = [1], strides = [1]} : vector<16xf32> to vector<1xf32>
          %squeeze3A_1232 = vector.extract %slice3A_1231[0] : f32 from vector<1xf32>
          %broadcast_in_dim3A_1233 = vector.broadcast %squeeze3A_1232 : f32 to vector<16xf32>
          %get3A_1234 = arith.constant 1 : i32
          %get3A_1235 = arith.index_cast %get3A_1234 : i32 to index
          %get3A_1236 = arith.index_cast %add3A_1230 : i32 to index
          %get3A_1237 = arith.constant 0 : index
          %get3A_1238 = tpu.vector_load %arg10[%get3A_1235, %get3A_1236, %get3A_1237] {strides = array<i32>} : memref<2x128x128xf32, #tpu.memory_space<vmem>>, vector<1x1x16xf32>,
          %get3A_1239 = vector.shape_cast %get3A_1238 : vector<1x1x16xf32> to vector<16xf32>
          %mul3A_1240 = arith.mulf %get3A_1239, %broadcast_in_dim3A_1233 : vector<16xf32>
          %swap3A_1241 = arith.constant 1 : i32
          %swap3A_1242 = arith.index_cast %swap3A_1241 : i32 to index
          %swap3A_1243 = arith.index_cast %add3A_1230 : i32 to index
          %swap3A_1244 = arith.constant 0 : index
          %swap3A_1245 = tpu.vector_load %arg10[%swap3A_1242, %swap3A_1243, %swap3A_1244] {strides = array<i32>} : memref<2x128x128xf32, #tpu.memory_space<vmem>>, vector<1x1x16xf32>,
          %swap3A_1246 = vector.shape_cast %swap3A_1245 : vector<1x1x16xf32> to vector<16xf32>
          %swap3A_1247 = vector.shape_cast %mul3A_1240 : vector<16xf32> to vector<1x1x16xf32>
          tpu.vector_store %arg10[%swap3A_1242, %swap3A_1243, %swap3A_1244], %swap3A_1247 {strides = array<i32>} : memref<2x128x128xf32, #tpu.memory_space<vmem>>, vector<1x1x16xf32>,
          %get3A_1248 = arith.constant 1 : i32
          %get3A_1249 = arith.index_cast %get3A_1248 : i32 to index
          %get3A_1250 = arith.index_cast %add3A_1230 : i32 to index
          %get3A_1251 = arith.constant 16 : index
          %get3A_1252 = tpu.vector_load %arg10[%get3A_1249, %get3A_1250, %get3A_1251] {strides = array<i32>} : memref<2x128x128xf32, #tpu.memory_space<vmem>>, vector<1x1x16xf32>,
          %get3A_1253 = vector.shape_cast %get3A_1252 : vector<1x1x16xf32> to vector<16xf32>
          %mul3A_1254 = arith.mulf %get3A_1253, %broadcast_in_dim3A_1233 : vector<16xf32>
          %swap3A_1255 = arith.constant 1 : i32
          %swap3A_1256 = arith.index_cast %swap3A_1255 : i32 to index
          %swap3A_1257 = arith.index_cast %add3A_1230 : i32 to index
          %swap3A_1258 = arith.constant 16 : index
          %swap3A_1259 = tpu.vector_load %arg10[%swap3A_1256, %swap3A_1257, %swap3A_1258] {strides = array<i32>} : memref<2x128x128xf32, #tpu.memory_space<vmem>>, vector<1x1x16xf32>,
          %swap3A_1260 = vector.shape_cast %swap3A_1259 : vector<1x1x16xf32> to vector<16xf32>
          %swap3A_1261 = vector.shape_cast %mul3A_1254 : vector<16xf32> to vector<1x1x16xf32>
          tpu.vector_store %arg10[%swap3A_1256, %swap3A_1257, %swap3A_1258], %swap3A_1261 {strides = array<i32>} : memref<2x128x128xf32, #tpu.memory_space<vmem>>, vector<1x1x16xf32>,
          %get3A_1262 = arith.constant 1 : i32
          %get3A_1263 = arith.index_cast %get3A_1262 : i32 to index
          %get3A_1264 = arith.index_cast %add3A_1230 : i32 to index
          %get3A_1265 = arith.constant 32 : index
          %get3A_1266 = tpu.vector_load %arg10[%get3A_1263, %get3A_1264, %get3A_1265] {strides = array<i32>} : memref<2x128x128xf32, #tpu.memory_space<vmem>>, vector<1x1x16xf32>,
          %get3A_1267 = vector.shape_cast %get3A_1266 : vector<1x1x16xf32> to vector<16xf32>
          %mul3A_1268 = arith.mulf %get3A_1267, %broadcast_in_dim3A_1233 : vector<16xf32>
          %swap3A_1269 = arith.constant 1 : i32
          %swap3A_1270 = arith.index_cast %swap3A_1269 : i32 to index
          %swap3A_1271 = arith.index_cast %add3A_1230 : i32 to index
          %swap3A_1272 = arith.constant 32 : index
          %swap3A_1273 = tpu.vector_load %arg10[%swap3A_1270, %swap3A_1271, %swap3A_1272] {strides = array<i32>} : memref<2x128x128xf32, #tpu.memory_space<vmem>>, vector<1x1x16xf32>,
          %swap3A_1274 = vector.shape_cast %swap3A_1273 : vector<1x1x16xf32> to vector<16xf32>
          %swap3A_1275 = vector.shape_cast %mul3A_1268 : vector<16xf32> to vector<1x1x16xf32>
          tpu.vector_store %arg10[%swap3A_1270, %swap3A_1271, %swap3A_1272], %swap3A_1275 {strides = array<i32>} : memref<2x128x128xf32, #tpu.memory_space<vmem>>, vector<1x1x16xf32>,
          %get3A_1276 = arith.constant 1 : i32
          %get3A_1277 = arith.index_cast %get3A_1276 : i32 to index
          %get3A_1278 = arith.index_cast %add3A_1230 : i32 to index
          %get3A_1279 = arith.constant 48 : index
          %get3A_1280 = tpu.vector_load %arg10[%get3A_1277, %get3A_1278, %get3A_1279] {strides = array<i32>} : memref<2x128x128xf32, #tpu.memory_space<vmem>>, vector<1x1x16xf32>,
          %get3A_1281 = vector.shape_cast %get3A_1280 : vector<1x1x16xf32> to vector<16xf32>
          %mul3A_1282 = arith.mulf %get3A_1281, %broadcast_in_dim3A_1233 : vector<16xf32>
          %swap3A_1283 = arith.constant 1 : i32
          %swap3A_1284 = arith.index_cast %swap3A_1283 : i32 to index
          %swap3A_1285 = arith.index_cast %add3A_1230 : i32 to index
          %swap3A_1286 = arith.constant 48 : index
          %swap3A_1287 = tpu.vector_load %arg10[%swap3A_1284, %swap3A_1285, %swap3A_1286] {strides = array<i32>} : memref<2x128x128xf32, #tpu.memory_space<vmem>>, vector<1x1x16xf32>,
          %swap3A_1288 = vector.shape_cast %swap3A_1287 : vector<1x1x16xf32> to vector<16xf32>
          %swap3A_1289 = vector.shape_cast %mul3A_1282 : vector<16xf32> to vector<1x1x16xf32>
          tpu.vector_store %arg10[%swap3A_1284, %swap3A_1285, %swap3A_1286], %swap3A_1289 {strides = array<i32>} : memref<2x128x128xf32, #tpu.memory_space<vmem>>, vector<1x1x16xf32>,
          %get3A_1290 = arith.constant 1 : i32
          %get3A_1291 = arith.index_cast %get3A_1290 : i32 to index
          %get3A_1292 = arith.index_cast %add3A_1230 : i32 to index
          %get3A_1293 = arith.constant 64 : index
          %get3A_1294 = tpu.vector_load %arg10[%get3A_1291, %get3A_1292, %get3A_1293] {strides = array<i32>} : memref<2x128x128xf32, #tpu.memory_space<vmem>>, vector<1x1x16xf32>,
          %get3A_1295 = vector.shape_cast %get3A_1294 : vector<1x1x16xf32> to vector<16xf32>
          %mul3A_1296 = arith.mulf %get3A_1295, %broadcast_in_dim3A_1233 : vector<16xf32>
          %swap3A_1297 = arith.constant 1 : i32
          %swap3A_1298 = arith.index_cast %swap3A_1297 : i32 to index
          %swap3A_1299 = arith.index_cast %add3A_1230 : i32 to index
          %swap3A_1300 = arith.constant 64 : index
          %swap3A_1301 = tpu.vector_load %arg10[%swap3A_1298, %swap3A_1299, %swap3A_1300] {strides = array<i32>} : memref<2x128x128xf32, #tpu.memory_space<vmem>>, vector<1x1x16xf32>,
          %swap3A_1302 = vector.shape_cast %swap3A_1301 : vector<1x1x16xf32> to vector<16xf32>
          %swap3A_1303 = vector.shape_cast %mul3A_1296 : vector<16xf32> to vector<1x1x16xf32>
          tpu.vector_store %arg10[%swap3A_1298, %swap3A_1299, %swap3A_1300], %swap3A_1303 {strides = array<i32>} : memref<2x128x128xf32, #tpu.memory_space<vmem>>, vector<1x1x16xf32>,
          %get3A_1304 = arith.constant 1 : i32
          %get3A_1305 = arith.index_cast %get3A_1304 : i32 to index
          %get3A_1306 = arith.index_cast %add3A_1230 : i32 to index
          %get3A_1307 = arith.constant 80 : index
          %get3A_1308 = tpu.vector_load %arg10[%get3A_1305, %get3A_1306, %get3A_1307] {strides = array<i32>} : memref<2x128x128xf32, #tpu.memory_space<vmem>>, vector<1x1x16xf32>,
          %get3A_1309 = vector.shape_cast %get3A_1308 : vector<1x1x16xf32> to vector<16xf32>
          %mul3A_1310 = arith.mulf %get3A_1309, %broadcast_in_dim3A_1233 : vector<16xf32>
          %swap3A_1311 = arith.constant 1 : i32
          %swap3A_1312 = arith.index_cast %swap3A_1311 : i32 to index
          %swap3A_1313 = arith.index_cast %add3A_1230 : i32 to index
          %swap3A_1314 = arith.constant 80 : index
          %swap3A_1315 = tpu.vector_load %arg10[%swap3A_1312, %swap3A_1313, %swap3A_1314] {strides = array<i32>} : memref<2x128x128xf32, #tpu.memory_space<vmem>>, vector<1x1x16xf32>,
          %swap3A_1316 = vector.shape_cast %swap3A_1315 : vector<1x1x16xf32> to vector<16xf32>
          %swap3A_1317 = vector.shape_cast %mul3A_1310 : vector<16xf32> to vector<1x1x16xf32>
          tpu.vector_store %arg10[%swap3A_1312, %swap3A_1313, %swap3A_1314], %swap3A_1317 {strides = array<i32>} : memref<2x128x128xf32, #tpu.memory_space<vmem>>, vector<1x1x16xf32>,
          %get3A_1318 = arith.constant 1 : i32
          %get3A_1319 = arith.index_cast %get3A_1318 : i32 to index
          %get3A_1320 = arith.index_cast %add3A_1230 : i32 to index
          %get3A_1321 = arith.constant 96 : index
          %get3A_1322 = tpu.vector_load %arg10[%get3A_1319, %get3A_1320, %get3A_1321] {strides = array<i32>} : memref<2x128x128xf32, #tpu.memory_space<vmem>>, vector<1x1x16xf32>,
          %get3A_1323 = vector.shape_cast %get3A_1322 : vector<1x1x16xf32> to vector<16xf32>
          %mul3A_1324 = arith.mulf %get3A_1323, %broadcast_in_dim3A_1233 : vector<16xf32>
          %swap3A_1325 = arith.constant 1 : i32
          %swap3A_1326 = arith.index_cast %swap3A_1325 : i32 to index
          %swap3A_1327 = arith.index_cast %add3A_1230 : i32 to index
          %swap3A_1328 = arith.constant 96 : index
          %swap3A_1329 = tpu.vector_load %arg10[%swap3A_1326, %swap3A_1327, %swap3A_1328] {strides = array<i32>} : memref<2x128x128xf32, #tpu.memory_space<vmem>>, vector<1x1x16xf32>,
          %swap3A_1330 = vector.shape_cast %swap3A_1329 : vector<1x1x16xf32> to vector<16xf32>
          %swap3A_1331 = vector.shape_cast %mul3A_1324 : vector<16xf32> to vector<1x1x16xf32>
          tpu.vector_store %arg10[%swap3A_1326, %swap3A_1327, %swap3A_1328], %swap3A_1331 {strides = array<i32>} : memref<2x128x128xf32, #tpu.memory_space<vmem>>, vector<1x1x16xf32>,
          %get3A_1332 = arith.constant 1 : i32
          %get3A_1333 = arith.index_cast %get3A_1332 : i32 to index
          %get3A_1334 = arith.index_cast %add3A_1230 : i32 to index
          %get3A_1335 = arith.constant 112 : index
          %get3A_1336 = tpu.vector_load %arg10[%get3A_1333, %get3A_1334, %get3A_1335] {strides = array<i32>} : memref<2x128x128xf32, #tpu.memory_space<vmem>>, vector<1x1x16xf32>,
          %get3A_1337 = vector.shape_cast %get3A_1336 : vector<1x1x16xf32> to vector<16xf32>
          %mul3A_1338 = arith.mulf %get3A_1337, %broadcast_in_dim3A_1233 : vector<16xf32>
          %swap3A_1339 = arith.constant 1 : i32
          %swap3A_1340 = arith.index_cast %swap3A_1339 : i32 to index
          %swap3A_1341 = arith.index_cast %add3A_1230 : i32 to index
          %swap3A_1342 = arith.constant 112 : index
          %swap3A_1343 = tpu.vector_load %arg10[%swap3A_1340, %swap3A_1341, %swap3A_1342] {strides = array<i32>} : memref<2x128x128xf32, #tpu.memory_space<vmem>>, vector<1x1x16xf32>,
          %swap3A_1344 = vector.shape_cast %swap3A_1343 : vector<1x1x16xf32> to vector<16xf32>
          %swap3A_1345 = vector.shape_cast %mul3A_1338 : vector<16xf32> to vector<1x1x16xf32>
          tpu.vector_store %arg10[%swap3A_1340, %swap3A_1341, %swap3A_1342], %swap3A_1345 {strides = array<i32>} : memref<2x128x128xf32, #tpu.memory_space<vmem>>, vector<1x1x16xf32>,
          %mul3A_1346 = arith.constant 16 : i32
          %mul3A_1347 = arith.muli %scan3A_150, %mul3A_1346 : i32
          %add3A_1348 = arith.constant 10 : i32
          %add3A_1349 = arith.addi %mul3A_1347, %add3A_1348 : i32
          %slice3A_1350 = vector.extract_strided_slice %get3A_158 {offsets = [10], sizes = [1], strides = [1]} : vector<16xf32> to vector<1xf32>
          %squeeze3A_1351 = vector.extract %slice3A_1350[0] : f32 from vector<1xf32>
          %broadcast_in_dim3A_1352 = vector.broadcast %squeeze3A_1351 : f32 to vector<16xf32>
          %get3A_1353 = arith.constant 1 : i32
          %get3A_1354 = arith.index_cast %get3A_1353 : i32 to index
          %get3A_1355 = arith.index_cast %add3A_1349 : i32 to index
          %get3A_1356 = arith.constant 0 : index
          %get3A_1357 = tpu.vector_load %arg10[%get3A_1354, %get3A_1355, %get3A_1356] {strides = array<i32>} : memref<2x128x128xf32, #tpu.memory_space<vmem>>, vector<1x1x16xf32>,
          %get3A_1358 = vector.shape_cast %get3A_1357 : vector<1x1x16xf32> to vector<16xf32>
          %mul3A_1359 = arith.mulf %get3A_1358, %broadcast_in_dim3A_1352 : vector<16xf32>
          %swap3A_1360 = arith.constant 1 : i32
          %swap3A_1361 = arith.index_cast %swap3A_1360 : i32 to index
          %swap3A_1362 = arith.index_cast %add3A_1349 : i32 to index
          %swap3A_1363 = arith.constant 0 : index
          %swap3A_1364 = tpu.vector_load %arg10[%swap3A_1361, %swap3A_1362, %swap3A_1363] {strides = array<i32>} : memref<2x128x128xf32, #tpu.memory_space<vmem>>, vector<1x1x16xf32>,
          %swap3A_1365 = vector.shape_cast %swap3A_1364 : vector<1x1x16xf32> to vector<16xf32>
          %swap3A_1366 = vector.shape_cast %mul3A_1359 : vector<16xf32> to vector<1x1x16xf32>
          tpu.vector_store %arg10[%swap3A_1361, %swap3A_1362, %swap3A_1363], %swap3A_1366 {strides = array<i32>} : memref<2x128x128xf32, #tpu.memory_space<vmem>>, vector<1x1x16xf32>,
          %get3A_1367 = arith.constant 1 : i32
          %get3A_1368 = arith.index_cast %get3A_1367 : i32 to index
          %get3A_1369 = arith.index_cast %add3A_1349 : i32 to index
          %get3A_1370 = arith.constant 16 : index
          %get3A_1371 = tpu.vector_load %arg10[%get3A_1368, %get3A_1369, %get3A_1370] {strides = array<i32>} : memref<2x128x128xf32, #tpu.memory_space<vmem>>, vector<1x1x16xf32>,
          %get3A_1372 = vector.shape_cast %get3A_1371 : vector<1x1x16xf32> to vector<16xf32>
          %mul3A_1373 = arith.mulf %get3A_1372, %broadcast_in_dim3A_1352 : vector<16xf32>
          %swap3A_1374 = arith.constant 1 : i32
          %swap3A_1375 = arith.index_cast %swap3A_1374 : i32 to index
          %swap3A_1376 = arith.index_cast %add3A_1349 : i32 to index
          %swap3A_1377 = arith.constant 16 : index
          %swap3A_1378 = tpu.vector_load %arg10[%swap3A_1375, %swap3A_1376, %swap3A_1377] {strides = array<i32>} : memref<2x128x128xf32, #tpu.memory_space<vmem>>, vector<1x1x16xf32>,
          %swap3A_1379 = vector.shape_cast %swap3A_1378 : vector<1x1x16xf32> to vector<16xf32>
          %swap3A_1380 = vector.shape_cast %mul3A_1373 : vector<16xf32> to vector<1x1x16xf32>
          tpu.vector_store %arg10[%swap3A_1375, %swap3A_1376, %swap3A_1377], %swap3A_1380 {strides = array<i32>} : memref<2x128x128xf32, #tpu.memory_space<vmem>>, vector<1x1x16xf32>,
          %get3A_1381 = arith.constant 1 : i32
          %get3A_1382 = arith.index_cast %get3A_1381 : i32 to index
          %get3A_1383 = arith.index_cast %add3A_1349 : i32 to index
          %get3A_1384 = arith.constant 32 : index
          %get3A_1385 = tpu.vector_load %arg10[%get3A_1382, %get3A_1383, %get3A_1384] {strides = array<i32>} : memref<2x128x128xf32, #tpu.memory_space<vmem>>, vector<1x1x16xf32>,
          %get3A_1386 = vector.shape_cast %get3A_1385 : vector<1x1x16xf32> to vector<16xf32>
          %mul3A_1387 = arith.mulf %get3A_1386, %broadcast_in_dim3A_1352 : vector<16xf32>
          %swap3A_1388 = arith.constant 1 : i32
          %swap3A_1389 = arith.index_cast %swap3A_1388 : i32 to index
          %swap3A_1390 = arith.index_cast %add3A_1349 : i32 to index
          %swap3A_1391 = arith.constant 32 : index
          %swap3A_1392 = tpu.vector_load %arg10[%swap3A_1389, %swap3A_1390, %swap3A_1391] {strides = array<i32>} : memref<2x128x128xf32, #tpu.memory_space<vmem>>, vector<1x1x16xf32>,
          %swap3A_1393 = vector.shape_cast %swap3A_1392 : vector<1x1x16xf32> to vector<16xf32>
          %swap3A_1394 = vector.shape_cast %mul3A_1387 : vector<16xf32> to vector<1x1x16xf32>
          tpu.vector_store %arg10[%swap3A_1389, %swap3A_1390, %swap3A_1391], %swap3A_1394 {strides = array<i32>} : memref<2x128x128xf32, #tpu.memory_space<vmem>>, vector<1x1x16xf32>,
          %get3A_1395 = arith.constant 1 : i32
          %get3A_1396 = arith.index_cast %get3A_1395 : i32 to index
          %get3A_1397 = arith.index_cast %add3A_1349 : i32 to index
          %get3A_1398 = arith.constant 48 : index
          %get3A_1399 = tpu.vector_load %arg10[%get3A_1396, %get3A_1397, %get3A_1398] {strides = array<i32>} : memref<2x128x128xf32, #tpu.memory_space<vmem>>, vector<1x1x16xf32>,
          %get3A_1400 = vector.shape_cast %get3A_1399 : vector<1x1x16xf32> to vector<16xf32>
          %mul3A_1401 = arith.mulf %get3A_1400, %broadcast_in_dim3A_1352 : vector<16xf32>
          %swap3A_1402 = arith.constant 1 : i32
          %swap3A_1403 = arith.index_cast %swap3A_1402 : i32 to index
          %swap3A_1404 = arith.index_cast %add3A_1349 : i32 to index
          %swap3A_1405 = arith.constant 48 : index
          %swap3A_1406 = tpu.vector_load %arg10[%swap3A_1403, %swap3A_1404, %swap3A_1405] {strides = array<i32>} : memref<2x128x128xf32, #tpu.memory_space<vmem>>, vector<1x1x16xf32>,
          %swap3A_1407 = vector.shape_cast %swap3A_1406 : vector<1x1x16xf32> to vector<16xf32>
          %swap3A_1408 = vector.shape_cast %mul3A_1401 : vector<16xf32> to vector<1x1x16xf32>
          tpu.vector_store %arg10[%swap3A_1403, %swap3A_1404, %swap3A_1405], %swap3A_1408 {strides = array<i32>} : memref<2x128x128xf32, #tpu.memory_space<vmem>>, vector<1x1x16xf32>,
          %get3A_1409 = arith.constant 1 : i32
          %get3A_1410 = arith.index_cast %get3A_1409 : i32 to index
          %get3A_1411 = arith.index_cast %add3A_1349 : i32 to index
          %get3A_1412 = arith.constant 64 : index
          %get3A_1413 = tpu.vector_load %arg10[%get3A_1410, %get3A_1411, %get3A_1412] {strides = array<i32>} : memref<2x128x128xf32, #tpu.memory_space<vmem>>, vector<1x1x16xf32>,
          %get3A_1414 = vector.shape_cast %get3A_1413 : vector<1x1x16xf32> to vector<16xf32>
          %mul3A_1415 = arith.mulf %get3A_1414, %broadcast_in_dim3A_1352 : vector<16xf32>
          %swap3A_1416 = arith.constant 1 : i32
          %swap3A_1417 = arith.index_cast %swap3A_1416 : i32 to index
          %swap3A_1418 = arith.index_cast %add3A_1349 : i32 to index
          %swap3A_1419 = arith.constant 64 : index
          %swap3A_1420 = tpu.vector_load %arg10[%swap3A_1417, %swap3A_1418, %swap3A_1419] {strides = array<i32>} : memref<2x128x128xf32, #tpu.memory_space<vmem>>, vector<1x1x16xf32>,
          %swap3A_1421 = vector.shape_cast %swap3A_1420 : vector<1x1x16xf32> to vector<16xf32>
          %swap3A_1422 = vector.shape_cast %mul3A_1415 : vector<16xf32> to vector<1x1x16xf32>
          tpu.vector_store %arg10[%swap3A_1417, %swap3A_1418, %swap3A_1419], %swap3A_1422 {strides = array<i32>} : memref<2x128x128xf32, #tpu.memory_space<vmem>>, vector<1x1x16xf32>,
          %get3A_1423 = arith.constant 1 : i32
          %get3A_1424 = arith.index_cast %get3A_1423 : i32 to index
          %get3A_1425 = arith.index_cast %add3A_1349 : i32 to index
          %get3A_1426 = arith.constant 80 : index
          %get3A_1427 = tpu.vector_load %arg10[%get3A_1424, %get3A_1425, %get3A_1426] {strides = array<i32>} : memref<2x128x128xf32, #tpu.memory_space<vmem>>, vector<1x1x16xf32>,
          %get3A_1428 = vector.shape_cast %get3A_1427 : vector<1x1x16xf32> to vector<16xf32>
          %mul3A_1429 = arith.mulf %get3A_1428, %broadcast_in_dim3A_1352 : vector<16xf32>
          %swap3A_1430 = arith.constant 1 : i32
          %swap3A_1431 = arith.index_cast %swap3A_1430 : i32 to index
          %swap3A_1432 = arith.index_cast %add3A_1349 : i32 to index
          %swap3A_1433 = arith.constant 80 : index
          %swap3A_1434 = tpu.vector_load %arg10[%swap3A_1431, %swap3A_1432, %swap3A_1433] {strides = array<i32>} : memref<2x128x128xf32, #tpu.memory_space<vmem>>, vector<1x1x16xf32>,
          %swap3A_1435 = vector.shape_cast %swap3A_1434 : vector<1x1x16xf32> to vector<16xf32>
          %swap3A_1436 = vector.shape_cast %mul3A_1429 : vector<16xf32> to vector<1x1x16xf32>
          tpu.vector_store %arg10[%swap3A_1431, %swap3A_1432, %swap3A_1433], %swap3A_1436 {strides = array<i32>} : memref<2x128x128xf32, #tpu.memory_space<vmem>>, vector<1x1x16xf32>,
          %get3A_1437 = arith.constant 1 : i32
          %get3A_1438 = arith.index_cast %get3A_1437 : i32 to index
          %get3A_1439 = arith.index_cast %add3A_1349 : i32 to index
          %get3A_1440 = arith.constant 96 : index
          %get3A_1441 = tpu.vector_load %arg10[%get3A_1438, %get3A_1439, %get3A_1440] {strides = array<i32>} : memref<2x128x128xf32, #tpu.memory_space<vmem>>, vector<1x1x16xf32>,
          %get3A_1442 = vector.shape_cast %get3A_1441 : vector<1x1x16xf32> to vector<16xf32>
          %mul3A_1443 = arith.mulf %get3A_1442, %broadcast_in_dim3A_1352 : vector<16xf32>
          %swap3A_1444 = arith.constant 1 : i32
          %swap3A_1445 = arith.index_cast %swap3A_1444 : i32 to index
          %swap3A_1446 = arith.index_cast %add3A_1349 : i32 to index
          %swap3A_1447 = arith.constant 96 : index
          %swap3A_1448 = tpu.vector_load %arg10[%swap3A_1445, %swap3A_1446, %swap3A_1447] {strides = array<i32>} : memref<2x128x128xf32, #tpu.memory_space<vmem>>, vector<1x1x16xf32>,
          %swap3A_1449 = vector.shape_cast %swap3A_1448 : vector<1x1x16xf32> to vector<16xf32>
          %swap3A_1450 = vector.shape_cast %mul3A_1443 : vector<16xf32> to vector<1x1x16xf32>
          tpu.vector_store %arg10[%swap3A_1445, %swap3A_1446, %swap3A_1447], %swap3A_1450 {strides = array<i32>} : memref<2x128x128xf32, #tpu.memory_space<vmem>>, vector<1x1x16xf32>,
          %get3A_1451 = arith.constant 1 : i32
          %get3A_1452 = arith.index_cast %get3A_1451 : i32 to index
          %get3A_1453 = arith.index_cast %add3A_1349 : i32 to index
          %get3A_1454 = arith.constant 112 : index
          %get3A_1455 = tpu.vector_load %arg10[%get3A_1452, %get3A_1453, %get3A_1454] {strides = array<i32>} : memref<2x128x128xf32, #tpu.memory_space<vmem>>, vector<1x1x16xf32>,
          %get3A_1456 = vector.shape_cast %get3A_1455 : vector<1x1x16xf32> to vector<16xf32>
          %mul3A_1457 = arith.mulf %get3A_1456, %broadcast_in_dim3A_1352 : vector<16xf32>
          %swap3A_1458 = arith.constant 1 : i32
          %swap3A_1459 = arith.index_cast %swap3A_1458 : i32 to index
          %swap3A_1460 = arith.index_cast %add3A_1349 : i32 to index
          %swap3A_1461 = arith.constant 112 : index
          %swap3A_1462 = tpu.vector_load %arg10[%swap3A_1459, %swap3A_1460, %swap3A_1461] {strides = array<i32>} : memref<2x128x128xf32, #tpu.memory_space<vmem>>, vector<1x1x16xf32>,
          %swap3A_1463 = vector.shape_cast %swap3A_1462 : vector<1x1x16xf32> to vector<16xf32>
          %swap3A_1464 = vector.shape_cast %mul3A_1457 : vector<16xf32> to vector<1x1x16xf32>
          tpu.vector_store %arg10[%swap3A_1459, %swap3A_1460, %swap3A_1461], %swap3A_1464 {strides = array<i32>} : memref<2x128x128xf32, #tpu.memory_space<vmem>>, vector<1x1x16xf32>,
          %mul3A_1465 = arith.constant 16 : i32
          %mul3A_1466 = arith.muli %scan3A_150, %mul3A_1465 : i32
          %add3A_1467 = arith.constant 11 : i32
          %add3A_1468 = arith.addi %mul3A_1466, %add3A_1467 : i32
          %slice3A_1469 = vector.extract_strided_slice %get3A_158 {offsets = [11], sizes = [1], strides = [1]} : vector<16xf32> to vector<1xf32>
          %squeeze3A_1470 = vector.extract %slice3A_1469[0] : f32 from vector<1xf32>
          %broadcast_in_dim3A_1471 = vector.broadcast %squeeze3A_1470 : f32 to vector<16xf32>
          %get3A_1472 = arith.constant 1 : i32
          %get3A_1473 = arith.index_cast %get3A_1472 : i32 to index
          %get3A_1474 = arith.index_cast %add3A_1468 : i32 to index
          %get3A_1475 = arith.constant 0 : index
          %get3A_1476 = tpu.vector_load %arg10[%get3A_1473, %get3A_1474, %get3A_1475] {strides = array<i32>} : memref<2x128x128xf32, #tpu.memory_space<vmem>>, vector<1x1x16xf32>,
          %get3A_1477 = vector.shape_cast %get3A_1476 : vector<1x1x16xf32> to vector<16xf32>
          %mul3A_1478 = arith.mulf %get3A_1477, %broadcast_in_dim3A_1471 : vector<16xf32>
          %swap3A_1479 = arith.constant 1 : i32
          %swap3A_1480 = arith.index_cast %swap3A_1479 : i32 to index
          %swap3A_1481 = arith.index_cast %add3A_1468 : i32 to index
          %swap3A_1482 = arith.constant 0 : index
          %swap3A_1483 = tpu.vector_load %arg10[%swap3A_1480, %swap3A_1481, %swap3A_1482] {strides = array<i32>} : memref<2x128x128xf32, #tpu.memory_space<vmem>>, vector<1x1x16xf32>,
          %swap3A_1484 = vector.shape_cast %swap3A_1483 : vector<1x1x16xf32> to vector<16xf32>
          %swap3A_1485 = vector.shape_cast %mul3A_1478 : vector<16xf32> to vector<1x1x16xf32>
          tpu.vector_store %arg10[%swap3A_1480, %swap3A_1481, %swap3A_1482], %swap3A_1485 {strides = array<i32>} : memref<2x128x128xf32, #tpu.memory_space<vmem>>, vector<1x1x16xf32>,
          %get3A_1486 = arith.constant 1 : i32
          %get3A_1487 = arith.index_cast %get3A_1486 : i32 to index
          %get3A_1488 = arith.index_cast %add3A_1468 : i32 to index
          %get3A_1489 = arith.constant 16 : index
          %get3A_1490 = tpu.vector_load %arg10[%get3A_1487, %get3A_1488, %get3A_1489] {strides = array<i32>} : memref<2x128x128xf32, #tpu.memory_space<vmem>>, vector<1x1x16xf32>,
          %get3A_1491 = vector.shape_cast %get3A_1490 : vector<1x1x16xf32> to vector<16xf32>
          %mul3A_1492 = arith.mulf %get3A_1491, %broadcast_in_dim3A_1471 : vector<16xf32>
          %swap3A_1493 = arith.constant 1 : i32
          %swap3A_1494 = arith.index_cast %swap3A_1493 : i32 to index
          %swap3A_1495 = arith.index_cast %add3A_1468 : i32 to index
          %swap3A_1496 = arith.constant 16 : index
          %swap3A_1497 = tpu.vector_load %arg10[%swap3A_1494, %swap3A_1495, %swap3A_1496] {strides = array<i32>} : memref<2x128x128xf32, #tpu.memory_space<vmem>>, vector<1x1x16xf32>,
          %swap3A_1498 = vector.shape_cast %swap3A_1497 : vector<1x1x16xf32> to vector<16xf32>
          %swap3A_1499 = vector.shape_cast %mul3A_1492 : vector<16xf32> to vector<1x1x16xf32>
          tpu.vector_store %arg10[%swap3A_1494, %swap3A_1495, %swap3A_1496], %swap3A_1499 {strides = array<i32>} : memref<2x128x128xf32, #tpu.memory_space<vmem>>, vector<1x1x16xf32>,
          %get3A_1500 = arith.constant 1 : i32
          %get3A_1501 = arith.index_cast %get3A_1500 : i32 to index
          %get3A_1502 = arith.index_cast %add3A_1468 : i32 to index
          %get3A_1503 = arith.constant 32 : index
          %get3A_1504 = tpu.vector_load %arg10[%get3A_1501, %get3A_1502, %get3A_1503] {strides = array<i32>} : memref<2x128x128xf32, #tpu.memory_space<vmem>>, vector<1x1x16xf32>,
          %get3A_1505 = vector.shape_cast %get3A_1504 : vector<1x1x16xf32> to vector<16xf32>
          %mul3A_1506 = arith.mulf %get3A_1505, %broadcast_in_dim3A_1471 : vector<16xf32>
          %swap3A_1507 = arith.constant 1 : i32
          %swap3A_1508 = arith.index_cast %swap3A_1507 : i32 to index
          %swap3A_1509 = arith.index_cast %add3A_1468 : i32 to index
          %swap3A_1510 = arith.constant 32 : index
          %swap3A_1511 = tpu.vector_load %arg10[%swap3A_1508, %swap3A_1509, %swap3A_1510] {strides = array<i32>} : memref<2x128x128xf32, #tpu.memory_space<vmem>>, vector<1x1x16xf32>,
          %swap3A_1512 = vector.shape_cast %swap3A_1511 : vector<1x1x16xf32> to vector<16xf32>
          %swap3A_1513 = vector.shape_cast %mul3A_1506 : vector<16xf32> to vector<1x1x16xf32>
          tpu.vector_store %arg10[%swap3A_1508, %swap3A_1509, %swap3A_1510], %swap3A_1513 {strides = array<i32>} : memref<2x128x128xf32, #tpu.memory_space<vmem>>, vector<1x1x16xf32>,
          %get3A_1514 = arith.constant 1 : i32
          %get3A_1515 = arith.index_cast %get3A_1514 : i32 to index
          %get3A_1516 = arith.index_cast %add3A_1468 : i32 to index
          %get3A_1517 = arith.constant 48 : index
          %get3A_1518 = tpu.vector_load %arg10[%get3A_1515, %get3A_1516, %get3A_1517] {strides = array<i32>} : memref<2x128x128xf32, #tpu.memory_space<vmem>>, vector<1x1x16xf32>,
          %get3A_1519 = vector.shape_cast %get3A_1518 : vector<1x1x16xf32> to vector<16xf32>
          %mul3A_1520 = arith.mulf %get3A_1519, %broadcast_in_dim3A_1471 : vector<16xf32>
          %swap3A_1521 = arith.constant 1 : i32
          %swap3A_1522 = arith.index_cast %swap3A_1521 : i32 to index
          %swap3A_1523 = arith.index_cast %add3A_1468 : i32 to index
          %swap3A_1524 = arith.constant 48 : index
          %swap3A_1525 = tpu.vector_load %arg10[%swap3A_1522, %swap3A_1523, %swap3A_1524] {strides = array<i32>} : memref<2x128x128xf32, #tpu.memory_space<vmem>>, vector<1x1x16xf32>,
          %swap3A_1526 = vector.shape_cast %swap3A_1525 : vector<1x1x16xf32> to vector<16xf32>
          %swap3A_1527 = vector.shape_cast %mul3A_1520 : vector<16xf32> to vector<1x1x16xf32>
          tpu.vector_store %arg10[%swap3A_1522, %swap3A_1523, %swap3A_1524], %swap3A_1527 {strides = array<i32>} : memref<2x128x128xf32, #tpu.memory_space<vmem>>, vector<1x1x16xf32>,
          %get3A_1528 = arith.constant 1 : i32
          %get3A_1529 = arith.index_cast %get3A_1528 : i32 to index
          %get3A_1530 = arith.index_cast %add3A_1468 : i32 to index
          %get3A_1531 = arith.constant 64 : index
          %get3A_1532 = tpu.vector_load %arg10[%get3A_1529, %get3A_1530, %get3A_1531] {strides = array<i32>} : memref<2x128x128xf32, #tpu.memory_space<vmem>>, vector<1x1x16xf32>,
          %get3A_1533 = vector.shape_cast %get3A_1532 : vector<1x1x16xf32> to vector<16xf32>
          %mul3A_1534 = arith.mulf %get3A_1533, %broadcast_in_dim3A_1471 : vector<16xf32>
          %swap3A_1535 = arith.constant 1 : i32
          %swap3A_1536 = arith.index_cast %swap3A_1535 : i32 to index
          %swap3A_1537 = arith.index_cast %add3A_1468 : i32 to index
          %swap3A_1538 = arith.constant 64 : index
          %swap3A_1539 = tpu.vector_load %arg10[%swap3A_1536, %swap3A_1537, %swap3A_1538] {strides = array<i32>} : memref<2x128x128xf32, #tpu.memory_space<vmem>>, vector<1x1x16xf32>,
          %swap3A_1540 = vector.shape_cast %swap3A_1539 : vector<1x1x16xf32> to vector<16xf32>
          %swap3A_1541 = vector.shape_cast %mul3A_1534 : vector<16xf32> to vector<1x1x16xf32>
          tpu.vector_store %arg10[%swap3A_1536, %swap3A_1537, %swap3A_1538], %swap3A_1541 {strides = array<i32>} : memref<2x128x128xf32, #tpu.memory_space<vmem>>, vector<1x1x16xf32>,
          %get3A_1542 = arith.constant 1 : i32
          %get3A_1543 = arith.index_cast %get3A_1542 : i32 to index
          %get3A_1544 = arith.index_cast %add3A_1468 : i32 to index
          %get3A_1545 = arith.constant 80 : index
          %get3A_1546 = tpu.vector_load %arg10[%get3A_1543, %get3A_1544, %get3A_1545] {strides = array<i32>} : memref<2x128x128xf32, #tpu.memory_space<vmem>>, vector<1x1x16xf32>,
          %get3A_1547 = vector.shape_cast %get3A_1546 : vector<1x1x16xf32> to vector<16xf32>
          %mul3A_1548 = arith.mulf %get3A_1547, %broadcast_in_dim3A_1471 : vector<16xf32>
          %swap3A_1549 = arith.constant 1 : i32
          %swap3A_1550 = arith.index_cast %swap3A_1549 : i32 to index
          %swap3A_1551 = arith.index_cast %add3A_1468 : i32 to index
          %swap3A_1552 = arith.constant 80 : index
          %swap3A_1553 = tpu.vector_load %arg10[%swap3A_1550, %swap3A_1551, %swap3A_1552] {strides = array<i32>} : memref<2x128x128xf32, #tpu.memory_space<vmem>>, vector<1x1x16xf32>,
          %swap3A_1554 = vector.shape_cast %swap3A_1553 : vector<1x1x16xf32> to vector<16xf32>
          %swap3A_1555 = vector.shape_cast %mul3A_1548 : vector<16xf32> to vector<1x1x16xf32>
          tpu.vector_store %arg10[%swap3A_1550, %swap3A_1551, %swap3A_1552], %swap3A_1555 {strides = array<i32>} : memref<2x128x128xf32, #tpu.memory_space<vmem>>, vector<1x1x16xf32>,
          %get3A_1556 = arith.constant 1 : i32
          %get3A_1557 = arith.index_cast %get3A_1556 : i32 to index
          %get3A_1558 = arith.index_cast %add3A_1468 : i32 to index
          %get3A_1559 = arith.constant 96 : index
          %get3A_1560 = tpu.vector_load %arg10[%get3A_1557, %get3A_1558, %get3A_1559] {strides = array<i32>} : memref<2x128x128xf32, #tpu.memory_space<vmem>>, vector<1x1x16xf32>,
          %get3A_1561 = vector.shape_cast %get3A_1560 : vector<1x1x16xf32> to vector<16xf32>
          %mul3A_1562 = arith.mulf %get3A_1561, %broadcast_in_dim3A_1471 : vector<16xf32>
          %swap3A_1563 = arith.constant 1 : i32
          %swap3A_1564 = arith.index_cast %swap3A_1563 : i32 to index
          %swap3A_1565 = arith.index_cast %add3A_1468 : i32 to index
          %swap3A_1566 = arith.constant 96 : index
          %swap3A_1567 = tpu.vector_load %arg10[%swap3A_1564, %swap3A_1565, %swap3A_1566] {strides = array<i32>} : memref<2x128x128xf32, #tpu.memory_space<vmem>>, vector<1x1x16xf32>,
          %swap3A_1568 = vector.shape_cast %swap3A_1567 : vector<1x1x16xf32> to vector<16xf32>
          %swap3A_1569 = vector.shape_cast %mul3A_1562 : vector<16xf32> to vector<1x1x16xf32>
          tpu.vector_store %arg10[%swap3A_1564, %swap3A_1565, %swap3A_1566], %swap3A_1569 {strides = array<i32>} : memref<2x128x128xf32, #tpu.memory_space<vmem>>, vector<1x1x16xf32>,
          %get3A_1570 = arith.constant 1 : i32
          %get3A_1571 = arith.index_cast %get3A_1570 : i32 to index
          %get3A_1572 = arith.index_cast %add3A_1468 : i32 to index
          %get3A_1573 = arith.constant 112 : index
          %get3A_1574 = tpu.vector_load %arg10[%get3A_1571, %get3A_1572, %get3A_1573] {strides = array<i32>} : memref<2x128x128xf32, #tpu.memory_space<vmem>>, vector<1x1x16xf32>,
          %get3A_1575 = vector.shape_cast %get3A_1574 : vector<1x1x16xf32> to vector<16xf32>
          %mul3A_1576 = arith.mulf %get3A_1575, %broadcast_in_dim3A_1471 : vector<16xf32>
          %swap3A_1577 = arith.constant 1 : i32
          %swap3A_1578 = arith.index_cast %swap3A_1577 : i32 to index
          %swap3A_1579 = arith.index_cast %add3A_1468 : i32 to index
          %swap3A_1580 = arith.constant 112 : index
          %swap3A_1581 = tpu.vector_load %arg10[%swap3A_1578, %swap3A_1579, %swap3A_1580] {strides = array<i32>} : memref<2x128x128xf32, #tpu.memory_space<vmem>>, vector<1x1x16xf32>,
          %swap3A_1582 = vector.shape_cast %swap3A_1581 : vector<1x1x16xf32> to vector<16xf32>
          %swap3A_1583 = vector.shape_cast %mul3A_1576 : vector<16xf32> to vector<1x1x16xf32>
          tpu.vector_store %arg10[%swap3A_1578, %swap3A_1579, %swap3A_1580], %swap3A_1583 {strides = array<i32>} : memref<2x128x128xf32, #tpu.memory_space<vmem>>, vector<1x1x16xf32>,
          %mul3A_1584 = arith.constant 16 : i32
          %mul3A_1585 = arith.muli %scan3A_150, %mul3A_1584 : i32
          %add3A_1586 = arith.constant 12 : i32
          %add3A_1587 = arith.addi %mul3A_1585, %add3A_1586 : i32
          %slice3A_1588 = vector.extract_strided_slice %get3A_158 {offsets = [12], sizes = [1], strides = [1]} : vector<16xf32> to vector<1xf32>
          %squeeze3A_1589 = vector.extract %slice3A_1588[0] : f32 from vector<1xf32>
          %broadcast_in_dim3A_1590 = vector.broadcast %squeeze3A_1589 : f32 to vector<16xf32>
          %get3A_1591 = arith.constant 1 : i32
          %get3A_1592 = arith.index_cast %get3A_1591 : i32 to index
          %get3A_1593 = arith.index_cast %add3A_1587 : i32 to index
          %get3A_1594 = arith.constant 0 : index
          %get3A_1595 = tpu.vector_load %arg10[%get3A_1592, %get3A_1593, %get3A_1594] {strides = array<i32>} : memref<2x128x128xf32, #tpu.memory_space<vmem>>, vector<1x1x16xf32>,
          %get3A_1596 = vector.shape_cast %get3A_1595 : vector<1x1x16xf32> to vector<16xf32>
          %mul3A_1597 = arith.mulf %get3A_1596, %broadcast_in_dim3A_1590 : vector<16xf32>
          %swap3A_1598 = arith.constant 1 : i32
          %swap3A_1599 = arith.index_cast %swap3A_1598 : i32 to index
          %swap3A_1600 = arith.index_cast %add3A_1587 : i32 to index
          %swap3A_1601 = arith.constant 0 : index
          %swap3A_1602 = tpu.vector_load %arg10[%swap3A_1599, %swap3A_1600, %swap3A_1601] {strides = array<i32>} : memref<2x128x128xf32, #tpu.memory_space<vmem>>, vector<1x1x16xf32>,
          %swap3A_1603 = vector.shape_cast %swap3A_1602 : vector<1x1x16xf32> to vector<16xf32>
          %swap3A_1604 = vector.shape_cast %mul3A_1597 : vector<16xf32> to vector<1x1x16xf32>
          tpu.vector_store %arg10[%swap3A_1599, %swap3A_1600, %swap3A_1601], %swap3A_1604 {strides = array<i32>} : memref<2x128x128xf32, #tpu.memory_space<vmem>>, vector<1x1x16xf32>,
          %get3A_1605 = arith.constant 1 : i32
          %get3A_1606 = arith.index_cast %get3A_1605 : i32 to index
          %get3A_1607 = arith.index_cast %add3A_1587 : i32 to index
          %get3A_1608 = arith.constant 16 : index
          %get3A_1609 = tpu.vector_load %arg10[%get3A_1606, %get3A_1607, %get3A_1608] {strides = array<i32>} : memref<2x128x128xf32, #tpu.memory_space<vmem>>, vector<1x1x16xf32>,
          %get3A_1610 = vector.shape_cast %get3A_1609 : vector<1x1x16xf32> to vector<16xf32>
          %mul3A_1611 = arith.mulf %get3A_1610, %broadcast_in_dim3A_1590 : vector<16xf32>
          %swap3A_1612 = arith.constant 1 : i32
          %swap3A_1613 = arith.index_cast %swap3A_1612 : i32 to index
          %swap3A_1614 = arith.index_cast %add3A_1587 : i32 to index
          %swap3A_1615 = arith.constant 16 : index
          %swap3A_1616 = tpu.vector_load %arg10[%swap3A_1613, %swap3A_1614, %swap3A_1615] {strides = array<i32>} : memref<2x128x128xf32, #tpu.memory_space<vmem>>, vector<1x1x16xf32>,
          %swap3A_1617 = vector.shape_cast %swap3A_1616 : vector<1x1x16xf32> to vector<16xf32>
          %swap3A_1618 = vector.shape_cast %mul3A_1611 : vector<16xf32> to vector<1x1x16xf32>
          tpu.vector_store %arg10[%swap3A_1613, %swap3A_1614, %swap3A_1615], %swap3A_1618 {strides = array<i32>} : memref<2x128x128xf32, #tpu.memory_space<vmem>>, vector<1x1x16xf32>,
          %get3A_1619 = arith.constant 1 : i32
          %get3A_1620 = arith.index_cast %get3A_1619 : i32 to index
          %get3A_1621 = arith.index_cast %add3A_1587 : i32 to index
          %get3A_1622 = arith.constant 32 : index
          %get3A_1623 = tpu.vector_load %arg10[%get3A_1620, %get3A_1621, %get3A_1622] {strides = array<i32>} : memref<2x128x128xf32, #tpu.memory_space<vmem>>, vector<1x1x16xf32>,
          %get3A_1624 = vector.shape_cast %get3A_1623 : vector<1x1x16xf32> to vector<16xf32>
          %mul3A_1625 = arith.mulf %get3A_1624, %broadcast_in_dim3A_1590 : vector<16xf32>
          %swap3A_1626 = arith.constant 1 : i32
          %swap3A_1627 = arith.index_cast %swap3A_1626 : i32 to index
          %swap3A_1628 = arith.index_cast %add3A_1587 : i32 to index
          %swap3A_1629 = arith.constant 32 : index
          %swap3A_1630 = tpu.vector_load %arg10[%swap3A_1627, %swap3A_1628, %swap3A_1629] {strides = array<i32>} : memref<2x128x128xf32, #tpu.memory_space<vmem>>, vector<1x1x16xf32>,
          %swap3A_1631 = vector.shape_cast %swap3A_1630 : vector<1x1x16xf32> to vector<16xf32>
          %swap3A_1632 = vector.shape_cast %mul3A_1625 : vector<16xf32> to vector<1x1x16xf32>
          tpu.vector_store %arg10[%swap3A_1627, %swap3A_1628, %swap3A_1629], %swap3A_1632 {strides = array<i32>} : memref<2x128x128xf32, #tpu.memory_space<vmem>>, vector<1x1x16xf32>,
          %get3A_1633 = arith.constant 1 : i32
          %get3A_1634 = arith.index_cast %get3A_1633 : i32 to index
          %get3A_1635 = arith.index_cast %add3A_1587 : i32 to index
          %get3A_1636 = arith.constant 48 : index
          %get3A_1637 = tpu.vector_load %arg10[%get3A_1634, %get3A_1635, %get3A_1636] {strides = array<i32>} : memref<2x128x128xf32, #tpu.memory_space<vmem>>, vector<1x1x16xf32>,
          %get3A_1638 = vector.shape_cast %get3A_1637 : vector<1x1x16xf32> to vector<16xf32>
          %mul3A_1639 = arith.mulf %get3A_1638, %broadcast_in_dim3A_1590 : vector<16xf32>
          %swap3A_1640 = arith.constant 1 : i32
          %swap3A_1641 = arith.index_cast %swap3A_1640 : i32 to index
          %swap3A_1642 = arith.index_cast %add3A_1587 : i32 to index
          %swap3A_1643 = arith.constant 48 : index
          %swap3A_1644 = tpu.vector_load %arg10[%swap3A_1641, %swap3A_1642, %swap3A_1643] {strides = array<i32>} : memref<2x128x128xf32, #tpu.memory_space<vmem>>, vector<1x1x16xf32>,
          %swap3A_1645 = vector.shape_cast %swap3A_1644 : vector<1x1x16xf32> to vector<16xf32>
          %swap3A_1646 = vector.shape_cast %mul3A_1639 : vector<16xf32> to vector<1x1x16xf32>
          tpu.vector_store %arg10[%swap3A_1641, %swap3A_1642, %swap3A_1643], %swap3A_1646 {strides = array<i32>} : memref<2x128x128xf32, #tpu.memory_space<vmem>>, vector<1x1x16xf32>,
          %get3A_1647 = arith.constant 1 : i32
          %get3A_1648 = arith.index_cast %get3A_1647 : i32 to index
          %get3A_1649 = arith.index_cast %add3A_1587 : i32 to index
          %get3A_1650 = arith.constant 64 : index
          %get3A_1651 = tpu.vector_load %arg10[%get3A_1648, %get3A_1649, %get3A_1650] {strides = array<i32>} : memref<2x128x128xf32, #tpu.memory_space<vmem>>, vector<1x1x16xf32>,
          %get3A_1652 = vector.shape_cast %get3A_1651 : vector<1x1x16xf32> to vector<16xf32>
          %mul3A_1653 = arith.mulf %get3A_1652, %broadcast_in_dim3A_1590 : vector<16xf32>
          %swap3A_1654 = arith.constant 1 : i32
          %swap3A_1655 = arith.index_cast %swap3A_1654 : i32 to index
          %swap3A_1656 = arith.index_cast %add3A_1587 : i32 to index
          %swap3A_1657 = arith.constant 64 : index
          %swap3A_1658 = tpu.vector_load %arg10[%swap3A_1655, %swap3A_1656, %swap3A_1657] {strides = array<i32>} : memref<2x128x128xf32, #tpu.memory_space<vmem>>, vector<1x1x16xf32>,
          %swap3A_1659 = vector.shape_cast %swap3A_1658 : vector<1x1x16xf32> to vector<16xf32>
          %swap3A_1660 = vector.shape_cast %mul3A_1653 : vector<16xf32> to vector<1x1x16xf32>
          tpu.vector_store %arg10[%swap3A_1655, %swap3A_1656, %swap3A_1657], %swap3A_1660 {strides = array<i32>} : memref<2x128x128xf32, #tpu.memory_space<vmem>>, vector<1x1x16xf32>,
          %get3A_1661 = arith.constant 1 : i32
          %get3A_1662 = arith.index_cast %get3A_1661 : i32 to index
          %get3A_1663 = arith.index_cast %add3A_1587 : i32 to index
          %get3A_1664 = arith.constant 80 : index
          %get3A_1665 = tpu.vector_load %arg10[%get3A_1662, %get3A_1663, %get3A_1664] {strides = array<i32>} : memref<2x128x128xf32, #tpu.memory_space<vmem>>, vector<1x1x16xf32>,
          %get3A_1666 = vector.shape_cast %get3A_1665 : vector<1x1x16xf32> to vector<16xf32>
          %mul3A_1667 = arith.mulf %get3A_1666, %broadcast_in_dim3A_1590 : vector<16xf32>
          %swap3A_1668 = arith.constant 1 : i32
          %swap3A_1669 = arith.index_cast %swap3A_1668 : i32 to index
          %swap3A_1670 = arith.index_cast %add3A_1587 : i32 to index
          %swap3A_1671 = arith.constant 80 : index
          %swap3A_1672 = tpu.vector_load %arg10[%swap3A_1669, %swap3A_1670, %swap3A_1671] {strides = array<i32>} : memref<2x128x128xf32, #tpu.memory_space<vmem>>, vector<1x1x16xf32>,
          %swap3A_1673 = vector.shape_cast %swap3A_1672 : vector<1x1x16xf32> to vector<16xf32>
          %swap3A_1674 = vector.shape_cast %mul3A_1667 : vector<16xf32> to vector<1x1x16xf32>
          tpu.vector_store %arg10[%swap3A_1669, %swap3A_1670, %swap3A_1671], %swap3A_1674 {strides = array<i32>} : memref<2x128x128xf32, #tpu.memory_space<vmem>>, vector<1x1x16xf32>,
          %get3A_1675 = arith.constant 1 : i32
          %get3A_1676 = arith.index_cast %get3A_1675 : i32 to index
          %get3A_1677 = arith.index_cast %add3A_1587 : i32 to index
          %get3A_1678 = arith.constant 96 : index
          %get3A_1679 = tpu.vector_load %arg10[%get3A_1676, %get3A_1677, %get3A_1678] {strides = array<i32>} : memref<2x128x128xf32, #tpu.memory_space<vmem>>, vector<1x1x16xf32>,
          %get3A_1680 = vector.shape_cast %get3A_1679 : vector<1x1x16xf32> to vector<16xf32>
          %mul3A_1681 = arith.mulf %get3A_1680, %broadcast_in_dim3A_1590 : vector<16xf32>
          %swap3A_1682 = arith.constant 1 : i32
          %swap3A_1683 = arith.index_cast %swap3A_1682 : i32 to index
          %swap3A_1684 = arith.index_cast %add3A_1587 : i32 to index
          %swap3A_1685 = arith.constant 96 : index
          %swap3A_1686 = tpu.vector_load %arg10[%swap3A_1683, %swap3A_1684, %swap3A_1685] {strides = array<i32>} : memref<2x128x128xf32, #tpu.memory_space<vmem>>, vector<1x1x16xf32>,
          %swap3A_1687 = vector.shape_cast %swap3A_1686 : vector<1x1x16xf32> to vector<16xf32>
          %swap3A_1688 = vector.shape_cast %mul3A_1681 : vector<16xf32> to vector<1x1x16xf32>
          tpu.vector_store %arg10[%swap3A_1683, %swap3A_1684, %swap3A_1685], %swap3A_1688 {strides = array<i32>} : memref<2x128x128xf32, #tpu.memory_space<vmem>>, vector<1x1x16xf32>,
          %get3A_1689 = arith.constant 1 : i32
          %get3A_1690 = arith.index_cast %get3A_1689 : i32 to index
          %get3A_1691 = arith.index_cast %add3A_1587 : i32 to index
          %get3A_1692 = arith.constant 112 : index
          %get3A_1693 = tpu.vector_load %arg10[%get3A_1690, %get3A_1691, %get3A_1692] {strides = array<i32>} : memref<2x128x128xf32, #tpu.memory_space<vmem>>, vector<1x1x16xf32>,
          %get3A_1694 = vector.shape_cast %get3A_1693 : vector<1x1x16xf32> to vector<16xf32>
          %mul3A_1695 = arith.mulf %get3A_1694, %broadcast_in_dim3A_1590 : vector<16xf32>
          %swap3A_1696 = arith.constant 1 : i32
          %swap3A_1697 = arith.index_cast %swap3A_1696 : i32 to index
          %swap3A_1698 = arith.index_cast %add3A_1587 : i32 to index
          %swap3A_1699 = arith.constant 112 : index
          %swap3A_1700 = tpu.vector_load %arg10[%swap3A_1697, %swap3A_1698, %swap3A_1699] {strides = array<i32>} : memref<2x128x128xf32, #tpu.memory_space<vmem>>, vector<1x1x16xf32>,
          %swap3A_1701 = vector.shape_cast %swap3A_1700 : vector<1x1x16xf32> to vector<16xf32>
          %swap3A_1702 = vector.shape_cast %mul3A_1695 : vector<16xf32> to vector<1x1x16xf32>
          tpu.vector_store %arg10[%swap3A_1697, %swap3A_1698, %swap3A_1699], %swap3A_1702 {strides = array<i32>} : memref<2x128x128xf32, #tpu.memory_space<vmem>>, vector<1x1x16xf32>,
          %mul3A_1703 = arith.constant 16 : i32
          %mul3A_1704 = arith.muli %scan3A_150, %mul3A_1703 : i32
          %add3A_1705 = arith.constant 13 : i32
          %add3A_1706 = arith.addi %mul3A_1704, %add3A_1705 : i32
          %slice3A_1707 = vector.extract_strided_slice %get3A_158 {offsets = [13], sizes = [1], strides = [1]} : vector<16xf32> to vector<1xf32>
          %squeeze3A_1708 = vector.extract %slice3A_1707[0] : f32 from vector<1xf32>
          %broadcast_in_dim3A_1709 = vector.broadcast %squeeze3A_1708 : f32 to vector<16xf32>
          %get3A_1710 = arith.constant 1 : i32
          %get3A_1711 = arith.index_cast %get3A_1710 : i32 to index
          %get3A_1712 = arith.index_cast %add3A_1706 : i32 to index
          %get3A_1713 = arith.constant 0 : index
          %get3A_1714 = tpu.vector_load %arg10[%get3A_1711, %get3A_1712, %get3A_1713] {strides = array<i32>} : memref<2x128x128xf32, #tpu.memory_space<vmem>>, vector<1x1x16xf32>,
          %get3A_1715 = vector.shape_cast %get3A_1714 : vector<1x1x16xf32> to vector<16xf32>
          %mul3A_1716 = arith.mulf %get3A_1715, %broadcast_in_dim3A_1709 : vector<16xf32>
          %swap3A_1717 = arith.constant 1 : i32
          %swap3A_1718 = arith.index_cast %swap3A_1717 : i32 to index
          %swap3A_1719 = arith.index_cast %add3A_1706 : i32 to index
          %swap3A_1720 = arith.constant 0 : index
          %swap3A_1721 = tpu.vector_load %arg10[%swap3A_1718, %swap3A_1719, %swap3A_1720] {strides = array<i32>} : memref<2x128x128xf32, #tpu.memory_space<vmem>>, vector<1x1x16xf32>,
          %swap3A_1722 = vector.shape_cast %swap3A_1721 : vector<1x1x16xf32> to vector<16xf32>
          %swap3A_1723 = vector.shape_cast %mul3A_1716 : vector<16xf32> to vector<1x1x16xf32>
          tpu.vector_store %arg10[%swap3A_1718, %swap3A_1719, %swap3A_1720], %swap3A_1723 {strides = array<i32>} : memref<2x128x128xf32, #tpu.memory_space<vmem>>, vector<1x1x16xf32>,
          %get3A_1724 = arith.constant 1 : i32
          %get3A_1725 = arith.index_cast %get3A_1724 : i32 to index
          %get3A_1726 = arith.index_cast %add3A_1706 : i32 to index
          %get3A_1727 = arith.constant 16 : index
          %get3A_1728 = tpu.vector_load %arg10[%get3A_1725, %get3A_1726, %get3A_1727] {strides = array<i32>} : memref<2x128x128xf32, #tpu.memory_space<vmem>>, vector<1x1x16xf32>,
          %get3A_1729 = vector.shape_cast %get3A_1728 : vector<1x1x16xf32> to vector<16xf32>
          %mul3A_1730 = arith.mulf %get3A_1729, %broadcast_in_dim3A_1709 : vector<16xf32>
          %swap3A_1731 = arith.constant 1 : i32
          %swap3A_1732 = arith.index_cast %swap3A_1731 : i32 to index
          %swap3A_1733 = arith.index_cast %add3A_1706 : i32 to index
          %swap3A_1734 = arith.constant 16 : index
          %swap3A_1735 = tpu.vector_load %arg10[%swap3A_1732, %swap3A_1733, %swap3A_1734] {strides = array<i32>} : memref<2x128x128xf32, #tpu.memory_space<vmem>>, vector<1x1x16xf32>,
          %swap3A_1736 = vector.shape_cast %swap3A_1735 : vector<1x1x16xf32> to vector<16xf32>
          %swap3A_1737 = vector.shape_cast %mul3A_1730 : vector<16xf32> to vector<1x1x16xf32>
          tpu.vector_store %arg10[%swap3A_1732, %swap3A_1733, %swap3A_1734], %swap3A_1737 {strides = array<i32>} : memref<2x128x128xf32, #tpu.memory_space<vmem>>, vector<1x1x16xf32>,
          %get3A_1738 = arith.constant 1 : i32
          %get3A_1739 = arith.index_cast %get3A_1738 : i32 to index
          %get3A_1740 = arith.index_cast %add3A_1706 : i32 to index
          %get3A_1741 = arith.constant 32 : index
          %get3A_1742 = tpu.vector_load %arg10[%get3A_1739, %get3A_1740, %get3A_1741] {strides = array<i32>} : memref<2x128x128xf32, #tpu.memory_space<vmem>>, vector<1x1x16xf32>,
          %get3A_1743 = vector.shape_cast %get3A_1742 : vector<1x1x16xf32> to vector<16xf32>
          %mul3A_1744 = arith.mulf %get3A_1743, %broadcast_in_dim3A_1709 : vector<16xf32>
          %swap3A_1745 = arith.constant 1 : i32
          %swap3A_1746 = arith.index_cast %swap3A_1745 : i32 to index
          %swap3A_1747 = arith.index_cast %add3A_1706 : i32 to index
          %swap3A_1748 = arith.constant 32 : index
          %swap3A_1749 = tpu.vector_load %arg10[%swap3A_1746, %swap3A_1747, %swap3A_1748] {strides = array<i32>} : memref<2x128x128xf32, #tpu.memory_space<vmem>>, vector<1x1x16xf32>,
          %swap3A_1750 = vector.shape_cast %swap3A_1749 : vector<1x1x16xf32> to vector<16xf32>
          %swap3A_1751 = vector.shape_cast %mul3A_1744 : vector<16xf32> to vector<1x1x16xf32>
          tpu.vector_store %arg10[%swap3A_1746, %swap3A_1747, %swap3A_1748], %swap3A_1751 {strides = array<i32>} : memref<2x128x128xf32, #tpu.memory_space<vmem>>, vector<1x1x16xf32>,
          %get3A_1752 = arith.constant 1 : i32
          %get3A_1753 = arith.index_cast %get3A_1752 : i32 to index
          %get3A_1754 = arith.index_cast %add3A_1706 : i32 to index
          %get3A_1755 = arith.constant 48 : index
          %get3A_1756 = tpu.vector_load %arg10[%get3A_1753, %get3A_1754, %get3A_1755] {strides = array<i32>} : memref<2x128x128xf32, #tpu.memory_space<vmem>>, vector<1x1x16xf32>,
          %get3A_1757 = vector.shape_cast %get3A_1756 : vector<1x1x16xf32> to vector<16xf32>
          %mul3A_1758 = arith.mulf %get3A_1757, %broadcast_in_dim3A_1709 : vector<16xf32>
          %swap3A_1759 = arith.constant 1 : i32
          %swap3A_1760 = arith.index_cast %swap3A_1759 : i32 to index
          %swap3A_1761 = arith.index_cast %add3A_1706 : i32 to index
          %swap3A_1762 = arith.constant 48 : index
          %swap3A_1763 = tpu.vector_load %arg10[%swap3A_1760, %swap3A_1761, %swap3A_1762] {strides = array<i32>} : memref<2x128x128xf32, #tpu.memory_space<vmem>>, vector<1x1x16xf32>,
          %swap3A_1764 = vector.shape_cast %swap3A_1763 : vector<1x1x16xf32> to vector<16xf32>
          %swap3A_1765 = vector.shape_cast %mul3A_1758 : vector<16xf32> to vector<1x1x16xf32>
          tpu.vector_store %arg10[%swap3A_1760, %swap3A_1761, %swap3A_1762], %swap3A_1765 {strides = array<i32>} : memref<2x128x128xf32, #tpu.memory_space<vmem>>, vector<1x1x16xf32>,
          %get3A_1766 = arith.constant 1 : i32
          %get3A_1767 = arith.index_cast %get3A_1766 : i32 to index
          %get3A_1768 = arith.index_cast %add3A_1706 : i32 to index
          %get3A_1769 = arith.constant 64 : index
          %get3A_1770 = tpu.vector_load %arg10[%get3A_1767, %get3A_1768, %get3A_1769] {strides = array<i32>} : memref<2x128x128xf32, #tpu.memory_space<vmem>>, vector<1x1x16xf32>,
          %get3A_1771 = vector.shape_cast %get3A_1770 : vector<1x1x16xf32> to vector<16xf32>
          %mul3A_1772 = arith.mulf %get3A_1771, %broadcast_in_dim3A_1709 : vector<16xf32>
          %swap3A_1773 = arith.constant 1 : i32
          %swap3A_1774 = arith.index_cast %swap3A_1773 : i32 to index
          %swap3A_1775 = arith.index_cast %add3A_1706 : i32 to index
          %swap3A_1776 = arith.constant 64 : index
          %swap3A_1777 = tpu.vector_load %arg10[%swap3A_1774, %swap3A_1775, %swap3A_1776] {strides = array<i32>} : memref<2x128x128xf32, #tpu.memory_space<vmem>>, vector<1x1x16xf32>,
          %swap3A_1778 = vector.shape_cast %swap3A_1777 : vector<1x1x16xf32> to vector<16xf32>
          %swap3A_1779 = vector.shape_cast %mul3A_1772 : vector<16xf32> to vector<1x1x16xf32>
          tpu.vector_store %arg10[%swap3A_1774, %swap3A_1775, %swap3A_1776], %swap3A_1779 {strides = array<i32>} : memref<2x128x128xf32, #tpu.memory_space<vmem>>, vector<1x1x16xf32>,
          %get3A_1780 = arith.constant 1 : i32
          %get3A_1781 = arith.index_cast %get3A_1780 : i32 to index
          %get3A_1782 = arith.index_cast %add3A_1706 : i32 to index
          %get3A_1783 = arith.constant 80 : index
          %get3A_1784 = tpu.vector_load %arg10[%get3A_1781, %get3A_1782, %get3A_1783] {strides = array<i32>} : memref<2x128x128xf32, #tpu.memory_space<vmem>>, vector<1x1x16xf32>,
          %get3A_1785 = vector.shape_cast %get3A_1784 : vector<1x1x16xf32> to vector<16xf32>
          %mul3A_1786 = arith.mulf %get3A_1785, %broadcast_in_dim3A_1709 : vector<16xf32>
          %swap3A_1787 = arith.constant 1 : i32
          %swap3A_1788 = arith.index_cast %swap3A_1787 : i32 to index
          %swap3A_1789 = arith.index_cast %add3A_1706 : i32 to index
          %swap3A_1790 = arith.constant 80 : index
          %swap3A_1791 = tpu.vector_load %arg10[%swap3A_1788, %swap3A_1789, %swap3A_1790] {strides = array<i32>} : memref<2x128x128xf32, #tpu.memory_space<vmem>>, vector<1x1x16xf32>,
          %swap3A_1792 = vector.shape_cast %swap3A_1791 : vector<1x1x16xf32> to vector<16xf32>
          %swap3A_1793 = vector.shape_cast %mul3A_1786 : vector<16xf32> to vector<1x1x16xf32>
          tpu.vector_store %arg10[%swap3A_1788, %swap3A_1789, %swap3A_1790], %swap3A_1793 {strides = array<i32>} : memref<2x128x128xf32, #tpu.memory_space<vmem>>, vector<1x1x16xf32>,
          %get3A_1794 = arith.constant 1 : i32
          %get3A_1795 = arith.index_cast %get3A_1794 : i32 to index
          %get3A_1796 = arith.index_cast %add3A_1706 : i32 to index
          %get3A_1797 = arith.constant 96 : index
          %get3A_1798 = tpu.vector_load %arg10[%get3A_1795, %get3A_1796, %get3A_1797] {strides = array<i32>} : memref<2x128x128xf32, #tpu.memory_space<vmem>>, vector<1x1x16xf32>,
          %get3A_1799 = vector.shape_cast %get3A_1798 : vector<1x1x16xf32> to vector<16xf32>
          %mul3A_1800 = arith.mulf %get3A_1799, %broadcast_in_dim3A_1709 : vector<16xf32>
          %swap3A_1801 = arith.constant 1 : i32
          %swap3A_1802 = arith.index_cast %swap3A_1801 : i32 to index
          %swap3A_1803 = arith.index_cast %add3A_1706 : i32 to index
          %swap3A_1804 = arith.constant 96 : index
          %swap3A_1805 = tpu.vector_load %arg10[%swap3A_1802, %swap3A_1803, %swap3A_1804] {strides = array<i32>} : memref<2x128x128xf32, #tpu.memory_space<vmem>>, vector<1x1x16xf32>,
          %swap3A_1806 = vector.shape_cast %swap3A_1805 : vector<1x1x16xf32> to vector<16xf32>
          %swap3A_1807 = vector.shape_cast %mul3A_1800 : vector<16xf32> to vector<1x1x16xf32>
          tpu.vector_store %arg10[%swap3A_1802, %swap3A_1803, %swap3A_1804], %swap3A_1807 {strides = array<i32>} : memref<2x128x128xf32, #tpu.memory_space<vmem>>, vector<1x1x16xf32>,
          %get3A_1808 = arith.constant 1 : i32
          %get3A_1809 = arith.index_cast %get3A_1808 : i32 to index
          %get3A_1810 = arith.index_cast %add3A_1706 : i32 to index
          %get3A_1811 = arith.constant 112 : index
          %get3A_1812 = tpu.vector_load %arg10[%get3A_1809, %get3A_1810, %get3A_1811] {strides = array<i32>} : memref<2x128x128xf32, #tpu.memory_space<vmem>>, vector<1x1x16xf32>,
          %get3A_1813 = vector.shape_cast %get3A_1812 : vector<1x1x16xf32> to vector<16xf32>
          %mul3A_1814 = arith.mulf %get3A_1813, %broadcast_in_dim3A_1709 : vector<16xf32>
          %swap3A_1815 = arith.constant 1 : i32
          %swap3A_1816 = arith.index_cast %swap3A_1815 : i32 to index
          %swap3A_1817 = arith.index_cast %add3A_1706 : i32 to index
          %swap3A_1818 = arith.constant 112 : index
          %swap3A_1819 = tpu.vector_load %arg10[%swap3A_1816, %swap3A_1817, %swap3A_1818] {strides = array<i32>} : memref<2x128x128xf32, #tpu.memory_space<vmem>>, vector<1x1x16xf32>,
          %swap3A_1820 = vector.shape_cast %swap3A_1819 : vector<1x1x16xf32> to vector<16xf32>
          %swap3A_1821 = vector.shape_cast %mul3A_1814 : vector<16xf32> to vector<1x1x16xf32>
          tpu.vector_store %arg10[%swap3A_1816, %swap3A_1817, %swap3A_1818], %swap3A_1821 {strides = array<i32>} : memref<2x128x128xf32, #tpu.memory_space<vmem>>, vector<1x1x16xf32>,
          %mul3A_1822 = arith.constant 16 : i32
          %mul3A_1823 = arith.muli %scan3A_150, %mul3A_1822 : i32
          %add3A_1824 = arith.constant 14 : i32
          %add3A_1825 = arith.addi %mul3A_1823, %add3A_1824 : i32
          %slice3A_1826 = vector.extract_strided_slice %get3A_158 {offsets = [14], sizes = [1], strides = [1]} : vector<16xf32> to vector<1xf32>
          %squeeze3A_1827 = vector.extract %slice3A_1826[0] : f32 from vector<1xf32>
          %broadcast_in_dim3A_1828 = vector.broadcast %squeeze3A_1827 : f32 to vector<16xf32>
          %get3A_1829 = arith.constant 1 : i32
          %get3A_1830 = arith.index_cast %get3A_1829 : i32 to index
          %get3A_1831 = arith.index_cast %add3A_1825 : i32 to index
          %get3A_1832 = arith.constant 0 : index
          %get3A_1833 = tpu.vector_load %arg10[%get3A_1830, %get3A_1831, %get3A_1832] {strides = array<i32>} : memref<2x128x128xf32, #tpu.memory_space<vmem>>, vector<1x1x16xf32>,
          %get3A_1834 = vector.shape_cast %get3A_1833 : vector<1x1x16xf32> to vector<16xf32>
          %mul3A_1835 = arith.mulf %get3A_1834, %broadcast_in_dim3A_1828 : vector<16xf32>
          %swap3A_1836 = arith.constant 1 : i32
          %swap3A_1837 = arith.index_cast %swap3A_1836 : i32 to index
          %swap3A_1838 = arith.index_cast %add3A_1825 : i32 to index
          %swap3A_1839 = arith.constant 0 : index
          %swap3A_1840 = tpu.vector_load %arg10[%swap3A_1837, %swap3A_1838, %swap3A_1839] {strides = array<i32>} : memref<2x128x128xf32, #tpu.memory_space<vmem>>, vector<1x1x16xf32>,
          %swap3A_1841 = vector.shape_cast %swap3A_1840 : vector<1x1x16xf32> to vector<16xf32>
          %swap3A_1842 = vector.shape_cast %mul3A_1835 : vector<16xf32> to vector<1x1x16xf32>
          tpu.vector_store %arg10[%swap3A_1837, %swap3A_1838, %swap3A_1839], %swap3A_1842 {strides = array<i32>} : memref<2x128x128xf32, #tpu.memory_space<vmem>>, vector<1x1x16xf32>,
          %get3A_1843 = arith.constant 1 : i32
          %get3A_1844 = arith.index_cast %get3A_1843 : i32 to index
          %get3A_1845 = arith.index_cast %add3A_1825 : i32 to index
          %get3A_1846 = arith.constant 16 : index
          %get3A_1847 = tpu.vector_load %arg10[%get3A_1844, %get3A_1845, %get3A_1846] {strides = array<i32>} : memref<2x128x128xf32, #tpu.memory_space<vmem>>, vector<1x1x16xf32>,
          %get3A_1848 = vector.shape_cast %get3A_1847 : vector<1x1x16xf32> to vector<16xf32>
          %mul3A_1849 = arith.mulf %get3A_1848, %broadcast_in_dim3A_1828 : vector<16xf32>
          %swap3A_1850 = arith.constant 1 : i32
          %swap3A_1851 = arith.index_cast %swap3A_1850 : i32 to index
          %swap3A_1852 = arith.index_cast %add3A_1825 : i32 to index
          %swap3A_1853 = arith.constant 16 : index
          %swap3A_1854 = tpu.vector_load %arg10[%swap3A_1851, %swap3A_1852, %swap3A_1853] {strides = array<i32>} : memref<2x128x128xf32, #tpu.memory_space<vmem>>, vector<1x1x16xf32>,
          %swap3A_1855 = vector.shape_cast %swap3A_1854 : vector<1x1x16xf32> to vector<16xf32>
          %swap3A_1856 = vector.shape_cast %mul3A_1849 : vector<16xf32> to vector<1x1x16xf32>
          tpu.vector_store %arg10[%swap3A_1851, %swap3A_1852, %swap3A_1853], %swap3A_1856 {strides = array<i32>} : memref<2x128x128xf32, #tpu.memory_space<vmem>>, vector<1x1x16xf32>,
          %get3A_1857 = arith.constant 1 : i32
          %get3A_1858 = arith.index_cast %get3A_1857 : i32 to index
          %get3A_1859 = arith.index_cast %add3A_1825 : i32 to index
          %get3A_1860 = arith.constant 32 : index
          %get3A_1861 = tpu.vector_load %arg10[%get3A_1858, %get3A_1859, %get3A_1860] {strides = array<i32>} : memref<2x128x128xf32, #tpu.memory_space<vmem>>, vector<1x1x16xf32>,
          %get3A_1862 = vector.shape_cast %get3A_1861 : vector<1x1x16xf32> to vector<16xf32>
          %mul3A_1863 = arith.mulf %get3A_1862, %broadcast_in_dim3A_1828 : vector<16xf32>
          %swap3A_1864 = arith.constant 1 : i32
          %swap3A_1865 = arith.index_cast %swap3A_1864 : i32 to index
          %swap3A_1866 = arith.index_cast %add3A_1825 : i32 to index
          %swap3A_1867 = arith.constant 32 : index
          %swap3A_1868 = tpu.vector_load %arg10[%swap3A_1865, %swap3A_1866, %swap3A_1867] {strides = array<i32>} : memref<2x128x128xf32, #tpu.memory_space<vmem>>, vector<1x1x16xf32>,
          %swap3A_1869 = vector.shape_cast %swap3A_1868 : vector<1x1x16xf32> to vector<16xf32>
          %swap3A_1870 = vector.shape_cast %mul3A_1863 : vector<16xf32> to vector<1x1x16xf32>
          tpu.vector_store %arg10[%swap3A_1865, %swap3A_1866, %swap3A_1867], %swap3A_1870 {strides = array<i32>} : memref<2x128x128xf32, #tpu.memory_space<vmem>>, vector<1x1x16xf32>,
          %get3A_1871 = arith.constant 1 : i32
          %get3A_1872 = arith.index_cast %get3A_1871 : i32 to index
          %get3A_1873 = arith.index_cast %add3A_1825 : i32 to index
          %get3A_1874 = arith.constant 48 : index
          %get3A_1875 = tpu.vector_load %arg10[%get3A_1872, %get3A_1873, %get3A_1874] {strides = array<i32>} : memref<2x128x128xf32, #tpu.memory_space<vmem>>, vector<1x1x16xf32>,
          %get3A_1876 = vector.shape_cast %get3A_1875 : vector<1x1x16xf32> to vector<16xf32>
          %mul3A_1877 = arith.mulf %get3A_1876, %broadcast_in_dim3A_1828 : vector<16xf32>
          %swap3A_1878 = arith.constant 1 : i32
          %swap3A_1879 = arith.index_cast %swap3A_1878 : i32 to index
          %swap3A_1880 = arith.index_cast %add3A_1825 : i32 to index
          %swap3A_1881 = arith.constant 48 : index
          %swap3A_1882 = tpu.vector_load %arg10[%swap3A_1879, %swap3A_1880, %swap3A_1881] {strides = array<i32>} : memref<2x128x128xf32, #tpu.memory_space<vmem>>, vector<1x1x16xf32>,
          %swap3A_1883 = vector.shape_cast %swap3A_1882 : vector<1x1x16xf32> to vector<16xf32>
          %swap3A_1884 = vector.shape_cast %mul3A_1877 : vector<16xf32> to vector<1x1x16xf32>
          tpu.vector_store %arg10[%swap3A_1879, %swap3A_1880, %swap3A_1881], %swap3A_1884 {strides = array<i32>} : memref<2x128x128xf32, #tpu.memory_space<vmem>>, vector<1x1x16xf32>,
          %get3A_1885 = arith.constant 1 : i32
          %get3A_1886 = arith.index_cast %get3A_1885 : i32 to index
          %get3A_1887 = arith.index_cast %add3A_1825 : i32 to index
          %get3A_1888 = arith.constant 64 : index
          %get3A_1889 = tpu.vector_load %arg10[%get3A_1886, %get3A_1887, %get3A_1888] {strides = array<i32>} : memref<2x128x128xf32, #tpu.memory_space<vmem>>, vector<1x1x16xf32>,
          %get3A_1890 = vector.shape_cast %get3A_1889 : vector<1x1x16xf32> to vector<16xf32>
          %mul3A_1891 = arith.mulf %get3A_1890, %broadcast_in_dim3A_1828 : vector<16xf32>
          %swap3A_1892 = arith.constant 1 : i32
          %swap3A_1893 = arith.index_cast %swap3A_1892 : i32 to index
          %swap3A_1894 = arith.index_cast %add3A_1825 : i32 to index
          %swap3A_1895 = arith.constant 64 : index
          %swap3A_1896 = tpu.vector_load %arg10[%swap3A_1893, %swap3A_1894, %swap3A_1895] {strides = array<i32>} : memref<2x128x128xf32, #tpu.memory_space<vmem>>, vector<1x1x16xf32>,
          %swap3A_1897 = vector.shape_cast %swap3A_1896 : vector<1x1x16xf32> to vector<16xf32>
          %swap3A_1898 = vector.shape_cast %mul3A_1891 : vector<16xf32> to vector<1x1x16xf32>
          tpu.vector_store %arg10[%swap3A_1893, %swap3A_1894, %swap3A_1895], %swap3A_1898 {strides = array<i32>} : memref<2x128x128xf32, #tpu.memory_space<vmem>>, vector<1x1x16xf32>,
          %get3A_1899 = arith.constant 1 : i32
          %get3A_1900 = arith.index_cast %get3A_1899 : i32 to index
          %get3A_1901 = arith.index_cast %add3A_1825 : i32 to index
          %get3A_1902 = arith.constant 80 : index
          %get3A_1903 = tpu.vector_load %arg10[%get3A_1900, %get3A_1901, %get3A_1902] {strides = array<i32>} : memref<2x128x128xf32, #tpu.memory_space<vmem>>, vector<1x1x16xf32>,
          %get3A_1904 = vector.shape_cast %get3A_1903 : vector<1x1x16xf32> to vector<16xf32>
          %mul3A_1905 = arith.mulf %get3A_1904, %broadcast_in_dim3A_1828 : vector<16xf32>
          %swap3A_1906 = arith.constant 1 : i32
          %swap3A_1907 = arith.index_cast %swap3A_1906 : i32 to index
          %swap3A_1908 = arith.index_cast %add3A_1825 : i32 to index
          %swap3A_1909 = arith.constant 80 : index
          %swap3A_1910 = tpu.vector_load %arg10[%swap3A_1907, %swap3A_1908, %swap3A_1909] {strides = array<i32>} : memref<2x128x128xf32, #tpu.memory_space<vmem>>, vector<1x1x16xf32>,
          %swap3A_1911 = vector.shape_cast %swap3A_1910 : vector<1x1x16xf32> to vector<16xf32>
          %swap3A_1912 = vector.shape_cast %mul3A_1905 : vector<16xf32> to vector<1x1x16xf32>
          tpu.vector_store %arg10[%swap3A_1907, %swap3A_1908, %swap3A_1909], %swap3A_1912 {strides = array<i32>} : memref<2x128x128xf32, #tpu.memory_space<vmem>>, vector<1x1x16xf32>,
          %get3A_1913 = arith.constant 1 : i32
          %get3A_1914 = arith.index_cast %get3A_1913 : i32 to index
          %get3A_1915 = arith.index_cast %add3A_1825 : i32 to index
          %get3A_1916 = arith.constant 96 : index
          %get3A_1917 = tpu.vector_load %arg10[%get3A_1914, %get3A_1915, %get3A_1916] {strides = array<i32>} : memref<2x128x128xf32, #tpu.memory_space<vmem>>, vector<1x1x16xf32>,
          %get3A_1918 = vector.shape_cast %get3A_1917 : vector<1x1x16xf32> to vector<16xf32>
          %mul3A_1919 = arith.mulf %get3A_1918, %broadcast_in_dim3A_1828 : vector<16xf32>
          %swap3A_1920 = arith.constant 1 : i32
          %swap3A_1921 = arith.index_cast %swap3A_1920 : i32 to index
          %swap3A_1922 = arith.index_cast %add3A_1825 : i32 to index
          %swap3A_1923 = arith.constant 96 : index
          %swap3A_1924 = tpu.vector_load %arg10[%swap3A_1921, %swap3A_1922, %swap3A_1923] {strides = array<i32>} : memref<2x128x128xf32, #tpu.memory_space<vmem>>, vector<1x1x16xf32>,
          %swap3A_1925 = vector.shape_cast %swap3A_1924 : vector<1x1x16xf32> to vector<16xf32>
          %swap3A_1926 = vector.shape_cast %mul3A_1919 : vector<16xf32> to vector<1x1x16xf32>
          tpu.vector_store %arg10[%swap3A_1921, %swap3A_1922, %swap3A_1923], %swap3A_1926 {strides = array<i32>} : memref<2x128x128xf32, #tpu.memory_space<vmem>>, vector<1x1x16xf32>,
          %get3A_1927 = arith.constant 1 : i32
          %get3A_1928 = arith.index_cast %get3A_1927 : i32 to index
          %get3A_1929 = arith.index_cast %add3A_1825 : i32 to index
          %get3A_1930 = arith.constant 112 : index
          %get3A_1931 = tpu.vector_load %arg10[%get3A_1928, %get3A_1929, %get3A_1930] {strides = array<i32>} : memref<2x128x128xf32, #tpu.memory_space<vmem>>, vector<1x1x16xf32>,
          %get3A_1932 = vector.shape_cast %get3A_1931 : vector<1x1x16xf32> to vector<16xf32>
          %mul3A_1933 = arith.mulf %get3A_1932, %broadcast_in_dim3A_1828 : vector<16xf32>
          %swap3A_1934 = arith.constant 1 : i32
          %swap3A_1935 = arith.index_cast %swap3A_1934 : i32 to index
          %swap3A_1936 = arith.index_cast %add3A_1825 : i32 to index
          %swap3A_1937 = arith.constant 112 : index
          %swap3A_1938 = tpu.vector_load %arg10[%swap3A_1935, %swap3A_1936, %swap3A_1937] {strides = array<i32>} : memref<2x128x128xf32, #tpu.memory_space<vmem>>, vector<1x1x16xf32>,
          %swap3A_1939 = vector.shape_cast %swap3A_1938 : vector<1x1x16xf32> to vector<16xf32>
          %swap3A_1940 = vector.shape_cast %mul3A_1933 : vector<16xf32> to vector<1x1x16xf32>
          tpu.vector_store %arg10[%swap3A_1935, %swap3A_1936, %swap3A_1937], %swap3A_1940 {strides = array<i32>} : memref<2x128x128xf32, #tpu.memory_space<vmem>>, vector<1x1x16xf32>,
          %mul3A_1941 = arith.constant 16 : i32
          %mul3A_1942 = arith.muli %scan3A_150, %mul3A_1941 : i32
          %add3A_1943 = arith.constant 15 : i32
          %add3A_1944 = arith.addi %mul3A_1942, %add3A_1943 : i32
          %slice3A_1945 = vector.extract_strided_slice %get3A_158 {offsets = [15], sizes = [1], strides = [1]} : vector<16xf32> to vector<1xf32>
          %squeeze3A_1946 = vector.extract %slice3A_1945[0] : f32 from vector<1xf32>
          %broadcast_in_dim3A_1947 = vector.broadcast %squeeze3A_1946 : f32 to vector<16xf32>
          %get3A_1948 = arith.constant 1 : i32
          %get3A_1949 = arith.index_cast %get3A_1948 : i32 to index
          %get3A_1950 = arith.index_cast %add3A_1944 : i32 to index
          %get3A_1951 = arith.constant 0 : index
          %get3A_1952 = tpu.vector_load %arg10[%get3A_1949, %get3A_1950, %get3A_1951] {strides = array<i32>} : memref<2x128x128xf32, #tpu.memory_space<vmem>>, vector<1x1x16xf32>,
          %get3A_1953 = vector.shape_cast %get3A_1952 : vector<1x1x16xf32> to vector<16xf32>
          %mul3A_1954 = arith.mulf %get3A_1953, %broadcast_in_dim3A_1947 : vector<16xf32>
          %swap3A_1955 = arith.constant 1 : i32
          %swap3A_1956 = arith.index_cast %swap3A_1955 : i32 to index
          %swap3A_1957 = arith.index_cast %add3A_1944 : i32 to index
          %swap3A_1958 = arith.constant 0 : index
          %swap3A_1959 = tpu.vector_load %arg10[%swap3A_1956, %swap3A_1957, %swap3A_1958] {strides = array<i32>} : memref<2x128x128xf32, #tpu.memory_space<vmem>>, vector<1x1x16xf32>,
          %swap3A_1960 = vector.shape_cast %swap3A_1959 : vector<1x1x16xf32> to vector<16xf32>
          %swap3A_1961 = vector.shape_cast %mul3A_1954 : vector<16xf32> to vector<1x1x16xf32>
          tpu.vector_store %arg10[%swap3A_1956, %swap3A_1957, %swap3A_1958], %swap3A_1961 {strides = array<i32>} : memref<2x128x128xf32, #tpu.memory_space<vmem>>, vector<1x1x16xf32>,
          %get3A_1962 = arith.constant 1 : i32
          %get3A_1963 = arith.index_cast %get3A_1962 : i32 to index
          %get3A_1964 = arith.index_cast %add3A_1944 : i32 to index
          %get3A_1965 = arith.constant 16 : index
          %get3A_1966 = tpu.vector_load %arg10[%get3A_1963, %get3A_1964, %get3A_1965] {strides = array<i32>} : memref<2x128x128xf32, #tpu.memory_space<vmem>>, vector<1x1x16xf32>,
          %get3A_1967 = vector.shape_cast %get3A_1966 : vector<1x1x16xf32> to vector<16xf32>
          %mul3A_1968 = arith.mulf %get3A_1967, %broadcast_in_dim3A_1947 : vector<16xf32>
          %swap3A_1969 = arith.constant 1 : i32
          %swap3A_1970 = arith.index_cast %swap3A_1969 : i32 to index
          %swap3A_1971 = arith.index_cast %add3A_1944 : i32 to index
          %swap3A_1972 = arith.constant 16 : index
          %swap3A_1973 = tpu.vector_load %arg10[%swap3A_1970, %swap3A_1971, %swap3A_1972] {strides = array<i32>} : memref<2x128x128xf32, #tpu.memory_space<vmem>>, vector<1x1x16xf32>,
          %swap3A_1974 = vector.shape_cast %swap3A_1973 : vector<1x1x16xf32> to vector<16xf32>
          %swap3A_1975 = vector.shape_cast %mul3A_1968 : vector<16xf32> to vector<1x1x16xf32>
          tpu.vector_store %arg10[%swap3A_1970, %swap3A_1971, %swap3A_1972], %swap3A_1975 {strides = array<i32>} : memref<2x128x128xf32, #tpu.memory_space<vmem>>, vector<1x1x16xf32>,
          %get3A_1976 = arith.constant 1 : i32
          %get3A_1977 = arith.index_cast %get3A_1976 : i32 to index
          %get3A_1978 = arith.index_cast %add3A_1944 : i32 to index
          %get3A_1979 = arith.constant 32 : index
          %get3A_1980 = tpu.vector_load %arg10[%get3A_1977, %get3A_1978, %get3A_1979] {strides = array<i32>} : memref<2x128x128xf32, #tpu.memory_space<vmem>>, vector<1x1x16xf32>,
          %get3A_1981 = vector.shape_cast %get3A_1980 : vector<1x1x16xf32> to vector<16xf32>
          %mul3A_1982 = arith.mulf %get3A_1981, %broadcast_in_dim3A_1947 : vector<16xf32>
          %swap3A_1983 = arith.constant 1 : i32
          %swap3A_1984 = arith.index_cast %swap3A_1983 : i32 to index
          %swap3A_1985 = arith.index_cast %add3A_1944 : i32 to index
          %swap3A_1986 = arith.constant 32 : index
          %swap3A_1987 = tpu.vector_load %arg10[%swap3A_1984, %swap3A_1985, %swap3A_1986] {strides = array<i32>} : memref<2x128x128xf32, #tpu.memory_space<vmem>>, vector<1x1x16xf32>,
          %swap3A_1988 = vector.shape_cast %swap3A_1987 : vector<1x1x16xf32> to vector<16xf32>
          %swap3A_1989 = vector.shape_cast %mul3A_1982 : vector<16xf32> to vector<1x1x16xf32>
          tpu.vector_store %arg10[%swap3A_1984, %swap3A_1985, %swap3A_1986], %swap3A_1989 {strides = array<i32>} : memref<2x128x128xf32, #tpu.memory_space<vmem>>, vector<1x1x16xf32>,
          %get3A_1990 = arith.constant 1 : i32
          %get3A_1991 = arith.index_cast %get3A_1990 : i32 to index
          %get3A_1992 = arith.index_cast %add3A_1944 : i32 to index
          %get3A_1993 = arith.constant 48 : index
          %get3A_1994 = tpu.vector_load %arg10[%get3A_1991, %get3A_1992, %get3A_1993] {strides = array<i32>} : memref<2x128x128xf32, #tpu.memory_space<vmem>>, vector<1x1x16xf32>,
          %get3A_1995 = vector.shape_cast %get3A_1994 : vector<1x1x16xf32> to vector<16xf32>
          %mul3A_1996 = arith.mulf %get3A_1995, %broadcast_in_dim3A_1947 : vector<16xf32>
          %swap3A_1997 = arith.constant 1 : i32
          %swap3A_1998 = arith.index_cast %swap3A_1997 : i32 to index
          %swap3A_1999 = arith.index_cast %add3A_1944 : i32 to index
          %swap3A_2000 = arith.constant 48 : index
          %swap3A_2001 = tpu.vector_load %arg10[%swap3A_1998, %swap3A_1999, %swap3A_2000] {strides = array<i32>} : memref<2x128x128xf32, #tpu.memory_space<vmem>>, vector<1x1x16xf32>,
          %swap3A_2002 = vector.shape_cast %swap3A_2001 : vector<1x1x16xf32> to vector<16xf32>
          %swap3A_2003 = vector.shape_cast %mul3A_1996 : vector<16xf32> to vector<1x1x16xf32>
          tpu.vector_store %arg10[%swap3A_1998, %swap3A_1999, %swap3A_2000], %swap3A_2003 {strides = array<i32>} : memref<2x128x128xf32, #tpu.memory_space<vmem>>, vector<1x1x16xf32>,
          %get3A_2004 = arith.constant 1 : i32
          %get3A_2005 = arith.index_cast %get3A_2004 : i32 to index
          %get3A_2006 = arith.index_cast %add3A_1944 : i32 to index
          %get3A_2007 = arith.constant 64 : index
          %get3A_2008 = tpu.vector_load %arg10[%get3A_2005, %get3A_2006, %get3A_2007] {strides = array<i32>} : memref<2x128x128xf32, #tpu.memory_space<vmem>>, vector<1x1x16xf32>,
          %get3A_2009 = vector.shape_cast %get3A_2008 : vector<1x1x16xf32> to vector<16xf32>
          %mul3A_2010 = arith.mulf %get3A_2009, %broadcast_in_dim3A_1947 : vector<16xf32>
          %swap3A_2011 = arith.constant 1 : i32
          %swap3A_2012 = arith.index_cast %swap3A_2011 : i32 to index
          %swap3A_2013 = arith.index_cast %add3A_1944 : i32 to index
          %swap3A_2014 = arith.constant 64 : index
          %swap3A_2015 = tpu.vector_load %arg10[%swap3A_2012, %swap3A_2013, %swap3A_2014] {strides = array<i32>} : memref<2x128x128xf32, #tpu.memory_space<vmem>>, vector<1x1x16xf32>,
          %swap3A_2016 = vector.shape_cast %swap3A_2015 : vector<1x1x16xf32> to vector<16xf32>
          %swap3A_2017 = vector.shape_cast %mul3A_2010 : vector<16xf32> to vector<1x1x16xf32>
          tpu.vector_store %arg10[%swap3A_2012, %swap3A_2013, %swap3A_2014], %swap3A_2017 {strides = array<i32>} : memref<2x128x128xf32, #tpu.memory_space<vmem>>, vector<1x1x16xf32>,
          %get3A_2018 = arith.constant 1 : i32
          %get3A_2019 = arith.index_cast %get3A_2018 : i32 to index
          %get3A_2020 = arith.index_cast %add3A_1944 : i32 to index
          %get3A_2021 = arith.constant 80 : index
          %get3A_2022 = tpu.vector_load %arg10[%get3A_2019, %get3A_2020, %get3A_2021] {strides = array<i32>} : memref<2x128x128xf32, #tpu.memory_space<vmem>>, vector<1x1x16xf32>,
          %get3A_2023 = vector.shape_cast %get3A_2022 : vector<1x1x16xf32> to vector<16xf32>
          %mul3A_2024 = arith.mulf %get3A_2023, %broadcast_in_dim3A_1947 : vector<16xf32>
          %swap3A_2025 = arith.constant 1 : i32
          %swap3A_2026 = arith.index_cast %swap3A_2025 : i32 to index
          %swap3A_2027 = arith.index_cast %add3A_1944 : i32 to index
          %swap3A_2028 = arith.constant 80 : index
          %swap3A_2029 = tpu.vector_load %arg10[%swap3A_2026, %swap3A_2027, %swap3A_2028] {strides = array<i32>} : memref<2x128x128xf32, #tpu.memory_space<vmem>>, vector<1x1x16xf32>,
          %swap3A_2030 = vector.shape_cast %swap3A_2029 : vector<1x1x16xf32> to vector<16xf32>
          %swap3A_2031 = vector.shape_cast %mul3A_2024 : vector<16xf32> to vector<1x1x16xf32>
          tpu.vector_store %arg10[%swap3A_2026, %swap3A_2027, %swap3A_2028], %swap3A_2031 {strides = array<i32>} : memref<2x128x128xf32, #tpu.memory_space<vmem>>, vector<1x1x16xf32>,
          %get3A_2032 = arith.constant 1 : i32
          %get3A_2033 = arith.index_cast %get3A_2032 : i32 to index
          %get3A_2034 = arith.index_cast %add3A_1944 : i32 to index
          %get3A_2035 = arith.constant 96 : index
          %get3A_2036 = tpu.vector_load %arg10[%get3A_2033, %get3A_2034, %get3A_2035] {strides = array<i32>} : memref<2x128x128xf32, #tpu.memory_space<vmem>>, vector<1x1x16xf32>,
          %get3A_2037 = vector.shape_cast %get3A_2036 : vector<1x1x16xf32> to vector<16xf32>
          %mul3A_2038 = arith.mulf %get3A_2037, %broadcast_in_dim3A_1947 : vector<16xf32>
          %swap3A_2039 = arith.constant 1 : i32
          %swap3A_2040 = arith.index_cast %swap3A_2039 : i32 to index
          %swap3A_2041 = arith.index_cast %add3A_1944 : i32 to index
          %swap3A_2042 = arith.constant 96 : index
          %swap3A_2043 = tpu.vector_load %arg10[%swap3A_2040, %swap3A_2041, %swap3A_2042] {strides = array<i32>} : memref<2x128x128xf32, #tpu.memory_space<vmem>>, vector<1x1x16xf32>,
          %swap3A_2044 = vector.shape_cast %swap3A_2043 : vector<1x1x16xf32> to vector<16xf32>
          %swap3A_2045 = vector.shape_cast %mul3A_2038 : vector<16xf32> to vector<1x1x16xf32>
          tpu.vector_store %arg10[%swap3A_2040, %swap3A_2041, %swap3A_2042], %swap3A_2045 {strides = array<i32>} : memref<2x128x128xf32, #tpu.memory_space<vmem>>, vector<1x1x16xf32>,
          %get3A_2046 = arith.constant 1 : i32
          %get3A_2047 = arith.index_cast %get3A_2046 : i32 to index
          %get3A_2048 = arith.index_cast %add3A_1944 : i32 to index
          %get3A_2049 = arith.constant 112 : index
          %get3A_2050 = tpu.vector_load %arg10[%get3A_2047, %get3A_2048, %get3A_2049] {strides = array<i32>} : memref<2x128x128xf32, #tpu.memory_space<vmem>>, vector<1x1x16xf32>,
          %get3A_2051 = vector.shape_cast %get3A_2050 : vector<1x1x16xf32> to vector<16xf32>
          %mul3A_2052 = arith.mulf %get3A_2051, %broadcast_in_dim3A_1947 : vector<16xf32>
          %swap3A_2053 = arith.constant 1 : i32
          %swap3A_2054 = arith.index_cast %swap3A_2053 : i32 to index
          %swap3A_2055 = arith.index_cast %add3A_1944 : i32 to index
          %swap3A_2056 = arith.constant 112 : index
          %swap3A_2057 = tpu.vector_load %arg10[%swap3A_2054, %swap3A_2055, %swap3A_2056] {strides = array<i32>} : memref<2x128x128xf32, #tpu.memory_space<vmem>>, vector<1x1x16xf32>,
          %swap3A_2058 = vector.shape_cast %swap3A_2057 : vector<1x1x16xf32> to vector<16xf32>
          %swap3A_2059 = vector.shape_cast %mul3A_2052 : vector<16xf32> to vector<1x1x16xf32>
          tpu.vector_store %arg10[%swap3A_2054, %swap3A_2055, %swap3A_2056], %swap3A_2059 {strides = array<i32>} : memref<2x128x128xf32, #tpu.memory_space<vmem>>, vector<1x1x16xf32>,
          %scan3A_2060 = arith.constant 0 : i32
          scf.yield %scan3A_2060 : i32
        }
        %scan3A_140 = arith.constant 8 : i32
        %add3A_141 = arith.constant 1 : i32
        %add3A_142 = arith.addi %add3A_126, %add3A_141 : i32
        %lt3A_143 = arith.constant 80 : i32
        %lt3A_144 = arith.cmpi slt, %add3A_142, %lt3A_143 : i32
        %convert_element_type3A_145 = arith.extui %lt3A_144 : i1 to i32
        %cond3A_146 = arith.constant 0 : i32
        %cond3A_147 = arith.cmpi ne, %convert_element_type3A_145, %cond3A_146 : i32
        scf.if %cond3A_147 {
          %add3A_150 = arith.constant 1 : i32
          %add3A_151 = arith.addi %add3A_126, %add3A_150 : i32
          %mul3A_152 = arith.constant 128 : i32
          %mul3A_153 = arith.muli %add3A_151, %mul3A_152 : i32
          %dma_wait3A_154 = arith.constant 0 : i32
          %dma_wait3A_155 = arith.constant 0 : i32
          %dma_wait3A_156 = arith.constant 0 : i32
          %dma_wait3A_157 = tpu.memref_slice %arg10[%dma_wait3A_154, %dma_wait3A_155, %dma_wait3A_156] : memref<2x128x128xf32, #tpu.memory_space<vmem>> -> memref<1x128x128xf32, #tpu.memory_space<vmem>>
          %dma_wait3A_158 = tpu.memref_squeeze %dma_wait3A_157 : memref<1x128x128xf32, #tpu.memory_space<vmem>> -> memref<128x128xf32, #tpu.memory_space<vmem>>
          %dma_wait3A_159 = tpu.memref_slice %arg7[%mul3A_153] : memref<10240xi32, #tpu.memory_space<vmem>> -> memref<128xi32, #tpu.memory_space<vmem>>
          %dma_wait3A_160 = arith.constant 0 : i32
          %dma_wait3A_161 = arith.constant 0 : i32
          %dma_wait3A_162 = tpu.memref_slice %arg2[%dma_wait3A_160, %dma_wait3A_161] : memref<10000x128xf32, #tpu.memory_space<hbm>> -> memref<10000x128xf32, #tpu.memory_space<hbm>>
          tpu.wait_indirect_dma semaphore(%arg12 : memref<!tpu.dma_semaphore, #tpu.memory_space<semaphore_mem>>) src(%dma_wait3A_162 : memref<10000x128xf32, #tpu.memory_space<hbm>>) dst(%dma_wait3A_158 : memref<128x128xf32, #tpu.memory_space<vmem>>)
        } else {
        }
        %run_scoped3A_148 = arith.constant 1 : i32
        "tpu.region"() ({
          %run_scoped3A_150 = tpu.sem_alloc : memref<!tpu.dma_semaphore, #tpu.memory_space<semaphore_mem>>
          %dma_start3A_151 = arith.constant 0 : i32
          %dma_start3A_152 = arith.constant 0 : i32
          %dma_start3A_153 = tpu.memref_slice %arg10[%run_scoped3A_148, %dma_start3A_151, %dma_start3A_152] : memref<2x128x128xf32, #tpu.memory_space<vmem>> -> memref<1x128x128xf32, #tpu.memory_space<vmem>>
          %dma_start3A_154 = tpu.memref_squeeze %dma_start3A_153 : memref<1x128x128xf32, #tpu.memory_space<vmem>> -> memref<128x128xf32, #tpu.memory_space<vmem>>
          %dma_start3A_155 = arith.constant 0 : i32
          %dma_start3A_156 = tpu.memref_slice %arg8[%add3A_123, %dma_start3A_155] : memref<16x128xi32, #tpu.memory_space<vmem>> -> memref<1x128xi32, #tpu.memory_space<vmem>>
          %dma_start3A_157 = tpu.memref_squeeze %dma_start3A_156 : memref<1x128xi32, #tpu.memory_space<vmem>> -> memref<128xi32, #tpu.memory_space<vmem>>
          %dma_start3A_158 = arith.constant 0 : i32
          %dma_start3A_159 = arith.constant 0 : i32
          %dma_start3A_160 = tpu.memref_slice %arg11[%dma_start3A_158, %dma_start3A_159] : memref<10240x128xf32, #tpu.memory_space<vmem_shared>> -> memref<10240x128xf32, #tpu.memory_space<vmem_shared>>
          tpu.enqueue_indirect_dma source(%dma_start3A_154 : memref<128x128xf32, #tpu.memory_space<vmem>>) target(%dma_start3A_160 : memref<10240x128xf32, #tpu.memory_space<vmem_shared>>) offsets(%dma_start3A_157 : memref<128xi32, #tpu.memory_space<vmem>>) semaphore(%run_scoped3A_150 : memref<!tpu.dma_semaphore, #tpu.memory_space<semaphore_mem>>) {add = true}
          %dma_wait3A_161 = arith.constant 0 : i32
          %dma_wait3A_162 = arith.constant 0 : i32
          %dma_wait3A_163 = tpu.memref_slice %arg10[%run_scoped3A_148, %dma_wait3A_161, %dma_wait3A_162] : memref<2x128x128xf32, #tpu.memory_space<vmem>> -> memref<1x128x128xf32, #tpu.memory_space<vmem>>
          %dma_wait3A_164 = tpu.memref_squeeze %dma_wait3A_163 : memref<1x128x128xf32, #tpu.memory_space<vmem>> -> memref<128x128xf32, #tpu.memory_space<vmem>>
          %dma_wait3A_165 = arith.constant 0 : i32
          %dma_wait3A_166 = tpu.memref_slice %arg8[%add3A_123, %dma_wait3A_165] : memref<16x128xi32, #tpu.memory_space<vmem>> -> memref<1x128xi32, #tpu.memory_space<vmem>>
          %dma_wait3A_167 = tpu.memref_squeeze %dma_wait3A_166 : memref<1x128xi32, #tpu.memory_space<vmem>> -> memref<128xi32, #tpu.memory_space<vmem>>
          %dma_wait3A_168 = arith.constant 0 : i32
          %dma_wait3A_169 = arith.constant 0 : i32
          %dma_wait3A_170 = tpu.memref_slice %arg11[%dma_wait3A_168, %dma_wait3A_169] : memref<10240x128xf32, #tpu.memory_space<vmem_shared>> -> memref<10240x128xf32, #tpu.memory_space<vmem_shared>>
          tpu.wait_indirect_dma semaphore(%run_scoped3A_150 : memref<!tpu.dma_semaphore, #tpu.memory_space<semaphore_mem>>) src(%dma_wait3A_164 : memref<128x128xf32, #tpu.memory_space<vmem>>) dst(%dma_wait3A_170 : memref<10240x128xf32, #tpu.memory_space<vmem_shared>>)
          tpu.yield
        }) : () -> ()
        %scan3A_149 = arith.constant 0 : i32
        scf.yield %scan3A_149 : i32
      }
      %scan3A_90 = arith.constant 8 : i32
      %scan3A_91 = arith.constant 0 : i32
      scf.yield %scan3A_91 : i32
    }
    %scan3A_50 = arith.constant 5 : i32
    %barrier3A_51 = arith.constant 0 : index
    tpu.barrier barrier_id(%barrier3A_51)
    %add3A_52 = arith.constant 0 : i32
    %add3A_53 = arith.addi %mul3A_11, %add3A_52 : i32
    %run_scoped3A_54 = arith.constant 0 : i32
    "tpu.region"() ({
      %run_scoped3A_72 = tpu.sem_alloc : memref<!tpu.dma_semaphore, #tpu.memory_space<semaphore_mem>>
      %dma_start3A_73 = arith.constant 0 : i32
      %dma_start3A_74 = arith.constant 0 : i32
      %dma_start3A_75 = tpu.memref_slice %arg10[%run_scoped3A_54, %dma_start3A_73, %dma_start3A_74] : memref<2x128x128xf32, #tpu.memory_space<vmem>> -> memref<1x128x128xf32, #tpu.memory_space<vmem>>
      %dma_start3A_76 = tpu.memref_squeeze %dma_start3A_75 : memref<1x128x128xf32, #tpu.memory_space<vmem>> -> memref<128x128xf32, #tpu.memory_space<vmem>>
      %dma_start3A_77 = arith.constant 0 : i32
      %dma_start3A_78 = tpu.memref_slice %arg11[%add3A_53, %dma_start3A_77] : memref<10240x128xf32, #tpu.memory_space<vmem_shared>> -> memref<128x128xf32, #tpu.memory_space<vmem_shared>>
      %dma_start3A_79 = arith.constant 0 : i32
      %dma_start3A_80 = arith.constant 0 : i32
      %dma_start3A_81 = tpu.memref_slice %arg10[%run_scoped3A_54, %dma_start3A_79, %dma_start3A_80] : memref<2x128x128xf32, #tpu.memory_space<vmem>> -> memref<1x128x128xf32, #tpu.memory_space<vmem>>
      %dma_start3A_82 = tpu.memref_squeeze %dma_start3A_81 : memref<1x128x128xf32, #tpu.memory_space<vmem>> -> memref<128x128xf32, #tpu.memory_space<vmem>>
      %dma_start3A_83 = arith.constant 0 : i32
      %dma_start3A_84 = tpu.memref_slice %arg11[%add3A_53, %dma_start3A_83] : memref<10240x128xf32, #tpu.memory_space<vmem_shared>> -> memref<128x128xf32, #tpu.memory_space<vmem_shared>>
      tpu.enqueue_dma source(%dma_start3A_84 : memref<128x128xf32, #tpu.memory_space<vmem_shared>>) target(%dma_start3A_82 : memref<128x128xf32, #tpu.memory_space<vmem>>) target_semaphore(%run_scoped3A_72 : memref<!tpu.dma_semaphore, #tpu.memory_space<semaphore_mem>>)
      %dma_wait3A_85 = arith.constant 0 : i32
      %dma_wait3A_86 = arith.constant 0 : i32
      %dma_wait3A_87 = tpu.memref_slice %arg10[%run_scoped3A_54, %dma_wait3A_85, %dma_wait3A_86] : memref<2x128x128xf32, #tpu.memory_space<vmem>> -> memref<1x128x128xf32, #tpu.memory_space<vmem>>
      %dma_wait3A_88 = tpu.memref_squeeze %dma_wait3A_87 : memref<1x128x128xf32, #tpu.memory_space<vmem>> -> memref<128x128xf32, #tpu.memory_space<vmem>>
      %dma_wait3A_89 = arith.constant 0 : i32
      %dma_wait3A_90 = tpu.memref_slice %arg11[%add3A_53, %dma_wait3A_89] : memref<10240x128xf32, #tpu.memory_space<vmem_shared>> -> memref<128x128xf32, #tpu.memory_space<vmem_shared>>
      %dma_wait3A_91 = arith.constant 0 : i32
      %dma_wait3A_92 = arith.constant 0 : i32
      %dma_wait3A_93 = tpu.memref_slice %arg10[%run_scoped3A_54, %dma_wait3A_91, %dma_wait3A_92] : memref<2x128x128xf32, #tpu.memory_space<vmem>> -> memref<1x128x128xf32, #tpu.memory_space<vmem>>
      %dma_wait3A_94 = tpu.memref_squeeze %dma_wait3A_93 : memref<1x128x128xf32, #tpu.memory_space<vmem>> -> memref<128x128xf32, #tpu.memory_space<vmem>>
      %dma_wait3A_95 = arith.constant 0 : i32
      %dma_wait3A_96 = tpu.memref_slice %arg11[%add3A_53, %dma_wait3A_95] : memref<10240x128xf32, #tpu.memory_space<vmem_shared>> -> memref<128x128xf32, #tpu.memory_space<vmem_shared>>
      tpu.wait_dma2 semaphore(%run_scoped3A_72 : memref<!tpu.dma_semaphore, #tpu.memory_space<semaphore_mem>>) src(%dma_wait3A_96 : memref<128x128xf32, #tpu.memory_space<vmem_shared>>) dst(%dma_wait3A_94 : memref<128x128xf32, #tpu.memory_space<vmem>>)
      tpu.yield
    }) : () -> ()
    %run_scoped3A_55 = arith.constant 0 : i32
    "tpu.region"() ({
      %run_scoped3A_72 = tpu.sem_alloc : memref<!tpu.dma_semaphore, #tpu.memory_space<semaphore_mem>>
      %dma_start3A_73 = arith.constant 0 : i32
      %dma_start3A_74 = arith.constant 0 : i32
      %dma_start3A_75 = tpu.memref_slice %arg10[%run_scoped3A_55, %dma_start3A_73, %dma_start3A_74] : memref<2x128x128xf32, #tpu.memory_space<vmem>> -> memref<1x128x128xf32, #tpu.memory_space<vmem>>
      %dma_start3A_76 = tpu.memref_squeeze %dma_start3A_75 : memref<1x128x128xf32, #tpu.memory_space<vmem>> -> memref<128x128xf32, #tpu.memory_space<vmem>>
      %dma_start3A_77 = arith.constant 0 : i32
      %dma_start3A_78 = tpu.memref_slice %arg6[%arg0, %add3A_53, %dma_start3A_77] : memref<2x10240x128xf32, #tpu.memory_space<hbm>> -> memref<1x128x128xf32, #tpu.memory_space<hbm>>
      %dma_start3A_79 = tpu.memref_squeeze %dma_start3A_78 : memref<1x128x128xf32, #tpu.memory_space<hbm>> -> memref<128x128xf32, #tpu.memory_space<hbm>>
      %dma_start3A_80 = arith.constant 0 : i32
      %dma_start3A_81 = tpu.memref_slice %arg6[%arg0, %add3A_53, %dma_start3A_80] : memref<2x10240x128xf32, #tpu.memory_space<hbm>> -> memref<1x128x128xf32, #tpu.memory_space<hbm>>
      %dma_start3A_82 = tpu.memref_squeeze %dma_start3A_81 : memref<1x128x128xf32, #tpu.memory_space<hbm>> -> memref<128x128xf32, #tpu.memory_space<hbm>>
      %dma_start3A_83 = arith.constant 0 : i32
      %dma_start3A_84 = arith.constant 0 : i32
      %dma_start3A_85 = tpu.memref_slice %arg10[%run_scoped3A_55, %dma_start3A_83, %dma_start3A_84] : memref<2x128x128xf32, #tpu.memory_space<vmem>> -> memref<1x128x128xf32, #tpu.memory_space<vmem>>
      %dma_start3A_86 = tpu.memref_squeeze %dma_start3A_85 : memref<1x128x128xf32, #tpu.memory_space<vmem>> -> memref<128x128xf32, #tpu.memory_space<vmem>>
      tpu.enqueue_dma source(%dma_start3A_86 : memref<128x128xf32, #tpu.memory_space<vmem>>) target(%dma_start3A_82 : memref<128x128xf32, #tpu.memory_space<hbm>>) target_semaphore(%run_scoped3A_72 : memref<!tpu.dma_semaphore, #tpu.memory_space<semaphore_mem>>)
      %dma_wait3A_87 = arith.constant 0 : i32
      %dma_wait3A_88 = arith.constant 0 : i32
      %dma_wait3A_89 = tpu.memref_slice %arg10[%run_scoped3A_55, %dma_wait3A_87, %dma_wait3A_88] : memref<2x128x128xf32, #tpu.memory_space<vmem>> -> memref<1x128x128xf32, #tpu.memory_space<vmem>>
      %dma_wait3A_90 = tpu.memref_squeeze %dma_wait3A_89 : memref<1x128x128xf32, #tpu.memory_space<vmem>> -> memref<128x128xf32, #tpu.memory_space<vmem>>
      %dma_wait3A_91 = arith.constant 0 : i32
      %dma_wait3A_92 = tpu.memref_slice %arg6[%arg0, %add3A_53, %dma_wait3A_91] : memref<2x10240x128xf32, #tpu.memory_space<hbm>> -> memref<1x128x128xf32, #tpu.memory_space<hbm>>
      %dma_wait3A_93 = tpu.memref_squeeze %dma_wait3A_92 : memref<1x128x128xf32, #tpu.memory_space<hbm>> -> memref<128x128xf32, #tpu.memory_space<hbm>>
      %dma_wait3A_94 = arith.constant 0 : i32
      %dma_wait3A_95 = tpu.memref_slice %arg6[%arg0, %add3A_53, %dma_wait3A_94] : memref<2x10240x128xf32, #tpu.memory_space<hbm>> -> memref<1x128x128xf32, #tpu.memory_space<hbm>>
      %dma_wait3A_96 = tpu.memref_squeeze %dma_wait3A_95 : memref<1x128x128xf32, #tpu.memory_space<hbm>> -> memref<128x128xf32, #tpu.memory_space<hbm>>
      %dma_wait3A_97 = arith.constant 0 : i32
      %dma_wait3A_98 = arith.constant 0 : i32
      %dma_wait3A_99 = tpu.memref_slice %arg10[%run_scoped3A_55, %dma_wait3A_97, %dma_wait3A_98] : memref<2x128x128xf32, #tpu.memory_space<vmem>> -> memref<1x128x128xf32, #tpu.memory_space<vmem>>
      %dma_wait3A_100 = tpu.memref_squeeze %dma_wait3A_99 : memref<1x128x128xf32, #tpu.memory_space<vmem>> -> memref<128x128xf32, #tpu.memory_space<vmem>>
      tpu.wait_dma2 semaphore(%run_scoped3A_72 : memref<!tpu.dma_semaphore, #tpu.memory_space<semaphore_mem>>) src(%dma_wait3A_100 : memref<128x128xf32, #tpu.memory_space<vmem>>) dst(%dma_wait3A_96 : memref<128x128xf32, #tpu.memory_space<hbm>>)
      tpu.yield
    }) : () -> ()
    %add3A_56 = arith.constant 128 : i32
    %add3A_57 = arith.addi %mul3A_11, %add3A_56 : i32
    %run_scoped3A_58 = arith.constant 0 : i32
    "tpu.region"() ({
      %run_scoped3A_72 = tpu.sem_alloc : memref<!tpu.dma_semaphore, #tpu.memory_space<semaphore_mem>>
      %dma_start3A_73 = arith.constant 0 : i32
      %dma_start3A_74 = arith.constant 0 : i32
      %dma_start3A_75 = tpu.memref_slice %arg10[%run_scoped3A_58, %dma_start3A_73, %dma_start3A_74] : memref<2x128x128xf32, #tpu.memory_space<vmem>> -> memref<1x128x128xf32, #tpu.memory_space<vmem>>
      %dma_start3A_76 = tpu.memref_squeeze %dma_start3A_75 : memref<1x128x128xf32, #tpu.memory_space<vmem>> -> memref<128x128xf32, #tpu.memory_space<vmem>>
      %dma_start3A_77 = arith.constant 0 : i32
      %dma_start3A_78 = tpu.memref_slice %arg11[%add3A_57, %dma_start3A_77] : memref<10240x128xf32, #tpu.memory_space<vmem_shared>> -> memref<128x128xf32, #tpu.memory_space<vmem_shared>>
      %dma_start3A_79 = arith.constant 0 : i32
      %dma_start3A_80 = arith.constant 0 : i32
      %dma_start3A_81 = tpu.memref_slice %arg10[%run_scoped3A_58, %dma_start3A_79, %dma_start3A_80] : memref<2x128x128xf32, #tpu.memory_space<vmem>> -> memref<1x128x128xf32, #tpu.memory_space<vmem>>
      %dma_start3A_82 = tpu.memref_squeeze %dma_start3A_81 : memref<1x128x128xf32, #tpu.memory_space<vmem>> -> memref<128x128xf32, #tpu.memory_space<vmem>>
      %dma_start3A_83 = arith.constant 0 : i32
      %dma_start3A_84 = tpu.memref_slice %arg11[%add3A_57, %dma_start3A_83] : memref<10240x128xf32, #tpu.memory_space<vmem_shared>> -> memref<128x128xf32, #tpu.memory_space<vmem_shared>>
      tpu.enqueue_dma source(%dma_start3A_84 : memref<128x128xf32, #tpu.memory_space<vmem_shared>>) target(%dma_start3A_82 : memref<128x128xf32, #tpu.memory_space<vmem>>) target_semaphore(%run_scoped3A_72 : memref<!tpu.dma_semaphore, #tpu.memory_space<semaphore_mem>>)
      %dma_wait3A_85 = arith.constant 0 : i32
      %dma_wait3A_86 = arith.constant 0 : i32
      %dma_wait3A_87 = tpu.memref_slice %arg10[%run_scoped3A_58, %dma_wait3A_85, %dma_wait3A_86] : memref<2x128x128xf32, #tpu.memory_space<vmem>> -> memref<1x128x128xf32, #tpu.memory_space<vmem>>
      %dma_wait3A_88 = tpu.memref_squeeze %dma_wait3A_87 : memref<1x128x128xf32, #tpu.memory_space<vmem>> -> memref<128x128xf32, #tpu.memory_space<vmem>>
      %dma_wait3A_89 = arith.constant 0 : i32
      %dma_wait3A_90 = tpu.memref_slice %arg11[%add3A_57, %dma_wait3A_89] : memref<10240x128xf32, #tpu.memory_space<vmem_shared>> -> memref<128x128xf32, #tpu.memory_space<vmem_shared>>
      %dma_wait3A_91 = arith.constant 0 : i32
      %dma_wait3A_92 = arith.constant 0 : i32
      %dma_wait3A_93 = tpu.memref_slice %arg10[%run_scoped3A_58, %dma_wait3A_91, %dma_wait3A_92] : memref<2x128x128xf32, #tpu.memory_space<vmem>> -> memref<1x128x128xf32, #tpu.memory_space<vmem>>
      %dma_wait3A_94 = tpu.memref_squeeze %dma_wait3A_93 : memref<1x128x128xf32, #tpu.memory_space<vmem>> -> memref<128x128xf32, #tpu.memory_space<vmem>>
      %dma_wait3A_95 = arith.constant 0 : i32
      %dma_wait3A_96 = tpu.memref_slice %arg11[%add3A_57, %dma_wait3A_95] : memref<10240x128xf32, #tpu.memory_space<vmem_shared>> -> memref<128x128xf32, #tpu.memory_space<vmem_shared>>
      tpu.wait_dma2 semaphore(%run_scoped3A_72 : memref<!tpu.dma_semaphore, #tpu.memory_space<semaphore_mem>>) src(%dma_wait3A_96 : memref<128x128xf32, #tpu.memory_space<vmem_shared>>) dst(%dma_wait3A_94 : memref<128x128xf32, #tpu.memory_space<vmem>>)
      tpu.yield
    }) : () -> ()
    %run_scoped3A_59 = arith.constant 0 : i32
    "tpu.region"() ({
      %run_scoped3A_72 = tpu.sem_alloc : memref<!tpu.dma_semaphore, #tpu.memory_space<semaphore_mem>>
      %dma_start3A_73 = arith.constant 0 : i32
      %dma_start3A_74 = arith.constant 0 : i32
      %dma_start3A_75 = tpu.memref_slice %arg10[%run_scoped3A_59, %dma_start3A_73, %dma_start3A_74] : memref<2x128x128xf32, #tpu.memory_space<vmem>> -> memref<1x128x128xf32, #tpu.memory_space<vmem>>
      %dma_start3A_76 = tpu.memref_squeeze %dma_start3A_75 : memref<1x128x128xf32, #tpu.memory_space<vmem>> -> memref<128x128xf32, #tpu.memory_space<vmem>>
      %dma_start3A_77 = arith.constant 0 : i32
      %dma_start3A_78 = tpu.memref_slice %arg6[%arg0, %add3A_57, %dma_start3A_77] : memref<2x10240x128xf32, #tpu.memory_space<hbm>> -> memref<1x128x128xf32, #tpu.memory_space<hbm>>
      %dma_start3A_79 = tpu.memref_squeeze %dma_start3A_78 : memref<1x128x128xf32, #tpu.memory_space<hbm>> -> memref<128x128xf32, #tpu.memory_space<hbm>>
      %dma_start3A_80 = arith.constant 0 : i32
      %dma_start3A_81 = tpu.memref_slice %arg6[%arg0, %add3A_57, %dma_start3A_80] : memref<2x10240x128xf32, #tpu.memory_space<hbm>> -> memref<1x128x128xf32, #tpu.memory_space<hbm>>
      %dma_start3A_82 = tpu.memref_squeeze %dma_start3A_81 : memref<1x128x128xf32, #tpu.memory_space<hbm>> -> memref<128x128xf32, #tpu.memory_space<hbm>>
      %dma_start3A_83 = arith.constant 0 : i32
      %dma_start3A_84 = arith.constant 0 : i32
      %dma_start3A_85 = tpu.memref_slice %arg10[%run_scoped3A_59, %dma_start3A_83, %dma_start3A_84] : memref<2x128x128xf32, #tpu.memory_space<vmem>> -> memref<1x128x128xf32, #tpu.memory_space<vmem>>
      %dma_start3A_86 = tpu.memref_squeeze %dma_start3A_85 : memref<1x128x128xf32, #tpu.memory_space<vmem>> -> memref<128x128xf32, #tpu.memory_space<vmem>>
      tpu.enqueue_dma source(%dma_start3A_86 : memref<128x128xf32, #tpu.memory_space<vmem>>) target(%dma_start3A_82 : memref<128x128xf32, #tpu.memory_space<hbm>>) target_semaphore(%run_scoped3A_72 : memref<!tpu.dma_semaphore, #tpu.memory_space<semaphore_mem>>)
      %dma_wait3A_87 = arith.constant 0 : i32
      %dma_wait3A_88 = arith.constant 0 : i32
      %dma_wait3A_89 = tpu.memref_slice %arg10[%run_scoped3A_59, %dma_wait3A_87, %dma_wait3A_88] : memref<2x128x128xf32, #tpu.memory_space<vmem>> -> memref<1x128x128xf32, #tpu.memory_space<vmem>>
      %dma_wait3A_90 = tpu.memref_squeeze %dma_wait3A_89 : memref<1x128x128xf32, #tpu.memory_space<vmem>> -> memref<128x128xf32, #tpu.memory_space<vmem>>
      %dma_wait3A_91 = arith.constant 0 : i32
      %dma_wait3A_92 = tpu.memref_slice %arg6[%arg0, %add3A_57, %dma_wait3A_91] : memref<2x10240x128xf32, #tpu.memory_space<hbm>> -> memref<1x128x128xf32, #tpu.memory_space<hbm>>
      %dma_wait3A_93 = tpu.memref_squeeze %dma_wait3A_92 : memref<1x128x128xf32, #tpu.memory_space<hbm>> -> memref<128x128xf32, #tpu.memory_space<hbm>>
      %dma_wait3A_94 = arith.constant 0 : i32
      %dma_wait3A_95 = tpu.memref_slice %arg6[%arg0, %add3A_57, %dma_wait3A_94] : memref<2x10240x128xf32, #tpu.memory_space<hbm>> -> memref<1x128x128xf32, #tpu.memory_space<hbm>>
      %dma_wait3A_96 = tpu.memref_squeeze %dma_wait3A_95 : memref<1x128x128xf32, #tpu.memory_space<hbm>> -> memref<128x128xf32, #tpu.memory_space<hbm>>
      %dma_wait3A_97 = arith.constant 0 : i32
      %dma_wait3A_98 = arith.constant 0 : i32
      %dma_wait3A_99 = tpu.memref_slice %arg10[%run_scoped3A_59, %dma_wait3A_97, %dma_wait3A_98] : memref<2x128x128xf32, #tpu.memory_space<vmem>> -> memref<1x128x128xf32, #tpu.memory_space<vmem>>
      %dma_wait3A_100 = tpu.memref_squeeze %dma_wait3A_99 : memref<1x128x128xf32, #tpu.memory_space<vmem>> -> memref<128x128xf32, #tpu.memory_space<vmem>>
      tpu.wait_dma2 semaphore(%run_scoped3A_72 : memref<!tpu.dma_semaphore, #tpu.memory_space<semaphore_mem>>) src(%dma_wait3A_100 : memref<128x128xf32, #tpu.memory_space<vmem>>) dst(%dma_wait3A_96 : memref<128x128xf32, #tpu.memory_space<hbm>>)
      tpu.yield
    }) : () -> ()
    %add3A_60 = arith.constant 256 : i32
    %add3A_61 = arith.addi %mul3A_11, %add3A_60 : i32
    %run_scoped3A_62 = arith.constant 0 : i32
    "tpu.region"() ({
      %run_scoped3A_72 = tpu.sem_alloc : memref<!tpu.dma_semaphore, #tpu.memory_space<semaphore_mem>>
      %dma_start3A_73 = arith.constant 0 : i32
      %dma_start3A_74 = arith.constant 0 : i32
      %dma_start3A_75 = tpu.memref_slice %arg10[%run_scoped3A_62, %dma_start3A_73, %dma_start3A_74] : memref<2x128x128xf32, #tpu.memory_space<vmem>> -> memref<1x128x128xf32, #tpu.memory_space<vmem>>
      %dma_start3A_76 = tpu.memref_squeeze %dma_start3A_75 : memref<1x128x128xf32, #tpu.memory_space<vmem>> -> memref<128x128xf32, #tpu.memory_space<vmem>>
      %dma_start3A_77 = arith.constant 0 : i32
      %dma_start3A_78 = tpu.memref_slice %arg11[%add3A_61, %dma_start3A_77] : memref<10240x128xf32, #tpu.memory_space<vmem_shared>> -> memref<128x128xf32, #tpu.memory_space<vmem_shared>>
      %dma_start3A_79 = arith.constant 0 : i32
      %dma_start3A_80 = arith.constant 0 : i32
      %dma_start3A_81 = tpu.memref_slice %arg10[%run_scoped3A_62, %dma_start3A_79, %dma_start3A_80] : memref<2x128x128xf32, #tpu.memory_space<vmem>> -> memref<1x128x128xf32, #tpu.memory_space<vmem>>
      %dma_start3A_82 = tpu.memref_squeeze %dma_start3A_81 : memref<1x128x128xf32, #tpu.memory_space<vmem>> -> memref<128x128xf32, #tpu.memory_space<vmem>>
      %dma_start3A_83 = arith.constant 0 : i32
      %dma_start3A_84 = tpu.memref_slice %arg11[%add3A_61, %dma_start3A_83] : memref<10240x128xf32, #tpu.memory_space<vmem_shared>> -> memref<128x128xf32, #tpu.memory_space<vmem_shared>>
      tpu.enqueue_dma source(%dma_start3A_84 : memref<128x128xf32, #tpu.memory_space<vmem_shared>>) target(%dma_start3A_82 : memref<128x128xf32, #tpu.memory_space<vmem>>) target_semaphore(%run_scoped3A_72 : memref<!tpu.dma_semaphore, #tpu.memory_space<semaphore_mem>>)
      %dma_wait3A_85 = arith.constant 0 : i32
      %dma_wait3A_86 = arith.constant 0 : i32
      %dma_wait3A_87 = tpu.memref_slice %arg10[%run_scoped3A_62, %dma_wait3A_85, %dma_wait3A_86] : memref<2x128x128xf32, #tpu.memory_space<vmem>> -> memref<1x128x128xf32, #tpu.memory_space<vmem>>
      %dma_wait3A_88 = tpu.memref_squeeze %dma_wait3A_87 : memref<1x128x128xf32, #tpu.memory_space<vmem>> -> memref<128x128xf32, #tpu.memory_space<vmem>>
      %dma_wait3A_89 = arith.constant 0 : i32
      %dma_wait3A_90 = tpu.memref_slice %arg11[%add3A_61, %dma_wait3A_89] : memref<10240x128xf32, #tpu.memory_space<vmem_shared>> -> memref<128x128xf32, #tpu.memory_space<vmem_shared>>
      %dma_wait3A_91 = arith.constant 0 : i32
      %dma_wait3A_92 = arith.constant 0 : i32
      %dma_wait3A_93 = tpu.memref_slice %arg10[%run_scoped3A_62, %dma_wait3A_91, %dma_wait3A_92] : memref<2x128x128xf32, #tpu.memory_space<vmem>> -> memref<1x128x128xf32, #tpu.memory_space<vmem>>
      %dma_wait3A_94 = tpu.memref_squeeze %dma_wait3A_93 : memref<1x128x128xf32, #tpu.memory_space<vmem>> -> memref<128x128xf32, #tpu.memory_space<vmem>>
      %dma_wait3A_95 = arith.constant 0 : i32
      %dma_wait3A_96 = tpu.memref_slice %arg11[%add3A_61, %dma_wait3A_95] : memref<10240x128xf32, #tpu.memory_space<vmem_shared>> -> memref<128x128xf32, #tpu.memory_space<vmem_shared>>
      tpu.wait_dma2 semaphore(%run_scoped3A_72 : memref<!tpu.dma_semaphore, #tpu.memory_space<semaphore_mem>>) src(%dma_wait3A_96 : memref<128x128xf32, #tpu.memory_space<vmem_shared>>) dst(%dma_wait3A_94 : memref<128x128xf32, #tpu.memory_space<vmem>>)
      tpu.yield
    }) : () -> ()
    %run_scoped3A_63 = arith.constant 0 : i32
    "tpu.region"() ({
      %run_scoped3A_72 = tpu.sem_alloc : memref<!tpu.dma_semaphore, #tpu.memory_space<semaphore_mem>>
      %dma_start3A_73 = arith.constant 0 : i32
      %dma_start3A_74 = arith.constant 0 : i32
      %dma_start3A_75 = tpu.memref_slice %arg10[%run_scoped3A_63, %dma_start3A_73, %dma_start3A_74] : memref<2x128x128xf32, #tpu.memory_space<vmem>> -> memref<1x128x128xf32, #tpu.memory_space<vmem>>
      %dma_start3A_76 = tpu.memref_squeeze %dma_start3A_75 : memref<1x128x128xf32, #tpu.memory_space<vmem>> -> memref<128x128xf32, #tpu.memory_space<vmem>>
      %dma_start3A_77 = arith.constant 0 : i32
      %dma_start3A_78 = tpu.memref_slice %arg6[%arg0, %add3A_61, %dma_start3A_77] : memref<2x10240x128xf32, #tpu.memory_space<hbm>> -> memref<1x128x128xf32, #tpu.memory_space<hbm>>
      %dma_start3A_79 = tpu.memref_squeeze %dma_start3A_78 : memref<1x128x128xf32, #tpu.memory_space<hbm>> -> memref<128x128xf32, #tpu.memory_space<hbm>>
      %dma_start3A_80 = arith.constant 0 : i32
      %dma_start3A_81 = tpu.memref_slice %arg6[%arg0, %add3A_61, %dma_start3A_80] : memref<2x10240x128xf32, #tpu.memory_space<hbm>> -> memref<1x128x128xf32, #tpu.memory_space<hbm>>
      %dma_start3A_82 = tpu.memref_squeeze %dma_start3A_81 : memref<1x128x128xf32, #tpu.memory_space<hbm>> -> memref<128x128xf32, #tpu.memory_space<hbm>>
      %dma_start3A_83 = arith.constant 0 : i32
      %dma_start3A_84 = arith.constant 0 : i32
      %dma_start3A_85 = tpu.memref_slice %arg10[%run_scoped3A_63, %dma_start3A_83, %dma_start3A_84] : memref<2x128x128xf32, #tpu.memory_space<vmem>> -> memref<1x128x128xf32, #tpu.memory_space<vmem>>
      %dma_start3A_86 = tpu.memref_squeeze %dma_start3A_85 : memref<1x128x128xf32, #tpu.memory_space<vmem>> -> memref<128x128xf32, #tpu.memory_space<vmem>>
      tpu.enqueue_dma source(%dma_start3A_86 : memref<128x128xf32, #tpu.memory_space<vmem>>) target(%dma_start3A_82 : memref<128x128xf32, #tpu.memory_space<hbm>>) target_semaphore(%run_scoped3A_72 : memref<!tpu.dma_semaphore, #tpu.memory_space<semaphore_mem>>)
      %dma_wait3A_87 = arith.constant 0 : i32
      %dma_wait3A_88 = arith.constant 0 : i32
      %dma_wait3A_89 = tpu.memref_slice %arg10[%run_scoped3A_63, %dma_wait3A_87, %dma_wait3A_88] : memref<2x128x128xf32, #tpu.memory_space<vmem>> -> memref<1x128x128xf32, #tpu.memory_space<vmem>>
      %dma_wait3A_90 = tpu.memref_squeeze %dma_wait3A_89 : memref<1x128x128xf32, #tpu.memory_space<vmem>> -> memref<128x128xf32, #tpu.memory_space<vmem>>
      %dma_wait3A_91 = arith.constant 0 : i32
      %dma_wait3A_92 = tpu.memref_slice %arg6[%arg0, %add3A_61, %dma_wait3A_91] : memref<2x10240x128xf32, #tpu.memory_space<hbm>> -> memref<1x128x128xf32, #tpu.memory_space<hbm>>
      %dma_wait3A_93 = tpu.memref_squeeze %dma_wait3A_92 : memref<1x128x128xf32, #tpu.memory_space<hbm>> -> memref<128x128xf32, #tpu.memory_space<hbm>>
      %dma_wait3A_94 = arith.constant 0 : i32
      %dma_wait3A_95 = tpu.memref_slice %arg6[%arg0, %add3A_61, %dma_wait3A_94] : memref<2x10240x128xf32, #tpu.memory_space<hbm>> -> memref<1x128x128xf32, #tpu.memory_space<hbm>>
      %dma_wait3A_96 = tpu.memref_squeeze %dma_wait3A_95 : memref<1x128x128xf32, #tpu.memory_space<hbm>> -> memref<128x128xf32, #tpu.memory_space<hbm>>
      %dma_wait3A_97 = arith.constant 0 : i32
      %dma_wait3A_98 = arith.constant 0 : i32
      %dma_wait3A_99 = tpu.memref_slice %arg10[%run_scoped3A_63, %dma_wait3A_97, %dma_wait3A_98] : memref<2x128x128xf32, #tpu.memory_space<vmem>> -> memref<1x128x128xf32, #tpu.memory_space<vmem>>
      %dma_wait3A_100 = tpu.memref_squeeze %dma_wait3A_99 : memref<1x128x128xf32, #tpu.memory_space<vmem>> -> memref<128x128xf32, #tpu.memory_space<vmem>>
      tpu.wait_dma2 semaphore(%run_scoped3A_72 : memref<!tpu.dma_semaphore, #tpu.memory_space<semaphore_mem>>) src(%dma_wait3A_100 : memref<128x128xf32, #tpu.memory_space<vmem>>) dst(%dma_wait3A_96 : memref<128x128xf32, #tpu.memory_space<hbm>>)
      tpu.yield
    }) : () -> ()
    %add3A_64 = arith.constant 384 : i32
    %add3A_65 = arith.addi %mul3A_11, %add3A_64 : i32
    %run_scoped3A_66 = arith.constant 0 : i32
    "tpu.region"() ({
      %run_scoped3A_72 = tpu.sem_alloc : memref<!tpu.dma_semaphore, #tpu.memory_space<semaphore_mem>>
      %dma_start3A_73 = arith.constant 0 : i32
      %dma_start3A_74 = arith.constant 0 : i32
      %dma_start3A_75 = tpu.memref_slice %arg10[%run_scoped3A_66, %dma_start3A_73, %dma_start3A_74] : memref<2x128x128xf32, #tpu.memory_space<vmem>> -> memref<1x128x128xf32, #tpu.memory_space<vmem>>
      %dma_start3A_76 = tpu.memref_squeeze %dma_start3A_75 : memref<1x128x128xf32, #tpu.memory_space<vmem>> -> memref<128x128xf32, #tpu.memory_space<vmem>>
      %dma_start3A_77 = arith.constant 0 : i32
      %dma_start3A_78 = tpu.memref_slice %arg11[%add3A_65, %dma_start3A_77] : memref<10240x128xf32, #tpu.memory_space<vmem_shared>> -> memref<128x128xf32, #tpu.memory_space<vmem_shared>>
      %dma_start3A_79 = arith.constant 0 : i32
      %dma_start3A_80 = arith.constant 0 : i32
      %dma_start3A_81 = tpu.memref_slice %arg10[%run_scoped3A_66, %dma_start3A_79, %dma_start3A_80] : memref<2x128x128xf32, #tpu.memory_space<vmem>> -> memref<1x128x128xf32, #tpu.memory_space<vmem>>
      %dma_start3A_82 = tpu.memref_squeeze %dma_start3A_81 : memref<1x128x128xf32, #tpu.memory_space<vmem>> -> memref<128x128xf32, #tpu.memory_space<vmem>>
      %dma_start3A_83 = arith.constant 0 : i32
      %dma_start3A_84 = tpu.memref_slice %arg11[%add3A_65, %dma_start3A_83] : memref<10240x128xf32, #tpu.memory_space<vmem_shared>> -> memref<128x128xf32, #tpu.memory_space<vmem_shared>>
      tpu.enqueue_dma source(%dma_start3A_84 : memref<128x128xf32, #tpu.memory_space<vmem_shared>>) target(%dma_start3A_82 : memref<128x128xf32, #tpu.memory_space<vmem>>) target_semaphore(%run_scoped3A_72 : memref<!tpu.dma_semaphore, #tpu.memory_space<semaphore_mem>>)
      %dma_wait3A_85 = arith.constant 0 : i32
      %dma_wait3A_86 = arith.constant 0 : i32
      %dma_wait3A_87 = tpu.memref_slice %arg10[%run_scoped3A_66, %dma_wait3A_85, %dma_wait3A_86] : memref<2x128x128xf32, #tpu.memory_space<vmem>> -> memref<1x128x128xf32, #tpu.memory_space<vmem>>
      %dma_wait3A_88 = tpu.memref_squeeze %dma_wait3A_87 : memref<1x128x128xf32, #tpu.memory_space<vmem>> -> memref<128x128xf32, #tpu.memory_space<vmem>>
      %dma_wait3A_89 = arith.constant 0 : i32
      %dma_wait3A_90 = tpu.memref_slice %arg11[%add3A_65, %dma_wait3A_89] : memref<10240x128xf32, #tpu.memory_space<vmem_shared>> -> memref<128x128xf32, #tpu.memory_space<vmem_shared>>
      %dma_wait3A_91 = arith.constant 0 : i32
      %dma_wait3A_92 = arith.constant 0 : i32
      %dma_wait3A_93 = tpu.memref_slice %arg10[%run_scoped3A_66, %dma_wait3A_91, %dma_wait3A_92] : memref<2x128x128xf32, #tpu.memory_space<vmem>> -> memref<1x128x128xf32, #tpu.memory_space<vmem>>
      %dma_wait3A_94 = tpu.memref_squeeze %dma_wait3A_93 : memref<1x128x128xf32, #tpu.memory_space<vmem>> -> memref<128x128xf32, #tpu.memory_space<vmem>>
      %dma_wait3A_95 = arith.constant 0 : i32
      %dma_wait3A_96 = tpu.memref_slice %arg11[%add3A_65, %dma_wait3A_95] : memref<10240x128xf32, #tpu.memory_space<vmem_shared>> -> memref<128x128xf32, #tpu.memory_space<vmem_shared>>
      tpu.wait_dma2 semaphore(%run_scoped3A_72 : memref<!tpu.dma_semaphore, #tpu.memory_space<semaphore_mem>>) src(%dma_wait3A_96 : memref<128x128xf32, #tpu.memory_space<vmem_shared>>) dst(%dma_wait3A_94 : memref<128x128xf32, #tpu.memory_space<vmem>>)
      tpu.yield
    }) : () -> ()
    %run_scoped3A_67 = arith.constant 0 : i32
    "tpu.region"() ({
      %run_scoped3A_72 = tpu.sem_alloc : memref<!tpu.dma_semaphore, #tpu.memory_space<semaphore_mem>>
      %dma_start3A_73 = arith.constant 0 : i32
      %dma_start3A_74 = arith.constant 0 : i32
      %dma_start3A_75 = tpu.memref_slice %arg10[%run_scoped3A_67, %dma_start3A_73, %dma_start3A_74] : memref<2x128x128xf32, #tpu.memory_space<vmem>> -> memref<1x128x128xf32, #tpu.memory_space<vmem>>
      %dma_start3A_76 = tpu.memref_squeeze %dma_start3A_75 : memref<1x128x128xf32, #tpu.memory_space<vmem>> -> memref<128x128xf32, #tpu.memory_space<vmem>>
      %dma_start3A_77 = arith.constant 0 : i32
      %dma_start3A_78 = tpu.memref_slice %arg6[%arg0, %add3A_65, %dma_start3A_77] : memref<2x10240x128xf32, #tpu.memory_space<hbm>> -> memref<1x128x128xf32, #tpu.memory_space<hbm>>
      %dma_start3A_79 = tpu.memref_squeeze %dma_start3A_78 : memref<1x128x128xf32, #tpu.memory_space<hbm>> -> memref<128x128xf32, #tpu.memory_space<hbm>>
      %dma_start3A_80 = arith.constant 0 : i32
      %dma_start3A_81 = tpu.memref_slice %arg6[%arg0, %add3A_65, %dma_start3A_80] : memref<2x10240x128xf32, #tpu.memory_space<hbm>> -> memref<1x128x128xf32, #tpu.memory_space<hbm>>
      %dma_start3A_82 = tpu.memref_squeeze %dma_start3A_81 : memref<1x128x128xf32, #tpu.memory_space<hbm>> -> memref<128x128xf32, #tpu.memory_space<hbm>>
      %dma_start3A_83 = arith.constant 0 : i32
      %dma_start3A_84 = arith.constant 0 : i32
      %dma_start3A_85 = tpu.memref_slice %arg10[%run_scoped3A_67, %dma_start3A_83, %dma_start3A_84] : memref<2x128x128xf32, #tpu.memory_space<vmem>> -> memref<1x128x128xf32, #tpu.memory_space<vmem>>
      %dma_start3A_86 = tpu.memref_squeeze %dma_start3A_85 : memref<1x128x128xf32, #tpu.memory_space<vmem>> -> memref<128x128xf32, #tpu.memory_space<vmem>>
      tpu.enqueue_dma source(%dma_start3A_86 : memref<128x128xf32, #tpu.memory_space<vmem>>) target(%dma_start3A_82 : memref<128x128xf32, #tpu.memory_space<hbm>>) target_semaphore(%run_scoped3A_72 : memref<!tpu.dma_semaphore, #tpu.memory_space<semaphore_mem>>)
      %dma_wait3A_87 = arith.constant 0 : i32
      %dma_wait3A_88 = arith.constant 0 : i32
      %dma_wait3A_89 = tpu.memref_slice %arg10[%run_scoped3A_67, %dma_wait3A_87, %dma_wait3A_88] : memref<2x128x128xf32, #tpu.memory_space<vmem>> -> memref<1x128x128xf32, #tpu.memory_space<vmem>>
      %dma_wait3A_90 = tpu.memref_squeeze %dma_wait3A_89 : memref<1x128x128xf32, #tpu.memory_space<vmem>> -> memref<128x128xf32, #tpu.memory_space<vmem>>
      %dma_wait3A_91 = arith.constant 0 : i32
      %dma_wait3A_92 = tpu.memref_slice %arg6[%arg0, %add3A_65, %dma_wait3A_91] : memref<2x10240x128xf32, #tpu.memory_space<hbm>> -> memref<1x128x128xf32, #tpu.memory_space<hbm>>
      %dma_wait3A_93 = tpu.memref_squeeze %dma_wait3A_92 : memref<1x128x128xf32, #tpu.memory_space<hbm>> -> memref<128x128xf32, #tpu.memory_space<hbm>>
      %dma_wait3A_94 = arith.constant 0 : i32
      %dma_wait3A_95 = tpu.memref_slice %arg6[%arg0, %add3A_65, %dma_wait3A_94] : memref<2x10240x128xf32, #tpu.memory_space<hbm>> -> memref<1x128x128xf32, #tpu.memory_space<hbm>>
      %dma_wait3A_96 = tpu.memref_squeeze %dma_wait3A_95 : memref<1x128x128xf32, #tpu.memory_space<hbm>> -> memref<128x128xf32, #tpu.memory_space<hbm>>
      %dma_wait3A_97 = arith.constant 0 : i32
      %dma_wait3A_98 = arith.constant 0 : i32
      %dma_wait3A_99 = tpu.memref_slice %arg10[%run_scoped3A_67, %dma_wait3A_97, %dma_wait3A_98] : memref<2x128x128xf32, #tpu.memory_space<vmem>> -> memref<1x128x128xf32, #tpu.memory_space<vmem>>
      %dma_wait3A_100 = tpu.memref_squeeze %dma_wait3A_99 : memref<1x128x128xf32, #tpu.memory_space<vmem>> -> memref<128x128xf32, #tpu.memory_space<vmem>>
      tpu.wait_dma2 semaphore(%run_scoped3A_72 : memref<!tpu.dma_semaphore, #tpu.memory_space<semaphore_mem>>) src(%dma_wait3A_100 : memref<128x128xf32, #tpu.memory_space<vmem>>) dst(%dma_wait3A_96 : memref<128x128xf32, #tpu.memory_space<hbm>>)
      tpu.yield
    }) : () -> ()
    %add3A_68 = arith.constant 512 : i32
    %add3A_69 = arith.addi %mul3A_11, %add3A_68 : i32
    %run_scoped3A_70 = arith.constant 0 : i32
    "tpu.region"() ({
      %run_scoped3A_72 = tpu.sem_alloc : memref<!tpu.dma_semaphore, #tpu.memory_space<semaphore_mem>>
      %dma_start3A_73 = arith.constant 0 : i32
      %dma_start3A_74 = arith.constant 0 : i32
      %dma_start3A_75 = tpu.memref_slice %arg10[%run_scoped3A_70, %dma_start3A_73, %dma_start3A_74] : memref<2x128x128xf32, #tpu.memory_space<vmem>> -> memref<1x128x128xf32, #tpu.memory_space<vmem>>
      %dma_start3A_76 = tpu.memref_squeeze %dma_start3A_75 : memref<1x128x128xf32, #tpu.memory_space<vmem>> -> memref<128x128xf32, #tpu.memory_space<vmem>>
      %dma_start3A_77 = arith.constant 0 : i32
      %dma_start3A_78 = tpu.memref_slice %arg11[%add3A_69, %dma_start3A_77] : memref<10240x128xf32, #tpu.memory_space<vmem_shared>> -> memref<128x128xf32, #tpu.memory_space<vmem_shared>>
      %dma_start3A_79 = arith.constant 0 : i32
      %dma_start3A_80 = arith.constant 0 : i32
      %dma_start3A_81 = tpu.memref_slice %arg10[%run_scoped3A_70, %dma_start3A_79, %dma_start3A_80] : memref<2x128x128xf32, #tpu.memory_space<vmem>> -> memref<1x128x128xf32, #tpu.memory_space<vmem>>
      %dma_start3A_82 = tpu.memref_squeeze %dma_start3A_81 : memref<1x128x128xf32, #tpu.memory_space<vmem>> -> memref<128x128xf32, #tpu.memory_space<vmem>>
      %dma_start3A_83 = arith.constant 0 : i32
      %dma_start3A_84 = tpu.memref_slice %arg11[%add3A_69, %dma_start3A_83] : memref<10240x128xf32, #tpu.memory_space<vmem_shared>> -> memref<128x128xf32, #tpu.memory_space<vmem_shared>>
      tpu.enqueue_dma source(%dma_start3A_84 : memref<128x128xf32, #tpu.memory_space<vmem_shared>>) target(%dma_start3A_82 : memref<128x128xf32, #tpu.memory_space<vmem>>) target_semaphore(%run_scoped3A_72 : memref<!tpu.dma_semaphore, #tpu.memory_space<semaphore_mem>>)
      %dma_wait3A_85 = arith.constant 0 : i32
      %dma_wait3A_86 = arith.constant 0 : i32
      %dma_wait3A_87 = tpu.memref_slice %arg10[%run_scoped3A_70, %dma_wait3A_85, %dma_wait3A_86] : memref<2x128x128xf32, #tpu.memory_space<vmem>> -> memref<1x128x128xf32, #tpu.memory_space<vmem>>
      %dma_wait3A_88 = tpu.memref_squeeze %dma_wait3A_87 : memref<1x128x128xf32, #tpu.memory_space<vmem>> -> memref<128x128xf32, #tpu.memory_space<vmem>>
      %dma_wait3A_89 = arith.constant 0 : i32
      %dma_wait3A_90 = tpu.memref_slice %arg11[%add3A_69, %dma_wait3A_89] : memref<10240x128xf32, #tpu.memory_space<vmem_shared>> -> memref<128x128xf32, #tpu.memory_space<vmem_shared>>
      %dma_wait3A_91 = arith.constant 0 : i32
      %dma_wait3A_92 = arith.constant 0 : i32
      %dma_wait3A_93 = tpu.memref_slice %arg10[%run_scoped3A_70, %dma_wait3A_91, %dma_wait3A_92] : memref<2x128x128xf32, #tpu.memory_space<vmem>> -> memref<1x128x128xf32, #tpu.memory_space<vmem>>
      %dma_wait3A_94 = tpu.memref_squeeze %dma_wait3A_93 : memref<1x128x128xf32, #tpu.memory_space<vmem>> -> memref<128x128xf32, #tpu.memory_space<vmem>>
      %dma_wait3A_95 = arith.constant 0 : i32
      %dma_wait3A_96 = tpu.memref_slice %arg11[%add3A_69, %dma_wait3A_95] : memref<10240x128xf32, #tpu.memory_space<vmem_shared>> -> memref<128x128xf32, #tpu.memory_space<vmem_shared>>
      tpu.wait_dma2 semaphore(%run_scoped3A_72 : memref<!tpu.dma_semaphore, #tpu.memory_space<semaphore_mem>>) src(%dma_wait3A_96 : memref<128x128xf32, #tpu.memory_space<vmem_shared>>) dst(%dma_wait3A_94 : memref<128x128xf32, #tpu.memory_space<vmem>>)
      tpu.yield
    }) : () -> ()
    %run_scoped3A_71 = arith.constant 0 : i32
    "tpu.region"() ({
      %run_scoped3A_72 = tpu.sem_alloc : memref<!tpu.dma_semaphore, #tpu.memory_space<semaphore_mem>>
      %dma_start3A_73 = arith.constant 0 : i32
      %dma_start3A_74 = arith.constant 0 : i32
      %dma_start3A_75 = tpu.memref_slice %arg10[%run_scoped3A_71, %dma_start3A_73, %dma_start3A_74] : memref<2x128x128xf32, #tpu.memory_space<vmem>> -> memref<1x128x128xf32, #tpu.memory_space<vmem>>
      %dma_start3A_76 = tpu.memref_squeeze %dma_start3A_75 : memref<1x128x128xf32, #tpu.memory_space<vmem>> -> memref<128x128xf32, #tpu.memory_space<vmem>>
      %dma_start3A_77 = arith.constant 0 : i32
      %dma_start3A_78 = tpu.memref_slice %arg6[%arg0, %add3A_69, %dma_start3A_77] : memref<2x10240x128xf32, #tpu.memory_space<hbm>> -> memref<1x128x128xf32, #tpu.memory_space<hbm>>
      %dma_start3A_79 = tpu.memref_squeeze %dma_start3A_78 : memref<1x128x128xf32, #tpu.memory_space<hbm>> -> memref<128x128xf32, #tpu.memory_space<hbm>>
      %dma_start3A_80 = arith.constant 0 : i32
      %dma_start3A_81 = tpu.memref_slice %arg6[%arg0, %add3A_69, %dma_start3A_80] : memref<2x10240x128xf32, #tpu.memory_space<hbm>> -> memref<1x128x128xf32, #tpu.memory_space<hbm>>
      %dma_start3A_82 = tpu.memref_squeeze %dma_start3A_81 : memref<1x128x128xf32, #tpu.memory_space<hbm>> -> memref<128x128xf32, #tpu.memory_space<hbm>>
      %dma_start3A_83 = arith.constant 0 : i32
      %dma_start3A_84 = arith.constant 0 : i32
      %dma_start3A_85 = tpu.memref_slice %arg10[%run_scoped3A_71, %dma_start3A_83, %dma_start3A_84] : memref<2x128x128xf32, #tpu.memory_space<vmem>> -> memref<1x128x128xf32, #tpu.memory_space<vmem>>
      %dma_start3A_86 = tpu.memref_squeeze %dma_start3A_85 : memref<1x128x128xf32, #tpu.memory_space<vmem>> -> memref<128x128xf32, #tpu.memory_space<vmem>>
      tpu.enqueue_dma source(%dma_start3A_86 : memref<128x128xf32, #tpu.memory_space<vmem>>) target(%dma_start3A_82 : memref<128x128xf32, #tpu.memory_space<hbm>>) target_semaphore(%run_scoped3A_72 : memref<!tpu.dma_semaphore, #tpu.memory_space<semaphore_mem>>)
      %dma_wait3A_87 = arith.constant 0 : i32
      %dma_wait3A_88 = arith.constant 0 : i32
      %dma_wait3A_89 = tpu.memref_slice %arg10[%run_scoped3A_71, %dma_wait3A_87, %dma_wait3A_88] : memref<2x128x128xf32, #tpu.memory_space<vmem>> -> memref<1x128x128xf32, #tpu.memory_space<vmem>>
      %dma_wait3A_90 = tpu.memref_squeeze %dma_wait3A_89 : memref<1x128x128xf32, #tpu.memory_space<vmem>> -> memref<128x128xf32, #tpu.memory_space<vmem>>
      %dma_wait3A_91 = arith.constant 0 : i32
      %dma_wait3A_92 = tpu.memref_slice %arg6[%arg0, %add3A_69, %dma_wait3A_91] : memref<2x10240x128xf32, #tpu.memory_space<hbm>> -> memref<1x128x128xf32, #tpu.memory_space<hbm>>
      %dma_wait3A_93 = tpu.memref_squeeze %dma_wait3A_92 : memref<1x128x128xf32, #tpu.memory_space<hbm>> -> memref<128x128xf32, #tpu.memory_space<hbm>>
      %dma_wait3A_94 = arith.constant 0 : i32
      %dma_wait3A_95 = tpu.memref_slice %arg6[%arg0, %add3A_69, %dma_wait3A_94] : memref<2x10240x128xf32, #tpu.memory_space<hbm>> -> memref<1x128x128xf32, #tpu.memory_space<hbm>>
      %dma_wait3A_96 = tpu.memref_squeeze %dma_wait3A_95 : memref<1x128x128xf32, #tpu.memory_space<hbm>> -> memref<128x128xf32, #tpu.memory_space<hbm>>
      %dma_wait3A_97 = arith.constant 0 : i32
      %dma_wait3A_98 = arith.constant 0 : i32
      %dma_wait3A_99 = tpu.memref_slice %arg10[%run_scoped3A_71, %dma_wait3A_97, %dma_wait3A_98] : memref<2x128x128xf32, #tpu.memory_space<vmem>> -> memref<1x128x128xf32, #tpu.memory_space<vmem>>
      %dma_wait3A_100 = tpu.memref_squeeze %dma_wait3A_99 : memref<1x128x128xf32, #tpu.memory_space<vmem>> -> memref<128x128xf32, #tpu.memory_space<vmem>>
      tpu.wait_dma2 semaphore(%run_scoped3A_72 : memref<!tpu.dma_semaphore, #tpu.memory_space<semaphore_mem>>) src(%dma_wait3A_100 : memref<128x128xf32, #tpu.memory_space<vmem>>) dst(%dma_wait3A_96 : memref<128x128xf32, #tpu.memory_space<hbm>>)
      tpu.yield
    }) : () -> ()
    return
  }
}

module attributes {stable_mosaic.version = 14 : i64} {
  func.func @_linear_body(%arg0: i32, %arg1: memref<2000x128xf32, #tpu.memory_space<vmem>>, %arg2: memref<128x128xf32, #tpu.memory_space<vmem>>, %arg3: memref<1x128xf32, #tpu.memory_space<vmem>>, %arg4: memref<2000x128xf32, #tpu.memory_space<vmem>>) attributes {dimension_semantics = [#tpu.dimension_semantics<arbitrary>], iteration_bounds = array<i64: 5>, scalar_prefetch = 0 : i64, scratch_operands = 0 : i64, tpu.core_type = #tpu.core_type<tc>, window_params = [{transform_indices = @transform_0, window_bounds = array<i64: 2000, 128>}, {pipeline_mode = #tpu.pipeline_mode<synchronous>, transform_indices = @transform_1, window_bounds = array<i64: 128, 128>}, {pipeline_mode = #tpu.pipeline_mode<synchronous>, transform_indices = @transform_2, window_bounds = array<i64: 1, 128>}, {transform_indices = @transform_3, window_bounds = array<i64: 2000, 128>}]} {
    %get3A = arith.constant 0 : index
    %get3A_0 = arith.constant 0 : index
    %get3A_1 = vector.load %arg1[%get3A, %get3A_0] : memref<2000x128xf32, #tpu.memory_space<vmem>>, vector<2000x128xf32>
    %get3A_2 = arith.constant 0 : index
    %get3A_3 = arith.constant 0 : index
    %get3A_4 = vector.load %arg2[%get3A_2, %get3A_3] : memref<128x128xf32, #tpu.memory_space<vmem>>, vector<128x128xf32>
    %dot_general3A = arith.constant dense<0.000000e+00> : vector<2000x128xf32>
    %dot_general3A_5 = tpu.matmul %get3A_1, %get3A_4, %dot_general3A {dimension_numbers = #tpu.dot_dimension_numbers<[1], [1], [0], [0], [0, 0, 1, 0], [], []>, transpose_lhs_hint = false} : vector<2000x128xf32>, vector<128x128xf32>, vector<2000x128xf32> -> vector<2000x128xf32>
    %get3A_6 = arith.constant 0 : index
    %get3A_7 = arith.constant 0 : index
    %get3A_8 = vector.load %arg3[%get3A_6, %get3A_7] : memref<1x128xf32, #tpu.memory_space<vmem>>, vector<1x128xf32>
    %add3A = vector.broadcast %get3A_8 : vector<1x128xf32> to vector<2000x128xf32>
    %add3A_9 = arith.addf %dot_general3A_5, %add3A : vector<2000x128xf32>
    %swap3A = arith.constant 0 : index
    %swap3A_10 = arith.constant 0 : index
    %swap3A_11 = vector.load %arg4[%swap3A, %swap3A_10] : memref<2000x128xf32, #tpu.memory_space<vmem>>, vector<2000x128xf32>
    tpu.vector_store %arg4[%swap3A, %swap3A_10], %add3A_9 {strides = array<i32>} : memref<2000x128xf32, #tpu.memory_space<vmem>>, vector<2000x128xf32>,
    return
  }
  func.func @transform_0(%arg0: i32) -> (i32, i32) {
    %c0_i32 = arith.constant 0 : i32
    %c0_i32_0 = arith.constant 0 : i32
    return %arg0, %c0_i32 : i32, i32
  }
  func.func @transform_1(%arg0: i32) -> (i32, i32) {
    %c0_i32 = arith.constant 0 : i32
    %c0_i32_0 = arith.constant 0 : i32
    %c0_i32_1 = arith.constant 0 : i32
    return %c0_i32, %c0_i32_0 : i32, i32
  }
  func.func @transform_2(%arg0: i32) -> (i32, i32) {
    %c0_i32 = arith.constant 0 : i32
    %c0_i32_0 = arith.constant 0 : i32
    %c0_i32_1 = arith.constant 0 : i32
    return %c0_i32, %c0_i32_0 : i32, i32
  }
  func.func @transform_3(%arg0: i32) -> (i32, i32) {
    %c0_i32 = arith.constant 0 : i32
    %c0_i32_0 = arith.constant 0 : i32
    return %arg0, %c0_i32 : i32, i32
  }
}

module attributes {stable_mosaic.version = 14 : i64} {
  func.func @_sum_body(%arg0: i32, %arg1: memref<2x2000x128xf32, #tpu.memory_space<vmem>>, %arg2: memref<2000x128xf32, #tpu.memory_space<vmem>>) attributes {dimension_semantics = [#tpu.dimension_semantics<arbitrary>], iteration_bounds = array<i64: 5>, scalar_prefetch = 0 : i64, scratch_operands = 0 : i64, tpu.core_type = #tpu.core_type<tc>, window_params = [{transform_indices = @transform_0, window_bounds = array<i64: 2, 2000, 128>}, {transform_indices = @transform_1, window_bounds = array<i64: 2000, 128>}]} {
    %get3A = arith.constant 0 : index
    %get3A_0 = arith.constant 0 : index
    %get3A_1 = arith.constant 0 : index
    %get3A_2 = vector.load %arg1[%get3A, %get3A_0, %get3A_1] : memref<2x2000x128xf32, #tpu.memory_space<vmem>>, vector<1x2000x128xf32>
    %get3A_3 = vector.shape_cast %get3A_2 : vector<1x2000x128xf32> to vector<2000x128xf32>
    %get3A_4 = arith.constant 1 : index
    %get3A_5 = arith.constant 0 : index
    %get3A_6 = arith.constant 0 : index
    %get3A_7 = vector.load %arg1[%get3A_4, %get3A_5, %get3A_6] : memref<2x2000x128xf32, #tpu.memory_space<vmem>>, vector<1x2000x128xf32>
    %get3A_8 = vector.shape_cast %get3A_7 : vector<1x2000x128xf32> to vector<2000x128xf32>
    %add3A = arith.addf %get3A_3, %get3A_8 : vector<2000x128xf32>
    %swap3A = arith.constant 0 : index
    %swap3A_9 = arith.constant 0 : index
    %swap3A_10 = vector.load %arg2[%swap3A, %swap3A_9] : memref<2000x128xf32, #tpu.memory_space<vmem>>, vector<2000x128xf32>
    tpu.vector_store %arg2[%swap3A, %swap3A_9], %add3A {strides = array<i32>} : memref<2000x128xf32, #tpu.memory_space<vmem>>, vector<2000x128xf32>,
    return
  }
  func.func @transform_0(%arg0: i32) -> (i32, i32, i32) {
    %c0_i32 = arith.constant 0 : i32
    %c0_i32_0 = arith.constant 0 : i32
    %c0_i32_1 = arith.constant 0 : i32
    return %c0_i32, %arg0, %c0_i32_0 : i32, i32, i32
  }
  func.func @transform_1(%arg0: i32) -> (i32, i32) {
    %c0_i32 = arith.constant 0 : i32
    %c0_i32_0 = arith.constant 0 : i32
    return %arg0, %c0_i32 : i32, i32
  }
}

</mosaic_0001>

<sc_bundles>
// kernel: kernel.5.cloned.1.call-start
scs
__scs_entry_jumppad:
0x0: {  	(pc) =	sbr.rel $0x88, $3  }
0x1: {  	(tag) =	ssettag $0x0;
	lr =	simm.s32 $0x1  }
0x2: {  	[smem:$0x3F9C] =	sst lr;
	_ =	strace $0xD0000000  }
0x3: {  	_ = 	snop  }
0x4: {  	_ = 	snop  }
0x5: {  	_ = 	snop  }
0x6: {  	_ = 	snop  }
0x7: {  	_ = 	snop  }
__scs_overlays_trampoline_lowered:
0x8: {  	[smem:$0x3FAB] =	sst s0  }
0x9: {  	[smem:$0x3FAC] =	sst s1  }
0xa: {  	[smem:$0x3FAD] =	sst s2  }
0xb: {  	[smem:$0x3FAE] =	sst s3  }
0xc: {  	[smem:$0x3FAF] =	sst s4  }
0xd: {  	[smem:$0x3FB0] =	sst s5  }
0xe: {  	[smem:$0x3FB1] =	sst s6  }
0xf: {  	[smem:$0x3FB2] =	sst s7  }
0x10: {  	[smem:$0x3FB3] =	sst s8  }
0x11: {  	[smem:$0x3FB4] =	sst s9;
	s0 =	simm.s32 @!p0 $0x0  }
0x12: {  	s1 =	sld [smem:$0x3F9A];
	s0 =	simm.s32 @p0 $0x1  }
0x13: {  	[smem:$0x3FB5] =	sst s0;
	s0 =	simm.s32 @!p1 $0x0  }
0x14: {  	s2 =	sld [smem:$0x3F99];
	s0 =	simm.s32 @p1 $0x1  }
0x15: {  	[smem:$0x3FB6] =	sst s0;
	s0 =	simm.s32 @!p2 $0x0  }
0x16: {  	s3 =	sld [smem:$0x3FDB];
	s0 =	simm.s32 @p2 $0x1  }
0x17: {  	s4 =	simm.s32 $0x1BF5;
	[smem:$0x3FB8] =	sst s0  }
0x18: {  	s0 =	sld [smem:$0x3F9B];
	_ =	swait.ge [sflag:s4], $0x0  }
0x19: {  	s7 =	sld [smem:$0x3F9C]  }
0x1a: {  	s8 =	sadd.s32 $0xFFFFE003, lr  }
0x1b: {  	s9 =	sadd.s32 $0xFFFFFEF7, lr;
	s5 =	simm.s32 $0xFFFFFFFF;
	p2 =	slt.u32 s8, $0xFFFFF086  }
0x1c: {  	p1 =	slt.u32 s9, $0xF7A;
	s5 =	simm.s32 @!p2 $0x0  }
0x1d: {  	s5 =	simm.s32 @p1 $0x1;
	p0 =	seq.s32 s7, s2  }
0x1e: {  	s7 =	smul.u32 @!p0 $0xF7A, s2;
	p2 =	seq.s32 @!p0 s5, $0x0  }
0x1f: {  	s9 =	smul.u32 $0xF7A, s1;
	s8 =	simm.s32 @!p0 $0x1BF5;
	p2 =	por !p2, p0  }
0x20: {  	[sflag:s8] =	ssyncset.s32 @!p0 $0xFFFFF086;
	s6 =	sadd.s32 @!p0 s3, s7;
	s7 =	simm.s32 @!p0 $0x108  }
0x21: {  	s3 =	sadd.s32 s3, s9;
	s6 =	sadd.s32 @!p0 $0x88, s6;
	s7 =	simm.s32 @p2 $0x1082  }
0x22: {  	[simem:s7], [sflag:s8] =	dma.local @!p0 [hbm:s6], $0xF7A  }
0x23: {  	s9 =	sor.u32 $0xD0000000, s2;
	s6 =	simm.s32 $0x108;
	_ =	swait.ge @!p0 [sflag:s8], $0x0  }
0x24: {  	s3 =	sadd.s32 $0x88, s3;
	s6 =	simm.s32 @!p1 $0x1082;
	[sflag:s4] =	ssyncset.s32 $0xFFFFF086  }
0x25: {  	[simem:s6], [sflag:s4] =	dma.local [hbm:s3], $0xF7A  }
0x26: {  	[smem:$0x3F9C] =	sst s1;
	(tag) =	ssettag s2;
	_ =	strace s9  }
0x27: {  	s1 =	sld [smem:$0x3FAC]  }
0x28: {  	s2 =	sld [smem:$0x3FAD]  }
0x29: {  	s4 =	sld [smem:$0x3FAF]  }
0x2a: {  	p0 =	seq.s32 s5, $0x0;
	s5 =	sld [smem:$0x3FB0]  }
0x2b: {  	s6 =	sld [smem:$0x3FB1]  }
0x2c: {  	s7 =	sld [smem:$0x3FB2]  }
0x2d: {  	s3 =	simm.s32 $0x108;
	s8 =	sld [smem:$0x3FB3]  }
0x2e: {  	s3 =	simm.s32 @!p0 $0x1082;
	s9 =	sld [smem:$0x3FB4]  }
0x2f: {  	lr =	sadd.s32 s0, s3;
	s0 =	sld [smem:$0x3FAB]  }
0x30: {  	s3 =	sld [smem:$0x3FAE]  }
0x31: {  	[smem:$0x3FB7] =	sst s10  }
0x32: {  	s10 =	sld [smem:$0x3FB5];
	_ =	sdelay $0x3  }
0x33: {  	p0 =	seq.s32 s10, $0x1;
	s10 =	sld [smem:$0x3FB7];
	_ =	sdelay $0x3  }
0x34: {  	[smem:$0x3FB7] =	sst s10  }
0x35: {  	s10 =	sld [smem:$0x3FB6];
	_ =	sdelay $0x3  }
0x36: {  	p1 =	seq.s32 s10, $0x1;
	s10 =	sld [smem:$0x3FB7];
	_ =	sdelay $0x3  }
0x37: {  	[smem:$0x3FB7] =	sst s10  }
0x38: {  	s10 =	sld [smem:$0x3FB8]  }
0x39: {  	_ = 	snop;
	(pc) =	sbr.ind lr, $3  }
0x3a: {  	_ = 	snop  }
0x3b: {  	_ = 	snop  }
0x3c: {  	p2 =	seq.s32 s10, $0x1;
	s10 =	sld [smem:$0x3FB7]  }
0x3d: {  	_ =	shalt  }
0x3e: {  	_ =	shalt  }
0x3f: {  	_ =	shalt  }
0x40: {  	_ =	shalt  }
0x41: {  	_ =	shalt  }
0x42: {  	_ =	shalt  }
0x43: {  	_ =	shalt  }
0x44: {  	_ =	shalt  }
0x45: {  	_ =	shalt  }
0x46: {  	_ =	shalt  }
0x47: {  	_ =	shalt  }
0x48: {  	_ =	shalt  }
0x49: {  	_ =	shalt  }
0x4a: {  	_ =	shalt  }
0x4b: {  	_ =	shalt  }
0x4c: {  	_ =	shalt  }
0x4d: {  	_ =	shalt  }
0x4e: {  	_ =	shalt  }
0x4f: {  	_ =	shalt  }
0x50: {  	_ =	shalt  }
0x51: {  	_ =	shalt  }
0x52: {  	_ =	shalt  }
0x53: {  	_ =	shalt  }
0x54: {  	_ =	shalt  }
0x55: {  	_ =	shalt  }
0x56: {  	_ =	shalt  }
0x57: {  	_ =	shalt  }
0x58: {  	_ =	shalt  }
0x59: {  	_ =	shalt  }
0x5a: {  	_ =	shalt  }
0x5b: {  	_ =	shalt  }
0x5c: {  	_ =	shalt  }
0x5d: {  	_ =	shalt  }
0x5e: {  	_ =	shalt  }
0x5f: {  	_ =	shalt  }
0x60: {  	_ =	shalt  }
0x61: {  	_ =	shalt  }
0x62: {  	_ =	shalt  }
0x63: {  	_ =	shalt  }
0x64: {  	_ =	shalt  }
0x65: {  	_ =	shalt  }
0x66: {  	_ =	shalt  }
0x67: {  	_ =	shalt  }
0x68: {  	_ =	shalt  }
0x69: {  	_ =	shalt  }
0x6a: {  	_ =	shalt  }
0x6b: {  	_ =	shalt  }
0x6c: {  	_ =	shalt  }
0x6d: {  	_ =	shalt  }
0x6e: {  	_ =	shalt  }
0x6f: {  	_ =	shalt  }
0x70: {  	_ =	shalt  }
0x71: {  	_ =	shalt  }
0x72: {  	_ =	shalt  }
0x73: {  	_ =	shalt  }
0x74: {  	_ =	shalt  }
0x75: {  	_ =	shalt  }
0x76: {  	_ =	shalt  }
0x77: {  	_ =	shalt  }
0x78: {  	_ =	shalt  }
0x79: {  	_ =	shalt  }
0x7a: {  	_ =	shalt  }
0x7b: {  	_ =	shalt  }
0x7c: {  	_ =	shalt  }
0x7d: {  	_ =	shalt  }
0x7e: {  	_ =	shalt  }
0x7f: {  	_ =	shalt  }
0x80: {  	_ =	shalt  }
0x81: {  	_ =	shalt  }
0x82: {  	_ =	shalt  }
0x83: {  	_ =	shalt  }
0x84: {  	_ =	shalt  }
0x85: {  	_ =	shalt  }
0x86: {  	_ =	shalt  }
0x87: {  	_ =	shalt  }
.Lfunc_end0:
.L_simem_size_0:
called_computation_lowered:
.L_overlay_start_0:
0x88: {  	s2 =	sld [smem:$0x3FD9]  }
0x89: {  	s3 =	sld [smem:$0x3FFE];
	_ =	sdelay $0x1  }
0x8a: {  	s1 =	srdreg.scid  }
0x8b: {  	s0 =	sand.u32 $0x1, s1  }
0x8c: {  	s17 =	sshll.u32 s0, $0xA;
	s2 =	sadd.s32 s3, s2  }
0x8d: {  	s2 =	sadd.s32 s2, s17  }
0x8e: {  	[smem:$0x3FC3] =	sst s2  }
0x8f: {  	_ = 	snop  }
0x90: {  	s2 =	sld [smem:$0x3FD0];
	(tm) =	ssettm $0x1  }
0x91: {  	s18 =	sld [smem:$0x3FFB];
	_ =	sdelay $0x3  }
0x92: {  	_ =	strace s18  }
0x93: {  	s3 =	sld [smem:$0x3FFC];
	_ =	sdelay $0x3  }
0x94: {  	_ =	strace s3  }
0x95: {  	s3 =	sld [smem:$0x3FFD];
	_ =	sdelay $0x3  }
0x96: {  	_ =	strace s3  }
0x97: {  	_ =	strace $0x8FFFFFFF  }
0x98: {  	s19 =	sld [smem:$0x3FDB];
	_ =	sdelay $0x1  }
0x99: {  	s4 =	simm.s32 $_scs_section_size  }
0x9a: {  	s5 =	simm.s32 $_size__tile_overlayer_lowered;
	s6 =	simm.s32 $_tile_overlayer_lowered  }
0x9b: {  	s22 =	simm.s32 $0x1BFF;
	s21 =	sshll.u32 s6, $0x1;
	s3 =	sadd.s32 s4, s19  }
0x9c: {  	s7 =	simm.s32 $0x0;
	s20 =	sshll.u32 s5, $0x1;
	s5 =	sadd.s32 s21, s3  }
0x9d: {  	[timem:s7], [sflag:s22] =	dma.local [hbm:s5], s20  }
0x9e: {  	_ =	swait.ge [sflag:s22], s20  }
0x9f: {  	s4 =	ssub.s32 $0x0, s20;
	[sflag:s22] =	ssyncset.done $0x0  }
0xa0: {  	[sflag:s22] =	ssyncadd.s32 s4;
	_ =	sdelay $0x1  }
0xa1: {  	s23 =	simm.s32 $0x1B8B  }
0xa2: {  	_ =	swait.ge [sflag:s23], $0x1  }
0xa3: {  	[sflag:s23] =	ssyncset.done $0x0  }
0xa4: {  	s25 =	simm.s32 $0x1B8E;
	s24 =	sld [smem:$0x3FFE];
	[sflag:s23] =	ssyncadd.s32 $0xFFFFFFFF  }
0xa5: {  	s26 =	simm.s32 $execute0_lowered;
	[smem:$0x3FD2] =	sst s25  }
0xa6: {  	s5 =	sshll.u32 s26, $0x1;
	_ =	strace $0x80000046;
	[dreg:$0x1] =	wrdreg $0xFFFFFFFF  }
0xa7: {  	s28 =	simm.s32 $_size_execute0_lowered;
	s3 =	sadd.s32 s3, s5;
	[dreg:$0x0] =	wrdreg $0x0  }
0xa8: {  	s5 =	sshll.u32 s28, $0x1;
	[dreg:$0x2] =	wrdreg s3  }
0xa9: {  	[dreg:$0x3] =	wrdreg s5  }
0xaa: {  	[dreg:$0x4] =	wrdreg $0xC0  }
0xab: {  	_ =	task [dreg:s7], $0x5FFFF  }
0xac: {  	[dreg:$0x1] =	wrdreg $0xFFFFFFFF  }
0xad: {  	[dreg:$0x0] =	wrdreg $0x60  }
0xae: {  	[dreg:$0x2] =	wrdreg s2  }
0xaf: {  	[dreg:$0x3] =	wrdreg s24  }
0xb0: {  	[dreg:$0x4] =	wrdreg $0xB8000  }
0xb1: {  	[dreg:$0x5] =	wrdreg $0x9  }
0xb2: {  	_ =	task.clear_ibuf [dreg:s7], $0x6FFFF;
	_ =	strace $0x90000046  }
0xb3: {  	s29 =	simm.s32 $0x9;
	_ =	strace $0x80000048  }
0xb4: {  	_ =	swait.ge [sflag:s29], $0x1  }
0xb5: {  	[sflag:s29] =	ssyncadd.s32 $0xFFFFFFFF  }
0xb6: {  	_ =	strace $0x90000048  }
0xb7: {  	_ =	sfence  }
0xb8: {  	s30 =	sld [smem:$0x0];
	_ =	sdelay $0x2  }
0xb9: {  	s31 =	sshll.u32 s1, $0xD;
	s1 =	sshrl.u32 s1, $0x2  }
0xba: {  	s3 =	sand.u32 $0x4000, s31;
	s1 =	sadd.s32 s1, s30  }
0xbb: {  	s0 =	sor.u32 s3, s0;
	s1 =	sshll.u32 s1, $0x11  }
0xbc: {  	s0 =	sor.u32 s1, s0  }
0xbd: {  	s0 =	sadd.s32 $0x8F2B, s0  }
0xbe: {  	[sflag:s0] =	ssyncadd.remote.s32 $0x1  }
0xbf: {  	_ =	sfence.sel $0xFFFF  }
0xc0: {  	[dreg:$0x0] =	wrdreg $0xFFFFFFFF;
	(pc) =	sbr.abs _section_cstart, $3  }
0xc1: {  	[dreg:$0x1] =	wrdreg $0xFFFFFFFF  }
0xc2: {  	_ =	task.clear_ibuf [dreg:s7], $0x2FFFF;
	_ =	strace $0x9FFFFFFF  }
0xc3: {  	(tm) =	ssettm $0x7FFFFFFF  }
tec
execute0_lowered:
.L_overlay_start_1:
0x0: {  	(tag) =	ssettag $0x1  }
0x1: {  	s0 =	srdreg.scid;
	s1 =	rddreg [dreg:$0x0]  }
0x2: {  	s13 =	stileid.u32;
	s8 =	rddreg [dreg:$0x1]  }
0x3: {  	s3 =	rddreg [dreg:$0x2];
	s5 =	simm.s32 $0x0;
	s21 =	simm.s32 $0x2  }
0x4: {  	s22 =	simm.s32 $0x3800;
	s28 =	simm.s32 $0x7800;
	s29 =	simm.s32 $0x0  }
0x5: {  	s30 =	simm.s32 $0x0;
	s0 =	sand.u32 $0x1, s0;
	[smem:$0x7FF] =	sst s5  }
0x6: {  	s11 =	smul.u32 $0x50000, s13;
	s7 =	sadd.s32 $0xAC00, s8;
	s2 =	sshll.u32 s0, $0x4  }
0x7: {  	_ =	strace $0x80000047;
	s10 =	ssub.s32 $0x2, s0;
	s0 =	smul.u32 $0x140000, s0  }
0x8: {  	s2 =	sor.u32 s13, s2;
	s12 =	sshrl.u32 s10, $0x1;
	s13 =	smul.u32 $0x14000, s13  }
0x9: {  	s23 =	sshrl.u32 s11, $0x2;
	s4 =	smul.u32 $0x2800, s2;
	s15 =	ssub.s32 s10, s12  }
0xa: {  	s14 =	sadd.s32 $0x4000, s13;
	s16 =	sadd.s32 $0x8000, s13;
	s17 =	sadd.s32 $0xC000, s13  }
0xb: {  	s18 =	sadd.s32 $0x10000, s13;
	s19 =	sadd.s32 s13, s0;
	s6 =	sshrl.u32 s4, $0x3  }
0xc: {  	s10 =	sadd.s32 s14, s3;
	s11 =	sadd.s32 s16, s3;
	s12 =	sadd.s32 s17, s3  }
0xd: {  	s14 =	sadd.s32 s0, s14;
	s13 =	sadd.s32 s18, s3;
	s19 =	sshrl.u32 s19, $0x3  }
0xe: {  	s26 =	sadd.s32 s0, s16;
	s31 =	sadd.s32 s0, s17;
	s0 =	sadd.s32 s0, s18  }
0xf: {  	s9 =	sadd.s32 s6, s8;
	s6 =	sadd.s32 $0xC00, s8;
	s8 =	sadd.s32 $0x1EC00, s8  }
0x10: {  	s20 =	sshrl.u32 s14, $0x3;
	s14 =	smul.u32 $0x50, s2;
	s2 =	sshrl.u32 s26, $0x3  }
0x11: {  	s16 =	sshrl.u32 s31, $0x3;
	s0 =	sshrl.u32 s0, $0x3;
	s9 =	sadd.s32 $0x14C00, s9  }
0x12: {  	s26 =	simm.s32 $0x3000;
	s24 =	sadd.s32 s8, s19;
	[dreg:$0x4] =	wrdreg s9  }
0x13: {  	s25 =	sadd.s32 s8, s20;
	s2 =	sadd.s32 s8, s2;
	[dreg:$0x5] =	wrdreg s24  }
0x14: {  	s18 =	sadd.s32 s8, s16;
	s19 =	sadd.s32 s8, s0;
	[dreg:$0x6] =	wrdreg s25  }
0x15: {  	s20 =	smax.u32 s15, $0x1;
	s9 =	sadd.s32 s23, s3;
	[dreg:$0x7] =	wrdreg s2  }
0x16: {  	v0 =	vimm.f32 $0.0e+00;
	s23 =	simm.s32 $0x80;
	s24 =	simm.s32 $0x1;
	s25 =	simm.s32 $0x2800  }
.LBB2_1:
0x17: {  	s0 =	rddreg [dreg:$0x4]  }
0x18: {  	[tilespmem:s5], [sflag:$0x2] =	stream.linear.gather [hbm4b:s0+s5], $0x2800, $0x38;
	[tilespmem:$0x1F800] =	vst v63  }
0x19: {  	_ =	swait.ge [sflag:s21], $0x2800  }
0x1a: {  	[sflag:s21] =	ssyncset.done $0x0  }
0x1b: {  	s2 =	simm.s32 $0x200;
	s0 =	simm.s32 $0x0;
	[sflag:s21] =	ssyncadd.s32 $0xFFFFD800  }
.LBB2_2:
0x1c: {  	p0 =	sne.s32 s2, $0xFE00;
	[tilespmem:s0+$0x3870] =	vst v0  }
0x1d: {  	[tilespmem:s0+$0x3800] =	vst v0  }
0x1e: {  	[tilespmem:s0+$0x3810] =	vst v0  }
.Ltmp0:
0x1f: {  	[tilespmem:s0+$0x3820] =	vst v0;
	(pc) =	sbr.rel @p0 .LBB2_2-.Ltmp0, $4  }
0x20: {  	[tilespmem:s0+$0x3830] =	vst v0  }
0x21: {  	[tilespmem:s0+$0x3840] =	vst v0  }
0x22: {  	[tilespmem:s0+$0x3850] =	vst v0  }
0x23: {  	[tilespmem:s0+$0x3860] =	vst v0;
	s0 =	sshra.s32 s2, $0x2;
	s2 =	sadd.s32 $0x200, s2  }
0x24: {  	[tilespmem:s0+$0x3870] =	vst v0  }
0x25: {  	[tilespmem:s0+$0x3800] =	vst v0  }
0x26: {  	[tilespmem:s0+$0x3810] =	vst v0  }
0x27: {  	[tilespmem:s0+$0x3820] =	vst v0  }
0x28: {  	[tilespmem:s0+$0x3830] =	vst v0  }
0x29: {  	[tilespmem:s0+$0x3840] =	vst v0  }
0x2a: {  	[tilespmem:s0+$0x3850] =	vst v0  }
0x2b: {  	[tilespmem:s0+$0x3860] =	vst v0  }
0x2c: {  	[spmem:s9] =	stream.linear.scatter [tilespmem:s22], [sflag:$0x2], $0x4000, $0x38;
	[tilespmem:$0x1F800] =	vst v63  }
0x2d: {  	_ =	swait.ge [sflag:s21], $0x4000  }
0x2e: {  	[sflag:s21] =	ssyncset.done $0x0  }
0x2f: {  	[sflag:s21] =	ssyncadd.s32 $0xFFFFC000  }
0x30: {  	[spmem:s10] =	stream.linear.scatter [tilespmem:s22], [sflag:$0x2], $0x4000, $0x38;
	[tilespmem:$0x1F800] =	vst v63  }
0x31: {  	_ =	swait.ge [sflag:s21], $0x4000  }
0x32: {  	[sflag:s21] =	ssyncset.done $0x0  }
0x33: {  	[sflag:s21] =	ssyncadd.s32 $0xFFFFC000  }
0x34: {  	[spmem:s11] =	stream.linear.scatter [tilespmem:s22], [sflag:$0x2], $0x4000, $0x38;
	[tilespmem:$0x1F800] =	vst v63  }
0x35: {  	_ =	swait.ge [sflag:s21], $0x4000  }
0x36: {  	[sflag:s21] =	ssyncset.done $0x0  }
0x37: {  	[sflag:s21] =	ssyncadd.s32 $0xFFFFC000  }
0x38: {  	[spmem:s12] =	stream.linear.scatter [tilespmem:s22], [sflag:$0x2], $0x4000, $0x38;
	[tilespmem:$0x1F800] =	vst v63  }
0x39: {  	_ =	swait.ge [sflag:s21], $0x4000  }
0x3a: {  	[sflag:s21] =	ssyncset.done $0x0  }
0x3b: {  	[sflag:s21] =	ssyncadd.s32 $0xFFFFC000  }
0x3c: {  	[spmem:s13] =	stream.linear.scatter [tilespmem:s22], [sflag:$0x2], $0x4000, $0x38;
	[tilespmem:$0x1F800] =	vst v63  }
0x3d: {  	_ =	swait.ge [sflag:s21], $0x4000  }
0x3e: {  	[sflag:s21] =	ssyncset.done $0x0  }
0x3f: {  	[sflag:s21] =	ssyncadd.s32 $0xFFFFC000  }
0x40: {  	[bflag:$0x0] =	sbarrier.arrive $0xFFFF  }
0x41: {  	[tilespmem:s22], [sflag:$0x1] =	stream.indirect.gather [hbm4b:s1+s23], $0x80, s30, s23, $0xb8;
	[tilespmem:$0x1F800] =	vst v63  }
0x42: {  	_ =	swait.ge [sflag:s24], $0x4000  }
0x43: {  	[sflag:s24] =	ssyncset.done $0x0  }
0x44: {  	s31 =	simm.s32 $0x0;
	[sflag:s24] =	ssyncadd.s32 $0xFFFFC000  }
.LBB2_4:
0x45: {  	s2 =	sshll.u32 s31, $0x4  }
0x46: {  	s0 =	sadd.s32 s14, s2  }
0x47: {  	s0 =	sshll.u32 s0, $0x4  }
0x48: {  	s17 =	sshll.u32 s31, $0xB;
	s0 =	sadd.s32 s6, s0  }
0x49: {  	[tilespmem:s25], [sflag:$0x2] =	stream.linear.gather [hbm4b:s0+s30], $0x800, $0x38;
	[tilespmem:$0x1F800] =	vst v63  }
0x4a: {  	s0 =	sadd.s32 s4, s17;
	_ =	swait.ge [sflag:s21], $0x800  }
0x4b: {  	s0 =	sshrl.u32 s0, $0x3;
	[sflag:s21] =	ssyncset.done $0x0  }
0x4c: {  	s0 =	sadd.s32 s7, s0;
	[sflag:s21] =	ssyncadd.s32 $0xFFFFF800  }
0x4d: {  	[tilespmem:s26], [sflag:$0x2] =	stream.linear.gather [hbm4b:s0+s30], $0x800, $0x38;
	[tilespmem:$0x1F800] =	vst v63  }
0x4e: {  	_ =	swait.ge [sflag:s21], $0x800  }
0x4f: {  	[sflag:s21] =	ssyncset.done $0x0  }
0x50: {  	s0 =	simm.s32 $0x0;
	[sflag:s21] =	ssyncadd.s32 $0xFFFFF800  }
.LBB2_5:
0x51: {  	s8 =	sshll.u32 s0, $0x1  }
0x52: {  	s15 =	sor.u32 s2, s8  }
0x53: {  	s15 =	sshll.u32 s15, $0x7  }
0x54: {  	s15 =	sand.u32 $0x3FFFFF80, s15  }
0x55: {  	s17 =	sshll.u32 s0, $0xA;
	s15 =	sadd.s32 $0x80, s15  }
0x56: {  	[tilespmem:s28], [sflag:$0x1] =	stream.indirect.gather [hbm4b:s1+s23], $0x80, s15, s23, $0xb8;
	[tilespmem:$0x1F800] =	vst v63  }
0x57: {  	s15 =	sshrl.u32 s17, $0x2  }
0x58: {  	s17 =	sadd.s32 $0x3000, s15  }
0x59: {  	v1 =	vmov s17;
	_ =	sdelay $0x1  }
0x5a: {  	s16 =	simm.s32 $0x0  }
.LBB2_6:
0x5b: {  	s17 =	sshll.u32 s16, $0x4  }
0x5c: {  	s17 =	sand.u32 $0x3FFFFFF0, s17  }
0x5d: {  	v2 =	vld.idx.msk [tilespmem:v1+s17+$0x0 ss:$0x1], $0xffff;
	s17 =	sshll.u32 s16, $0xB  }
0x5e: {  	s17 =	sand.u32 $0x3FFFF800, s17  }
0x5f: {  	v3 =	vld [tilespmem:s17+$0x3800]  }
0x60: {  	v4 =	vld [tilespmem:s17+$0x3810]  }
0x61: {  	v5 =	vld [tilespmem:s17+$0x3820]  }
0x62: {  	v7 =	vld [tilespmem:s17+$0x3830];
	v6 =	vbroadcast v2, $0x0  }
0x63: {  	v8 =	vld [tilespmem:s17+$0x3840]  }
0x64: {  	v9 =	vld [tilespmem:s17+$0x3850];
	v3 =	vmul.f32 v6, v3  }
0x65: {  	v10 =	vld [tilespmem:s17+$0x3860];
	v4 =	vmul.f32 v4, v6  }
0x66: {  	v24 =	vld [tilespmem:s17+$0x3870];
	[tilespmem:s17+$0x3800] =	vst v3;
	v3 =	vmul.f32 v5, v6  }
0x67: {  	v26 =	vld [tilespmem:s17+$0x3880];
	v25 =	vmul.f32 v7, v6;
	[tilespmem:s17+$0x3810] =	vst v4  }
0x68: {  	v27 =	vld [tilespmem:s17+$0x3890];
	[tilespmem:s17+$0x3820] =	vst v3;
	v3 =	vmul.f32 v8, v6  }
0x69: {  	v29 =	vld [tilespmem:s17+$0x38A0];
	v28 =	vmul.f32 v9, v6;
	[tilespmem:s17+$0x3830] =	vst v25  }
0x6a: {  	v11 =	vld [tilespmem:s17+$0x38B0];
	v30 =	vbroadcast v2, $0x1;
	[tilespmem:s17+$0x3840] =	vst v3;
	v3 =	vmul.f32 v10, v6  }
0x6b: {  	v32 =	vld [tilespmem:s17+$0x38C0];
	v31 =	vmul.f32 v24, v6;
	[tilespmem:s17+$0x3850] =	vst v28  }
0x6c: {  	v33 =	vld [tilespmem:s17+$0x38D0];
	[tilespmem:s17+$0x3860] =	vst v3;
	v3 =	vmul.f32 v26, v30  }
0x6d: {  	v35 =	vld [tilespmem:s17+$0x38E0];
	v34 =	vmul.f32 v27, v30;
	[tilespmem:s17+$0x3870] =	vst v31  }
0x6e: {  	v36 =	vld [tilespmem:s17+$0x38F0];
	[tilespmem:s17+$0x3880] =	vst v3;
	v3 =	vmul.f32 v29, v30  }
0x6f: {  	v38 =	vld [tilespmem:s17+$0x3900];
	v37 =	vmul.f32 v11, v30;
	[tilespmem:s17+$0x3890] =	vst v34  }
0x70: {  	v39 =	vld [tilespmem:s17+$0x3910];
	[tilespmem:s17+$0x38A0] =	vst v3;
	v3 =	vmul.f32 v32, v30  }
0x71: {  	v41 =	vld [tilespmem:s17+$0x3920];
	v40 =	vmul.f32 v33, v30;
	[tilespmem:s17+$0x38B0] =	vst v37  }
0x72: {  	v43 =	vld [tilespmem:s17+$0x3930];
	v42 =	vbroadcast v2, $0x2;
	[tilespmem:s17+$0x38C0] =	vst v3;
	v3 =	vmul.f32 v35, v30  }
0x73: {  	v45 =	vld [tilespmem:s17+$0x3940];
	v44 =	vmul.f32 v36, v30;
	[tilespmem:s17+$0x38D0] =	vst v40  }
0x74: {  	v46 =	vld [tilespmem:s17+$0x3950];
	[tilespmem:s17+$0x38E0] =	vst v3;
	v3 =	vmul.f32 v38, v42  }
0x75: {  	v48 =	vld [tilespmem:s17+$0x3960];
	v47 =	vmul.f32 v39, v42;
	[tilespmem:s17+$0x38F0] =	vst v44  }
0x76: {  	v49 =	vld [tilespmem:s17+$0x3970];
	[tilespmem:s17+$0x3900] =	vst v3;
	v3 =	vmul.f32 v41, v42  }
0x77: {  	v51 =	vld [tilespmem:s17+$0x3980];
	v50 =	vmul.f32 v43, v42;
	[tilespmem:s17+$0x3910] =	vst v47  }
0x78: {  	v52 =	vld [tilespmem:s17+$0x3990];
	[tilespmem:s17+$0x3920] =	vst v3;
	v3 =	vmul.f32 v45, v42  }
0x79: {  	v54 =	vld [tilespmem:s17+$0x39A0];
	v53 =	vmul.f32 v46, v42;
	[tilespmem:s17+$0x3930] =	vst v50  }
0x7a: {  	v56 =	vld [tilespmem:s17+$0x39B0];
	v55 =	vbroadcast v2, $0x3;
	[tilespmem:s17+$0x3940] =	vst v3;
	v3 =	vmul.f32 v48, v42  }
0x7b: {  	v58 =	vld [tilespmem:s17+$0x39C0];
	v57 =	vmul.f32 v49, v42;
	[tilespmem:s17+$0x3950] =	vst v53  }
0x7c: {  	v59 =	vld [tilespmem:s17+$0x39D0];
	[tilespmem:s17+$0x3960] =	vst v3;
	v3 =	vmul.f32 v51, v55  }
0x7d: {  	v61 =	vld [tilespmem:s17+$0x39E0];
	v60 =	vmul.f32 v52, v55;
	[tilespmem:s17+$0x3970] =	vst v57  }
0x7e: {  	v62 =	vld [tilespmem:s17+$0x39F0];
	[tilespmem:s17+$0x3980] =	vst v3;
	v3 =	vmul.f32 v54, v55  }
0x7f: {  	v12 =	vld [tilespmem:s17+$0x3A00];
	v63 =	vmul.f32 v56, v55;
	[tilespmem:s17+$0x3990] =	vst v60  }
0x80: {  	v13 =	vld [tilespmem:s17+$0x3A10];
	[tilespmem:s17+$0x39A0] =	vst v3;
	v3 =	vmul.f32 v58, v55  }
0x81: {  	v15 =	vld [tilespmem:s17+$0x3A20];
	v14 =	vmul.f32 v59, v55;
	[tilespmem:s17+$0x39B0] =	vst v63  }
0x82: {  	v17 =	vld [tilespmem:s17+$0x3A30];
	v16 =	vbroadcast v2, $0x4;
	[tilespmem:s17+$0x39C0] =	vst v3;
	v3 =	vmul.f32 v61, v55  }
0x83: {  	v19 =	vld [tilespmem:s17+$0x3A40];
	v18 =	vmul.f32 v62, v55;
	[tilespmem:s17+$0x39D0] =	vst v14  }
0x84: {  	v20 =	vld [tilespmem:s17+$0x3A50];
	[tilespmem:s17+$0x39E0] =	vst v3;
	v3 =	vmul.f32 v12, v16  }
0x85: {  	v22 =	vld [tilespmem:s17+$0x3A60];
	v21 =	vmul.f32 v13, v16;
	[tilespmem:s17+$0x39F0] =	vst v18  }
0x86: {  	v23 =	vld [tilespmem:s17+$0x3A70];
	[tilespmem:s17+$0x3A00] =	vst v3;
	v3 =	vmul.f32 v15, v16  }
0x87: {  	v24 =	vmul.f32 v17, v16;
	[tilespmem:s17+$0x3A10] =	vst v21;
	v25 =	vld [tilespmem:s17+$0x3A80]  }
0x88: {  	v33 =	vld [tilespmem:s17+$0x3AD0];
	[tilespmem:s17+$0x3A20] =	vst v3;
	v3 =	vmul.f32 v19, v16  }
0x89: {  	v27 =	vmul.f32 v20, v16;
	[tilespmem:s17+$0x3A30] =	vst v24;
	v28 =	vld [tilespmem:s17+$0x3AA0]  }
0x8a: {  	v36 =	vld [tilespmem:s17+$0x3AF0];
	v29 =	vbroadcast v2, $0x5;
	[tilespmem:s17+$0x3A40] =	vst v3;
	v3 =	vmul.f32 v22, v16  }
0x8b: {  	[tilespmem:s17+$0x3A50] =	vst v27;
	v31 =	vmul.f32 v23, v16;
	v32 =	vld [tilespmem:s17+$0x3AC0]  }
0x8c: {  	v26 =	vld [tilespmem:s17+$0x3A90];
	[tilespmem:s17+$0x3A60] =	vst v3;
	v3 =	vmul.f32 v25, v29  }
0x8d: {  	[tilespmem:s17+$0x3A70] =	vst v31;
	v40 =	vmul.f32 v33, v29;
	v35 =	vld [tilespmem:s17+$0x3AE0]  }
0x8e: {  	v30 =	vld [tilespmem:s17+$0x3AB0];
	[tilespmem:s17+$0x3A80] =	vst v3;
	v3 =	vmul.f32 v28, v29  }
0x8f: {  	v44 =	vmul.f32 v36, v29;
	[tilespmem:s17+$0x3AD0] =	vst v40;
	v38 =	vld [tilespmem:s17+$0x3B00]  }
0x90: {  	v39 =	vld [tilespmem:s17+$0x3B10];
	[tilespmem:s17+$0x3AA0] =	vst v3;
	v3 =	vmul.f32 v32, v29  }
0x91: {  	v34 =	vmul.f32 v26, v29;
	[tilespmem:s17+$0x3AF0] =	vst v44;
	v41 =	vld [tilespmem:s17+$0x3B20]  }
0x92: {  	v43 =	vld [tilespmem:s17+$0x3B30];
	v42 =	vbroadcast v2, $0x6;
	[tilespmem:s17+$0x3AC0] =	vst v3;
	v3 =	vmul.f32 v35, v29  }
0x93: {  	[tilespmem:s17+$0x3A90] =	vst v34;
	v37 =	vmul.f32 v30, v29;
	v45 =	vld [tilespmem:s17+$0x3B40]  }
0x94: {  	v46 =	vld [tilespmem:s17+$0x3B50];
	[tilespmem:s17+$0x3AE0] =	vst v3;
	v3 =	vmul.f32 v38, v42  }
0x95: {  	[tilespmem:s17+$0x3AB0] =	vst v37;
	v48 =	vld [tilespmem:s17+$0x3B60];
	v47 =	vmul.f32 v39, v42  }
0x96: {  	v49 =	vld [tilespmem:s17+$0x3B70];
	[tilespmem:s17+$0x3B00] =	vst v3;
	v3 =	vmul.f32 v41, v42  }
0x97: {  	v50 =	vmul.f32 v43, v42;
	v51 =	vld [tilespmem:s17+$0x3B80];
	[tilespmem:s17+$0x3B10] =	vst v47  }
0x98: {  	v52 =	vld [tilespmem:s17+$0x3B90];
	[tilespmem:s17+$0x3B20] =	vst v3;
	v3 =	vmul.f32 v45, v42  }
0x99: {  	v53 =	vmul.f32 v46, v42;
	[tilespmem:s17+$0x3B30] =	vst v50;
	v54 =	vld [tilespmem:s17+$0x3BA0]  }
0x9a: {  	v56 =	vld [tilespmem:s17+$0x3BB0];
	v55 =	vbroadcast v2, $0x7;
	[tilespmem:s17+$0x3B40] =	vst v3;
	v3 =	vmul.f32 v48, v42  }
0x9b: {  	v57 =	vmul.f32 v49, v42;
	[tilespmem:s17+$0x3B50] =	vst v53;
	v58 =	vld [tilespmem:s17+$0x3BC0]  }
0x9c: {  	v59 =	vld [tilespmem:s17+$0x3BD0];
	[tilespmem:s17+$0x3B60] =	vst v3;
	v3 =	vmul.f32 v51, v55  }
0x9d: {  	[tilespmem:s17+$0x3B70] =	vst v57;
	v61 =	vld [tilespmem:s17+$0x3BE0];
	v60 =	vmul.f32 v52, v55  }
0x9e: {  	v62 =	vld [tilespmem:s17+$0x3BF0];
	[tilespmem:s17+$0x3B80] =	vst v3;
	v3 =	vmul.f32 v54, v55  }
0x9f: {  	v63 =	vmul.f32 v56, v55;
	v12 =	vld [tilespmem:s17+$0x3C00];
	[tilespmem:s17+$0x3B90] =	vst v60  }
0xa0: {  	v13 =	vld [tilespmem:s17+$0x3C10];
	[tilespmem:s17+$0x3BA0] =	vst v3;
	v3 =	vmul.f32 v58, v55  }
0xa1: {  	v14 =	vmul.f32 v59, v55;
	[tilespmem:s17+$0x3BB0] =	vst v63;
	v15 =	vld [tilespmem:s17+$0x3C20]  }
0xa2: {  	v17 =	vld [tilespmem:s17+$0x3C30];
	v16 =	vbroadcast v2, $0x8;
	[tilespmem:s17+$0x3BC0] =	vst v3;
	v3 =	vmul.f32 v61, v55  }
0xa3: {  	v18 =	vmul.f32 v62, v55;
	[tilespmem:s17+$0x3BD0] =	vst v14;
	v19 =	vld [tilespmem:s17+$0x3C40]  }
0xa4: {  	v20 =	vld [tilespmem:s17+$0x3C50];
	[tilespmem:s17+$0x3BE0] =	vst v3;
	v3 =	vmul.f32 v12, v16  }
0xa5: {  	[tilespmem:s17+$0x3BF0] =	vst v18;
	v22 =	vld [tilespmem:s17+$0x3C60];
	v21 =	vmul.f32 v13, v16  }
0xa6: {  	v23 =	vld [tilespmem:s17+$0x3C70];
	[tilespmem:s17+$0x3C00] =	vst v3;
	v3 =	vmul.f32 v15, v16  }
0xa7: {  	v24 =	vmul.f32 v17, v16;
	v25 =	vld [tilespmem:s17+$0x3C80];
	[tilespmem:s17+$0x3C10] =	vst v21  }
0xa8: {  	v26 =	vld [tilespmem:s17+$0x3C90];
	[tilespmem:s17+$0x3C20] =	vst v3;
	v3 =	vmul.f32 v19, v16  }
0xa9: {  	v27 =	vmul.f32 v20, v16;
	[tilespmem:s17+$0x3C30] =	vst v24;
	v28 =	vld [tilespmem:s17+$0x3CA0]  }
0xaa: {  	v30 =	vld [tilespmem:s17+$0x3CB0];
	v29 =	vbroadcast v2, $0x9;
	[tilespmem:s17+$0x3C40] =	vst v3;
	v3 =	vmul.f32 v22, v16  }
0xab: {  	v31 =	vmul.f32 v23, v16;
	[tilespmem:s17+$0x3C50] =	vst v27;
	v32 =	vld [tilespmem:s17+$0x3CC0]  }
0xac: {  	v33 =	vld [tilespmem:s17+$0x3CD0];
	[tilespmem:s17+$0x3C60] =	vst v3;
	v3 =	vmul.f32 v25, v29  }
0xad: {  	[tilespmem:s17+$0x3C70] =	vst v31;
	v35 =	vld [tilespmem:s17+$0x3CE0];
	v34 =	vmul.f32 v26, v29  }
0xae: {  	v36 =	vld [tilespmem:s17+$0x3CF0];
	[tilespmem:s17+$0x3C80] =	vst v3;
	v3 =	vmul.f32 v28, v29  }
0xaf: {  	v37 =	vmul.f32 v30, v29;
	v38 =	vld [tilespmem:s17+$0x3D00];
	[tilespmem:s17+$0x3C90] =	vst v34  }
0xb0: {  	v39 =	vld [tilespmem:s17+$0x3D10];
	[tilespmem:s17+$0x3CA0] =	vst v3;
	v3 =	vmul.f32 v32, v29  }
0xb1: {  	v40 =	vmul.f32 v33, v29;
	[tilespmem:s17+$0x3CB0] =	vst v37;
	v41 =	vld [tilespmem:s17+$0x3D20]  }
0xb2: {  	v43 =	vld [tilespmem:s17+$0x3D30];
	v42 =	vbroadcast v2, $0xA;
	[tilespmem:s17+$0x3CC0] =	vst v3;
	v3 =	vmul.f32 v35, v29  }
0xb3: {  	v44 =	vmul.f32 v36, v29;
	[tilespmem:s17+$0x3CD0] =	vst v40;
	v45 =	vld [tilespmem:s17+$0x3D40]  }
0xb4: {  	v46 =	vld [tilespmem:s17+$0x3D50];
	[tilespmem:s17+$0x3CE0] =	vst v3;
	v3 =	vmul.f32 v38, v42  }
0xb5: {  	[tilespmem:s17+$0x3CF0] =	vst v44;
	v48 =	vld [tilespmem:s17+$0x3D60];
	v47 =	vmul.f32 v39, v42  }
0xb6: {  	v49 =	vld [tilespmem:s17+$0x3D70];
	[tilespmem:s17+$0x3D00] =	vst v3;
	v3 =	vmul.f32 v41, v42  }
0xb7: {  	v50 =	vmul.f32 v43, v42;
	v51 =	vld [tilespmem:s17+$0x3D80];
	[tilespmem:s17+$0x3D10] =	vst v47  }
0xb8: {  	v52 =	vld [tilespmem:s17+$0x3D90];
	[tilespmem:s17+$0x3D20] =	vst v3;
	v3 =	vmul.f32 v45, v42  }
0xb9: {  	v53 =	vmul.f32 v46, v42;
	[tilespmem:s17+$0x3D30] =	vst v50;
	v54 =	vld [tilespmem:s17+$0x3DA0]  }
0xba: {  	v56 =	vld [tilespmem:s17+$0x3DB0];
	v55 =	vbroadcast v2, $0xB;
	[tilespmem:s17+$0x3D40] =	vst v3;
	v3 =	vmul.f32 v48, v42  }
0xbb: {  	v57 =	vmul.f32 v49, v42;
	[tilespmem:s17+$0x3D50] =	vst v53;
	v58 =	vld [tilespmem:s17+$0x3DC0]  }
0xbc: {  	v59 =	vld [tilespmem:s17+$0x3DD0];
	[tilespmem:s17+$0x3D60] =	vst v3;
	v3 =	vmul.f32 v51, v55  }
0xbd: {  	[tilespmem:s17+$0x3D70] =	vst v57;
	v61 =	vld [tilespmem:s17+$0x3DE0];
	v60 =	vmul.f32 v52, v55  }
0xbe: {  	v62 =	vld [tilespmem:s17+$0x3DF0];
	[tilespmem:s17+$0x3D80] =	vst v3;
	v3 =	vmul.f32 v54, v55  }
0xbf: {  	v63 =	vmul.f32 v56, v55;
	v12 =	vld [tilespmem:s17+$0x3E00];
	[tilespmem:s17+$0x3D90] =	vst v60  }
0xc0: {  	v13 =	vld [tilespmem:s17+$0x3E10];
	[tilespmem:s17+$0x3DA0] =	vst v3;
	v3 =	vmul.f32 v58, v55  }
0xc1: {  	v14 =	vmul.f32 v59, v55;
	[tilespmem:s17+$0x3DB0] =	vst v63;
	v15 =	vld [tilespmem:s17+$0x3E20]  }
0xc2: {  	v17 =	vld [tilespmem:s17+$0x3E30];
	v16 =	vbroadcast v2, $0xC;
	[tilespmem:s17+$0x3DC0] =	vst v3;
	v3 =	vmul.f32 v61, v55  }
0xc3: {  	v18 =	vmul.f32 v62, v55;
	[tilespmem:s17+$0x3DD0] =	vst v14;
	v19 =	vld [tilespmem:s17+$0x3E40]  }
0xc4: {  	v20 =	vld [tilespmem:s17+$0x3E50];
	[tilespmem:s17+$0x3DE0] =	vst v3;
	v3 =	vmul.f32 v12, v16  }
0xc5: {  	[tilespmem:s17+$0x3DF0] =	vst v18;
	v22 =	vld [tilespmem:s17+$0x3E60];
	v21 =	vmul.f32 v13, v16  }
0xc6: {  	v23 =	vld [tilespmem:s17+$0x3E70];
	[tilespmem:s17+$0x3E00] =	vst v3;
	v3 =	vmul.f32 v15, v16  }
0xc7: {  	v24 =	vmul.f32 v17, v16;
	v25 =	vld [tilespmem:s17+$0x3E80];
	[tilespmem:s17+$0x3E10] =	vst v21  }
0xc8: {  	v26 =	vld [tilespmem:s17+$0x3E90];
	[tilespmem:s17+$0x3E20] =	vst v3;
	v3 =	vmul.f32 v19, v16  }
0xc9: {  	v27 =	vmul.f32 v20, v16;
	[tilespmem:s17+$0x3E30] =	vst v24;
	v28 =	vld [tilespmem:s17+$0x3EA0]  }
0xca: {  	v30 =	vld [tilespmem:s17+$0x3EB0];
	v29 =	vbroadcast v2, $0xD;
	[tilespmem:s17+$0x3E40] =	vst v3;
	v3 =	vmul.f32 v22, v16  }
0xcb: {  	v31 =	vmul.f32 v23, v16;
	[tilespmem:s17+$0x3E50] =	vst v27;
	v32 =	vld [tilespmem:s17+$0x3EC0]  }
0xcc: {  	v33 =	vld [tilespmem:s17+$0x3ED0];
	[tilespmem:s17+$0x3E60] =	vst v3;
	v3 =	vmul.f32 v25, v29  }
0xcd: {  	[tilespmem:s17+$0x3E70] =	vst v31;
	v35 =	vld [tilespmem:s17+$0x3EE0];
	v34 =	vmul.f32 v26, v29  }
0xce: {  	v36 =	vld [tilespmem:s17+$0x3EF0];
	[tilespmem:s17+$0x3E80] =	vst v3;
	v3 =	vmul.f32 v28, v29  }
0xcf: {  	v37 =	vmul.f32 v30, v29;
	v38 =	vld [tilespmem:s17+$0x3F00];
	[tilespmem:s17+$0x3E90] =	vst v34  }
0xd0: {  	v39 =	vld [tilespmem:s17+$0x3F10];
	[tilespmem:s17+$0x3EA0] =	vst v3;
	v3 =	vmul.f32 v32, v29  }
0xd1: {  	v40 =	vmul.f32 v33, v29;
	[tilespmem:s17+$0x3EB0] =	vst v37;
	v41 =	vld [tilespmem:s17+$0x3F20]  }
0xd2: {  	v43 =	vld [tilespmem:s17+$0x3F30];
	v42 =	vbroadcast v2, $0xE;
	[tilespmem:s17+$0x3EC0] =	vst v3;
	v3 =	vmul.f32 v35, v29  }
0xd3: {  	v44 =	vmul.f32 v36, v29;
	[tilespmem:s17+$0x3ED0] =	vst v40;
	v45 =	vld [tilespmem:s17+$0x3F40]  }
0xd4: {  	v46 =	vld [tilespmem:s17+$0x3F50];
	[tilespmem:s17+$0x3EE0] =	vst v3;
	v3 =	vmul.f32 v38, v42  }
0xd5: {  	[tilespmem:s17+$0x3EF0] =	vst v44;
	v48 =	vld [tilespmem:s17+$0x3F60];
	v47 =	vmul.f32 v39, v42  }
0xd6: {  	v49 =	vld [tilespmem:s17+$0x3F70];
	[tilespmem:s17+$0x3F00] =	vst v3;
	v3 =	vmul.f32 v41, v42  }
0xd7: {  	v50 =	vmul.f32 v43, v42;
	v51 =	vld [tilespmem:s17+$0x3F80];
	[tilespmem:s17+$0x3F10] =	vst v47  }
0xd8: {  	v52 =	vld [tilespmem:s17+$0x3F90];
	[tilespmem:s17+$0x3F20] =	vst v3;
	v3 =	vmul.f32 v45, v42  }
0xd9: {  	v53 =	vmul.f32 v46, v42;
	[tilespmem:s17+$0x3F30] =	vst v50;
	v54 =	vld [tilespmem:s17+$0x3FA0]  }
0xda: {  	v2 =	vbroadcast v2, $0xF;
	v58 =	vld [tilespmem:s17+$0x3FD0];
	[tilespmem:s17+$0x3F40] =	vst v3;
	v3 =	vmul.f32 v48, v42  }
0xdb: {  	v57 =	vld [tilespmem:s17+$0x3FC0];
	v56 =	vmul.f32 v49, v42;
	[tilespmem:s17+$0x3F50] =	vst v53  }
0xdc: {  	v55 =	vld [tilespmem:s17+$0x3FB0];
	[tilespmem:s17+$0x3F60] =	vst v3;
	v3 =	vmul.f32 v51, v2  }
0xdd: {  	v60 =	vld [tilespmem:s17+$0x3FE0];
	v59 =	vmul.f32 v52, v2;
	[tilespmem:s17+$0x3F70] =	vst v56  }
0xde: {  	v61 =	vld [tilespmem:s17+$0x3FF0];
	[tilespmem:s17+$0x3F80] =	vst v3;
	v3 =	vmul.f32 v54, v2  }
0xdf: {  	[tilespmem:s17+$0x3F90] =	vst v59;
	v63 =	vmul.f32 v58, v2  }
0xe0: {  	p0 =	sne.s32 s16, $0x7;
	[tilespmem:s17+$0x3FA0] =	vst v3;
	v3 =	vmul.f32 v57, v2  }
.Ltmp1:
0xe1: {  	v62 =	vmul.f32 v55, v2;
	[tilespmem:s17+$0x3FD0] =	vst v63;
	(pc) =	sbr.rel @p0 .LBB2_6-.Ltmp1, $4  }
0xe2: {  	[tilespmem:s17+$0x3FC0] =	vst v3;
	v3 =	vmul.f32 v60, v2  }
0xe3: {  	[tilespmem:s17+$0x3FB0] =	vst v62;
	v2 =	vmul.f32 v61, v2  }
0xe4: {  	[tilespmem:s17+$0x3FE0] =	vst v3  }
0xe5: {  	s16 =	sadd.s32 $0x1, s16;
	[tilespmem:s17+$0x3FF0] =	vst v2  }
0xe6: {  	_ =	swait.ge [sflag:s24], $0x4000  }
0xe7: {  	[sflag:s24] =	ssyncset.done $0x0  }
0xe8: {  	s15 =	sadd.s32 $0x2800, s15;
	s8 =	sor.u32 $0x1, s8;
	[sflag:s24] =	ssyncadd.s32 $0xFFFFC000  }
0xe9: {  	[spmem:s3] =	stream.indirect.scatter.add.f32 [tilespmem:s22], [sflag:$0x2], $0x80, s15, s23, $0xb8;
	[tilespmem:$0x1F800] =	vst v63  }
0xea: {  	s15 =	sor.u32 s2, s8  }
0xeb: {  	s8 =	sshll.u32 s8, $0x9;
	p0 =	sgt.u32 s15, $0x4E  }
0xec: {  	_ =	swait.ge [sflag:s21], $0x4000;
	s8 =	sshrl.u32 s8, $0x2;
	s15 =	sshll.u32 @!p0 s15, $0x7  }
0xed: {  	[sflag:s21] =	ssyncset.done $0x0;
	s16 =	simm.s32 @!p0 $0x80;
	s15 =	sand.u32 @!p0 $0x3FFFFF80, s15  }
0xee: {  	s17 =	simm.s32 @!p0 $0x3800;
	[sflag:s21] =	ssyncadd.s32 $0xFFFFC000;
	s15 =	sadd.s32 @!p0 $0x80, s15  }
0xef: {  	[tilespmem:s17], [sflag:$0x1] =	stream.indirect.gather @!p0 [hbm4b:s1+s16], $0x80, s15, s16, $0xb8;
	[tilespmem:$0x1F800] =	vst v63  }
0xf0: {  	s17 =	sadd.s32 $0x3000, s8  }
0xf1: {  	v1 =	vmov s17;
	_ =	sdelay $0x1  }
0xf2: {  	s15 =	simm.s32 $0x0  }
.LBB2_8:
0xf3: {  	s16 =	sshll.u32 s15, $0x4  }
0xf4: {  	s16 =	sand.u32 $0x3FFFFFF0, s16  }
0xf5: {  	s17 =	sshll.u32 s15, $0xB;
	v2 =	vld.idx.msk [tilespmem:v1+s16+$0x0 ss:$0x1], $0xffff  }
0xf6: {  	s16 =	sand.u32 $0x3FFFF800, s17  }
0xf7: {  	v3 =	vld [tilespmem:s16+$0x7800]  }
0xf8: {  	v4 =	vld [tilespmem:s16+$0x7810]  }
0xf9: {  	v5 =	vld [tilespmem:s16+$0x7820]  }
0xfa: {  	v7 =	vld [tilespmem:s16+$0x7830];
	v6 =	vbroadcast v2, $0x0  }
0xfb: {  	v8 =	vld [tilespmem:s16+$0x7840]  }
0xfc: {  	v9 =	vld [tilespmem:s16+$0x7850];
	v3 =	vmul.f32 v6, v3  }
0xfd: {  	v10 =	vld [tilespmem:s16+$0x7860];
	v4 =	vmul.f32 v4, v6  }
0xfe: {  	v24 =	vld [tilespmem:s16+$0x7870];
	[tilespmem:s16+$0x7800] =	vst v3;
	v3 =	vmul.f32 v5, v6  }
0xff: {  	v26 =	vld [tilespmem:s16+$0x7880];
	v25 =	vmul.f32 v7, v6;
	[tilespmem:s16+$0x7810] =	vst v4  }
0x100: {  	v27 =	vld [tilespmem:s16+$0x7890];
	[tilespmem:s16+$0x7820] =	vst v3;
	v3 =	vmul.f32 v8, v6  }
0x101: {  	v29 =	vld [tilespmem:s16+$0x78A0];
	v28 =	vmul.f32 v9, v6;
	[tilespmem:s16+$0x7830] =	vst v25  }
0x102: {  	v11 =	vld [tilespmem:s16+$0x78B0];
	v30 =	vbroadcast v2, $0x1;
	[tilespmem:s16+$0x7840] =	vst v3;
	v3 =	vmul.f32 v10, v6  }
0x103: {  	v32 =	vld [tilespmem:s16+$0x78C0];
	v31 =	vmul.f32 v24, v6;
	[tilespmem:s16+$0x7850] =	vst v28  }
0x104: {  	v33 =	vld [tilespmem:s16+$0x78D0];
	[tilespmem:s16+$0x7860] =	vst v3;
	v3 =	vmul.f32 v26, v30  }
0x105: {  	v35 =	vld [tilespmem:s16+$0x78E0];
	v34 =	vmul.f32 v27, v30;
	[tilespmem:s16+$0x7870] =	vst v31  }
0x106: {  	v36 =	vld [tilespmem:s16+$0x78F0];
	[tilespmem:s16+$0x7880] =	vst v3;
	v3 =	vmul.f32 v29, v30  }
0x107: {  	v38 =	vld [tilespmem:s16+$0x7900];
	v37 =	vmul.f32 v11, v30;
	[tilespmem:s16+$0x7890] =	vst v34  }
0x108: {  	v39 =	vld [tilespmem:s16+$0x7910];
	[tilespmem:s16+$0x78A0] =	vst v3;
	v3 =	vmul.f32 v32, v30  }
0x109: {  	v41 =	vld [tilespmem:s16+$0x7920];
	v40 =	vmul.f32 v33, v30;
	[tilespmem:s16+$0x78B0] =	vst v37  }
0x10a: {  	v43 =	vld [tilespmem:s16+$0x7930];
	v42 =	vbroadcast v2, $0x2;
	[tilespmem:s16+$0x78C0] =	vst v3;
	v3 =	vmul.f32 v35, v30  }
0x10b: {  	v45 =	vld [tilespmem:s16+$0x7940];
	v44 =	vmul.f32 v36, v30;
	[tilespmem:s16+$0x78D0] =	vst v40  }
0x10c: {  	v46 =	vld [tilespmem:s16+$0x7950];
	[tilespmem:s16+$0x78E0] =	vst v3;
	v3 =	vmul.f32 v38, v42  }
0x10d: {  	v48 =	vld [tilespmem:s16+$0x7960];
	v47 =	vmul.f32 v39, v42;
	[tilespmem:s16+$0x78F0] =	vst v44  }
0x10e: {  	v49 =	vld [tilespmem:s16+$0x7970];
	[tilespmem:s16+$0x7900] =	vst v3;
	v3 =	vmul.f32 v41, v42  }
0x10f: {  	v51 =	vld [tilespmem:s16+$0x7980];
	v50 =	vmul.f32 v43, v42;
	[tilespmem:s16+$0x7910] =	vst v47  }
0x110: {  	v52 =	vld [tilespmem:s16+$0x7990];
	[tilespmem:s16+$0x7920] =	vst v3;
	v3 =	vmul.f32 v45, v42  }
0x111: {  	v54 =	vld [tilespmem:s16+$0x79A0];
	v53 =	vmul.f32 v46, v42;
	[tilespmem:s16+$0x7930] =	vst v50  }
0x112: {  	v56 =	vld [tilespmem:s16+$0x79B0];
	v55 =	vbroadcast v2, $0x3;
	[tilespmem:s16+$0x7940] =	vst v3;
	v3 =	vmul.f32 v48, v42  }
0x113: {  	v58 =	vld [tilespmem:s16+$0x79C0];
	v57 =	vmul.f32 v49, v42;
	[tilespmem:s16+$0x7950] =	vst v53  }
0x114: {  	v59 =	vld [tilespmem:s16+$0x79D0];
	[tilespmem:s16+$0x7960] =	vst v3;
	v3 =	vmul.f32 v51, v55  }
0x115: {  	v61 =	vld [tilespmem:s16+$0x79E0];
	v60 =	vmul.f32 v52, v55;
	[tilespmem:s16+$0x7970] =	vst v57  }
0x116: {  	v62 =	vld [tilespmem:s16+$0x79F0];
	[tilespmem:s16+$0x7980] =	vst v3;
	v3 =	vmul.f32 v54, v55  }
0x117: {  	v12 =	vld [tilespmem:s16+$0x7A00];
	v63 =	vmul.f32 v56, v55;
	[tilespmem:s16+$0x7990] =	vst v60  }
0x118: {  	v13 =	vld [tilespmem:s16+$0x7A10];
	[tilespmem:s16+$0x79A0] =	vst v3;
	v3 =	vmul.f32 v58, v55  }
0x119: {  	v15 =	vld [tilespmem:s16+$0x7A20];
	v14 =	vmul.f32 v59, v55;
	[tilespmem:s16+$0x79B0] =	vst v63  }
0x11a: {  	v17 =	vld [tilespmem:s16+$0x7A30];
	v16 =	vbroadcast v2, $0x4;
	[tilespmem:s16+$0x79C0] =	vst v3;
	v3 =	vmul.f32 v61, v55  }
0x11b: {  	v19 =	vld [tilespmem:s16+$0x7A40];
	v18 =	vmul.f32 v62, v55;
	[tilespmem:s16+$0x79D0] =	vst v14  }
0x11c: {  	v20 =	vld [tilespmem:s16+$0x7A50];
	[tilespmem:s16+$0x79E0] =	vst v3;
	v3 =	vmul.f32 v12, v16  }
0x11d: {  	v22 =	vld [tilespmem:s16+$0x7A60];
	v21 =	vmul.f32 v13, v16;
	[tilespmem:s16+$0x79F0] =	vst v18  }
0x11e: {  	v23 =	vld [tilespmem:s16+$0x7A70];
	[tilespmem:s16+$0x7A00] =	vst v3;
	v3 =	vmul.f32 v15, v16  }
0x11f: {  	v24 =	vmul.f32 v17, v16;
	[tilespmem:s16+$0x7A10] =	vst v21;
	v25 =	vld [tilespmem:s16+$0x7A80]  }
0x120: {  	v33 =	vld [tilespmem:s16+$0x7AD0];
	[tilespmem:s16+$0x7A20] =	vst v3;
	v3 =	vmul.f32 v19, v16  }
0x121: {  	v27 =	vmul.f32 v20, v16;
	[tilespmem:s16+$0x7A30] =	vst v24;
	v28 =	vld [tilespmem:s16+$0x7AA0]  }
0x122: {  	v36 =	vld [tilespmem:s16+$0x7AF0];
	v29 =	vbroadcast v2, $0x5;
	[tilespmem:s16+$0x7A40] =	vst v3;
	v3 =	vmul.f32 v22, v16  }
0x123: {  	[tilespmem:s16+$0x7A50] =	vst v27;
	v31 =	vmul.f32 v23, v16;
	v32 =	vld [tilespmem:s16+$0x7AC0]  }
0x124: {  	v26 =	vld [tilespmem:s16+$0x7A90];
	[tilespmem:s16+$0x7A60] =	vst v3;
	v3 =	vmul.f32 v25, v29  }
0x125: {  	[tilespmem:s16+$0x7A70] =	vst v31;
	v40 =	vmul.f32 v33, v29;
	v35 =	vld [tilespmem:s16+$0x7AE0]  }
0x126: {  	v30 =	vld [tilespmem:s16+$0x7AB0];
	[tilespmem:s16+$0x7A80] =	vst v3;
	v3 =	vmul.f32 v28, v29  }
0x127: {  	v44 =	vmul.f32 v36, v29;
	[tilespmem:s16+$0x7AD0] =	vst v40;
	v38 =	vld [tilespmem:s16+$0x7B00]  }
0x128: {  	v39 =	vld [tilespmem:s16+$0x7B10];
	[tilespmem:s16+$0x7AA0] =	vst v3;
	v3 =	vmul.f32 v32, v29  }
0x129: {  	v34 =	vmul.f32 v26, v29;
	[tilespmem:s16+$0x7AF0] =	vst v44;
	v41 =	vld [tilespmem:s16+$0x7B20]  }
0x12a: {  	v43 =	vld [tilespmem:s16+$0x7B30];
	v42 =	vbroadcast v2, $0x6;
	[tilespmem:s16+$0x7AC0] =	vst v3;
	v3 =	vmul.f32 v35, v29  }
0x12b: {  	[tilespmem:s16+$0x7A90] =	vst v34;
	v37 =	vmul.f32 v30, v29;
	v45 =	vld [tilespmem:s16+$0x7B40]  }
0x12c: {  	v46 =	vld [tilespmem:s16+$0x7B50];
	[tilespmem:s16+$0x7AE0] =	vst v3;
	v3 =	vmul.f32 v38, v42  }
0x12d: {  	[tilespmem:s16+$0x7AB0] =	vst v37;
	v48 =	vld [tilespmem:s16+$0x7B60];
	v47 =	vmul.f32 v39, v42  }
0x12e: {  	v49 =	vld [tilespmem:s16+$0x7B70];
	[tilespmem:s16+$0x7B00] =	vst v3;
	v3 =	vmul.f32 v41, v42  }
0x12f: {  	v50 =	vmul.f32 v43, v42;
	v51 =	vld [tilespmem:s16+$0x7B80];
	[tilespmem:s16+$0x7B10] =	vst v47  }
0x130: {  	v52 =	vld [tilespmem:s16+$0x7B90];
	[tilespmem:s16+$0x7B20] =	vst v3;
	v3 =	vmul.f32 v45, v42  }
0x131: {  	v53 =	vmul.f32 v46, v42;
	[tilespmem:s16+$0x7B30] =	vst v50;
	v54 =	vld [tilespmem:s16+$0x7BA0]  }
0x132: {  	v56 =	vld [tilespmem:s16+$0x7BB0];
	v55 =	vbroadcast v2, $0x7;
	[tilespmem:s16+$0x7B40] =	vst v3;
	v3 =	vmul.f32 v48, v42  }
0x133: {  	v57 =	vmul.f32 v49, v42;
	[tilespmem:s16+$0x7B50] =	vst v53;
	v58 =	vld [tilespmem:s16+$0x7BC0]  }
0x134: {  	v59 =	vld [tilespmem:s16+$0x7BD0];
	[tilespmem:s16+$0x7B60] =	vst v3;
	v3 =	vmul.f32 v51, v55  }
0x135: {  	[tilespmem:s16+$0x7B70] =	vst v57;
	v61 =	vld [tilespmem:s16+$0x7BE0];
	v60 =	vmul.f32 v52, v55  }
0x136: {  	v62 =	vld [tilespmem:s16+$0x7BF0];
	[tilespmem:s16+$0x7B80] =	vst v3;
	v3 =	vmul.f32 v54, v55  }
0x137: {  	v63 =	vmul.f32 v56, v55;
	v12 =	vld [tilespmem:s16+$0x7C00];
	[tilespmem:s16+$0x7B90] =	vst v60  }
0x138: {  	v13 =	vld [tilespmem:s16+$0x7C10];
	[tilespmem:s16+$0x7BA0] =	vst v3;
	v3 =	vmul.f32 v58, v55  }
0x139: {  	v14 =	vmul.f32 v59, v55;
	[tilespmem:s16+$0x7BB0] =	vst v63;
	v15 =	vld [tilespmem:s16+$0x7C20]  }
0x13a: {  	v17 =	vld [tilespmem:s16+$0x7C30];
	v16 =	vbroadcast v2, $0x8;
	[tilespmem:s16+$0x7BC0] =	vst v3;
	v3 =	vmul.f32 v61, v55  }
0x13b: {  	v18 =	vmul.f32 v62, v55;
	[tilespmem:s16+$0x7BD0] =	vst v14;
	v19 =	vld [tilespmem:s16+$0x7C40]  }
0x13c: {  	v20 =	vld [tilespmem:s16+$0x7C50];
	[tilespmem:s16+$0x7BE0] =	vst v3;
	v3 =	vmul.f32 v12, v16  }
0x13d: {  	[tilespmem:s16+$0x7BF0] =	vst v18;
	v22 =	vld [tilespmem:s16+$0x7C60];
	v21 =	vmul.f32 v13, v16  }
0x13e: {  	v23 =	vld [tilespmem:s16+$0x7C70];
	[tilespmem:s16+$0x7C00] =	vst v3;
	v3 =	vmul.f32 v15, v16  }
0x13f: {  	v24 =	vmul.f32 v17, v16;
	v25 =	vld [tilespmem:s16+$0x7C80];
	[tilespmem:s16+$0x7C10] =	vst v21  }
0x140: {  	v26 =	vld [tilespmem:s16+$0x7C90];
	[tilespmem:s16+$0x7C20] =	vst v3;
	v3 =	vmul.f32 v19, v16  }
0x141: {  	v27 =	vmul.f32 v20, v16;
	[tilespmem:s16+$0x7C30] =	vst v24;
	v28 =	vld [tilespmem:s16+$0x7CA0]  }
0x142: {  	v30 =	vld [tilespmem:s16+$0x7CB0];
	v29 =	vbroadcast v2, $0x9;
	[tilespmem:s16+$0x7C40] =	vst v3;
	v3 =	vmul.f32 v22, v16  }
0x143: {  	v31 =	vmul.f32 v23, v16;
	[tilespmem:s16+$0x7C50] =	vst v27;
	v32 =	vld [tilespmem:s16+$0x7CC0]  }
0x144: {  	v33 =	vld [tilespmem:s16+$0x7CD0];
	[tilespmem:s16+$0x7C60] =	vst v3;
	v3 =	vmul.f32 v25, v29  }
0x145: {  	[tilespmem:s16+$0x7C70] =	vst v31;
	v35 =	vld [tilespmem:s16+$0x7CE0];
	v34 =	vmul.f32 v26, v29  }
0x146: {  	v36 =	vld [tilespmem:s16+$0x7CF0];
	[tilespmem:s16+$0x7C80] =	vst v3;
	v3 =	vmul.f32 v28, v29  }
0x147: {  	v37 =	vmul.f32 v30, v29;
	v38 =	vld [tilespmem:s16+$0x7D00];
	[tilespmem:s16+$0x7C90] =	vst v34  }
0x148: {  	v39 =	vld [tilespmem:s16+$0x7D10];
	[tilespmem:s16+$0x7CA0] =	vst v3;
	v3 =	vmul.f32 v32, v29  }
0x149: {  	v40 =	vmul.f32 v33, v29;
	[tilespmem:s16+$0x7CB0] =	vst v37;
	v41 =	vld [tilespmem:s16+$0x7D20]  }
0x14a: {  	v43 =	vld [tilespmem:s16+$0x7D30];
	v42 =	vbroadcast v2, $0xA;
	[tilespmem:s16+$0x7CC0] =	vst v3;
	v3 =	vmul.f32 v35, v29  }
0x14b: {  	v44 =	vmul.f32 v36, v29;
	[tilespmem:s16+$0x7CD0] =	vst v40;
	v45 =	vld [tilespmem:s16+$0x7D40]  }
0x14c: {  	v46 =	vld [tilespmem:s16+$0x7D50];
	[tilespmem:s16+$0x7CE0] =	vst v3;
	v3 =	vmul.f32 v38, v42  }
0x14d: {  	[tilespmem:s16+$0x7CF0] =	vst v44;
	v48 =	vld [tilespmem:s16+$0x7D60];
	v47 =	vmul.f32 v39, v42  }
0x14e: {  	v49 =	vld [tilespmem:s16+$0x7D70];
	[tilespmem:s16+$0x7D00] =	vst v3;
	v3 =	vmul.f32 v41, v42  }
0x14f: {  	v50 =	vmul.f32 v43, v42;
	v51 =	vld [tilespmem:s16+$0x7D80];
	[tilespmem:s16+$0x7D10] =	vst v47  }
0x150: {  	v52 =	vld [tilespmem:s16+$0x7D90];
	[tilespmem:s16+$0x7D20] =	vst v3;
	v3 =	vmul.f32 v45, v42  }
0x151: {  	v53 =	vmul.f32 v46, v42;
	[tilespmem:s16+$0x7D30] =	vst v50;
	v54 =	vld [tilespmem:s16+$0x7DA0]  }
0x152: {  	v56 =	vld [tilespmem:s16+$0x7DB0];
	v55 =	vbroadcast v2, $0xB;
	[tilespmem:s16+$0x7D40] =	vst v3;
	v3 =	vmul.f32 v48, v42  }
0x153: {  	v57 =	vmul.f32 v49, v42;
	[tilespmem:s16+$0x7D50] =	vst v53;
	v58 =	vld [tilespmem:s16+$0x7DC0]  }
0x154: {  	v59 =	vld [tilespmem:s16+$0x7DD0];
	[tilespmem:s16+$0x7D60] =	vst v3;
	v3 =	vmul.f32 v51, v55  }
0x155: {  	[tilespmem:s16+$0x7D70] =	vst v57;
	v61 =	vld [tilespmem:s16+$0x7DE0];
	v60 =	vmul.f32 v52, v55  }
0x156: {  	v62 =	vld [tilespmem:s16+$0x7DF0];
	[tilespmem:s16+$0x7D80] =	vst v3;
	v3 =	vmul.f32 v54, v55  }
0x157: {  	v63 =	vmul.f32 v56, v55;
	v12 =	vld [tilespmem:s16+$0x7E00];
	[tilespmem:s16+$0x7D90] =	vst v60  }
0x158: {  	v13 =	vld [tilespmem:s16+$0x7E10];
	[tilespmem:s16+$0x7DA0] =	vst v3;
	v3 =	vmul.f32 v58, v55  }
0x159: {  	v14 =	vmul.f32 v59, v55;
	[tilespmem:s16+$0x7DB0] =	vst v63;
	v15 =	vld [tilespmem:s16+$0x7E20]  }
0x15a: {  	v17 =	vld [tilespmem:s16+$0x7E30];
	v16 =	vbroadcast v2, $0xC;
	[tilespmem:s16+$0x7DC0] =	vst v3;
	v3 =	vmul.f32 v61, v55  }
0x15b: {  	v18 =	vmul.f32 v62, v55;
	[tilespmem:s16+$0x7DD0] =	vst v14;
	v19 =	vld [tilespmem:s16+$0x7E40]  }
0x15c: {  	v20 =	vld [tilespmem:s16+$0x7E50];
	[tilespmem:s16+$0x7DE0] =	vst v3;
	v3 =	vmul.f32 v12, v16  }
0x15d: {  	[tilespmem:s16+$0x7DF0] =	vst v18;
	v22 =	vld [tilespmem:s16+$0x7E60];
	v21 =	vmul.f32 v13, v16  }
0x15e: {  	v23 =	vld [tilespmem:s16+$0x7E70];
	[tilespmem:s16+$0x7E00] =	vst v3;
	v3 =	vmul.f32 v15, v16  }
0x15f: {  	v24 =	vmul.f32 v17, v16;
	v25 =	vld [tilespmem:s16+$0x7E80];
	[tilespmem:s16+$0x7E10] =	vst v21  }
0x160: {  	v26 =	vld [tilespmem:s16+$0x7E90];
	[tilespmem:s16+$0x7E20] =	vst v3;
	v3 =	vmul.f32 v19, v16  }
0x161: {  	v27 =	vmul.f32 v20, v16;
	[tilespmem:s16+$0x7E30] =	vst v24;
	v28 =	vld [tilespmem:s16+$0x7EA0]  }
0x162: {  	v30 =	vld [tilespmem:s16+$0x7EB0];
	v29 =	vbroadcast v2, $0xD;
	[tilespmem:s16+$0x7E40] =	vst v3;
	v3 =	vmul.f32 v22, v16  }
0x163: {  	v31 =	vmul.f32 v23, v16;
	[tilespmem:s16+$0x7E50] =	vst v27;
	v32 =	vld [tilespmem:s16+$0x7EC0]  }
0x164: {  	v33 =	vld [tilespmem:s16+$0x7ED0];
	[tilespmem:s16+$0x7E60] =	vst v3;
	v3 =	vmul.f32 v25, v29  }
0x165: {  	[tilespmem:s16+$0x7E70] =	vst v31;
	v35 =	vld [tilespmem:s16+$0x7EE0];
	v34 =	vmul.f32 v26, v29  }
0x166: {  	v36 =	vld [tilespmem:s16+$0x7EF0];
	[tilespmem:s16+$0x7E80] =	vst v3;
	v3 =	vmul.f32 v28, v29  }
0x167: {  	v37 =	vmul.f32 v30, v29;
	v38 =	vld [tilespmem:s16+$0x7F00];
	[tilespmem:s16+$0x7E90] =	vst v34  }
0x168: {  	v39 =	vld [tilespmem:s16+$0x7F10];
	[tilespmem:s16+$0x7EA0] =	vst v3;
	v3 =	vmul.f32 v32, v29  }
0x169: {  	v40 =	vmul.f32 v33, v29;
	[tilespmem:s16+$0x7EB0] =	vst v37;
	v41 =	vld [tilespmem:s16+$0x7F20]  }
0x16a: {  	v43 =	vld [tilespmem:s16+$0x7F30];
	v42 =	vbroadcast v2, $0xE;
	[tilespmem:s16+$0x7EC0] =	vst v3;
	v3 =	vmul.f32 v35, v29  }
0x16b: {  	v44 =	vmul.f32 v36, v29;
	[tilespmem:s16+$0x7ED0] =	vst v40;
	v45 =	vld [tilespmem:s16+$0x7F40]  }
0x16c: {  	v46 =	vld [tilespmem:s16+$0x7F50];
	[tilespmem:s16+$0x7EE0] =	vst v3;
	v3 =	vmul.f32 v38, v42  }
0x16d: {  	[tilespmem:s16+$0x7EF0] =	vst v44;
	v48 =	vld [tilespmem:s16+$0x7F60];
	v47 =	vmul.f32 v39, v42  }
0x16e: {  	v49 =	vld [tilespmem:s16+$0x7F70];
	[tilespmem:s16+$0x7F00] =	vst v3;
	v3 =	vmul.f32 v41, v42  }
0x16f: {  	v50 =	vmul.f32 v43, v42;
	v51 =	vld [tilespmem:s16+$0x7F80];
	[tilespmem:s16+$0x7F10] =	vst v47  }
0x170: {  	v52 =	vld [tilespmem:s16+$0x7F90];
	[tilespmem:s16+$0x7F20] =	vst v3;
	v3 =	vmul.f32 v45, v42  }
0x171: {  	v53 =	vmul.f32 v46, v42;
	[tilespmem:s16+$0x7F30] =	vst v50;
	v54 =	vld [tilespmem:s16+$0x7FA0]  }
0x172: {  	v2 =	vbroadcast v2, $0xF;
	v58 =	vld [tilespmem:s16+$0x7FD0];
	[tilespmem:s16+$0x7F40] =	vst v3;
	v3 =	vmul.f32 v48, v42  }
0x173: {  	v57 =	vld [tilespmem:s16+$0x7FC0];
	v56 =	vmul.f32 v49, v42;
	[tilespmem:s16+$0x7F50] =	vst v53  }
0x174: {  	v55 =	vld [tilespmem:s16+$0x7FB0];
	[tilespmem:s16+$0x7F60] =	vst v3;
	v3 =	vmul.f32 v51, v2  }
0x175: {  	v60 =	vld [tilespmem:s16+$0x7FE0];
	v59 =	vmul.f32 v52, v2;
	[tilespmem:s16+$0x7F70] =	vst v56  }
0x176: {  	v61 =	vld [tilespmem:s16+$0x7FF0];
	[tilespmem:s16+$0x7F80] =	vst v3;
	v3 =	vmul.f32 v54, v2  }
0x177: {  	[tilespmem:s16+$0x7F90] =	vst v59;
	v63 =	vmul.f32 v58, v2  }
0x178: {  	p1 =	sne.s32 s15, $0x7;
	[tilespmem:s16+$0x7FA0] =	vst v3;
	v3 =	vmul.f32 v57, v2  }
.Ltmp2:
0x179: {  	v62 =	vmul.f32 v55, v2;
	[tilespmem:s16+$0x7FD0] =	vst v63;
	(pc) =	sbr.rel @p1 .LBB2_8-.Ltmp2, $4  }
0x17a: {  	[tilespmem:s16+$0x7FC0] =	vst v3;
	v3 =	vmul.f32 v60, v2  }
0x17b: {  	[tilespmem:s16+$0x7FB0] =	vst v62;
	v2 =	vmul.f32 v61, v2  }
0x17c: {  	[tilespmem:s16+$0x7FE0] =	vst v3  }
0x17d: {  	s15 =	sadd.s32 $0x1, s15;
	[tilespmem:s16+$0x7FF0] =	vst v2  }
0x17e: {  	s15 =	simm.s32 @!p0 $0x1  }
0x17f: {  	_ =	swait.ge @!p0 [sflag:s15], $0x4000  }
0x180: {  	s0 =	sadd.s32 $0x1, s0;
	[sflag:s15] =	ssyncset.done @!p0 $0x0  }
0x181: {  	[sflag:s15] =	ssyncadd.s32 @!p0 $0xFFFFC000;
	p0 =	sne.s32 s0, $0x8  }
.Ltmp3:
0x182: {  	s8 =	sadd.s32 $0x2800, s8;
	(pc) =	sbr.rel @p0 .LBB2_5-.Ltmp3, $4  }
0x183: {  	[spmem:s3] =	stream.indirect.scatter.add.f32 [tilespmem:s28], [sflag:$0x2], $0x80, s8, s23, $0xb8;
	[tilespmem:$0x1F800] =	vst v63  }
0x184: {  	_ =	swait.ge [sflag:s21], $0x4000  }
0x185: {  	[sflag:s21] =	ssyncset.done $0x0  }
0x186: {  	[sflag:s21] =	ssyncadd.s32 $0xFFFFC000  }
0x187: {  	s31 =	sadd.s32 $0x1, s31  }
0x188: {  	p0 =	sne.s32 s31, $0x5  }
.Ltmp4:
0x189: {  	_ = 	snop;
	(pc) =	sbr.rel @p0 .LBB2_4-.Ltmp4, $1  }
0x18a: {  	_ =	sdelay $0x3  }
0x18b: {  	[bflag:$0x0] =	sbarrier.arrive $0xFFFF  }
0x18c: {  	[tilespmem:s22], [sflag:$0x2] =	stream.linear.gather [spmem:s9], $0x4000, $0x38;
	[tilespmem:$0x1F800] =	vst v63  }
0x18d: {  	_ =	swait.ge [sflag:s21], $0x4000  }
0x18e: {  	[sflag:s21] =	ssyncset.done $0x0  }
0x18f: {  	s0 =	rddreg [dreg:$0x5];
	[sflag:s21] =	ssyncadd.s32 $0xFFFFC000  }
0x190: {  	[hbm4b:s0+s5] =	stream.linear.scatter [tilespmem:s22], [sflag:$0x2], $0x4000, $0x38;
	[tilespmem:$0x1F800] =	vst v63  }
0x191: {  	_ =	swait.ge [sflag:s21], $0x4000  }
0x192: {  	[sflag:s21] =	ssyncset.done $0x0  }
0x193: {  	[sflag:s21] =	ssyncadd.s32 $0xFFFFC000  }
0x194: {  	[tilespmem:s22], [sflag:$0x2] =	stream.linear.gather [spmem:s10], $0x4000, $0x38;
	[tilespmem:$0x1F800] =	vst v63  }
0x195: {  	_ =	swait.ge [sflag:s21], $0x4000  }
0x196: {  	[sflag:s21] =	ssyncset.done $0x0  }
0x197: {  	s17 =	rddreg [dreg:$0x6];
	[sflag:s21] =	ssyncadd.s32 $0xFFFFC000  }
0x198: {  	[hbm4b:s17+s5] =	stream.linear.scatter [tilespmem:s22], [sflag:$0x2], $0x4000, $0x38;
	[tilespmem:$0x1F800] =	vst v63  }
0x199: {  	_ =	swait.ge [sflag:s21], $0x4000  }
0x19a: {  	[sflag:s21] =	ssyncset.done $0x0  }
0x19b: {  	[sflag:s21] =	ssyncadd.s32 $0xFFFFC000  }
0x19c: {  	[tilespmem:s22], [sflag:$0x2] =	stream.linear.gather [spmem:s11], $0x4000, $0x38;
	[tilespmem:$0x1F800] =	vst v63  }
0x19d: {  	_ =	swait.ge [sflag:s21], $0x4000  }
0x19e: {  	[sflag:s21] =	ssyncset.done $0x0  }
0x19f: {  	s31 =	rddreg [dreg:$0x7];
	[sflag:s21] =	ssyncadd.s32 $0xFFFFC000  }
0x1a0: {  	[hbm4b:s31+s5] =	stream.linear.scatter [tilespmem:s22], [sflag:$0x2], $0x4000, $0x38;
	[tilespmem:$0x1F800] =	vst v63  }
0x1a1: {  	_ =	swait.ge [sflag:s21], $0x4000  }
0x1a2: {  	[sflag:s21] =	ssyncset.done $0x0  }
0x1a3: {  	[sflag:s21] =	ssyncadd.s32 $0xFFFFC000  }
0x1a4: {  	[tilespmem:s22], [sflag:$0x2] =	stream.linear.gather [spmem:s12], $0x4000, $0x38;
	[tilespmem:$0x1F800] =	vst v63  }
0x1a5: {  	_ =	swait.ge [sflag:s21], $0x4000  }
0x1a6: {  	[sflag:s21] =	ssyncset.done $0x0  }
0x1a7: {  	[sflag:s21] =	ssyncadd.s32 $0xFFFFC000  }
0x1a8: {  	[hbm4b:s18+s5] =	stream.linear.scatter [tilespmem:s22], [sflag:$0x2], $0x4000, $0x38;
	[tilespmem:$0x1F800] =	vst v63  }
0x1a9: {  	_ =	swait.ge [sflag:s21], $0x4000  }
0x1aa: {  	[sflag:s21] =	ssyncset.done $0x0  }
0x1ab: {  	[sflag:s21] =	ssyncadd.s32 $0xFFFFC000  }
0x1ac: {  	[tilespmem:s22], [sflag:$0x2] =	stream.linear.gather [spmem:s13], $0x4000, $0x38;
	[tilespmem:$0x1F800] =	vst v63  }
0x1ad: {  	s29 =	sadd.s32 $0x1, s29;
	_ =	swait.ge [sflag:s21], $0x4000  }
0x1ae: {  	p0 =	sne.s32 s29, s20;
	[sflag:s21] =	ssyncset.done $0x0  }
.Ltmp5:
0x1af: {  	[sflag:s21] =	ssyncadd.s32 $0xFFFFC000;
	(pc) =	sbr.rel @p0 .LBB2_1-.Ltmp5, $4  }
0x1b0: {  	[hbm4b:s19+s5] =	stream.linear.scatter [tilespmem:s22], [sflag:$0x2], $0x4000, $0x38;
	[tilespmem:$0x1F800] =	vst v63  }
0x1b1: {  	_ =	swait.ge [sflag:s21], $0x4000  }
0x1b2: {  	[sflag:s21] =	ssyncset.done $0x0  }
0x1b3: {  	[sflag:s21] =	ssyncadd.s32 $0xFFFFC000  }
0x1b4: {  	_ =	sfence.sel $0x180000  }
0x1b5: {  	[bflag:$0x0] =	sbarrier.arrive $0xFFFF  }
0x1b6: {  	_ =	strace $0x90000047  }
0x1b7: {  	s0 =	stileid.u32;
	[bflag:$0x2] =	sbarrier.arrive $0xFFFF  }
0x1b8: {  	p0 =	sne.s32 s0, $0x0;
	s0 =	rddreg [dreg:$0x3]  }
0x1b9: {  	s0 =	sadd.s32 @!p0 $0x100000, s0  }
0x1ba: {  	[sflag:s0] =	ssyncadd.tile.s32 @!p0 $0x1;
	_ =	shalt  }
.Lfunc_end2:
_tile_overlayer_lowered:
.L_overlay_start_2:
0x1bb: {  	(tag) =	ssettag $0x2  }
0x1bc: {  	s0 =	rddreg [dreg:$0x0];
	s2 =	stileid.u32  }
0x1bd: {  	s1 =	rddreg [dreg:$0x1];
	p0 =	sne.s32 s2, $0x0  }
0x1be: {  	s3 =	rddreg [dreg:$0x2];
	[bflag:$0x3] =	sbarrier.arrive $0xFFFF;
	s2 =	simm.s32 @!p0 $0x1C02  }
0x1bf: {  	[timem:s3], [sflag:s2] =	dma.local @!p0 [hbm:s0], s1  }
0x1c0: {  	s0 =	simm.s32 @!p0 $0x2  }
0x1c1: {  	_ =	swait.ge @!p0 [sflag:s0], s1  }
0x1c2: {  	s1 =	ssub.s32 @!p0 $0x0, s1;
	[sflag:s0] =	ssyncset.done @!p0 $0x0  }
0x1c3: {  	[sflag:s0] =	ssyncadd.s32 @!p0 s1  }
0x1c4: {  	[bflag:$0x3] =	sbarrier.arrive $0xFFFF  }
0x1c5: {  	_ =	shalt  }

</sc_bundles>
